<compile_context>
chip_gen: v7x
topology: tpu7x:2x2x1
jax: 0.10.2.dev20260603
libtpu: 0.0.44.dev20260713+nightly
codegen_flags: <defaults>
</compile_context>

<pallas_src>
import jax
import jax.numpy as jnp
from jax import lax
from jax.experimental import pallas as pl
from jax.experimental.pallas import tpu as pltpu
from jax.experimental.pallas import tpu_sc as plsc

N_ENT = 1000000
N_REL = 1000
RANK = 32
B = 16384

NC = 2
NS = 16
NW = NC * NS
BPW = B // NW
CH = 128
NCH = BPW // CH
L = 16


def _sc_body(h_hbm, r_hbm, t_hbm, entity_hbm, rel_hbm, bh_hbm, bt_hbm,
             pred_out, head_out, rele_out, tail_out,
             idxh_v, idxr_v, idxt_v, hrows, rrows, trows, bhv, btv, pred_v,
             gsems, osem):
    wid = lax.axis_index("s") * NC + lax.axis_index("c")
    base = wid * BPW
    rbase = wid * NCH

    pltpu.sync_copy(h_hbm.at[pl.ds(rbase, NCH)], idxh_v)
    pltpu.sync_copy(r_hbm.at[pl.ds(rbase, NCH)], idxr_v)
    pltpu.sync_copy(t_hbm.at[pl.ds(rbase, NCH)], idxt_v)

    copies = []
    for j in range(NCH):
        dst = pl.ds(j * CH, CH)
        sem = gsems.at[j]
        cj = [
            pltpu.async_copy(entity_hbm.at[idxh_v.at[j]], hrows.at[dst], sem),
            pltpu.async_copy(entity_hbm.at[idxt_v.at[j]], trows.at[dst], sem),
            pltpu.async_copy(rel_hbm.at[idxr_v.at[j]], rrows.at[dst], sem),
            pltpu.async_copy(bh_hbm.at[idxh_v.at[j]], bhv.at[dst], sem),
            pltpu.async_copy(bt_hbm.at[idxt_v.at[j]], btv.at[dst], sem),
        ]
        copies.append(cj)

    lane = lax.iota(jnp.int32, L)
    masks = [(lane >> k) % 2 == 0 for k in range(4)]
    perms = [lane ^ (1 << k) for k in range(4)]
    gdn = lax.GatherDimensionNumbers(
        offset_dims=(), collapsed_slice_dims=(0,), start_index_map=(0,))

    def shuf(v, perm):
        return lax.gather(v, perm[:, None], gdn, slice_sizes=(1,),
                          mode=lax.GatherScatterMode.PROMISE_IN_BOUNDS)

    def group(g, carry):
        vs = []
        for j in range(L):
            q = g * L + j
            h0 = hrows[q, pl.ds(0, L)]
            h1 = hrows[q, pl.ds(L, L)]
            r0 = rrows[q, pl.ds(0, L)]
            r1 = rrows[q, pl.ds(L, L)]
            t0 = trows[q, pl.ds(0, L)]
            t1 = trows[q, pl.ds(L, L)]
            d0 = h0 + r0 - t0
            d1 = h1 + r1 - t1
            vs.append(d0 * d0 + d1 * d1)
        for k in range(4):
            m, p = masks[k], perms[k]
            vs = [jnp.where(m, a, b) + shuf(jnp.where(m, b, a), p)
                  for a, b in zip(vs[0::2], vs[1::2])]
        gb = pl.ds(g * L, L)
        pred_v[gb] = bhv[gb] + btv[gb] - vs[0]
        return carry

    out_copies = []
    gpc = CH // L
    for j in range(NCH):
        for c in copies[j]:
            c.wait()
        lax.fori_loop(j * gpc, (j + 1) * gpc, group, 0)
        cb = pl.ds(j * CH, CH)
        hb = pl.ds(base + j * CH, CH)
        out_copies += [
            pltpu.async_copy(hrows.at[cb], head_out.at[hb], osem),
            pltpu.async_copy(rrows.at[cb], rele_out.at[hb], osem),
            pltpu.async_copy(trows.at[cb], tail_out.at[hb], osem),
        ]
    out_copies.append(
        pltpu.async_copy(pred_v, pred_out.at[pl.ds(base, BPW)], osem))
    for c in out_copies:
        c.wait()


@jax.jit
def _run(h2, r2, t2, entity, rel, bh1, bt1):
    mesh = plsc.VectorSubcoreMesh(core_axis_name="c", subcore_axis_name="s",
                                  num_cores=NC, num_subcores=NS)
    k = pl.kernel(
        _sc_body,
        out_type=(
            jax.ShapeDtypeStruct((B,), jnp.float32),
            jax.ShapeDtypeStruct((B, RANK), jnp.float32),
            jax.ShapeDtypeStruct((B, RANK), jnp.float32),
            jax.ShapeDtypeStruct((B, RANK), jnp.float32),
        ),
        mesh=mesh,
        scratch_types=[
            pltpu.VMEM((NCH, CH), jnp.int32),
            pltpu.VMEM((NCH, CH), jnp.int32),
            pltpu.VMEM((NCH, CH), jnp.int32),
            pltpu.VMEM((BPW, RANK), jnp.float32),
            pltpu.VMEM((BPW, RANK), jnp.float32),
            pltpu.VMEM((BPW, RANK), jnp.float32),
            pltpu.VMEM((BPW,), jnp.float32),
            pltpu.VMEM((BPW,), jnp.float32),
            pltpu.VMEM((BPW,), jnp.float32),
            pltpu.SemaphoreType.DMA((NCH,)),
            pltpu.SemaphoreType.DMA,
        ],
        compiler_params=pltpu.CompilerParams(use_tc_tiling_on_sc=False),
    )
    return k(h2, r2, t2, entity, rel, bh1, bt1)


def kernel(queries, entity, rel, bh, bt):
    h2 = queries[:, 0].reshape(B // CH, CH)
    r2 = queries[:, 1].reshape(B // CH, CH)
    t2 = queries[:, 2].reshape(B // CH, CH)
    bh1 = bh.reshape(-1)
    bt1 = bt.reshape(-1)
    pred, head_e, rel_e, rhs_e = _run(h2, r2, t2, entity, rel, bh1, bt1)
    return pred.reshape(B, 1), head_e, rel_e, rhs_e

# --- scband reference (transcript-rebuilt; emitter-appended) ---
"""Pipeline reference for scband-kgmodel-25967372271835 (READ-ONLY COPY).

The authoritative reference and input builder live on the scoring server;
editing this copy changes nothing except your own understanding.
"""

import jax, jax.numpy as jnp
import numpy as np

N_ENT = 1000000
N_REL = 1000
RANK = 32
B = 16384
INIT_SIZE = 0.001
GAMMA = 0.0


def setup_inputs(seed: int = 0) -> dict:
    key = jax.random.key(seed)
    k1, k2, k3, k4, k5 = jax.random.split(key, 5)
    heads = jax.random.randint(k1, (B,), 0, N_ENT, dtype=jnp.int32)
    rels = jax.random.randint(k2, (B,), 0, N_REL, dtype=jnp.int32)
    tails = jax.random.randint(k3, (B,), 0, N_ENT, dtype=jnp.int32)
    queries = jnp.stack([heads, rels, tails], axis=1)
    entity = jax.random.normal(k4, (N_ENT, RANK), dtype=jnp.float32) * INIT_SIZE
    rel = jax.random.normal(k5, (N_REL, RANK), dtype=jnp.float32) * INIT_SIZE
    bh = jnp.zeros((N_ENT, 1), dtype=jnp.float32)
    bt = jnp.zeros((N_ENT, 1), dtype=jnp.float32)
    return {"queries": queries, "entity": entity, "rel": rel, "bh": bh, "bt": bt}


def reference(queries, entity, rel, bh, bt):
    # eval_mode = False (training scoring path)
    h = queries[:, 0]
    r = queries[:, 1]
    t = queries[:, 2]
    # get_queries: TransE-style translation lhs = entity(h) + rel(r)
    head_e = jnp.take(entity, h, axis=0)
    rel_e = jnp.take(rel, r, axis=0)
    lhs_e = head_e + rel_e
    lhs_biases = jnp.take(bh, h, axis=0)
    # get_rhs (eval_mode=False): tail entity embeddings for the batch
    rhs_e = jnp.take(entity, t, axis=0)
    rhs_biases = jnp.take(bt, t, axis=0)
    # similarity_score: negative squared L2 distance (TransE)
    score = -jnp.sum((lhs_e - rhs_e) ** 2, axis=-1, keepdims=True)
    # bias == 'learn', eval_mode == False
    predictions = lhs_biases + rhs_biases + score
    # get_factors for regularization
    factors = (head_e, rel_e, rhs_e)
    return (predictions,) + factors

if __name__ == "__main__":
    import jax
    _d = setup_inputs()
    print(jax.jit(kernel)(*tuple(_d.values())))

</pallas_src>

<mosaic_0001>
#map = affine_map<(d0, d1) -> (0, 0)>
#map1 = affine_map<(d0, d1) -> (0)>
module attributes {stable_mosaic.version = 14 : i64} {
  func.func @_sc_body(%arg0: i32, %arg1: i32, %arg2: memref<128x128xi32, #tpu.memory_space<hbm>>, %arg3: memref<128x128xi32, #tpu.memory_space<hbm>>, %arg4: memref<128x128xi32, #tpu.memory_space<hbm>>, %arg5: memref<1000000x32xf32, #tpu.memory_space<hbm>>, %arg6: memref<1000x32xf32, #tpu.memory_space<hbm>>, %arg7: memref<1000000xf32, #tpu.memory_space<hbm>>, %arg8: memref<1000000xf32, #tpu.memory_space<hbm>>, %arg9: memref<16384xf32, #tpu.memory_space<hbm>>, %arg10: memref<16384x32xf32, #tpu.memory_space<hbm>>, %arg11: memref<16384x32xf32, #tpu.memory_space<hbm>>, %arg12: memref<16384x32xf32, #tpu.memory_space<hbm>>, %arg13: memref<4x128xi32, #tpu.memory_space<vmem>>, %arg14: memref<4x128xi32, #tpu.memory_space<vmem>>, %arg15: memref<4x128xi32, #tpu.memory_space<vmem>>, %arg16: memref<512x32xf32, #tpu.memory_space<vmem>>, %arg17: memref<512x32xf32, #tpu.memory_space<vmem>>, %arg18: memref<512x32xf32, #tpu.memory_space<vmem>>, %arg19: memref<512xf32, #tpu.memory_space<vmem>>, %arg20: memref<512xf32, #tpu.memory_space<vmem>>, %arg21: memref<512xf32, #tpu.memory_space<vmem>>, %arg22: memref<4x!tpu.dma_semaphore, #tpu.memory_space<semaphore_mem>>, %arg23: memref<!tpu.dma_semaphore, #tpu.memory_space<semaphore_mem>>) attributes {dimension_semantics = [#tpu.dimension_semantics<core_parallel>, #tpu.dimension_semantics<subcore_parallel>], iteration_bounds = array<i64: 2, 16>, scalar_prefetch = 0 : i64, scratch_operands = 11 : i64, tpu.core_type = #tpu.core_type<sc_vector_subcore>, window_params = [{transform_indices = #map}, {transform_indices = #map}, {transform_indices = #map}, {transform_indices = #map}, {transform_indices = #map}, {transform_indices = #map1}, {transform_indices = #map1}, {transform_indices = #map1}, {transform_indices = #map}, {transform_indices = #map}, {transform_indices = #map}]} {
    %mul3A = arith.constant 2 : i32
    %mul3A_0 = arith.muli %arg1, %mul3A : i32
    %add3A = arith.addi %mul3A_0, %arg0 : i32
    %mul3A_1 = arith.constant 512 : i32
    %mul3A_2 = arith.muli %add3A, %mul3A_1 : i32
    %mul3A_3 = arith.constant 4 : i32
    %mul3A_4 = arith.muli %add3A, %mul3A_3 : i32
    "tpu.region"() ({
      %run_scoped3A = tpu.sem_alloc : memref<!tpu.dma_semaphore, #tpu.memory_space<semaphore_mem>>
      %dma_start3A_881 = arith.constant 0 : i32
      %dma_start3A_882 = tpu.memref_slice %arg2[%mul3A_4, %dma_start3A_881] : memref<128x128xi32, #tpu.memory_space<hbm>> -> memref<4x128xi32, #tpu.memory_space<hbm>>
      %dma_start3A_883 = arith.constant 0 : i32
      %dma_start3A_884 = tpu.memref_slice %arg2[%mul3A_4, %dma_start3A_883] : memref<128x128xi32, #tpu.memory_space<hbm>> -> memref<4x128xi32, #tpu.memory_space<hbm>>
      tpu.enqueue_dma source(%dma_start3A_884 : memref<4x128xi32, #tpu.memory_space<hbm>>) target(%arg13 : memref<4x128xi32, #tpu.memory_space<vmem>>) target_semaphore(%run_scoped3A : memref<!tpu.dma_semaphore, #tpu.memory_space<semaphore_mem>>)
      %dma_wait3A_885 = arith.constant 0 : i32
      %dma_wait3A_886 = tpu.memref_slice %arg2[%mul3A_4, %dma_wait3A_885] : memref<128x128xi32, #tpu.memory_space<hbm>> -> memref<4x128xi32, #tpu.memory_space<hbm>>
      %dma_wait3A_887 = arith.constant 0 : i32
      %dma_wait3A_888 = tpu.memref_slice %arg2[%mul3A_4, %dma_wait3A_887] : memref<128x128xi32, #tpu.memory_space<hbm>> -> memref<4x128xi32, #tpu.memory_space<hbm>>
      tpu.wait_dma2 semaphore(%run_scoped3A : memref<!tpu.dma_semaphore, #tpu.memory_space<semaphore_mem>>) src(%dma_wait3A_888 : memref<4x128xi32, #tpu.memory_space<hbm>>) dst(%arg13 : memref<4x128xi32, #tpu.memory_space<vmem>>)
      tpu.yield
    }) : () -> ()
    "tpu.region"() ({
      %run_scoped3A = tpu.sem_alloc : memref<!tpu.dma_semaphore, #tpu.memory_space<semaphore_mem>>
      %dma_start3A_881 = arith.constant 0 : i32
      %dma_start3A_882 = tpu.memref_slice %arg3[%mul3A_4, %dma_start3A_881] : memref<128x128xi32, #tpu.memory_space<hbm>> -> memref<4x128xi32, #tpu.memory_space<hbm>>
      %dma_start3A_883 = arith.constant 0 : i32
      %dma_start3A_884 = tpu.memref_slice %arg3[%mul3A_4, %dma_start3A_883] : memref<128x128xi32, #tpu.memory_space<hbm>> -> memref<4x128xi32, #tpu.memory_space<hbm>>
      tpu.enqueue_dma source(%dma_start3A_884 : memref<4x128xi32, #tpu.memory_space<hbm>>) target(%arg14 : memref<4x128xi32, #tpu.memory_space<vmem>>) target_semaphore(%run_scoped3A : memref<!tpu.dma_semaphore, #tpu.memory_space<semaphore_mem>>)
      %dma_wait3A_885 = arith.constant 0 : i32
      %dma_wait3A_886 = tpu.memref_slice %arg3[%mul3A_4, %dma_wait3A_885] : memref<128x128xi32, #tpu.memory_space<hbm>> -> memref<4x128xi32, #tpu.memory_space<hbm>>
      %dma_wait3A_887 = arith.constant 0 : i32
      %dma_wait3A_888 = tpu.memref_slice %arg3[%mul3A_4, %dma_wait3A_887] : memref<128x128xi32, #tpu.memory_space<hbm>> -> memref<4x128xi32, #tpu.memory_space<hbm>>
      tpu.wait_dma2 semaphore(%run_scoped3A : memref<!tpu.dma_semaphore, #tpu.memory_space<semaphore_mem>>) src(%dma_wait3A_888 : memref<4x128xi32, #tpu.memory_space<hbm>>) dst(%arg14 : memref<4x128xi32, #tpu.memory_space<vmem>>)
      tpu.yield
    }) : () -> ()
    "tpu.region"() ({
      %run_scoped3A = tpu.sem_alloc : memref<!tpu.dma_semaphore, #tpu.memory_space<semaphore_mem>>
      %dma_start3A_881 = arith.constant 0 : i32
      %dma_start3A_882 = tpu.memref_slice %arg4[%mul3A_4, %dma_start3A_881] : memref<128x128xi32, #tpu.memory_space<hbm>> -> memref<4x128xi32, #tpu.memory_space<hbm>>
      %dma_start3A_883 = arith.constant 0 : i32
      %dma_start3A_884 = tpu.memref_slice %arg4[%mul3A_4, %dma_start3A_883] : memref<128x128xi32, #tpu.memory_space<hbm>> -> memref<4x128xi32, #tpu.memory_space<hbm>>
      tpu.enqueue_dma source(%dma_start3A_884 : memref<4x128xi32, #tpu.memory_space<hbm>>) target(%arg15 : memref<4x128xi32, #tpu.memory_space<vmem>>) target_semaphore(%run_scoped3A : memref<!tpu.dma_semaphore, #tpu.memory_space<semaphore_mem>>)
      %dma_wait3A_885 = arith.constant 0 : i32
      %dma_wait3A_886 = tpu.memref_slice %arg4[%mul3A_4, %dma_wait3A_885] : memref<128x128xi32, #tpu.memory_space<hbm>> -> memref<4x128xi32, #tpu.memory_space<hbm>>
      %dma_wait3A_887 = arith.constant 0 : i32
      %dma_wait3A_888 = tpu.memref_slice %arg4[%mul3A_4, %dma_wait3A_887] : memref<128x128xi32, #tpu.memory_space<hbm>> -> memref<4x128xi32, #tpu.memory_space<hbm>>
      tpu.wait_dma2 semaphore(%run_scoped3A : memref<!tpu.dma_semaphore, #tpu.memory_space<semaphore_mem>>) src(%dma_wait3A_888 : memref<4x128xi32, #tpu.memory_space<hbm>>) dst(%arg15 : memref<4x128xi32, #tpu.memory_space<vmem>>)
      tpu.yield
    }) : () -> ()
    %dma_start3A = arith.constant 0 : i32
    %dma_start3A_5 = arith.constant 0 : i32
    %dma_start3A_6 = arith.constant 0 : i32
    %dma_start3A_7 = arith.constant 0 : i32
    %dma_start3A_8 = tpu.memref_slice %arg16[%dma_start3A_6, %dma_start3A_7] : memref<512x32xf32, #tpu.memory_space<vmem>> -> memref<128x32xf32, #tpu.memory_space<vmem>>
    %dma_start3A_9 = arith.constant 0 : i32
    %dma_start3A_10 = tpu.memref_slice %arg13[%dma_start3A, %dma_start3A_9] : memref<4x128xi32, #tpu.memory_space<vmem>> -> memref<1x128xi32, #tpu.memory_space<vmem>>
    %dma_start3A_11 = tpu.memref_squeeze %dma_start3A_10 : memref<1x128xi32, #tpu.memory_space<vmem>> -> memref<128xi32, #tpu.memory_space<vmem>>
    %dma_start3A_12 = arith.constant 0 : i32
    %dma_start3A_13 = arith.constant 0 : i32
    %dma_start3A_14 = tpu.memref_slice %arg5[%dma_start3A_12, %dma_start3A_13] : memref<1000000x32xf32, #tpu.memory_space<hbm>> -> memref<1000000x32xf32, #tpu.memory_space<hbm>>
    %dma_start3A_15 = tpu.memref_slice %arg22[%dma_start3A_5] : memref<4x!tpu.dma_semaphore, #tpu.memory_space<semaphore_mem>> -> memref<1x!tpu.dma_semaphore, #tpu.memory_space<semaphore_mem>>
    %dma_start3A_16 = tpu.memref_squeeze %dma_start3A_15 : memref<1x!tpu.dma_semaphore, #tpu.memory_space<semaphore_mem>> -> memref<!tpu.dma_semaphore, #tpu.memory_space<semaphore_mem>>
    tpu.enqueue_indirect_dma source(%dma_start3A_14 : memref<1000000x32xf32, #tpu.memory_space<hbm>>) target(%dma_start3A_8 : memref<128x32xf32, #tpu.memory_space<vmem>>) offsets(%dma_start3A_11 : memref<128xi32, #tpu.memory_space<vmem>>) semaphore(%dma_start3A_16 : memref<!tpu.dma_semaphore, #tpu.memory_space<semaphore_mem>>)
    %dma_start3A_17 = arith.constant 0 : i32
    %dma_start3A_18 = arith.constant 0 : i32
    %dma_start3A_19 = arith.constant 0 : i32
    %dma_start3A_20 = arith.constant 0 : i32
    %dma_start3A_21 = tpu.memref_slice %arg18[%dma_start3A_19, %dma_start3A_20] : memref<512x32xf32, #tpu.memory_space<vmem>> -> memref<128x32xf32, #tpu.memory_space<vmem>>
    %dma_start3A_22 = arith.constant 0 : i32
    %dma_start3A_23 = tpu.memref_slice %arg15[%dma_start3A_17, %dma_start3A_22] : memref<4x128xi32, #tpu.memory_space<vmem>> -> memref<1x128xi32, #tpu.memory_space<vmem>>
    %dma_start3A_24 = tpu.memref_squeeze %dma_start3A_23 : memref<1x128xi32, #tpu.memory_space<vmem>> -> memref<128xi32, #tpu.memory_space<vmem>>
    %dma_start3A_25 = arith.constant 0 : i32
    %dma_start3A_26 = arith.constant 0 : i32
    %dma_start3A_27 = tpu.memref_slice %arg5[%dma_start3A_25, %dma_start3A_26] : memref<1000000x32xf32, #tpu.memory_space<hbm>> -> memref<1000000x32xf32, #tpu.memory_space<hbm>>
    %dma_start3A_28 = tpu.memref_slice %arg22[%dma_start3A_18] : memref<4x!tpu.dma_semaphore, #tpu.memory_space<semaphore_mem>> -> memref<1x!tpu.dma_semaphore, #tpu.memory_space<semaphore_mem>>
    %dma_start3A_29 = tpu.memref_squeeze %dma_start3A_28 : memref<1x!tpu.dma_semaphore, #tpu.memory_space<semaphore_mem>> -> memref<!tpu.dma_semaphore, #tpu.memory_space<semaphore_mem>>
    tpu.enqueue_indirect_dma source(%dma_start3A_27 : memref<1000000x32xf32, #tpu.memory_space<hbm>>) target(%dma_start3A_21 : memref<128x32xf32, #tpu.memory_space<vmem>>) offsets(%dma_start3A_24 : memref<128xi32, #tpu.memory_space<vmem>>) semaphore(%dma_start3A_29 : memref<!tpu.dma_semaphore, #tpu.memory_space<semaphore_mem>>)
    %dma_start3A_30 = arith.constant 0 : i32
    %dma_start3A_31 = arith.constant 0 : i32
    %dma_start3A_32 = arith.constant 0 : i32
    %dma_start3A_33 = arith.constant 0 : i32
    %dma_start3A_34 = tpu.memref_slice %arg17[%dma_start3A_32, %dma_start3A_33] : memref<512x32xf32, #tpu.memory_space<vmem>> -> memref<128x32xf32, #tpu.memory_space<vmem>>
    %dma_start3A_35 = arith.constant 0 : i32
    %dma_start3A_36 = tpu.memref_slice %arg14[%dma_start3A_30, %dma_start3A_35] : memref<4x128xi32, #tpu.memory_space<vmem>> -> memref<1x128xi32, #tpu.memory_space<vmem>>
    %dma_start3A_37 = tpu.memref_squeeze %dma_start3A_36 : memref<1x128xi32, #tpu.memory_space<vmem>> -> memref<128xi32, #tpu.memory_space<vmem>>
    %dma_start3A_38 = arith.constant 0 : i32
    %dma_start3A_39 = arith.constant 0 : i32
    %dma_start3A_40 = tpu.memref_slice %arg6[%dma_start3A_38, %dma_start3A_39] : memref<1000x32xf32, #tpu.memory_space<hbm>> -> memref<1000x32xf32, #tpu.memory_space<hbm>>
    %dma_start3A_41 = tpu.memref_slice %arg22[%dma_start3A_31] : memref<4x!tpu.dma_semaphore, #tpu.memory_space<semaphore_mem>> -> memref<1x!tpu.dma_semaphore, #tpu.memory_space<semaphore_mem>>
    %dma_start3A_42 = tpu.memref_squeeze %dma_start3A_41 : memref<1x!tpu.dma_semaphore, #tpu.memory_space<semaphore_mem>> -> memref<!tpu.dma_semaphore, #tpu.memory_space<semaphore_mem>>
    tpu.enqueue_indirect_dma source(%dma_start3A_40 : memref<1000x32xf32, #tpu.memory_space<hbm>>) target(%dma_start3A_34 : memref<128x32xf32, #tpu.memory_space<vmem>>) offsets(%dma_start3A_37 : memref<128xi32, #tpu.memory_space<vmem>>) semaphore(%dma_start3A_42 : memref<!tpu.dma_semaphore, #tpu.memory_space<semaphore_mem>>)
    %dma_start3A_43 = arith.constant 0 : i32
    %dma_start3A_44 = arith.constant 0 : i32
    %dma_start3A_45 = arith.constant 0 : i32
    %dma_start3A_46 = tpu.memref_slice %arg19[%dma_start3A_45] : memref<512xf32, #tpu.memory_space<vmem>> -> memref<128xf32, #tpu.memory_space<vmem>>
    %dma_start3A_47 = arith.constant 0 : i32
    %dma_start3A_48 = tpu.memref_slice %arg13[%dma_start3A_43, %dma_start3A_47] : memref<4x128xi32, #tpu.memory_space<vmem>> -> memref<1x128xi32, #tpu.memory_space<vmem>>
    %dma_start3A_49 = tpu.memref_squeeze %dma_start3A_48 : memref<1x128xi32, #tpu.memory_space<vmem>> -> memref<128xi32, #tpu.memory_space<vmem>>
    %dma_start3A_50 = arith.constant 0 : i32
    %dma_start3A_51 = tpu.memref_slice %arg7[%dma_start3A_50] : memref<1000000xf32, #tpu.memory_space<hbm>> -> memref<1000000xf32, #tpu.memory_space<hbm>>
    %dma_start3A_52 = tpu.memref_slice %arg22[%dma_start3A_44] : memref<4x!tpu.dma_semaphore, #tpu.memory_space<semaphore_mem>> -> memref<1x!tpu.dma_semaphore, #tpu.memory_space<semaphore_mem>>
    %dma_start3A_53 = tpu.memref_squeeze %dma_start3A_52 : memref<1x!tpu.dma_semaphore, #tpu.memory_space<semaphore_mem>> -> memref<!tpu.dma_semaphore, #tpu.memory_space<semaphore_mem>>
    tpu.enqueue_indirect_dma source(%dma_start3A_51 : memref<1000000xf32, #tpu.memory_space<hbm>>) target(%dma_start3A_46 : memref<128xf32, #tpu.memory_space<vmem>>) offsets(%dma_start3A_49 : memref<128xi32, #tpu.memory_space<vmem>>) semaphore(%dma_start3A_53 : memref<!tpu.dma_semaphore, #tpu.memory_space<semaphore_mem>>)
    %dma_start3A_54 = arith.constant 0 : i32
    %dma_start3A_55 = arith.constant 0 : i32
    %dma_start3A_56 = arith.constant 0 : i32
    %dma_start3A_57 = tpu.memref_slice %arg20[%dma_start3A_56] : memref<512xf32, #tpu.memory_space<vmem>> -> memref<128xf32, #tpu.memory_space<vmem>>
    %dma_start3A_58 = arith.constant 0 : i32
    %dma_start3A_59 = tpu.memref_slice %arg15[%dma_start3A_54, %dma_start3A_58] : memref<4x128xi32, #tpu.memory_space<vmem>> -> memref<1x128xi32, #tpu.memory_space<vmem>>
    %dma_start3A_60 = tpu.memref_squeeze %dma_start3A_59 : memref<1x128xi32, #tpu.memory_space<vmem>> -> memref<128xi32, #tpu.memory_space<vmem>>
    %dma_start3A_61 = arith.constant 0 : i32
    %dma_start3A_62 = tpu.memref_slice %arg8[%dma_start3A_61] : memref<1000000xf32, #tpu.memory_space<hbm>> -> memref<1000000xf32, #tpu.memory_space<hbm>>
    %dma_start3A_63 = tpu.memref_slice %arg22[%dma_start3A_55] : memref<4x!tpu.dma_semaphore, #tpu.memory_space<semaphore_mem>> -> memref<1x!tpu.dma_semaphore, #tpu.memory_space<semaphore_mem>>
    %dma_start3A_64 = tpu.memref_squeeze %dma_start3A_63 : memref<1x!tpu.dma_semaphore, #tpu.memory_space<semaphore_mem>> -> memref<!tpu.dma_semaphore, #tpu.memory_space<semaphore_mem>>
    tpu.enqueue_indirect_dma source(%dma_start3A_62 : memref<1000000xf32, #tpu.memory_space<hbm>>) target(%dma_start3A_57 : memref<128xf32, #tpu.memory_space<vmem>>) offsets(%dma_start3A_60 : memref<128xi32, #tpu.memory_space<vmem>>) semaphore(%dma_start3A_64 : memref<!tpu.dma_semaphore, #tpu.memory_space<semaphore_mem>>)
    %dma_start3A_65 = arith.constant 1 : i32
    %dma_start3A_66 = arith.constant 1 : i32
    %dma_start3A_67 = arith.constant 128 : i32
    %dma_start3A_68 = arith.constant 0 : i32
    %dma_start3A_69 = tpu.memref_slice %arg16[%dma_start3A_67, %dma_start3A_68] : memref<512x32xf32, #tpu.memory_space<vmem>> -> memref<128x32xf32, #tpu.memory_space<vmem>>
    %dma_start3A_70 = arith.constant 0 : i32
    %dma_start3A_71 = tpu.memref_slice %arg13[%dma_start3A_65, %dma_start3A_70] : memref<4x128xi32, #tpu.memory_space<vmem>> -> memref<1x128xi32, #tpu.memory_space<vmem>>
    %dma_start3A_72 = tpu.memref_squeeze %dma_start3A_71 : memref<1x128xi32, #tpu.memory_space<vmem>> -> memref<128xi32, #tpu.memory_space<vmem>>
    %dma_start3A_73 = arith.constant 0 : i32
    %dma_start3A_74 = arith.constant 0 : i32
    %dma_start3A_75 = tpu.memref_slice %arg5[%dma_start3A_73, %dma_start3A_74] : memref<1000000x32xf32, #tpu.memory_space<hbm>> -> memref<1000000x32xf32, #tpu.memory_space<hbm>>
    %dma_start3A_76 = tpu.memref_slice %arg22[%dma_start3A_66] : memref<4x!tpu.dma_semaphore, #tpu.memory_space<semaphore_mem>> -> memref<1x!tpu.dma_semaphore, #tpu.memory_space<semaphore_mem>>
    %dma_start3A_77 = tpu.memref_squeeze %dma_start3A_76 : memref<1x!tpu.dma_semaphore, #tpu.memory_space<semaphore_mem>> -> memref<!tpu.dma_semaphore, #tpu.memory_space<semaphore_mem>>
    tpu.enqueue_indirect_dma source(%dma_start3A_75 : memref<1000000x32xf32, #tpu.memory_space<hbm>>) target(%dma_start3A_69 : memref<128x32xf32, #tpu.memory_space<vmem>>) offsets(%dma_start3A_72 : memref<128xi32, #tpu.memory_space<vmem>>) semaphore(%dma_start3A_77 : memref<!tpu.dma_semaphore, #tpu.memory_space<semaphore_mem>>)
    %dma_start3A_78 = arith.constant 1 : i32
    %dma_start3A_79 = arith.constant 1 : i32
    %dma_start3A_80 = arith.constant 128 : i32
    %dma_start3A_81 = arith.constant 0 : i32
    %dma_start3A_82 = tpu.memref_slice %arg18[%dma_start3A_80, %dma_start3A_81] : memref<512x32xf32, #tpu.memory_space<vmem>> -> memref<128x32xf32, #tpu.memory_space<vmem>>
    %dma_start3A_83 = arith.constant 0 : i32
    %dma_start3A_84 = tpu.memref_slice %arg15[%dma_start3A_78, %dma_start3A_83] : memref<4x128xi32, #tpu.memory_space<vmem>> -> memref<1x128xi32, #tpu.memory_space<vmem>>
    %dma_start3A_85 = tpu.memref_squeeze %dma_start3A_84 : memref<1x128xi32, #tpu.memory_space<vmem>> -> memref<128xi32, #tpu.memory_space<vmem>>
    %dma_start3A_86 = arith.constant 0 : i32
    %dma_start3A_87 = arith.constant 0 : i32
    %dma_start3A_88 = tpu.memref_slice %arg5[%dma_start3A_86, %dma_start3A_87] : memref<1000000x32xf32, #tpu.memory_space<hbm>> -> memref<1000000x32xf32, #tpu.memory_space<hbm>>
    %dma_start3A_89 = tpu.memref_slice %arg22[%dma_start3A_79] : memref<4x!tpu.dma_semaphore, #tpu.memory_space<semaphore_mem>> -> memref<1x!tpu.dma_semaphore, #tpu.memory_space<semaphore_mem>>
    %dma_start3A_90 = tpu.memref_squeeze %dma_start3A_89 : memref<1x!tpu.dma_semaphore, #tpu.memory_space<semaphore_mem>> -> memref<!tpu.dma_semaphore, #tpu.memory_space<semaphore_mem>>
    tpu.enqueue_indirect_dma source(%dma_start3A_88 : memref<1000000x32xf32, #tpu.memory_space<hbm>>) target(%dma_start3A_82 : memref<128x32xf32, #tpu.memory_space<vmem>>) offsets(%dma_start3A_85 : memref<128xi32, #tpu.memory_space<vmem>>) semaphore(%dma_start3A_90 : memref<!tpu.dma_semaphore, #tpu.memory_space<semaphore_mem>>)
    %dma_start3A_91 = arith.constant 1 : i32
    %dma_start3A_92 = arith.constant 1 : i32
    %dma_start3A_93 = arith.constant 128 : i32
    %dma_start3A_94 = arith.constant 0 : i32
    %dma_start3A_95 = tpu.memref_slice %arg17[%dma_start3A_93, %dma_start3A_94] : memref<512x32xf32, #tpu.memory_space<vmem>> -> memref<128x32xf32, #tpu.memory_space<vmem>>
    %dma_start3A_96 = arith.constant 0 : i32
    %dma_start3A_97 = tpu.memref_slice %arg14[%dma_start3A_91, %dma_start3A_96] : memref<4x128xi32, #tpu.memory_space<vmem>> -> memref<1x128xi32, #tpu.memory_space<vmem>>
    %dma_start3A_98 = tpu.memref_squeeze %dma_start3A_97 : memref<1x128xi32, #tpu.memory_space<vmem>> -> memref<128xi32, #tpu.memory_space<vmem>>
    %dma_start3A_99 = arith.constant 0 : i32
    %dma_start3A_100 = arith.constant 0 : i32
    %dma_start3A_101 = tpu.memref_slice %arg6[%dma_start3A_99, %dma_start3A_100] : memref<1000x32xf32, #tpu.memory_space<hbm>> -> memref<1000x32xf32, #tpu.memory_space<hbm>>
    %dma_start3A_102 = tpu.memref_slice %arg22[%dma_start3A_92] : memref<4x!tpu.dma_semaphore, #tpu.memory_space<semaphore_mem>> -> memref<1x!tpu.dma_semaphore, #tpu.memory_space<semaphore_mem>>
    %dma_start3A_103 = tpu.memref_squeeze %dma_start3A_102 : memref<1x!tpu.dma_semaphore, #tpu.memory_space<semaphore_mem>> -> memref<!tpu.dma_semaphore, #tpu.memory_space<semaphore_mem>>
    tpu.enqueue_indirect_dma source(%dma_start3A_101 : memref<1000x32xf32, #tpu.memory_space<hbm>>) target(%dma_start3A_95 : memref<128x32xf32, #tpu.memory_space<vmem>>) offsets(%dma_start3A_98 : memref<128xi32, #tpu.memory_space<vmem>>) semaphore(%dma_start3A_103 : memref<!tpu.dma_semaphore, #tpu.memory_space<semaphore_mem>>)
    %dma_start3A_104 = arith.constant 1 : i32
    %dma_start3A_105 = arith.constant 1 : i32
    %dma_start3A_106 = arith.constant 128 : i32
    %dma_start3A_107 = tpu.memref_slice %arg19[%dma_start3A_106] : memref<512xf32, #tpu.memory_space<vmem>> -> memref<128xf32, #tpu.memory_space<vmem>>
    %dma_start3A_108 = arith.constant 0 : i32
    %dma_start3A_109 = tpu.memref_slice %arg13[%dma_start3A_104, %dma_start3A_108] : memref<4x128xi32, #tpu.memory_space<vmem>> -> memref<1x128xi32, #tpu.memory_space<vmem>>
    %dma_start3A_110 = tpu.memref_squeeze %dma_start3A_109 : memref<1x128xi32, #tpu.memory_space<vmem>> -> memref<128xi32, #tpu.memory_space<vmem>>
    %dma_start3A_111 = arith.constant 0 : i32
    %dma_start3A_112 = tpu.memref_slice %arg7[%dma_start3A_111] : memref<1000000xf32, #tpu.memory_space<hbm>> -> memref<1000000xf32, #tpu.memory_space<hbm>>
    %dma_start3A_113 = tpu.memref_slice %arg22[%dma_start3A_105] : memref<4x!tpu.dma_semaphore, #tpu.memory_space<semaphore_mem>> -> memref<1x!tpu.dma_semaphore, #tpu.memory_space<semaphore_mem>>
    %dma_start3A_114 = tpu.memref_squeeze %dma_start3A_113 : memref<1x!tpu.dma_semaphore, #tpu.memory_space<semaphore_mem>> -> memref<!tpu.dma_semaphore, #tpu.memory_space<semaphore_mem>>
    tpu.enqueue_indirect_dma source(%dma_start3A_112 : memref<1000000xf32, #tpu.memory_space<hbm>>) target(%dma_start3A_107 : memref<128xf32, #tpu.memory_space<vmem>>) offsets(%dma_start3A_110 : memref<128xi32, #tpu.memory_space<vmem>>) semaphore(%dma_start3A_114 : memref<!tpu.dma_semaphore, #tpu.memory_space<semaphore_mem>>)
    %dma_start3A_115 = arith.constant 1 : i32
    %dma_start3A_116 = arith.constant 1 : i32
    %dma_start3A_117 = arith.constant 128 : i32
    %dma_start3A_118 = tpu.memref_slice %arg20[%dma_start3A_117] : memref<512xf32, #tpu.memory_space<vmem>> -> memref<128xf32, #tpu.memory_space<vmem>>
    %dma_start3A_119 = arith.constant 0 : i32
    %dma_start3A_120 = tpu.memref_slice %arg15[%dma_start3A_115, %dma_start3A_119] : memref<4x128xi32, #tpu.memory_space<vmem>> -> memref<1x128xi32, #tpu.memory_space<vmem>>
    %dma_start3A_121 = tpu.memref_squeeze %dma_start3A_120 : memref<1x128xi32, #tpu.memory_space<vmem>> -> memref<128xi32, #tpu.memory_space<vmem>>
    %dma_start3A_122 = arith.constant 0 : i32
    %dma_start3A_123 = tpu.memref_slice %arg8[%dma_start3A_122] : memref<1000000xf32, #tpu.memory_space<hbm>> -> memref<1000000xf32, #tpu.memory_space<hbm>>
    %dma_start3A_124 = tpu.memref_slice %arg22[%dma_start3A_116] : memref<4x!tpu.dma_semaphore, #tpu.memory_space<semaphore_mem>> -> memref<1x!tpu.dma_semaphore, #tpu.memory_space<semaphore_mem>>
    %dma_start3A_125 = tpu.memref_squeeze %dma_start3A_124 : memref<1x!tpu.dma_semaphore, #tpu.memory_space<semaphore_mem>> -> memref<!tpu.dma_semaphore, #tpu.memory_space<semaphore_mem>>
    tpu.enqueue_indirect_dma source(%dma_start3A_123 : memref<1000000xf32, #tpu.memory_space<hbm>>) target(%dma_start3A_118 : memref<128xf32, #tpu.memory_space<vmem>>) offsets(%dma_start3A_121 : memref<128xi32, #tpu.memory_space<vmem>>) semaphore(%dma_start3A_125 : memref<!tpu.dma_semaphore, #tpu.memory_space<semaphore_mem>>)
    %dma_start3A_126 = arith.constant 2 : i32
    %dma_start3A_127 = arith.constant 2 : i32
    %dma_start3A_128 = arith.constant 256 : i32
    %dma_start3A_129 = arith.constant 0 : i32
    %dma_start3A_130 = tpu.memref_slice %arg16[%dma_start3A_128, %dma_start3A_129] : memref<512x32xf32, #tpu.memory_space<vmem>> -> memref<128x32xf32, #tpu.memory_space<vmem>>
    %dma_start3A_131 = arith.constant 0 : i32
    %dma_start3A_132 = tpu.memref_slice %arg13[%dma_start3A_126, %dma_start3A_131] : memref<4x128xi32, #tpu.memory_space<vmem>> -> memref<1x128xi32, #tpu.memory_space<vmem>>
    %dma_start3A_133 = tpu.memref_squeeze %dma_start3A_132 : memref<1x128xi32, #tpu.memory_space<vmem>> -> memref<128xi32, #tpu.memory_space<vmem>>
    %dma_start3A_134 = arith.constant 0 : i32
    %dma_start3A_135 = arith.constant 0 : i32
    %dma_start3A_136 = tpu.memref_slice %arg5[%dma_start3A_134, %dma_start3A_135] : memref<1000000x32xf32, #tpu.memory_space<hbm>> -> memref<1000000x32xf32, #tpu.memory_space<hbm>>
    %dma_start3A_137 = tpu.memref_slice %arg22[%dma_start3A_127] : memref<4x!tpu.dma_semaphore, #tpu.memory_space<semaphore_mem>> -> memref<1x!tpu.dma_semaphore, #tpu.memory_space<semaphore_mem>>
    %dma_start3A_138 = tpu.memref_squeeze %dma_start3A_137 : memref<1x!tpu.dma_semaphore, #tpu.memory_space<semaphore_mem>> -> memref<!tpu.dma_semaphore, #tpu.memory_space<semaphore_mem>>
    tpu.enqueue_indirect_dma source(%dma_start3A_136 : memref<1000000x32xf32, #tpu.memory_space<hbm>>) target(%dma_start3A_130 : memref<128x32xf32, #tpu.memory_space<vmem>>) offsets(%dma_start3A_133 : memref<128xi32, #tpu.memory_space<vmem>>) semaphore(%dma_start3A_138 : memref<!tpu.dma_semaphore, #tpu.memory_space<semaphore_mem>>)
    %dma_start3A_139 = arith.constant 2 : i32
    %dma_start3A_140 = arith.constant 2 : i32
    %dma_start3A_141 = arith.constant 256 : i32
    %dma_start3A_142 = arith.constant 0 : i32
    %dma_start3A_143 = tpu.memref_slice %arg18[%dma_start3A_141, %dma_start3A_142] : memref<512x32xf32, #tpu.memory_space<vmem>> -> memref<128x32xf32, #tpu.memory_space<vmem>>
    %dma_start3A_144 = arith.constant 0 : i32
    %dma_start3A_145 = tpu.memref_slice %arg15[%dma_start3A_139, %dma_start3A_144] : memref<4x128xi32, #tpu.memory_space<vmem>> -> memref<1x128xi32, #tpu.memory_space<vmem>>
    %dma_start3A_146 = tpu.memref_squeeze %dma_start3A_145 : memref<1x128xi32, #tpu.memory_space<vmem>> -> memref<128xi32, #tpu.memory_space<vmem>>
    %dma_start3A_147 = arith.constant 0 : i32
    %dma_start3A_148 = arith.constant 0 : i32
    %dma_start3A_149 = tpu.memref_slice %arg5[%dma_start3A_147, %dma_start3A_148] : memref<1000000x32xf32, #tpu.memory_space<hbm>> -> memref<1000000x32xf32, #tpu.memory_space<hbm>>
    %dma_start3A_150 = tpu.memref_slice %arg22[%dma_start3A_140] : memref<4x!tpu.dma_semaphore, #tpu.memory_space<semaphore_mem>> -> memref<1x!tpu.dma_semaphore, #tpu.memory_space<semaphore_mem>>
    %dma_start3A_151 = tpu.memref_squeeze %dma_start3A_150 : memref<1x!tpu.dma_semaphore, #tpu.memory_space<semaphore_mem>> -> memref<!tpu.dma_semaphore, #tpu.memory_space<semaphore_mem>>
    tpu.enqueue_indirect_dma source(%dma_start3A_149 : memref<1000000x32xf32, #tpu.memory_space<hbm>>) target(%dma_start3A_143 : memref<128x32xf32, #tpu.memory_space<vmem>>) offsets(%dma_start3A_146 : memref<128xi32, #tpu.memory_space<vmem>>) semaphore(%dma_start3A_151 : memref<!tpu.dma_semaphore, #tpu.memory_space<semaphore_mem>>)
    %dma_start3A_152 = arith.constant 2 : i32
    %dma_start3A_153 = arith.constant 2 : i32
    %dma_start3A_154 = arith.constant 256 : i32
    %dma_start3A_155 = arith.constant 0 : i32
    %dma_start3A_156 = tpu.memref_slice %arg17[%dma_start3A_154, %dma_start3A_155] : memref<512x32xf32, #tpu.memory_space<vmem>> -> memref<128x32xf32, #tpu.memory_space<vmem>>
    %dma_start3A_157 = arith.constant 0 : i32
    %dma_start3A_158 = tpu.memref_slice %arg14[%dma_start3A_152, %dma_start3A_157] : memref<4x128xi32, #tpu.memory_space<vmem>> -> memref<1x128xi32, #tpu.memory_space<vmem>>
    %dma_start3A_159 = tpu.memref_squeeze %dma_start3A_158 : memref<1x128xi32, #tpu.memory_space<vmem>> -> memref<128xi32, #tpu.memory_space<vmem>>
    %dma_start3A_160 = arith.constant 0 : i32
    %dma_start3A_161 = arith.constant 0 : i32
    %dma_start3A_162 = tpu.memref_slice %arg6[%dma_start3A_160, %dma_start3A_161] : memref<1000x32xf32, #tpu.memory_space<hbm>> -> memref<1000x32xf32, #tpu.memory_space<hbm>>
    %dma_start3A_163 = tpu.memref_slice %arg22[%dma_start3A_153] : memref<4x!tpu.dma_semaphore, #tpu.memory_space<semaphore_mem>> -> memref<1x!tpu.dma_semaphore, #tpu.memory_space<semaphore_mem>>
    %dma_start3A_164 = tpu.memref_squeeze %dma_start3A_163 : memref<1x!tpu.dma_semaphore, #tpu.memory_space<semaphore_mem>> -> memref<!tpu.dma_semaphore, #tpu.memory_space<semaphore_mem>>
    tpu.enqueue_indirect_dma source(%dma_start3A_162 : memref<1000x32xf32, #tpu.memory_space<hbm>>) target(%dma_start3A_156 : memref<128x32xf32, #tpu.memory_space<vmem>>) offsets(%dma_start3A_159 : memref<128xi32, #tpu.memory_space<vmem>>) semaphore(%dma_start3A_164 : memref<!tpu.dma_semaphore, #tpu.memory_space<semaphore_mem>>)
    %dma_start3A_165 = arith.constant 2 : i32
    %dma_start3A_166 = arith.constant 2 : i32
    %dma_start3A_167 = arith.constant 256 : i32
    %dma_start3A_168 = tpu.memref_slice %arg19[%dma_start3A_167] : memref<512xf32, #tpu.memory_space<vmem>> -> memref<128xf32, #tpu.memory_space<vmem>>
    %dma_start3A_169 = arith.constant 0 : i32
    %dma_start3A_170 = tpu.memref_slice %arg13[%dma_start3A_165, %dma_start3A_169] : memref<4x128xi32, #tpu.memory_space<vmem>> -> memref<1x128xi32, #tpu.memory_space<vmem>>
    %dma_start3A_171 = tpu.memref_squeeze %dma_start3A_170 : memref<1x128xi32, #tpu.memory_space<vmem>> -> memref<128xi32, #tpu.memory_space<vmem>>
    %dma_start3A_172 = arith.constant 0 : i32
    %dma_start3A_173 = tpu.memref_slice %arg7[%dma_start3A_172] : memref<1000000xf32, #tpu.memory_space<hbm>> -> memref<1000000xf32, #tpu.memory_space<hbm>>
    %dma_start3A_174 = tpu.memref_slice %arg22[%dma_start3A_166] : memref<4x!tpu.dma_semaphore, #tpu.memory_space<semaphore_mem>> -> memref<1x!tpu.dma_semaphore, #tpu.memory_space<semaphore_mem>>
    %dma_start3A_175 = tpu.memref_squeeze %dma_start3A_174 : memref<1x!tpu.dma_semaphore, #tpu.memory_space<semaphore_mem>> -> memref<!tpu.dma_semaphore, #tpu.memory_space<semaphore_mem>>
    tpu.enqueue_indirect_dma source(%dma_start3A_173 : memref<1000000xf32, #tpu.memory_space<hbm>>) target(%dma_start3A_168 : memref<128xf32, #tpu.memory_space<vmem>>) offsets(%dma_start3A_171 : memref<128xi32, #tpu.memory_space<vmem>>) semaphore(%dma_start3A_175 : memref<!tpu.dma_semaphore, #tpu.memory_space<semaphore_mem>>)
    %dma_start3A_176 = arith.constant 2 : i32
    %dma_start3A_177 = arith.constant 2 : i32
    %dma_start3A_178 = arith.constant 256 : i32
    %dma_start3A_179 = tpu.memref_slice %arg20[%dma_start3A_178] : memref<512xf32, #tpu.memory_space<vmem>> -> memref<128xf32, #tpu.memory_space<vmem>>
    %dma_start3A_180 = arith.constant 0 : i32
    %dma_start3A_181 = tpu.memref_slice %arg15[%dma_start3A_176, %dma_start3A_180] : memref<4x128xi32, #tpu.memory_space<vmem>> -> memref<1x128xi32, #tpu.memory_space<vmem>>
    %dma_start3A_182 = tpu.memref_squeeze %dma_start3A_181 : memref<1x128xi32, #tpu.memory_space<vmem>> -> memref<128xi32, #tpu.memory_space<vmem>>
    %dma_start3A_183 = arith.constant 0 : i32
    %dma_start3A_184 = tpu.memref_slice %arg8[%dma_start3A_183] : memref<1000000xf32, #tpu.memory_space<hbm>> -> memref<1000000xf32, #tpu.memory_space<hbm>>
    %dma_start3A_185 = tpu.memref_slice %arg22[%dma_start3A_177] : memref<4x!tpu.dma_semaphore, #tpu.memory_space<semaphore_mem>> -> memref<1x!tpu.dma_semaphore, #tpu.memory_space<semaphore_mem>>
    %dma_start3A_186 = tpu.memref_squeeze %dma_start3A_185 : memref<1x!tpu.dma_semaphore, #tpu.memory_space<semaphore_mem>> -> memref<!tpu.dma_semaphore, #tpu.memory_space<semaphore_mem>>
    tpu.enqueue_indirect_dma source(%dma_start3A_184 : memref<1000000xf32, #tpu.memory_space<hbm>>) target(%dma_start3A_179 : memref<128xf32, #tpu.memory_space<vmem>>) offsets(%dma_start3A_182 : memref<128xi32, #tpu.memory_space<vmem>>) semaphore(%dma_start3A_186 : memref<!tpu.dma_semaphore, #tpu.memory_space<semaphore_mem>>)
    %dma_start3A_187 = arith.constant 3 : i32
    %dma_start3A_188 = arith.constant 3 : i32
    %dma_start3A_189 = arith.constant 384 : i32
    %dma_start3A_190 = arith.constant 0 : i32
    %dma_start3A_191 = tpu.memref_slice %arg16[%dma_start3A_189, %dma_start3A_190] : memref<512x32xf32, #tpu.memory_space<vmem>> -> memref<128x32xf32, #tpu.memory_space<vmem>>
    %dma_start3A_192 = arith.constant 0 : i32
    %dma_start3A_193 = tpu.memref_slice %arg13[%dma_start3A_187, %dma_start3A_192] : memref<4x128xi32, #tpu.memory_space<vmem>> -> memref<1x128xi32, #tpu.memory_space<vmem>>
    %dma_start3A_194 = tpu.memref_squeeze %dma_start3A_193 : memref<1x128xi32, #tpu.memory_space<vmem>> -> memref<128xi32, #tpu.memory_space<vmem>>
    %dma_start3A_195 = arith.constant 0 : i32
    %dma_start3A_196 = arith.constant 0 : i32
    %dma_start3A_197 = tpu.memref_slice %arg5[%dma_start3A_195, %dma_start3A_196] : memref<1000000x32xf32, #tpu.memory_space<hbm>> -> memref<1000000x32xf32, #tpu.memory_space<hbm>>
    %dma_start3A_198 = tpu.memref_slice %arg22[%dma_start3A_188] : memref<4x!tpu.dma_semaphore, #tpu.memory_space<semaphore_mem>> -> memref<1x!tpu.dma_semaphore, #tpu.memory_space<semaphore_mem>>
    %dma_start3A_199 = tpu.memref_squeeze %dma_start3A_198 : memref<1x!tpu.dma_semaphore, #tpu.memory_space<semaphore_mem>> -> memref<!tpu.dma_semaphore, #tpu.memory_space<semaphore_mem>>
    tpu.enqueue_indirect_dma source(%dma_start3A_197 : memref<1000000x32xf32, #tpu.memory_space<hbm>>) target(%dma_start3A_191 : memref<128x32xf32, #tpu.memory_space<vmem>>) offsets(%dma_start3A_194 : memref<128xi32, #tpu.memory_space<vmem>>) semaphore(%dma_start3A_199 : memref<!tpu.dma_semaphore, #tpu.memory_space<semaphore_mem>>)
    %dma_start3A_200 = arith.constant 3 : i32
    %dma_start3A_201 = arith.constant 3 : i32
    %dma_start3A_202 = arith.constant 384 : i32
    %dma_start3A_203 = arith.constant 0 : i32
    %dma_start3A_204 = tpu.memref_slice %arg18[%dma_start3A_202, %dma_start3A_203] : memref<512x32xf32, #tpu.memory_space<vmem>> -> memref<128x32xf32, #tpu.memory_space<vmem>>
    %dma_start3A_205 = arith.constant 0 : i32
    %dma_start3A_206 = tpu.memref_slice %arg15[%dma_start3A_200, %dma_start3A_205] : memref<4x128xi32, #tpu.memory_space<vmem>> -> memref<1x128xi32, #tpu.memory_space<vmem>>
    %dma_start3A_207 = tpu.memref_squeeze %dma_start3A_206 : memref<1x128xi32, #tpu.memory_space<vmem>> -> memref<128xi32, #tpu.memory_space<vmem>>
    %dma_start3A_208 = arith.constant 0 : i32
    %dma_start3A_209 = arith.constant 0 : i32
    %dma_start3A_210 = tpu.memref_slice %arg5[%dma_start3A_208, %dma_start3A_209] : memref<1000000x32xf32, #tpu.memory_space<hbm>> -> memref<1000000x32xf32, #tpu.memory_space<hbm>>
    %dma_start3A_211 = tpu.memref_slice %arg22[%dma_start3A_201] : memref<4x!tpu.dma_semaphore, #tpu.memory_space<semaphore_mem>> -> memref<1x!tpu.dma_semaphore, #tpu.memory_space<semaphore_mem>>
    %dma_start3A_212 = tpu.memref_squeeze %dma_start3A_211 : memref<1x!tpu.dma_semaphore, #tpu.memory_space<semaphore_mem>> -> memref<!tpu.dma_semaphore, #tpu.memory_space<semaphore_mem>>
    tpu.enqueue_indirect_dma source(%dma_start3A_210 : memref<1000000x32xf32, #tpu.memory_space<hbm>>) target(%dma_start3A_204 : memref<128x32xf32, #tpu.memory_space<vmem>>) offsets(%dma_start3A_207 : memref<128xi32, #tpu.memory_space<vmem>>) semaphore(%dma_start3A_212 : memref<!tpu.dma_semaphore, #tpu.memory_space<semaphore_mem>>)
    %dma_start3A_213 = arith.constant 3 : i32
    %dma_start3A_214 = arith.constant 3 : i32
    %dma_start3A_215 = arith.constant 384 : i32
    %dma_start3A_216 = arith.constant 0 : i32
    %dma_start3A_217 = tpu.memref_slice %arg17[%dma_start3A_215, %dma_start3A_216] : memref<512x32xf32, #tpu.memory_space<vmem>> -> memref<128x32xf32, #tpu.memory_space<vmem>>
    %dma_start3A_218 = arith.constant 0 : i32
    %dma_start3A_219 = tpu.memref_slice %arg14[%dma_start3A_213, %dma_start3A_218] : memref<4x128xi32, #tpu.memory_space<vmem>> -> memref<1x128xi32, #tpu.memory_space<vmem>>
    %dma_start3A_220 = tpu.memref_squeeze %dma_start3A_219 : memref<1x128xi32, #tpu.memory_space<vmem>> -> memref<128xi32, #tpu.memory_space<vmem>>
    %dma_start3A_221 = arith.constant 0 : i32
    %dma_start3A_222 = arith.constant 0 : i32
    %dma_start3A_223 = tpu.memref_slice %arg6[%dma_start3A_221, %dma_start3A_222] : memref<1000x32xf32, #tpu.memory_space<hbm>> -> memref<1000x32xf32, #tpu.memory_space<hbm>>
    %dma_start3A_224 = tpu.memref_slice %arg22[%dma_start3A_214] : memref<4x!tpu.dma_semaphore, #tpu.memory_space<semaphore_mem>> -> memref<1x!tpu.dma_semaphore, #tpu.memory_space<semaphore_mem>>
    %dma_start3A_225 = tpu.memref_squeeze %dma_start3A_224 : memref<1x!tpu.dma_semaphore, #tpu.memory_space<semaphore_mem>> -> memref<!tpu.dma_semaphore, #tpu.memory_space<semaphore_mem>>
    tpu.enqueue_indirect_dma source(%dma_start3A_223 : memref<1000x32xf32, #tpu.memory_space<hbm>>) target(%dma_start3A_217 : memref<128x32xf32, #tpu.memory_space<vmem>>) offsets(%dma_start3A_220 : memref<128xi32, #tpu.memory_space<vmem>>) semaphore(%dma_start3A_225 : memref<!tpu.dma_semaphore, #tpu.memory_space<semaphore_mem>>)
    %dma_start3A_226 = arith.constant 3 : i32
    %dma_start3A_227 = arith.constant 3 : i32
    %dma_start3A_228 = arith.constant 384 : i32
    %dma_start3A_229 = tpu.memref_slice %arg19[%dma_start3A_228] : memref<512xf32, #tpu.memory_space<vmem>> -> memref<128xf32, #tpu.memory_space<vmem>>
    %dma_start3A_230 = arith.constant 0 : i32
    %dma_start3A_231 = tpu.memref_slice %arg13[%dma_start3A_226, %dma_start3A_230] : memref<4x128xi32, #tpu.memory_space<vmem>> -> memref<1x128xi32, #tpu.memory_space<vmem>>
    %dma_start3A_232 = tpu.memref_squeeze %dma_start3A_231 : memref<1x128xi32, #tpu.memory_space<vmem>> -> memref<128xi32, #tpu.memory_space<vmem>>
    %dma_start3A_233 = arith.constant 0 : i32
    %dma_start3A_234 = tpu.memref_slice %arg7[%dma_start3A_233] : memref<1000000xf32, #tpu.memory_space<hbm>> -> memref<1000000xf32, #tpu.memory_space<hbm>>
    %dma_start3A_235 = tpu.memref_slice %arg22[%dma_start3A_227] : memref<4x!tpu.dma_semaphore, #tpu.memory_space<semaphore_mem>> -> memref<1x!tpu.dma_semaphore, #tpu.memory_space<semaphore_mem>>
    %dma_start3A_236 = tpu.memref_squeeze %dma_start3A_235 : memref<1x!tpu.dma_semaphore, #tpu.memory_space<semaphore_mem>> -> memref<!tpu.dma_semaphore, #tpu.memory_space<semaphore_mem>>
    tpu.enqueue_indirect_dma source(%dma_start3A_234 : memref<1000000xf32, #tpu.memory_space<hbm>>) target(%dma_start3A_229 : memref<128xf32, #tpu.memory_space<vmem>>) offsets(%dma_start3A_232 : memref<128xi32, #tpu.memory_space<vmem>>) semaphore(%dma_start3A_236 : memref<!tpu.dma_semaphore, #tpu.memory_space<semaphore_mem>>)
    %dma_start3A_237 = arith.constant 3 : i32
    %dma_start3A_238 = arith.constant 3 : i32
    %dma_start3A_239 = arith.constant 384 : i32
    %dma_start3A_240 = tpu.memref_slice %arg20[%dma_start3A_239] : memref<512xf32, #tpu.memory_space<vmem>> -> memref<128xf32, #tpu.memory_space<vmem>>
    %dma_start3A_241 = arith.constant 0 : i32
    %dma_start3A_242 = tpu.memref_slice %arg15[%dma_start3A_237, %dma_start3A_241] : memref<4x128xi32, #tpu.memory_space<vmem>> -> memref<1x128xi32, #tpu.memory_space<vmem>>
    %dma_start3A_243 = tpu.memref_squeeze %dma_start3A_242 : memref<1x128xi32, #tpu.memory_space<vmem>> -> memref<128xi32, #tpu.memory_space<vmem>>
    %dma_start3A_244 = arith.constant 0 : i32
    %dma_start3A_245 = tpu.memref_slice %arg8[%dma_start3A_244] : memref<1000000xf32, #tpu.memory_space<hbm>> -> memref<1000000xf32, #tpu.memory_space<hbm>>
    %dma_start3A_246 = tpu.memref_slice %arg22[%dma_start3A_238] : memref<4x!tpu.dma_semaphore, #tpu.memory_space<semaphore_mem>> -> memref<1x!tpu.dma_semaphore, #tpu.memory_space<semaphore_mem>>
    %dma_start3A_247 = tpu.memref_squeeze %dma_start3A_246 : memref<1x!tpu.dma_semaphore, #tpu.memory_space<semaphore_mem>> -> memref<!tpu.dma_semaphore, #tpu.memory_space<semaphore_mem>>
    tpu.enqueue_indirect_dma source(%dma_start3A_245 : memref<1000000xf32, #tpu.memory_space<hbm>>) target(%dma_start3A_240 : memref<128xf32, #tpu.memory_space<vmem>>) offsets(%dma_start3A_243 : memref<128xi32, #tpu.memory_space<vmem>>) semaphore(%dma_start3A_247 : memref<!tpu.dma_semaphore, #tpu.memory_space<semaphore_mem>>)
    %iota3A = tpu.iota {dimensions = array<i32: 0>} : vector<16xi32>
    %shift_right_arithmetic3A = arith.constant 0 : i32
    %shift_right_arithmetic3A_248 = vector.broadcast %shift_right_arithmetic3A : i32 to vector<16xi32>
    %shift_right_arithmetic3A_249 = arith.shrsi %iota3A, %shift_right_arithmetic3A_248 : vector<16xi32>
    %jit3A = arith.constant 2 : i32
    %eq3A = arith.constant 0 : i32
    %eq3A_250 = arith.cmpi eq, %jit3A, %eq3A : i32
    %jit3A_251 = arith.constant 1 : i32
    %select_n3A = arith.select %eq3A_250, %jit3A_251, %jit3A : i32
    %rem3A = vector.broadcast %select_n3A : i32 to vector<16xi32>
    %rem3A_252 = arith.remsi %shift_right_arithmetic3A_249, %rem3A : vector<16xi32>
    %ne3A = arith.constant 0 : i32
    %ne3A_253 = vector.broadcast %ne3A : i32 to vector<16xi32>
    %ne3A_254 = arith.cmpi ne, %rem3A_252, %ne3A_253 : vector<16xi32>
    %lt3A = arith.constant 0 : i32
    %lt3A_255 = vector.broadcast %lt3A : i32 to vector<16xi32>
    %lt3A_256 = arith.cmpi slt, %rem3A_252, %lt3A_255 : vector<16xi32>
    %lt3A_257 = arith.constant 0 : i32
    %lt3A_258 = arith.cmpi slt, %select_n3A, %lt3A_257 : i32
    %ne3A_259 = vector.broadcast %lt3A_258 : i1 to vector<16xi1>
    %ne3A_260 = vector.broadcast %ne3A_259 : vector<16xi1> to vector<16xi1>
    %ne3A_261 = arith.xori %lt3A_256, %ne3A_260 : vector<16xi1>
    %and3A = arith.andi %ne3A_261, %ne3A_254 : vector<16xi1>
    %add3A_262 = vector.broadcast %select_n3A : i32 to vector<16xi32>
    %add3A_263 = arith.addi %rem3A_252, %add3A_262 : vector<16xi32>
    %select_n3A_264 = arith.select %and3A, %add3A_263, %rem3A_252 : vector<16xi1>, vector<16xi32>
    %eq3A_265 = arith.constant 0 : i32
    %eq3A_266 = vector.broadcast %eq3A_265 : i32 to vector<16xi32>
    %eq3A_267 = arith.cmpi eq, %select_n3A_264, %eq3A_266 : vector<16xi32>
    %shift_right_arithmetic3A_268 = arith.constant 1 : i32
    %shift_right_arithmetic3A_269 = vector.broadcast %shift_right_arithmetic3A_268 : i32 to vector<16xi32>
    %shift_right_arithmetic3A_270 = arith.shrsi %iota3A, %shift_right_arithmetic3A_269 : vector<16xi32>
    %jit3A_271 = arith.constant 2 : i32
    %eq3A_272 = arith.constant 0 : i32
    %eq3A_273 = arith.cmpi eq, %jit3A_271, %eq3A_272 : i32
    %jit3A_274 = arith.constant 1 : i32
    %select_n3A_275 = arith.select %eq3A_273, %jit3A_274, %jit3A_271 : i32
    %rem3A_276 = vector.broadcast %select_n3A_275 : i32 to vector<16xi32>
    %rem3A_277 = arith.remsi %shift_right_arithmetic3A_270, %rem3A_276 : vector<16xi32>
    %ne3A_278 = arith.constant 0 : i32
    %ne3A_279 = vector.broadcast %ne3A_278 : i32 to vector<16xi32>
    %ne3A_280 = arith.cmpi ne, %rem3A_277, %ne3A_279 : vector<16xi32>
    %lt3A_281 = arith.constant 0 : i32
    %lt3A_282 = vector.broadcast %lt3A_281 : i32 to vector<16xi32>
    %lt3A_283 = arith.cmpi slt, %rem3A_277, %lt3A_282 : vector<16xi32>
    %lt3A_284 = arith.constant 0 : i32
    %lt3A_285 = arith.cmpi slt, %select_n3A_275, %lt3A_284 : i32
    %ne3A_286 = vector.broadcast %lt3A_285 : i1 to vector<16xi1>
    %ne3A_287 = vector.broadcast %ne3A_286 : vector<16xi1> to vector<16xi1>
    %ne3A_288 = arith.xori %lt3A_283, %ne3A_287 : vector<16xi1>
    %and3A_289 = arith.andi %ne3A_288, %ne3A_280 : vector<16xi1>
    %add3A_290 = vector.broadcast %select_n3A_275 : i32 to vector<16xi32>
    %add3A_291 = arith.addi %rem3A_277, %add3A_290 : vector<16xi32>
    %select_n3A_292 = arith.select %and3A_289, %add3A_291, %rem3A_277 : vector<16xi1>, vector<16xi32>
    %eq3A_293 = arith.constant 0 : i32
    %eq3A_294 = vector.broadcast %eq3A_293 : i32 to vector<16xi32>
    %eq3A_295 = arith.cmpi eq, %select_n3A_292, %eq3A_294 : vector<16xi32>
    %shift_right_arithmetic3A_296 = arith.constant 2 : i32
    %shift_right_arithmetic3A_297 = vector.broadcast %shift_right_arithmetic3A_296 : i32 to vector<16xi32>
    %shift_right_arithmetic3A_298 = arith.shrsi %iota3A, %shift_right_arithmetic3A_297 : vector<16xi32>
    %jit3A_299 = arith.constant 2 : i32
    %eq3A_300 = arith.constant 0 : i32
    %eq3A_301 = arith.cmpi eq, %jit3A_299, %eq3A_300 : i32
    %jit3A_302 = arith.constant 1 : i32
    %select_n3A_303 = arith.select %eq3A_301, %jit3A_302, %jit3A_299 : i32
    %rem3A_304 = vector.broadcast %select_n3A_303 : i32 to vector<16xi32>
    %rem3A_305 = arith.remsi %shift_right_arithmetic3A_298, %rem3A_304 : vector<16xi32>
    %ne3A_306 = arith.constant 0 : i32
    %ne3A_307 = vector.broadcast %ne3A_306 : i32 to vector<16xi32>
    %ne3A_308 = arith.cmpi ne, %rem3A_305, %ne3A_307 : vector<16xi32>
    %lt3A_309 = arith.constant 0 : i32
    %lt3A_310 = vector.broadcast %lt3A_309 : i32 to vector<16xi32>
    %lt3A_311 = arith.cmpi slt, %rem3A_305, %lt3A_310 : vector<16xi32>
    %lt3A_312 = arith.constant 0 : i32
    %lt3A_313 = arith.cmpi slt, %select_n3A_303, %lt3A_312 : i32
    %ne3A_314 = vector.broadcast %lt3A_313 : i1 to vector<16xi1>
    %ne3A_315 = vector.broadcast %ne3A_314 : vector<16xi1> to vector<16xi1>
    %ne3A_316 = arith.xori %lt3A_311, %ne3A_315 : vector<16xi1>
    %and3A_317 = arith.andi %ne3A_316, %ne3A_308 : vector<16xi1>
    %add3A_318 = vector.broadcast %select_n3A_303 : i32 to vector<16xi32>
    %add3A_319 = arith.addi %rem3A_305, %add3A_318 : vector<16xi32>
    %select_n3A_320 = arith.select %and3A_317, %add3A_319, %rem3A_305 : vector<16xi1>, vector<16xi32>
    %eq3A_321 = arith.constant 0 : i32
    %eq3A_322 = vector.broadcast %eq3A_321 : i32 to vector<16xi32>
    %eq3A_323 = arith.cmpi eq, %select_n3A_320, %eq3A_322 : vector<16xi32>
    %shift_right_arithmetic3A_324 = arith.constant 3 : i32
    %shift_right_arithmetic3A_325 = vector.broadcast %shift_right_arithmetic3A_324 : i32 to vector<16xi32>
    %shift_right_arithmetic3A_326 = arith.shrsi %iota3A, %shift_right_arithmetic3A_325 : vector<16xi32>
    %jit3A_327 = arith.constant 2 : i32
    %eq3A_328 = arith.constant 0 : i32
    %eq3A_329 = arith.cmpi eq, %jit3A_327, %eq3A_328 : i32
    %jit3A_330 = arith.constant 1 : i32
    %select_n3A_331 = arith.select %eq3A_329, %jit3A_330, %jit3A_327 : i32
    %rem3A_332 = vector.broadcast %select_n3A_331 : i32 to vector<16xi32>
    %rem3A_333 = arith.remsi %shift_right_arithmetic3A_326, %rem3A_332 : vector<16xi32>
    %ne3A_334 = arith.constant 0 : i32
    %ne3A_335 = vector.broadcast %ne3A_334 : i32 to vector<16xi32>
    %ne3A_336 = arith.cmpi ne, %rem3A_333, %ne3A_335 : vector<16xi32>
    %lt3A_337 = arith.constant 0 : i32
    %lt3A_338 = vector.broadcast %lt3A_337 : i32 to vector<16xi32>
    %lt3A_339 = arith.cmpi slt, %rem3A_333, %lt3A_338 : vector<16xi32>
    %lt3A_340 = arith.constant 0 : i32
    %lt3A_341 = arith.cmpi slt, %select_n3A_331, %lt3A_340 : i32
    %ne3A_342 = vector.broadcast %lt3A_341 : i1 to vector<16xi1>
    %ne3A_343 = vector.broadcast %ne3A_342 : vector<16xi1> to vector<16xi1>
    %ne3A_344 = arith.xori %lt3A_339, %ne3A_343 : vector<16xi1>
    %and3A_345 = arith.andi %ne3A_344, %ne3A_336 : vector<16xi1>
    %add3A_346 = vector.broadcast %select_n3A_331 : i32 to vector<16xi32>
    %add3A_347 = arith.addi %rem3A_333, %add3A_346 : vector<16xi32>
    %select_n3A_348 = arith.select %and3A_345, %add3A_347, %rem3A_333 : vector<16xi1>, vector<16xi32>
    %eq3A_349 = arith.constant 0 : i32
    %eq3A_350 = vector.broadcast %eq3A_349 : i32 to vector<16xi32>
    %eq3A_351 = arith.cmpi eq, %select_n3A_348, %eq3A_350 : vector<16xi32>
    %xor3A = arith.constant 1 : i32
    %xor3A_352 = vector.broadcast %xor3A : i32 to vector<16xi32>
    %xor3A_353 = arith.xori %iota3A, %xor3A_352 : vector<16xi32>
    %xor3A_354 = arith.constant 2 : i32
    %xor3A_355 = vector.broadcast %xor3A_354 : i32 to vector<16xi32>
    %xor3A_356 = arith.xori %iota3A, %xor3A_355 : vector<16xi32>
    %xor3A_357 = arith.constant 4 : i32
    %xor3A_358 = vector.broadcast %xor3A_357 : i32 to vector<16xi32>
    %xor3A_359 = arith.xori %iota3A, %xor3A_358 : vector<16xi32>
    %xor3A_360 = arith.constant 8 : i32
    %xor3A_361 = vector.broadcast %xor3A_360 : i32 to vector<16xi32>
    %xor3A_362 = arith.xori %iota3A, %xor3A_361 : vector<16xi32>
    %dma_wait3A = arith.constant 0 : i32
    %dma_wait3A_363 = arith.constant 0 : i32
    %dma_wait3A_364 = arith.constant 0 : i32
    %dma_wait3A_365 = arith.constant 0 : i32
    %dma_wait3A_366 = tpu.memref_slice %arg16[%dma_wait3A_364, %dma_wait3A_365] : memref<512x32xf32, #tpu.memory_space<vmem>> -> memref<128x32xf32, #tpu.memory_space<vmem>>
    %dma_wait3A_367 = arith.constant 0 : i32
    %dma_wait3A_368 = tpu.memref_slice %arg13[%dma_wait3A, %dma_wait3A_367] : memref<4x128xi32, #tpu.memory_space<vmem>> -> memref<1x128xi32, #tpu.memory_space<vmem>>
    %dma_wait3A_369 = tpu.memref_squeeze %dma_wait3A_368 : memref<1x128xi32, #tpu.memory_space<vmem>> -> memref<128xi32, #tpu.memory_space<vmem>>
    %dma_wait3A_370 = arith.constant 0 : i32
    %dma_wait3A_371 = arith.constant 0 : i32
    %dma_wait3A_372 = tpu.memref_slice %arg5[%dma_wait3A_370, %dma_wait3A_371] : memref<1000000x32xf32, #tpu.memory_space<hbm>> -> memref<1000000x32xf32, #tpu.memory_space<hbm>>
    %dma_wait3A_373 = tpu.memref_slice %arg22[%dma_wait3A_363] : memref<4x!tpu.dma_semaphore, #tpu.memory_space<semaphore_mem>> -> memref<1x!tpu.dma_semaphore, #tpu.memory_space<semaphore_mem>>
    %dma_wait3A_374 = tpu.memref_squeeze %dma_wait3A_373 : memref<1x!tpu.dma_semaphore, #tpu.memory_space<semaphore_mem>> -> memref<!tpu.dma_semaphore, #tpu.memory_space<semaphore_mem>>
    tpu.wait_indirect_dma semaphore(%dma_wait3A_374 : memref<!tpu.dma_semaphore, #tpu.memory_space<semaphore_mem>>) src(%dma_wait3A_372 : memref<1000000x32xf32, #tpu.memory_space<hbm>>) dst(%dma_wait3A_366 : memref<128x32xf32, #tpu.memory_space<vmem>>)
    %dma_wait3A_375 = arith.constant 0 : i32
    %dma_wait3A_376 = arith.constant 0 : i32
    %dma_wait3A_377 = arith.constant 0 : i32
    %dma_wait3A_378 = arith.constant 0 : i32
    %dma_wait3A_379 = tpu.memref_slice %arg18[%dma_wait3A_377, %dma_wait3A_378] : memref<512x32xf32, #tpu.memory_space<vmem>> -> memref<128x32xf32, #tpu.memory_space<vmem>>
    %dma_wait3A_380 = arith.constant 0 : i32
    %dma_wait3A_381 = tpu.memref_slice %arg15[%dma_wait3A_375, %dma_wait3A_380] : memref<4x128xi32, #tpu.memory_space<vmem>> -> memref<1x128xi32, #tpu.memory_space<vmem>>
    %dma_wait3A_382 = tpu.memref_squeeze %dma_wait3A_381 : memref<1x128xi32, #tpu.memory_space<vmem>> -> memref<128xi32, #tpu.memory_space<vmem>>
    %dma_wait3A_383 = arith.constant 0 : i32
    %dma_wait3A_384 = arith.constant 0 : i32
    %dma_wait3A_385 = tpu.memref_slice %arg5[%dma_wait3A_383, %dma_wait3A_384] : memref<1000000x32xf32, #tpu.memory_space<hbm>> -> memref<1000000x32xf32, #tpu.memory_space<hbm>>
    %dma_wait3A_386 = tpu.memref_slice %arg22[%dma_wait3A_376] : memref<4x!tpu.dma_semaphore, #tpu.memory_space<semaphore_mem>> -> memref<1x!tpu.dma_semaphore, #tpu.memory_space<semaphore_mem>>
    %dma_wait3A_387 = tpu.memref_squeeze %dma_wait3A_386 : memref<1x!tpu.dma_semaphore, #tpu.memory_space<semaphore_mem>> -> memref<!tpu.dma_semaphore, #tpu.memory_space<semaphore_mem>>
    tpu.wait_indirect_dma semaphore(%dma_wait3A_387 : memref<!tpu.dma_semaphore, #tpu.memory_space<semaphore_mem>>) src(%dma_wait3A_385 : memref<1000000x32xf32, #tpu.memory_space<hbm>>) dst(%dma_wait3A_379 : memref<128x32xf32, #tpu.memory_space<vmem>>)
    %dma_wait3A_388 = arith.constant 0 : i32
    %dma_wait3A_389 = arith.constant 0 : i32
    %dma_wait3A_390 = arith.constant 0 : i32
    %dma_wait3A_391 = arith.constant 0 : i32
    %dma_wait3A_392 = tpu.memref_slice %arg17[%dma_wait3A_390, %dma_wait3A_391] : memref<512x32xf32, #tpu.memory_space<vmem>> -> memref<128x32xf32, #tpu.memory_space<vmem>>
    %dma_wait3A_393 = arith.constant 0 : i32
    %dma_wait3A_394 = tpu.memref_slice %arg14[%dma_wait3A_388, %dma_wait3A_393] : memref<4x128xi32, #tpu.memory_space<vmem>> -> memref<1x128xi32, #tpu.memory_space<vmem>>
    %dma_wait3A_395 = tpu.memref_squeeze %dma_wait3A_394 : memref<1x128xi32, #tpu.memory_space<vmem>> -> memref<128xi32, #tpu.memory_space<vmem>>
    %dma_wait3A_396 = arith.constant 0 : i32
    %dma_wait3A_397 = arith.constant 0 : i32
    %dma_wait3A_398 = tpu.memref_slice %arg6[%dma_wait3A_396, %dma_wait3A_397] : memref<1000x32xf32, #tpu.memory_space<hbm>> -> memref<1000x32xf32, #tpu.memory_space<hbm>>
    %dma_wait3A_399 = tpu.memref_slice %arg22[%dma_wait3A_389] : memref<4x!tpu.dma_semaphore, #tpu.memory_space<semaphore_mem>> -> memref<1x!tpu.dma_semaphore, #tpu.memory_space<semaphore_mem>>
    %dma_wait3A_400 = tpu.memref_squeeze %dma_wait3A_399 : memref<1x!tpu.dma_semaphore, #tpu.memory_space<semaphore_mem>> -> memref<!tpu.dma_semaphore, #tpu.memory_space<semaphore_mem>>
    tpu.wait_indirect_dma semaphore(%dma_wait3A_400 : memref<!tpu.dma_semaphore, #tpu.memory_space<semaphore_mem>>) src(%dma_wait3A_398 : memref<1000x32xf32, #tpu.memory_space<hbm>>) dst(%dma_wait3A_392 : memref<128x32xf32, #tpu.memory_space<vmem>>)
    %dma_wait3A_401 = arith.constant 0 : i32
    %dma_wait3A_402 = arith.constant 0 : i32
    %dma_wait3A_403 = arith.constant 0 : i32
    %dma_wait3A_404 = tpu.memref_slice %arg19[%dma_wait3A_403] : memref<512xf32, #tpu.memory_space<vmem>> -> memref<128xf32, #tpu.memory_space<vmem>>
    %dma_wait3A_405 = arith.constant 0 : i32
    %dma_wait3A_406 = tpu.memref_slice %arg13[%dma_wait3A_401, %dma_wait3A_405] : memref<4x128xi32, #tpu.memory_space<vmem>> -> memref<1x128xi32, #tpu.memory_space<vmem>>
    %dma_wait3A_407 = tpu.memref_squeeze %dma_wait3A_406 : memref<1x128xi32, #tpu.memory_space<vmem>> -> memref<128xi32, #tpu.memory_space<vmem>>
    %dma_wait3A_408 = arith.constant 0 : i32
    %dma_wait3A_409 = tpu.memref_slice %arg7[%dma_wait3A_408] : memref<1000000xf32, #tpu.memory_space<hbm>> -> memref<1000000xf32, #tpu.memory_space<hbm>>
    %dma_wait3A_410 = tpu.memref_slice %arg22[%dma_wait3A_402] : memref<4x!tpu.dma_semaphore, #tpu.memory_space<semaphore_mem>> -> memref<1x!tpu.dma_semaphore, #tpu.memory_space<semaphore_mem>>
    %dma_wait3A_411 = tpu.memref_squeeze %dma_wait3A_410 : memref<1x!tpu.dma_semaphore, #tpu.memory_space<semaphore_mem>> -> memref<!tpu.dma_semaphore, #tpu.memory_space<semaphore_mem>>
    tpu.wait_indirect_dma semaphore(%dma_wait3A_411 : memref<!tpu.dma_semaphore, #tpu.memory_space<semaphore_mem>>) src(%dma_wait3A_409 : memref<1000000xf32, #tpu.memory_space<hbm>>) dst(%dma_wait3A_404 : memref<128xf32, #tpu.memory_space<vmem>>)
    %dma_wait3A_412 = arith.constant 0 : i32
    %dma_wait3A_413 = arith.constant 0 : i32
    %dma_wait3A_414 = arith.constant 0 : i32
    %dma_wait3A_415 = tpu.memref_slice %arg20[%dma_wait3A_414] : memref<512xf32, #tpu.memory_space<vmem>> -> memref<128xf32, #tpu.memory_space<vmem>>
    %dma_wait3A_416 = arith.constant 0 : i32
    %dma_wait3A_417 = tpu.memref_slice %arg15[%dma_wait3A_412, %dma_wait3A_416] : memref<4x128xi32, #tpu.memory_space<vmem>> -> memref<1x128xi32, #tpu.memory_space<vmem>>
    %dma_wait3A_418 = tpu.memref_squeeze %dma_wait3A_417 : memref<1x128xi32, #tpu.memory_space<vmem>> -> memref<128xi32, #tpu.memory_space<vmem>>
    %dma_wait3A_419 = arith.constant 0 : i32
    %dma_wait3A_420 = tpu.memref_slice %arg8[%dma_wait3A_419] : memref<1000000xf32, #tpu.memory_space<hbm>> -> memref<1000000xf32, #tpu.memory_space<hbm>>
    %dma_wait3A_421 = tpu.memref_slice %arg22[%dma_wait3A_413] : memref<4x!tpu.dma_semaphore, #tpu.memory_space<semaphore_mem>> -> memref<1x!tpu.dma_semaphore, #tpu.memory_space<semaphore_mem>>
    %dma_wait3A_422 = tpu.memref_squeeze %dma_wait3A_421 : memref<1x!tpu.dma_semaphore, #tpu.memory_space<semaphore_mem>> -> memref<!tpu.dma_semaphore, #tpu.memory_space<semaphore_mem>>
    tpu.wait_indirect_dma semaphore(%dma_wait3A_422 : memref<!tpu.dma_semaphore, #tpu.memory_space<semaphore_mem>>) src(%dma_wait3A_420 : memref<1000000xf32, #tpu.memory_space<hbm>>) dst(%dma_wait3A_415 : memref<128xf32, #tpu.memory_space<vmem>>)
    %scan3A = arith.constant 0 : i32
    %scan3A_423 = arith.constant 0 : i32
    %scan3A_424 = arith.constant 8 : i32
    %scan3A_425 = arith.addi %scan3A_423, %scan3A_424 : i32
    %scan3A_426 = arith.constant 1 : i32
    scf.for %scan3A_881 = %scan3A_423 to %scan3A_425 step %scan3A_426  : i32 {
      %mul3A_882 = arith.constant 16 : i32
      %mul3A_883 = arith.muli %scan3A_881, %mul3A_882 : i32
      %add3A_884 = arith.constant 0 : i32
      %add3A_885 = arith.addi %mul3A_883, %add3A_884 : i32
      %get3A = arith.index_cast %add3A_885 : i32 to index
      %get3A_886 = arith.constant 0 : index
      %get3A_887 = tpu.vector_load %arg16[%get3A, %get3A_886] {strides = array<i32>} : memref<512x32xf32, #tpu.memory_space<vmem>>, vector<1x16xf32>,
      %get3A_888 = vector.shape_cast %get3A_887 : vector<1x16xf32> to vector<16xf32>
      %get3A_889 = arith.index_cast %add3A_885 : i32 to index
      %get3A_890 = arith.constant 16 : index
      %get3A_891 = tpu.vector_load %arg16[%get3A_889, %get3A_890] {strides = array<i32>} : memref<512x32xf32, #tpu.memory_space<vmem>>, vector<1x16xf32>,
      %get3A_892 = vector.shape_cast %get3A_891 : vector<1x16xf32> to vector<16xf32>
      %get3A_893 = arith.index_cast %add3A_885 : i32 to index
      %get3A_894 = arith.constant 0 : index
      %get3A_895 = tpu.vector_load %arg17[%get3A_893, %get3A_894] {strides = array<i32>} : memref<512x32xf32, #tpu.memory_space<vmem>>, vector<1x16xf32>,
      %get3A_896 = vector.shape_cast %get3A_895 : vector<1x16xf32> to vector<16xf32>
      %get3A_897 = arith.index_cast %add3A_885 : i32 to index
      %get3A_898 = arith.constant 16 : index
      %get3A_899 = tpu.vector_load %arg17[%get3A_897, %get3A_898] {strides = array<i32>} : memref<512x32xf32, #tpu.memory_space<vmem>>, vector<1x16xf32>,
      %get3A_900 = vector.shape_cast %get3A_899 : vector<1x16xf32> to vector<16xf32>
      %get3A_901 = arith.index_cast %add3A_885 : i32 to index
      %get3A_902 = arith.constant 0 : index
      %get3A_903 = tpu.vector_load %arg18[%get3A_901, %get3A_902] {strides = array<i32>} : memref<512x32xf32, #tpu.memory_space<vmem>>, vector<1x16xf32>,
      %get3A_904 = vector.shape_cast %get3A_903 : vector<1x16xf32> to vector<16xf32>
      %get3A_905 = arith.index_cast %add3A_885 : i32 to index
      %get3A_906 = arith.constant 16 : index
      %get3A_907 = tpu.vector_load %arg18[%get3A_905, %get3A_906] {strides = array<i32>} : memref<512x32xf32, #tpu.memory_space<vmem>>, vector<1x16xf32>,
      %get3A_908 = vector.shape_cast %get3A_907 : vector<1x16xf32> to vector<16xf32>
      %add3A_909 = arith.addf %get3A_888, %get3A_896 : vector<16xf32>
      %sub3A = arith.subf %add3A_909, %get3A_904 : vector<16xf32>
      %add3A_910 = arith.addf %get3A_892, %get3A_900 : vector<16xf32>
      %sub3A_911 = arith.subf %add3A_910, %get3A_908 : vector<16xf32>
      %mul3A_912 = arith.mulf %sub3A, %sub3A : vector<16xf32>
      %mul3A_913 = arith.mulf %sub3A_911, %sub3A_911 : vector<16xf32>
      %add3A_914 = arith.addf %mul3A_912, %mul3A_913 : vector<16xf32>
      %mul3A_915 = arith.constant 16 : i32
      %mul3A_916 = arith.muli %scan3A_881, %mul3A_915 : i32
      %add3A_917 = arith.constant 1 : i32
      %add3A_918 = arith.addi %mul3A_916, %add3A_917 : i32
      %get3A_919 = arith.index_cast %add3A_918 : i32 to index
      %get3A_920 = arith.constant 0 : index
      %get3A_921 = tpu.vector_load %arg16[%get3A_919, %get3A_920] {strides = array<i32>} : memref<512x32xf32, #tpu.memory_space<vmem>>, vector<1x16xf32>,
      %get3A_922 = vector.shape_cast %get3A_921 : vector<1x16xf32> to vector<16xf32>
      %get3A_923 = arith.index_cast %add3A_918 : i32 to index
      %get3A_924 = arith.constant 16 : index
      %get3A_925 = tpu.vector_load %arg16[%get3A_923, %get3A_924] {strides = array<i32>} : memref<512x32xf32, #tpu.memory_space<vmem>>, vector<1x16xf32>,
      %get3A_926 = vector.shape_cast %get3A_925 : vector<1x16xf32> to vector<16xf32>
      %get3A_927 = arith.index_cast %add3A_918 : i32 to index
      %get3A_928 = arith.constant 0 : index
      %get3A_929 = tpu.vector_load %arg17[%get3A_927, %get3A_928] {strides = array<i32>} : memref<512x32xf32, #tpu.memory_space<vmem>>, vector<1x16xf32>,
      %get3A_930 = vector.shape_cast %get3A_929 : vector<1x16xf32> to vector<16xf32>
      %get3A_931 = arith.index_cast %add3A_918 : i32 to index
      %get3A_932 = arith.constant 16 : index
      %get3A_933 = tpu.vector_load %arg17[%get3A_931, %get3A_932] {strides = array<i32>} : memref<512x32xf32, #tpu.memory_space<vmem>>, vector<1x16xf32>,
      %get3A_934 = vector.shape_cast %get3A_933 : vector<1x16xf32> to vector<16xf32>
      %get3A_935 = arith.index_cast %add3A_918 : i32 to index
      %get3A_936 = arith.constant 0 : index
      %get3A_937 = tpu.vector_load %arg18[%get3A_935, %get3A_936] {strides = array<i32>} : memref<512x32xf32, #tpu.memory_space<vmem>>, vector<1x16xf32>,
      %get3A_938 = vector.shape_cast %get3A_937 : vector<1x16xf32> to vector<16xf32>
      %get3A_939 = arith.index_cast %add3A_918 : i32 to index
      %get3A_940 = arith.constant 16 : index
      %get3A_941 = tpu.vector_load %arg18[%get3A_939, %get3A_940] {strides = array<i32>} : memref<512x32xf32, #tpu.memory_space<vmem>>, vector<1x16xf32>,
      %get3A_942 = vector.shape_cast %get3A_941 : vector<1x16xf32> to vector<16xf32>
      %add3A_943 = arith.addf %get3A_922, %get3A_930 : vector<16xf32>
      %sub3A_944 = arith.subf %add3A_943, %get3A_938 : vector<16xf32>
      %add3A_945 = arith.addf %get3A_926, %get3A_934 : vector<16xf32>
      %sub3A_946 = arith.subf %add3A_945, %get3A_942 : vector<16xf32>
      %mul3A_947 = arith.mulf %sub3A_944, %sub3A_944 : vector<16xf32>
      %mul3A_948 = arith.mulf %sub3A_946, %sub3A_946 : vector<16xf32>
      %add3A_949 = arith.addf %mul3A_947, %mul3A_948 : vector<16xf32>
      %mul3A_950 = arith.constant 16 : i32
      %mul3A_951 = arith.muli %scan3A_881, %mul3A_950 : i32
      %add3A_952 = arith.constant 2 : i32
      %add3A_953 = arith.addi %mul3A_951, %add3A_952 : i32
      %get3A_954 = arith.index_cast %add3A_953 : i32 to index
      %get3A_955 = arith.constant 0 : index
      %get3A_956 = tpu.vector_load %arg16[%get3A_954, %get3A_955] {strides = array<i32>} : memref<512x32xf32, #tpu.memory_space<vmem>>, vector<1x16xf32>,
      %get3A_957 = vector.shape_cast %get3A_956 : vector<1x16xf32> to vector<16xf32>
      %get3A_958 = arith.index_cast %add3A_953 : i32 to index
      %get3A_959 = arith.constant 16 : index
      %get3A_960 = tpu.vector_load %arg16[%get3A_958, %get3A_959] {strides = array<i32>} : memref<512x32xf32, #tpu.memory_space<vmem>>, vector<1x16xf32>,
      %get3A_961 = vector.shape_cast %get3A_960 : vector<1x16xf32> to vector<16xf32>
      %get3A_962 = arith.index_cast %add3A_953 : i32 to index
      %get3A_963 = arith.constant 0 : index
      %get3A_964 = tpu.vector_load %arg17[%get3A_962, %get3A_963] {strides = array<i32>} : memref<512x32xf32, #tpu.memory_space<vmem>>, vector<1x16xf32>,
      %get3A_965 = vector.shape_cast %get3A_964 : vector<1x16xf32> to vector<16xf32>
      %get3A_966 = arith.index_cast %add3A_953 : i32 to index
      %get3A_967 = arith.constant 16 : index
      %get3A_968 = tpu.vector_load %arg17[%get3A_966, %get3A_967] {strides = array<i32>} : memref<512x32xf32, #tpu.memory_space<vmem>>, vector<1x16xf32>,
      %get3A_969 = vector.shape_cast %get3A_968 : vector<1x16xf32> to vector<16xf32>
      %get3A_970 = arith.index_cast %add3A_953 : i32 to index
      %get3A_971 = arith.constant 0 : index
      %get3A_972 = tpu.vector_load %arg18[%get3A_970, %get3A_971] {strides = array<i32>} : memref<512x32xf32, #tpu.memory_space<vmem>>, vector<1x16xf32>,
      %get3A_973 = vector.shape_cast %get3A_972 : vector<1x16xf32> to vector<16xf32>
      %get3A_974 = arith.index_cast %add3A_953 : i32 to index
      %get3A_975 = arith.constant 16 : index
      %get3A_976 = tpu.vector_load %arg18[%get3A_974, %get3A_975] {strides = array<i32>} : memref<512x32xf32, #tpu.memory_space<vmem>>, vector<1x16xf32>,
      %get3A_977 = vector.shape_cast %get3A_976 : vector<1x16xf32> to vector<16xf32>
      %add3A_978 = arith.addf %get3A_957, %get3A_965 : vector<16xf32>
      %sub3A_979 = arith.subf %add3A_978, %get3A_973 : vector<16xf32>
      %add3A_980 = arith.addf %get3A_961, %get3A_969 : vector<16xf32>
      %sub3A_981 = arith.subf %add3A_980, %get3A_977 : vector<16xf32>
      %mul3A_982 = arith.mulf %sub3A_979, %sub3A_979 : vector<16xf32>
      %mul3A_983 = arith.mulf %sub3A_981, %sub3A_981 : vector<16xf32>
      %add3A_984 = arith.addf %mul3A_982, %mul3A_983 : vector<16xf32>
      %mul3A_985 = arith.constant 16 : i32
      %mul3A_986 = arith.muli %scan3A_881, %mul3A_985 : i32
      %add3A_987 = arith.constant 3 : i32
      %add3A_988 = arith.addi %mul3A_986, %add3A_987 : i32
      %get3A_989 = arith.index_cast %add3A_988 : i32 to index
      %get3A_990 = arith.constant 0 : index
      %get3A_991 = tpu.vector_load %arg16[%get3A_989, %get3A_990] {strides = array<i32>} : memref<512x32xf32, #tpu.memory_space<vmem>>, vector<1x16xf32>,
      %get3A_992 = vector.shape_cast %get3A_991 : vector<1x16xf32> to vector<16xf32>
      %get3A_993 = arith.index_cast %add3A_988 : i32 to index
      %get3A_994 = arith.constant 16 : index
      %get3A_995 = tpu.vector_load %arg16[%get3A_993, %get3A_994] {strides = array<i32>} : memref<512x32xf32, #tpu.memory_space<vmem>>, vector<1x16xf32>,
      %get3A_996 = vector.shape_cast %get3A_995 : vector<1x16xf32> to vector<16xf32>
      %get3A_997 = arith.index_cast %add3A_988 : i32 to index
      %get3A_998 = arith.constant 0 : index
      %get3A_999 = tpu.vector_load %arg17[%get3A_997, %get3A_998] {strides = array<i32>} : memref<512x32xf32, #tpu.memory_space<vmem>>, vector<1x16xf32>,
      %get3A_1000 = vector.shape_cast %get3A_999 : vector<1x16xf32> to vector<16xf32>
      %get3A_1001 = arith.index_cast %add3A_988 : i32 to index
      %get3A_1002 = arith.constant 16 : index
      %get3A_1003 = tpu.vector_load %arg17[%get3A_1001, %get3A_1002] {strides = array<i32>} : memref<512x32xf32, #tpu.memory_space<vmem>>, vector<1x16xf32>,
      %get3A_1004 = vector.shape_cast %get3A_1003 : vector<1x16xf32> to vector<16xf32>
      %get3A_1005 = arith.index_cast %add3A_988 : i32 to index
      %get3A_1006 = arith.constant 0 : index
      %get3A_1007 = tpu.vector_load %arg18[%get3A_1005, %get3A_1006] {strides = array<i32>} : memref<512x32xf32, #tpu.memory_space<vmem>>, vector<1x16xf32>,
      %get3A_1008 = vector.shape_cast %get3A_1007 : vector<1x16xf32> to vector<16xf32>
      %get3A_1009 = arith.index_cast %add3A_988 : i32 to index
      %get3A_1010 = arith.constant 16 : index
      %get3A_1011 = tpu.vector_load %arg18[%get3A_1009, %get3A_1010] {strides = array<i32>} : memref<512x32xf32, #tpu.memory_space<vmem>>, vector<1x16xf32>,
      %get3A_1012 = vector.shape_cast %get3A_1011 : vector<1x16xf32> to vector<16xf32>
      %add3A_1013 = arith.addf %get3A_992, %get3A_1000 : vector<16xf32>
      %sub3A_1014 = arith.subf %add3A_1013, %get3A_1008 : vector<16xf32>
      %add3A_1015 = arith.addf %get3A_996, %get3A_1004 : vector<16xf32>
      %sub3A_1016 = arith.subf %add3A_1015, %get3A_1012 : vector<16xf32>
      %mul3A_1017 = arith.mulf %sub3A_1014, %sub3A_1014 : vector<16xf32>
      %mul3A_1018 = arith.mulf %sub3A_1016, %sub3A_1016 : vector<16xf32>
      %add3A_1019 = arith.addf %mul3A_1017, %mul3A_1018 : vector<16xf32>
      %mul3A_1020 = arith.constant 16 : i32
      %mul3A_1021 = arith.muli %scan3A_881, %mul3A_1020 : i32
      %add3A_1022 = arith.constant 4 : i32
      %add3A_1023 = arith.addi %mul3A_1021, %add3A_1022 : i32
      %get3A_1024 = arith.index_cast %add3A_1023 : i32 to index
      %get3A_1025 = arith.constant 0 : index
      %get3A_1026 = tpu.vector_load %arg16[%get3A_1024, %get3A_1025] {strides = array<i32>} : memref<512x32xf32, #tpu.memory_space<vmem>>, vector<1x16xf32>,
      %get3A_1027 = vector.shape_cast %get3A_1026 : vector<1x16xf32> to vector<16xf32>
      %get3A_1028 = arith.index_cast %add3A_1023 : i32 to index
      %get3A_1029 = arith.constant 16 : index
      %get3A_1030 = tpu.vector_load %arg16[%get3A_1028, %get3A_1029] {strides = array<i32>} : memref<512x32xf32, #tpu.memory_space<vmem>>, vector<1x16xf32>,
      %get3A_1031 = vector.shape_cast %get3A_1030 : vector<1x16xf32> to vector<16xf32>
      %get3A_1032 = arith.index_cast %add3A_1023 : i32 to index
      %get3A_1033 = arith.constant 0 : index
      %get3A_1034 = tpu.vector_load %arg17[%get3A_1032, %get3A_1033] {strides = array<i32>} : memref<512x32xf32, #tpu.memory_space<vmem>>, vector<1x16xf32>,
      %get3A_1035 = vector.shape_cast %get3A_1034 : vector<1x16xf32> to vector<16xf32>
      %get3A_1036 = arith.index_cast %add3A_1023 : i32 to index
      %get3A_1037 = arith.constant 16 : index
      %get3A_1038 = tpu.vector_load %arg17[%get3A_1036, %get3A_1037] {strides = array<i32>} : memref<512x32xf32, #tpu.memory_space<vmem>>, vector<1x16xf32>,
      %get3A_1039 = vector.shape_cast %get3A_1038 : vector<1x16xf32> to vector<16xf32>
      %get3A_1040 = arith.index_cast %add3A_1023 : i32 to index
      %get3A_1041 = arith.constant 0 : index
      %get3A_1042 = tpu.vector_load %arg18[%get3A_1040, %get3A_1041] {strides = array<i32>} : memref<512x32xf32, #tpu.memory_space<vmem>>, vector<1x16xf32>,
      %get3A_1043 = vector.shape_cast %get3A_1042 : vector<1x16xf32> to vector<16xf32>
      %get3A_1044 = arith.index_cast %add3A_1023 : i32 to index
      %get3A_1045 = arith.constant 16 : index
      %get3A_1046 = tpu.vector_load %arg18[%get3A_1044, %get3A_1045] {strides = array<i32>} : memref<512x32xf32, #tpu.memory_space<vmem>>, vector<1x16xf32>,
      %get3A_1047 = vector.shape_cast %get3A_1046 : vector<1x16xf32> to vector<16xf32>
      %add3A_1048 = arith.addf %get3A_1027, %get3A_1035 : vector<16xf32>
      %sub3A_1049 = arith.subf %add3A_1048, %get3A_1043 : vector<16xf32>
      %add3A_1050 = arith.addf %get3A_1031, %get3A_1039 : vector<16xf32>
      %sub3A_1051 = arith.subf %add3A_1050, %get3A_1047 : vector<16xf32>
      %mul3A_1052 = arith.mulf %sub3A_1049, %sub3A_1049 : vector<16xf32>
      %mul3A_1053 = arith.mulf %sub3A_1051, %sub3A_1051 : vector<16xf32>
      %add3A_1054 = arith.addf %mul3A_1052, %mul3A_1053 : vector<16xf32>
      %mul3A_1055 = arith.constant 16 : i32
      %mul3A_1056 = arith.muli %scan3A_881, %mul3A_1055 : i32
      %add3A_1057 = arith.constant 5 : i32
      %add3A_1058 = arith.addi %mul3A_1056, %add3A_1057 : i32
      %get3A_1059 = arith.index_cast %add3A_1058 : i32 to index
      %get3A_1060 = arith.constant 0 : index
      %get3A_1061 = tpu.vector_load %arg16[%get3A_1059, %get3A_1060] {strides = array<i32>} : memref<512x32xf32, #tpu.memory_space<vmem>>, vector<1x16xf32>,
      %get3A_1062 = vector.shape_cast %get3A_1061 : vector<1x16xf32> to vector<16xf32>
      %get3A_1063 = arith.index_cast %add3A_1058 : i32 to index
      %get3A_1064 = arith.constant 16 : index
      %get3A_1065 = tpu.vector_load %arg16[%get3A_1063, %get3A_1064] {strides = array<i32>} : memref<512x32xf32, #tpu.memory_space<vmem>>, vector<1x16xf32>,
      %get3A_1066 = vector.shape_cast %get3A_1065 : vector<1x16xf32> to vector<16xf32>
      %get3A_1067 = arith.index_cast %add3A_1058 : i32 to index
      %get3A_1068 = arith.constant 0 : index
      %get3A_1069 = tpu.vector_load %arg17[%get3A_1067, %get3A_1068] {strides = array<i32>} : memref<512x32xf32, #tpu.memory_space<vmem>>, vector<1x16xf32>,
      %get3A_1070 = vector.shape_cast %get3A_1069 : vector<1x16xf32> to vector<16xf32>
      %get3A_1071 = arith.index_cast %add3A_1058 : i32 to index
      %get3A_1072 = arith.constant 16 : index
      %get3A_1073 = tpu.vector_load %arg17[%get3A_1071, %get3A_1072] {strides = array<i32>} : memref<512x32xf32, #tpu.memory_space<vmem>>, vector<1x16xf32>,
      %get3A_1074 = vector.shape_cast %get3A_1073 : vector<1x16xf32> to vector<16xf32>
      %get3A_1075 = arith.index_cast %add3A_1058 : i32 to index
      %get3A_1076 = arith.constant 0 : index
      %get3A_1077 = tpu.vector_load %arg18[%get3A_1075, %get3A_1076] {strides = array<i32>} : memref<512x32xf32, #tpu.memory_space<vmem>>, vector<1x16xf32>,
      %get3A_1078 = vector.shape_cast %get3A_1077 : vector<1x16xf32> to vector<16xf32>
      %get3A_1079 = arith.index_cast %add3A_1058 : i32 to index
      %get3A_1080 = arith.constant 16 : index
      %get3A_1081 = tpu.vector_load %arg18[%get3A_1079, %get3A_1080] {strides = array<i32>} : memref<512x32xf32, #tpu.memory_space<vmem>>, vector<1x16xf32>,
      %get3A_1082 = vector.shape_cast %get3A_1081 : vector<1x16xf32> to vector<16xf32>
      %add3A_1083 = arith.addf %get3A_1062, %get3A_1070 : vector<16xf32>
      %sub3A_1084 = arith.subf %add3A_1083, %get3A_1078 : vector<16xf32>
      %add3A_1085 = arith.addf %get3A_1066, %get3A_1074 : vector<16xf32>
      %sub3A_1086 = arith.subf %add3A_1085, %get3A_1082 : vector<16xf32>
      %mul3A_1087 = arith.mulf %sub3A_1084, %sub3A_1084 : vector<16xf32>
      %mul3A_1088 = arith.mulf %sub3A_1086, %sub3A_1086 : vector<16xf32>
      %add3A_1089 = arith.addf %mul3A_1087, %mul3A_1088 : vector<16xf32>
      %mul3A_1090 = arith.constant 16 : i32
      %mul3A_1091 = arith.muli %scan3A_881, %mul3A_1090 : i32
      %add3A_1092 = arith.constant 6 : i32
      %add3A_1093 = arith.addi %mul3A_1091, %add3A_1092 : i32
      %get3A_1094 = arith.index_cast %add3A_1093 : i32 to index
      %get3A_1095 = arith.constant 0 : index
      %get3A_1096 = tpu.vector_load %arg16[%get3A_1094, %get3A_1095] {strides = array<i32>} : memref<512x32xf32, #tpu.memory_space<vmem>>, vector<1x16xf32>,
      %get3A_1097 = vector.shape_cast %get3A_1096 : vector<1x16xf32> to vector<16xf32>
      %get3A_1098 = arith.index_cast %add3A_1093 : i32 to index
      %get3A_1099 = arith.constant 16 : index
      %get3A_1100 = tpu.vector_load %arg16[%get3A_1098, %get3A_1099] {strides = array<i32>} : memref<512x32xf32, #tpu.memory_space<vmem>>, vector<1x16xf32>,
      %get3A_1101 = vector.shape_cast %get3A_1100 : vector<1x16xf32> to vector<16xf32>
      %get3A_1102 = arith.index_cast %add3A_1093 : i32 to index
      %get3A_1103 = arith.constant 0 : index
      %get3A_1104 = tpu.vector_load %arg17[%get3A_1102, %get3A_1103] {strides = array<i32>} : memref<512x32xf32, #tpu.memory_space<vmem>>, vector<1x16xf32>,
      %get3A_1105 = vector.shape_cast %get3A_1104 : vector<1x16xf32> to vector<16xf32>
      %get3A_1106 = arith.index_cast %add3A_1093 : i32 to index
      %get3A_1107 = arith.constant 16 : index
      %get3A_1108 = tpu.vector_load %arg17[%get3A_1106, %get3A_1107] {strides = array<i32>} : memref<512x32xf32, #tpu.memory_space<vmem>>, vector<1x16xf32>,
      %get3A_1109 = vector.shape_cast %get3A_1108 : vector<1x16xf32> to vector<16xf32>
      %get3A_1110 = arith.index_cast %add3A_1093 : i32 to index
      %get3A_1111 = arith.constant 0 : index
      %get3A_1112 = tpu.vector_load %arg18[%get3A_1110, %get3A_1111] {strides = array<i32>} : memref<512x32xf32, #tpu.memory_space<vmem>>, vector<1x16xf32>,
      %get3A_1113 = vector.shape_cast %get3A_1112 : vector<1x16xf32> to vector<16xf32>
      %get3A_1114 = arith.index_cast %add3A_1093 : i32 to index
      %get3A_1115 = arith.constant 16 : index
      %get3A_1116 = tpu.vector_load %arg18[%get3A_1114, %get3A_1115] {strides = array<i32>} : memref<512x32xf32, #tpu.memory_space<vmem>>, vector<1x16xf32>,
      %get3A_1117 = vector.shape_cast %get3A_1116 : vector<1x16xf32> to vector<16xf32>
      %add3A_1118 = arith.addf %get3A_1097, %get3A_1105 : vector<16xf32>
      %sub3A_1119 = arith.subf %add3A_1118, %get3A_1113 : vector<16xf32>
      %add3A_1120 = arith.addf %get3A_1101, %get3A_1109 : vector<16xf32>
      %sub3A_1121 = arith.subf %add3A_1120, %get3A_1117 : vector<16xf32>
      %mul3A_1122 = arith.mulf %sub3A_1119, %sub3A_1119 : vector<16xf32>
      %mul3A_1123 = arith.mulf %sub3A_1121, %sub3A_1121 : vector<16xf32>
      %add3A_1124 = arith.addf %mul3A_1122, %mul3A_1123 : vector<16xf32>
      %mul3A_1125 = arith.constant 16 : i32
      %mul3A_1126 = arith.muli %scan3A_881, %mul3A_1125 : i32
      %add3A_1127 = arith.constant 7 : i32
      %add3A_1128 = arith.addi %mul3A_1126, %add3A_1127 : i32
      %get3A_1129 = arith.index_cast %add3A_1128 : i32 to index
      %get3A_1130 = arith.constant 0 : index
      %get3A_1131 = tpu.vector_load %arg16[%get3A_1129, %get3A_1130] {strides = array<i32>} : memref<512x32xf32, #tpu.memory_space<vmem>>, vector<1x16xf32>,
      %get3A_1132 = vector.shape_cast %get3A_1131 : vector<1x16xf32> to vector<16xf32>
      %get3A_1133 = arith.index_cast %add3A_1128 : i32 to index
      %get3A_1134 = arith.constant 16 : index
      %get3A_1135 = tpu.vector_load %arg16[%get3A_1133, %get3A_1134] {strides = array<i32>} : memref<512x32xf32, #tpu.memory_space<vmem>>, vector<1x16xf32>,
      %get3A_1136 = vector.shape_cast %get3A_1135 : vector<1x16xf32> to vector<16xf32>
      %get3A_1137 = arith.index_cast %add3A_1128 : i32 to index
      %get3A_1138 = arith.constant 0 : index
      %get3A_1139 = tpu.vector_load %arg17[%get3A_1137, %get3A_1138] {strides = array<i32>} : memref<512x32xf32, #tpu.memory_space<vmem>>, vector<1x16xf32>,
      %get3A_1140 = vector.shape_cast %get3A_1139 : vector<1x16xf32> to vector<16xf32>
      %get3A_1141 = arith.index_cast %add3A_1128 : i32 to index
      %get3A_1142 = arith.constant 16 : index
      %get3A_1143 = tpu.vector_load %arg17[%get3A_1141, %get3A_1142] {strides = array<i32>} : memref<512x32xf32, #tpu.memory_space<vmem>>, vector<1x16xf32>,
      %get3A_1144 = vector.shape_cast %get3A_1143 : vector<1x16xf32> to vector<16xf32>
      %get3A_1145 = arith.index_cast %add3A_1128 : i32 to index
      %get3A_1146 = arith.constant 0 : index
      %get3A_1147 = tpu.vector_load %arg18[%get3A_1145, %get3A_1146] {strides = array<i32>} : memref<512x32xf32, #tpu.memory_space<vmem>>, vector<1x16xf32>,
      %get3A_1148 = vector.shape_cast %get3A_1147 : vector<1x16xf32> to vector<16xf32>
      %get3A_1149 = arith.index_cast %add3A_1128 : i32 to index
      %get3A_1150 = arith.constant 16 : index
      %get3A_1151 = tpu.vector_load %arg18[%get3A_1149, %get3A_1150] {strides = array<i32>} : memref<512x32xf32, #tpu.memory_space<vmem>>, vector<1x16xf32>,
      %get3A_1152 = vector.shape_cast %get3A_1151 : vector<1x16xf32> to vector<16xf32>
      %add3A_1153 = arith.addf %get3A_1132, %get3A_1140 : vector<16xf32>
      %sub3A_1154 = arith.subf %add3A_1153, %get3A_1148 : vector<16xf32>
      %add3A_1155 = arith.addf %get3A_1136, %get3A_1144 : vector<16xf32>
      %sub3A_1156 = arith.subf %add3A_1155, %get3A_1152 : vector<16xf32>
      %mul3A_1157 = arith.mulf %sub3A_1154, %sub3A_1154 : vector<16xf32>
      %mul3A_1158 = arith.mulf %sub3A_1156, %sub3A_1156 : vector<16xf32>
      %add3A_1159 = arith.addf %mul3A_1157, %mul3A_1158 : vector<16xf32>
      %mul3A_1160 = arith.constant 16 : i32
      %mul3A_1161 = arith.muli %scan3A_881, %mul3A_1160 : i32
      %add3A_1162 = arith.constant 8 : i32
      %add3A_1163 = arith.addi %mul3A_1161, %add3A_1162 : i32
      %get3A_1164 = arith.index_cast %add3A_1163 : i32 to index
      %get3A_1165 = arith.constant 0 : index
      %get3A_1166 = tpu.vector_load %arg16[%get3A_1164, %get3A_1165] {strides = array<i32>} : memref<512x32xf32, #tpu.memory_space<vmem>>, vector<1x16xf32>,
      %get3A_1167 = vector.shape_cast %get3A_1166 : vector<1x16xf32> to vector<16xf32>
      %get3A_1168 = arith.index_cast %add3A_1163 : i32 to index
      %get3A_1169 = arith.constant 16 : index
      %get3A_1170 = tpu.vector_load %arg16[%get3A_1168, %get3A_1169] {strides = array<i32>} : memref<512x32xf32, #tpu.memory_space<vmem>>, vector<1x16xf32>,
      %get3A_1171 = vector.shape_cast %get3A_1170 : vector<1x16xf32> to vector<16xf32>
      %get3A_1172 = arith.index_cast %add3A_1163 : i32 to index
      %get3A_1173 = arith.constant 0 : index
      %get3A_1174 = tpu.vector_load %arg17[%get3A_1172, %get3A_1173] {strides = array<i32>} : memref<512x32xf32, #tpu.memory_space<vmem>>, vector<1x16xf32>,
      %get3A_1175 = vector.shape_cast %get3A_1174 : vector<1x16xf32> to vector<16xf32>
      %get3A_1176 = arith.index_cast %add3A_1163 : i32 to index
      %get3A_1177 = arith.constant 16 : index
      %get3A_1178 = tpu.vector_load %arg17[%get3A_1176, %get3A_1177] {strides = array<i32>} : memref<512x32xf32, #tpu.memory_space<vmem>>, vector<1x16xf32>,
      %get3A_1179 = vector.shape_cast %get3A_1178 : vector<1x16xf32> to vector<16xf32>
      %get3A_1180 = arith.index_cast %add3A_1163 : i32 to index
      %get3A_1181 = arith.constant 0 : index
      %get3A_1182 = tpu.vector_load %arg18[%get3A_1180, %get3A_1181] {strides = array<i32>} : memref<512x32xf32, #tpu.memory_space<vmem>>, vector<1x16xf32>,
      %get3A_1183 = vector.shape_cast %get3A_1182 : vector<1x16xf32> to vector<16xf32>
      %get3A_1184 = arith.index_cast %add3A_1163 : i32 to index
      %get3A_1185 = arith.constant 16 : index
      %get3A_1186 = tpu.vector_load %arg18[%get3A_1184, %get3A_1185] {strides = array<i32>} : memref<512x32xf32, #tpu.memory_space<vmem>>, vector<1x16xf32>,
      %get3A_1187 = vector.shape_cast %get3A_1186 : vector<1x16xf32> to vector<16xf32>
      %add3A_1188 = arith.addf %get3A_1167, %get3A_1175 : vector<16xf32>
      %sub3A_1189 = arith.subf %add3A_1188, %get3A_1183 : vector<16xf32>
      %add3A_1190 = arith.addf %get3A_1171, %get3A_1179 : vector<16xf32>
      %sub3A_1191 = arith.subf %add3A_1190, %get3A_1187 : vector<16xf32>
      %mul3A_1192 = arith.mulf %sub3A_1189, %sub3A_1189 : vector<16xf32>
      %mul3A_1193 = arith.mulf %sub3A_1191, %sub3A_1191 : vector<16xf32>
      %add3A_1194 = arith.addf %mul3A_1192, %mul3A_1193 : vector<16xf32>
      %mul3A_1195 = arith.constant 16 : i32
      %mul3A_1196 = arith.muli %scan3A_881, %mul3A_1195 : i32
      %add3A_1197 = arith.constant 9 : i32
      %add3A_1198 = arith.addi %mul3A_1196, %add3A_1197 : i32
      %get3A_1199 = arith.index_cast %add3A_1198 : i32 to index
      %get3A_1200 = arith.constant 0 : index
      %get3A_1201 = tpu.vector_load %arg16[%get3A_1199, %get3A_1200] {strides = array<i32>} : memref<512x32xf32, #tpu.memory_space<vmem>>, vector<1x16xf32>,
      %get3A_1202 = vector.shape_cast %get3A_1201 : vector<1x16xf32> to vector<16xf32>
      %get3A_1203 = arith.index_cast %add3A_1198 : i32 to index
      %get3A_1204 = arith.constant 16 : index
      %get3A_1205 = tpu.vector_load %arg16[%get3A_1203, %get3A_1204] {strides = array<i32>} : memref<512x32xf32, #tpu.memory_space<vmem>>, vector<1x16xf32>,
      %get3A_1206 = vector.shape_cast %get3A_1205 : vector<1x16xf32> to vector<16xf32>
      %get3A_1207 = arith.index_cast %add3A_1198 : i32 to index
      %get3A_1208 = arith.constant 0 : index
      %get3A_1209 = tpu.vector_load %arg17[%get3A_1207, %get3A_1208] {strides = array<i32>} : memref<512x32xf32, #tpu.memory_space<vmem>>, vector<1x16xf32>,
      %get3A_1210 = vector.shape_cast %get3A_1209 : vector<1x16xf32> to vector<16xf32>
      %get3A_1211 = arith.index_cast %add3A_1198 : i32 to index
      %get3A_1212 = arith.constant 16 : index
      %get3A_1213 = tpu.vector_load %arg17[%get3A_1211, %get3A_1212] {strides = array<i32>} : memref<512x32xf32, #tpu.memory_space<vmem>>, vector<1x16xf32>,
      %get3A_1214 = vector.shape_cast %get3A_1213 : vector<1x16xf32> to vector<16xf32>
      %get3A_1215 = arith.index_cast %add3A_1198 : i32 to index
      %get3A_1216 = arith.constant 0 : index
      %get3A_1217 = tpu.vector_load %arg18[%get3A_1215, %get3A_1216] {strides = array<i32>} : memref<512x32xf32, #tpu.memory_space<vmem>>, vector<1x16xf32>,
      %get3A_1218 = vector.shape_cast %get3A_1217 : vector<1x16xf32> to vector<16xf32>
      %get3A_1219 = arith.index_cast %add3A_1198 : i32 to index
      %get3A_1220 = arith.constant 16 : index
      %get3A_1221 = tpu.vector_load %arg18[%get3A_1219, %get3A_1220] {strides = array<i32>} : memref<512x32xf32, #tpu.memory_space<vmem>>, vector<1x16xf32>,
      %get3A_1222 = vector.shape_cast %get3A_1221 : vector<1x16xf32> to vector<16xf32>
      %add3A_1223 = arith.addf %get3A_1202, %get3A_1210 : vector<16xf32>
      %sub3A_1224 = arith.subf %add3A_1223, %get3A_1218 : vector<16xf32>
      %add3A_1225 = arith.addf %get3A_1206, %get3A_1214 : vector<16xf32>
      %sub3A_1226 = arith.subf %add3A_1225, %get3A_1222 : vector<16xf32>
      %mul3A_1227 = arith.mulf %sub3A_1224, %sub3A_1224 : vector<16xf32>
      %mul3A_1228 = arith.mulf %sub3A_1226, %sub3A_1226 : vector<16xf32>
      %add3A_1229 = arith.addf %mul3A_1227, %mul3A_1228 : vector<16xf32>
      %mul3A_1230 = arith.constant 16 : i32
      %mul3A_1231 = arith.muli %scan3A_881, %mul3A_1230 : i32
      %add3A_1232 = arith.constant 10 : i32
      %add3A_1233 = arith.addi %mul3A_1231, %add3A_1232 : i32
      %get3A_1234 = arith.index_cast %add3A_1233 : i32 to index
      %get3A_1235 = arith.constant 0 : index
      %get3A_1236 = tpu.vector_load %arg16[%get3A_1234, %get3A_1235] {strides = array<i32>} : memref<512x32xf32, #tpu.memory_space<vmem>>, vector<1x16xf32>,
      %get3A_1237 = vector.shape_cast %get3A_1236 : vector<1x16xf32> to vector<16xf32>
      %get3A_1238 = arith.index_cast %add3A_1233 : i32 to index
      %get3A_1239 = arith.constant 16 : index
      %get3A_1240 = tpu.vector_load %arg16[%get3A_1238, %get3A_1239] {strides = array<i32>} : memref<512x32xf32, #tpu.memory_space<vmem>>, vector<1x16xf32>,
      %get3A_1241 = vector.shape_cast %get3A_1240 : vector<1x16xf32> to vector<16xf32>
      %get3A_1242 = arith.index_cast %add3A_1233 : i32 to index
      %get3A_1243 = arith.constant 0 : index
      %get3A_1244 = tpu.vector_load %arg17[%get3A_1242, %get3A_1243] {strides = array<i32>} : memref<512x32xf32, #tpu.memory_space<vmem>>, vector<1x16xf32>,
      %get3A_1245 = vector.shape_cast %get3A_1244 : vector<1x16xf32> to vector<16xf32>
      %get3A_1246 = arith.index_cast %add3A_1233 : i32 to index
      %get3A_1247 = arith.constant 16 : index
      %get3A_1248 = tpu.vector_load %arg17[%get3A_1246, %get3A_1247] {strides = array<i32>} : memref<512x32xf32, #tpu.memory_space<vmem>>, vector<1x16xf32>,
      %get3A_1249 = vector.shape_cast %get3A_1248 : vector<1x16xf32> to vector<16xf32>
      %get3A_1250 = arith.index_cast %add3A_1233 : i32 to index
      %get3A_1251 = arith.constant 0 : index
      %get3A_1252 = tpu.vector_load %arg18[%get3A_1250, %get3A_1251] {strides = array<i32>} : memref<512x32xf32, #tpu.memory_space<vmem>>, vector<1x16xf32>,
      %get3A_1253 = vector.shape_cast %get3A_1252 : vector<1x16xf32> to vector<16xf32>
      %get3A_1254 = arith.index_cast %add3A_1233 : i32 to index
      %get3A_1255 = arith.constant 16 : index
      %get3A_1256 = tpu.vector_load %arg18[%get3A_1254, %get3A_1255] {strides = array<i32>} : memref<512x32xf32, #tpu.memory_space<vmem>>, vector<1x16xf32>,
      %get3A_1257 = vector.shape_cast %get3A_1256 : vector<1x16xf32> to vector<16xf32>
      %add3A_1258 = arith.addf %get3A_1237, %get3A_1245 : vector<16xf32>
      %sub3A_1259 = arith.subf %add3A_1258, %get3A_1253 : vector<16xf32>
      %add3A_1260 = arith.addf %get3A_1241, %get3A_1249 : vector<16xf32>
      %sub3A_1261 = arith.subf %add3A_1260, %get3A_1257 : vector<16xf32>
      %mul3A_1262 = arith.mulf %sub3A_1259, %sub3A_1259 : vector<16xf32>
      %mul3A_1263 = arith.mulf %sub3A_1261, %sub3A_1261 : vector<16xf32>
      %add3A_1264 = arith.addf %mul3A_1262, %mul3A_1263 : vector<16xf32>
      %mul3A_1265 = arith.constant 16 : i32
      %mul3A_1266 = arith.muli %scan3A_881, %mul3A_1265 : i32
      %add3A_1267 = arith.constant 11 : i32
      %add3A_1268 = arith.addi %mul3A_1266, %add3A_1267 : i32
      %get3A_1269 = arith.index_cast %add3A_1268 : i32 to index
      %get3A_1270 = arith.constant 0 : index
      %get3A_1271 = tpu.vector_load %arg16[%get3A_1269, %get3A_1270] {strides = array<i32>} : memref<512x32xf32, #tpu.memory_space<vmem>>, vector<1x16xf32>,
      %get3A_1272 = vector.shape_cast %get3A_1271 : vector<1x16xf32> to vector<16xf32>
      %get3A_1273 = arith.index_cast %add3A_1268 : i32 to index
      %get3A_1274 = arith.constant 16 : index
      %get3A_1275 = tpu.vector_load %arg16[%get3A_1273, %get3A_1274] {strides = array<i32>} : memref<512x32xf32, #tpu.memory_space<vmem>>, vector<1x16xf32>,
      %get3A_1276 = vector.shape_cast %get3A_1275 : vector<1x16xf32> to vector<16xf32>
      %get3A_1277 = arith.index_cast %add3A_1268 : i32 to index
      %get3A_1278 = arith.constant 0 : index
      %get3A_1279 = tpu.vector_load %arg17[%get3A_1277, %get3A_1278] {strides = array<i32>} : memref<512x32xf32, #tpu.memory_space<vmem>>, vector<1x16xf32>,
      %get3A_1280 = vector.shape_cast %get3A_1279 : vector<1x16xf32> to vector<16xf32>
      %get3A_1281 = arith.index_cast %add3A_1268 : i32 to index
      %get3A_1282 = arith.constant 16 : index
      %get3A_1283 = tpu.vector_load %arg17[%get3A_1281, %get3A_1282] {strides = array<i32>} : memref<512x32xf32, #tpu.memory_space<vmem>>, vector<1x16xf32>,
      %get3A_1284 = vector.shape_cast %get3A_1283 : vector<1x16xf32> to vector<16xf32>
      %get3A_1285 = arith.index_cast %add3A_1268 : i32 to index
      %get3A_1286 = arith.constant 0 : index
      %get3A_1287 = tpu.vector_load %arg18[%get3A_1285, %get3A_1286] {strides = array<i32>} : memref<512x32xf32, #tpu.memory_space<vmem>>, vector<1x16xf32>,
      %get3A_1288 = vector.shape_cast %get3A_1287 : vector<1x16xf32> to vector<16xf32>
      %get3A_1289 = arith.index_cast %add3A_1268 : i32 to index
      %get3A_1290 = arith.constant 16 : index
      %get3A_1291 = tpu.vector_load %arg18[%get3A_1289, %get3A_1290] {strides = array<i32>} : memref<512x32xf32, #tpu.memory_space<vmem>>, vector<1x16xf32>,
      %get3A_1292 = vector.shape_cast %get3A_1291 : vector<1x16xf32> to vector<16xf32>
      %add3A_1293 = arith.addf %get3A_1272, %get3A_1280 : vector<16xf32>
      %sub3A_1294 = arith.subf %add3A_1293, %get3A_1288 : vector<16xf32>
      %add3A_1295 = arith.addf %get3A_1276, %get3A_1284 : vector<16xf32>
      %sub3A_1296 = arith.subf %add3A_1295, %get3A_1292 : vector<16xf32>
      %mul3A_1297 = arith.mulf %sub3A_1294, %sub3A_1294 : vector<16xf32>
      %mul3A_1298 = arith.mulf %sub3A_1296, %sub3A_1296 : vector<16xf32>
      %add3A_1299 = arith.addf %mul3A_1297, %mul3A_1298 : vector<16xf32>
      %mul3A_1300 = arith.constant 16 : i32
      %mul3A_1301 = arith.muli %scan3A_881, %mul3A_1300 : i32
      %add3A_1302 = arith.constant 12 : i32
      %add3A_1303 = arith.addi %mul3A_1301, %add3A_1302 : i32
      %get3A_1304 = arith.index_cast %add3A_1303 : i32 to index
      %get3A_1305 = arith.constant 0 : index
      %get3A_1306 = tpu.vector_load %arg16[%get3A_1304, %get3A_1305] {strides = array<i32>} : memref<512x32xf32, #tpu.memory_space<vmem>>, vector<1x16xf32>,
      %get3A_1307 = vector.shape_cast %get3A_1306 : vector<1x16xf32> to vector<16xf32>
      %get3A_1308 = arith.index_cast %add3A_1303 : i32 to index
      %get3A_1309 = arith.constant 16 : index
      %get3A_1310 = tpu.vector_load %arg16[%get3A_1308, %get3A_1309] {strides = array<i32>} : memref<512x32xf32, #tpu.memory_space<vmem>>, vector<1x16xf32>,
      %get3A_1311 = vector.shape_cast %get3A_1310 : vector<1x16xf32> to vector<16xf32>
      %get3A_1312 = arith.index_cast %add3A_1303 : i32 to index
      %get3A_1313 = arith.constant 0 : index
      %get3A_1314 = tpu.vector_load %arg17[%get3A_1312, %get3A_1313] {strides = array<i32>} : memref<512x32xf32, #tpu.memory_space<vmem>>, vector<1x16xf32>,
      %get3A_1315 = vector.shape_cast %get3A_1314 : vector<1x16xf32> to vector<16xf32>
      %get3A_1316 = arith.index_cast %add3A_1303 : i32 to index
      %get3A_1317 = arith.constant 16 : index
      %get3A_1318 = tpu.vector_load %arg17[%get3A_1316, %get3A_1317] {strides = array<i32>} : memref<512x32xf32, #tpu.memory_space<vmem>>, vector<1x16xf32>,
      %get3A_1319 = vector.shape_cast %get3A_1318 : vector<1x16xf32> to vector<16xf32>
      %get3A_1320 = arith.index_cast %add3A_1303 : i32 to index
      %get3A_1321 = arith.constant 0 : index
      %get3A_1322 = tpu.vector_load %arg18[%get3A_1320, %get3A_1321] {strides = array<i32>} : memref<512x32xf32, #tpu.memory_space<vmem>>, vector<1x16xf32>,
      %get3A_1323 = vector.shape_cast %get3A_1322 : vector<1x16xf32> to vector<16xf32>
      %get3A_1324 = arith.index_cast %add3A_1303 : i32 to index
      %get3A_1325 = arith.constant 16 : index
      %get3A_1326 = tpu.vector_load %arg18[%get3A_1324, %get3A_1325] {strides = array<i32>} : memref<512x32xf32, #tpu.memory_space<vmem>>, vector<1x16xf32>,
      %get3A_1327 = vector.shape_cast %get3A_1326 : vector<1x16xf32> to vector<16xf32>
      %add3A_1328 = arith.addf %get3A_1307, %get3A_1315 : vector<16xf32>
      %sub3A_1329 = arith.subf %add3A_1328, %get3A_1323 : vector<16xf32>
      %add3A_1330 = arith.addf %get3A_1311, %get3A_1319 : vector<16xf32>
      %sub3A_1331 = arith.subf %add3A_1330, %get3A_1327 : vector<16xf32>
      %mul3A_1332 = arith.mulf %sub3A_1329, %sub3A_1329 : vector<16xf32>
      %mul3A_1333 = arith.mulf %sub3A_1331, %sub3A_1331 : vector<16xf32>
      %add3A_1334 = arith.addf %mul3A_1332, %mul3A_1333 : vector<16xf32>
      %mul3A_1335 = arith.constant 16 : i32
      %mul3A_1336 = arith.muli %scan3A_881, %mul3A_1335 : i32
      %add3A_1337 = arith.constant 13 : i32
      %add3A_1338 = arith.addi %mul3A_1336, %add3A_1337 : i32
      %get3A_1339 = arith.index_cast %add3A_1338 : i32 to index
      %get3A_1340 = arith.constant 0 : index
      %get3A_1341 = tpu.vector_load %arg16[%get3A_1339, %get3A_1340] {strides = array<i32>} : memref<512x32xf32, #tpu.memory_space<vmem>>, vector<1x16xf32>,
      %get3A_1342 = vector.shape_cast %get3A_1341 : vector<1x16xf32> to vector<16xf32>
      %get3A_1343 = arith.index_cast %add3A_1338 : i32 to index
      %get3A_1344 = arith.constant 16 : index
      %get3A_1345 = tpu.vector_load %arg16[%get3A_1343, %get3A_1344] {strides = array<i32>} : memref<512x32xf32, #tpu.memory_space<vmem>>, vector<1x16xf32>,
      %get3A_1346 = vector.shape_cast %get3A_1345 : vector<1x16xf32> to vector<16xf32>
      %get3A_1347 = arith.index_cast %add3A_1338 : i32 to index
      %get3A_1348 = arith.constant 0 : index
      %get3A_1349 = tpu.vector_load %arg17[%get3A_1347, %get3A_1348] {strides = array<i32>} : memref<512x32xf32, #tpu.memory_space<vmem>>, vector<1x16xf32>,
      %get3A_1350 = vector.shape_cast %get3A_1349 : vector<1x16xf32> to vector<16xf32>
      %get3A_1351 = arith.index_cast %add3A_1338 : i32 to index
      %get3A_1352 = arith.constant 16 : index
      %get3A_1353 = tpu.vector_load %arg17[%get3A_1351, %get3A_1352] {strides = array<i32>} : memref<512x32xf32, #tpu.memory_space<vmem>>, vector<1x16xf32>,
      %get3A_1354 = vector.shape_cast %get3A_1353 : vector<1x16xf32> to vector<16xf32>
      %get3A_1355 = arith.index_cast %add3A_1338 : i32 to index
      %get3A_1356 = arith.constant 0 : index
      %get3A_1357 = tpu.vector_load %arg18[%get3A_1355, %get3A_1356] {strides = array<i32>} : memref<512x32xf32, #tpu.memory_space<vmem>>, vector<1x16xf32>,
      %get3A_1358 = vector.shape_cast %get3A_1357 : vector<1x16xf32> to vector<16xf32>
      %get3A_1359 = arith.index_cast %add3A_1338 : i32 to index
      %get3A_1360 = arith.constant 16 : index
      %get3A_1361 = tpu.vector_load %arg18[%get3A_1359, %get3A_1360] {strides = array<i32>} : memref<512x32xf32, #tpu.memory_space<vmem>>, vector<1x16xf32>,
      %get3A_1362 = vector.shape_cast %get3A_1361 : vector<1x16xf32> to vector<16xf32>
      %add3A_1363 = arith.addf %get3A_1342, %get3A_1350 : vector<16xf32>
      %sub3A_1364 = arith.subf %add3A_1363, %get3A_1358 : vector<16xf32>
      %add3A_1365 = arith.addf %get3A_1346, %get3A_1354 : vector<16xf32>
      %sub3A_1366 = arith.subf %add3A_1365, %get3A_1362 : vector<16xf32>
      %mul3A_1367 = arith.mulf %sub3A_1364, %sub3A_1364 : vector<16xf32>
      %mul3A_1368 = arith.mulf %sub3A_1366, %sub3A_1366 : vector<16xf32>
      %add3A_1369 = arith.addf %mul3A_1367, %mul3A_1368 : vector<16xf32>
      %mul3A_1370 = arith.constant 16 : i32
      %mul3A_1371 = arith.muli %scan3A_881, %mul3A_1370 : i32
      %add3A_1372 = arith.constant 14 : i32
      %add3A_1373 = arith.addi %mul3A_1371, %add3A_1372 : i32
      %get3A_1374 = arith.index_cast %add3A_1373 : i32 to index
      %get3A_1375 = arith.constant 0 : index
      %get3A_1376 = tpu.vector_load %arg16[%get3A_1374, %get3A_1375] {strides = array<i32>} : memref<512x32xf32, #tpu.memory_space<vmem>>, vector<1x16xf32>,
      %get3A_1377 = vector.shape_cast %get3A_1376 : vector<1x16xf32> to vector<16xf32>
      %get3A_1378 = arith.index_cast %add3A_1373 : i32 to index
      %get3A_1379 = arith.constant 16 : index
      %get3A_1380 = tpu.vector_load %arg16[%get3A_1378, %get3A_1379] {strides = array<i32>} : memref<512x32xf32, #tpu.memory_space<vmem>>, vector<1x16xf32>,
      %get3A_1381 = vector.shape_cast %get3A_1380 : vector<1x16xf32> to vector<16xf32>
      %get3A_1382 = arith.index_cast %add3A_1373 : i32 to index
      %get3A_1383 = arith.constant 0 : index
      %get3A_1384 = tpu.vector_load %arg17[%get3A_1382, %get3A_1383] {strides = array<i32>} : memref<512x32xf32, #tpu.memory_space<vmem>>, vector<1x16xf32>,
      %get3A_1385 = vector.shape_cast %get3A_1384 : vector<1x16xf32> to vector<16xf32>
      %get3A_1386 = arith.index_cast %add3A_1373 : i32 to index
      %get3A_1387 = arith.constant 16 : index
      %get3A_1388 = tpu.vector_load %arg17[%get3A_1386, %get3A_1387] {strides = array<i32>} : memref<512x32xf32, #tpu.memory_space<vmem>>, vector<1x16xf32>,
      %get3A_1389 = vector.shape_cast %get3A_1388 : vector<1x16xf32> to vector<16xf32>
      %get3A_1390 = arith.index_cast %add3A_1373 : i32 to index
      %get3A_1391 = arith.constant 0 : index
      %get3A_1392 = tpu.vector_load %arg18[%get3A_1390, %get3A_1391] {strides = array<i32>} : memref<512x32xf32, #tpu.memory_space<vmem>>, vector<1x16xf32>,
      %get3A_1393 = vector.shape_cast %get3A_1392 : vector<1x16xf32> to vector<16xf32>
      %get3A_1394 = arith.index_cast %add3A_1373 : i32 to index
      %get3A_1395 = arith.constant 16 : index
      %get3A_1396 = tpu.vector_load %arg18[%get3A_1394, %get3A_1395] {strides = array<i32>} : memref<512x32xf32, #tpu.memory_space<vmem>>, vector<1x16xf32>,
      %get3A_1397 = vector.shape_cast %get3A_1396 : vector<1x16xf32> to vector<16xf32>
      %add3A_1398 = arith.addf %get3A_1377, %get3A_1385 : vector<16xf32>
      %sub3A_1399 = arith.subf %add3A_1398, %get3A_1393 : vector<16xf32>
      %add3A_1400 = arith.addf %get3A_1381, %get3A_1389 : vector<16xf32>
      %sub3A_1401 = arith.subf %add3A_1400, %get3A_1397 : vector<16xf32>
      %mul3A_1402 = arith.mulf %sub3A_1399, %sub3A_1399 : vector<16xf32>
      %mul3A_1403 = arith.mulf %sub3A_1401, %sub3A_1401 : vector<16xf32>
      %add3A_1404 = arith.addf %mul3A_1402, %mul3A_1403 : vector<16xf32>
      %mul3A_1405 = arith.constant 16 : i32
      %mul3A_1406 = arith.muli %scan3A_881, %mul3A_1405 : i32
      %add3A_1407 = arith.constant 15 : i32
      %add3A_1408 = arith.addi %mul3A_1406, %add3A_1407 : i32
      %get3A_1409 = arith.index_cast %add3A_1408 : i32 to index
      %get3A_1410 = arith.constant 0 : index
      %get3A_1411 = tpu.vector_load %arg16[%get3A_1409, %get3A_1410] {strides = array<i32>} : memref<512x32xf32, #tpu.memory_space<vmem>>, vector<1x16xf32>,
      %get3A_1412 = vector.shape_cast %get3A_1411 : vector<1x16xf32> to vector<16xf32>
      %get3A_1413 = arith.index_cast %add3A_1408 : i32 to index
      %get3A_1414 = arith.constant 16 : index
      %get3A_1415 = tpu.vector_load %arg16[%get3A_1413, %get3A_1414] {strides = array<i32>} : memref<512x32xf32, #tpu.memory_space<vmem>>, vector<1x16xf32>,
      %get3A_1416 = vector.shape_cast %get3A_1415 : vector<1x16xf32> to vector<16xf32>
      %get3A_1417 = arith.index_cast %add3A_1408 : i32 to index
      %get3A_1418 = arith.constant 0 : index
      %get3A_1419 = tpu.vector_load %arg17[%get3A_1417, %get3A_1418] {strides = array<i32>} : memref<512x32xf32, #tpu.memory_space<vmem>>, vector<1x16xf32>,
      %get3A_1420 = vector.shape_cast %get3A_1419 : vector<1x16xf32> to vector<16xf32>
      %get3A_1421 = arith.index_cast %add3A_1408 : i32 to index
      %get3A_1422 = arith.constant 16 : index
      %get3A_1423 = tpu.vector_load %arg17[%get3A_1421, %get3A_1422] {strides = array<i32>} : memref<512x32xf32, #tpu.memory_space<vmem>>, vector<1x16xf32>,
      %get3A_1424 = vector.shape_cast %get3A_1423 : vector<1x16xf32> to vector<16xf32>
      %get3A_1425 = arith.index_cast %add3A_1408 : i32 to index
      %get3A_1426 = arith.constant 0 : index
      %get3A_1427 = tpu.vector_load %arg18[%get3A_1425, %get3A_1426] {strides = array<i32>} : memref<512x32xf32, #tpu.memory_space<vmem>>, vector<1x16xf32>,
      %get3A_1428 = vector.shape_cast %get3A_1427 : vector<1x16xf32> to vector<16xf32>
      %get3A_1429 = arith.index_cast %add3A_1408 : i32 to index
      %get3A_1430 = arith.constant 16 : index
      %get3A_1431 = tpu.vector_load %arg18[%get3A_1429, %get3A_1430] {strides = array<i32>} : memref<512x32xf32, #tpu.memory_space<vmem>>, vector<1x16xf32>,
      %get3A_1432 = vector.shape_cast %get3A_1431 : vector<1x16xf32> to vector<16xf32>
      %add3A_1433 = arith.addf %get3A_1412, %get3A_1420 : vector<16xf32>
      %sub3A_1434 = arith.subf %add3A_1433, %get3A_1428 : vector<16xf32>
      %add3A_1435 = arith.addf %get3A_1416, %get3A_1424 : vector<16xf32>
      %sub3A_1436 = arith.subf %add3A_1435, %get3A_1432 : vector<16xf32>
      %mul3A_1437 = arith.mulf %sub3A_1434, %sub3A_1434 : vector<16xf32>
      %mul3A_1438 = arith.mulf %sub3A_1436, %sub3A_1436 : vector<16xf32>
      %add3A_1439 = arith.addf %mul3A_1437, %mul3A_1438 : vector<16xf32>
      %select_n3A_1440 = arith.select %eq3A_267, %add3A_914, %add3A_949 : vector<16xi1>, vector<16xf32>
      %select_n3A_1441 = arith.select %eq3A_267, %add3A_949, %add3A_914 : vector<16xi1>, vector<16xf32>
      %broadcast_in_dim3A = vector.shape_cast %xor3A_353 : vector<16xi32> to vector<16x1xi32>
      %gather3A = vector.shape_cast %broadcast_in_dim3A : vector<16x1xi32> to vector<16xi32>
      %gather3A_1442 = tpu.dynamic_gather %select_n3A_1441[%gather3A] in [0] : vector<16xf32>, vector<16xi32> -> vector<16xf32>
      %add3A_1443 = arith.addf %select_n3A_1440, %gather3A_1442 : vector<16xf32>
      %select_n3A_1444 = arith.select %eq3A_267, %add3A_984, %add3A_1019 : vector<16xi1>, vector<16xf32>
      %select_n3A_1445 = arith.select %eq3A_267, %add3A_1019, %add3A_984 : vector<16xi1>, vector<16xf32>
      %broadcast_in_dim3A_1446 = vector.shape_cast %xor3A_353 : vector<16xi32> to vector<16x1xi32>
      %gather3A_1447 = vector.shape_cast %broadcast_in_dim3A_1446 : vector<16x1xi32> to vector<16xi32>
      %gather3A_1448 = tpu.dynamic_gather %select_n3A_1445[%gather3A_1447] in [0] : vector<16xf32>, vector<16xi32> -> vector<16xf32>
      %add3A_1449 = arith.addf %select_n3A_1444, %gather3A_1448 : vector<16xf32>
      %select_n3A_1450 = arith.select %eq3A_267, %add3A_1054, %add3A_1089 : vector<16xi1>, vector<16xf32>
      %select_n3A_1451 = arith.select %eq3A_267, %add3A_1089, %add3A_1054 : vector<16xi1>, vector<16xf32>
      %broadcast_in_dim3A_1452 = vector.shape_cast %xor3A_353 : vector<16xi32> to vector<16x1xi32>
      %gather3A_1453 = vector.shape_cast %broadcast_in_dim3A_1452 : vector<16x1xi32> to vector<16xi32>
      %gather3A_1454 = tpu.dynamic_gather %select_n3A_1451[%gather3A_1453] in [0] : vector<16xf32>, vector<16xi32> -> vector<16xf32>
      %add3A_1455 = arith.addf %select_n3A_1450, %gather3A_1454 : vector<16xf32>
      %select_n3A_1456 = arith.select %eq3A_267, %add3A_1124, %add3A_1159 : vector<16xi1>, vector<16xf32>
      %select_n3A_1457 = arith.select %eq3A_267, %add3A_1159, %add3A_1124 : vector<16xi1>, vector<16xf32>
      %broadcast_in_dim3A_1458 = vector.shape_cast %xor3A_353 : vector<16xi32> to vector<16x1xi32>
      %gather3A_1459 = vector.shape_cast %broadcast_in_dim3A_1458 : vector<16x1xi32> to vector<16xi32>
      %gather3A_1460 = tpu.dynamic_gather %select_n3A_1457[%gather3A_1459] in [0] : vector<16xf32>, vector<16xi32> -> vector<16xf32>
      %add3A_1461 = arith.addf %select_n3A_1456, %gather3A_1460 : vector<16xf32>
      %select_n3A_1462 = arith.select %eq3A_267, %add3A_1194, %add3A_1229 : vector<16xi1>, vector<16xf32>
      %select_n3A_1463 = arith.select %eq3A_267, %add3A_1229, %add3A_1194 : vector<16xi1>, vector<16xf32>
      %broadcast_in_dim3A_1464 = vector.shape_cast %xor3A_353 : vector<16xi32> to vector<16x1xi32>
      %gather3A_1465 = vector.shape_cast %broadcast_in_dim3A_1464 : vector<16x1xi32> to vector<16xi32>
      %gather3A_1466 = tpu.dynamic_gather %select_n3A_1463[%gather3A_1465] in [0] : vector<16xf32>, vector<16xi32> -> vector<16xf32>
      %add3A_1467 = arith.addf %select_n3A_1462, %gather3A_1466 : vector<16xf32>
      %select_n3A_1468 = arith.select %eq3A_267, %add3A_1264, %add3A_1299 : vector<16xi1>, vector<16xf32>
      %select_n3A_1469 = arith.select %eq3A_267, %add3A_1299, %add3A_1264 : vector<16xi1>, vector<16xf32>
      %broadcast_in_dim3A_1470 = vector.shape_cast %xor3A_353 : vector<16xi32> to vector<16x1xi32>
      %gather3A_1471 = vector.shape_cast %broadcast_in_dim3A_1470 : vector<16x1xi32> to vector<16xi32>
      %gather3A_1472 = tpu.dynamic_gather %select_n3A_1469[%gather3A_1471] in [0] : vector<16xf32>, vector<16xi32> -> vector<16xf32>
      %add3A_1473 = arith.addf %select_n3A_1468, %gather3A_1472 : vector<16xf32>
      %select_n3A_1474 = arith.select %eq3A_267, %add3A_1334, %add3A_1369 : vector<16xi1>, vector<16xf32>
      %select_n3A_1475 = arith.select %eq3A_267, %add3A_1369, %add3A_1334 : vector<16xi1>, vector<16xf32>
      %broadcast_in_dim3A_1476 = vector.shape_cast %xor3A_353 : vector<16xi32> to vector<16x1xi32>
      %gather3A_1477 = vector.shape_cast %broadcast_in_dim3A_1476 : vector<16x1xi32> to vector<16xi32>
      %gather3A_1478 = tpu.dynamic_gather %select_n3A_1475[%gather3A_1477] in [0] : vector<16xf32>, vector<16xi32> -> vector<16xf32>
      %add3A_1479 = arith.addf %select_n3A_1474, %gather3A_1478 : vector<16xf32>
      %select_n3A_1480 = arith.select %eq3A_267, %add3A_1404, %add3A_1439 : vector<16xi1>, vector<16xf32>
      %select_n3A_1481 = arith.select %eq3A_267, %add3A_1439, %add3A_1404 : vector<16xi1>, vector<16xf32>
      %broadcast_in_dim3A_1482 = vector.shape_cast %xor3A_353 : vector<16xi32> to vector<16x1xi32>
      %gather3A_1483 = vector.shape_cast %broadcast_in_dim3A_1482 : vector<16x1xi32> to vector<16xi32>
      %gather3A_1484 = tpu.dynamic_gather %select_n3A_1481[%gather3A_1483] in [0] : vector<16xf32>, vector<16xi32> -> vector<16xf32>
      %add3A_1485 = arith.addf %select_n3A_1480, %gather3A_1484 : vector<16xf32>
      %select_n3A_1486 = arith.select %eq3A_295, %add3A_1443, %add3A_1449 : vector<16xi1>, vector<16xf32>
      %select_n3A_1487 = arith.select %eq3A_295, %add3A_1449, %add3A_1443 : vector<16xi1>, vector<16xf32>
      %broadcast_in_dim3A_1488 = vector.shape_cast %xor3A_356 : vector<16xi32> to vector<16x1xi32>
      %gather3A_1489 = vector.shape_cast %broadcast_in_dim3A_1488 : vector<16x1xi32> to vector<16xi32>
      %gather3A_1490 = tpu.dynamic_gather %select_n3A_1487[%gather3A_1489] in [0] : vector<16xf32>, vector<16xi32> -> vector<16xf32>
      %add3A_1491 = arith.addf %select_n3A_1486, %gather3A_1490 : vector<16xf32>
      %select_n3A_1492 = arith.select %eq3A_295, %add3A_1455, %add3A_1461 : vector<16xi1>, vector<16xf32>
      %select_n3A_1493 = arith.select %eq3A_295, %add3A_1461, %add3A_1455 : vector<16xi1>, vector<16xf32>
      %broadcast_in_dim3A_1494 = vector.shape_cast %xor3A_356 : vector<16xi32> to vector<16x1xi32>
      %gather3A_1495 = vector.shape_cast %broadcast_in_dim3A_1494 : vector<16x1xi32> to vector<16xi32>
      %gather3A_1496 = tpu.dynamic_gather %select_n3A_1493[%gather3A_1495] in [0] : vector<16xf32>, vector<16xi32> -> vector<16xf32>
      %add3A_1497 = arith.addf %select_n3A_1492, %gather3A_1496 : vector<16xf32>
      %select_n3A_1498 = arith.select %eq3A_295, %add3A_1467, %add3A_1473 : vector<16xi1>, vector<16xf32>
      %select_n3A_1499 = arith.select %eq3A_295, %add3A_1473, %add3A_1467 : vector<16xi1>, vector<16xf32>
      %broadcast_in_dim3A_1500 = vector.shape_cast %xor3A_356 : vector<16xi32> to vector<16x1xi32>
      %gather3A_1501 = vector.shape_cast %broadcast_in_dim3A_1500 : vector<16x1xi32> to vector<16xi32>
      %gather3A_1502 = tpu.dynamic_gather %select_n3A_1499[%gather3A_1501] in [0] : vector<16xf32>, vector<16xi32> -> vector<16xf32>
      %add3A_1503 = arith.addf %select_n3A_1498, %gather3A_1502 : vector<16xf32>
      %select_n3A_1504 = arith.select %eq3A_295, %add3A_1479, %add3A_1485 : vector<16xi1>, vector<16xf32>
      %select_n3A_1505 = arith.select %eq3A_295, %add3A_1485, %add3A_1479 : vector<16xi1>, vector<16xf32>
      %broadcast_in_dim3A_1506 = vector.shape_cast %xor3A_356 : vector<16xi32> to vector<16x1xi32>
      %gather3A_1507 = vector.shape_cast %broadcast_in_dim3A_1506 : vector<16x1xi32> to vector<16xi32>
      %gather3A_1508 = tpu.dynamic_gather %select_n3A_1505[%gather3A_1507] in [0] : vector<16xf32>, vector<16xi32> -> vector<16xf32>
      %add3A_1509 = arith.addf %select_n3A_1504, %gather3A_1508 : vector<16xf32>
      %select_n3A_1510 = arith.select %eq3A_323, %add3A_1491, %add3A_1497 : vector<16xi1>, vector<16xf32>
      %select_n3A_1511 = arith.select %eq3A_323, %add3A_1497, %add3A_1491 : vector<16xi1>, vector<16xf32>
      %broadcast_in_dim3A_1512 = vector.shape_cast %xor3A_359 : vector<16xi32> to vector<16x1xi32>
      %gather3A_1513 = vector.shape_cast %broadcast_in_dim3A_1512 : vector<16x1xi32> to vector<16xi32>
      %gather3A_1514 = tpu.dynamic_gather %select_n3A_1511[%gather3A_1513] in [0] : vector<16xf32>, vector<16xi32> -> vector<16xf32>
      %add3A_1515 = arith.addf %select_n3A_1510, %gather3A_1514 : vector<16xf32>
      %select_n3A_1516 = arith.select %eq3A_323, %add3A_1503, %add3A_1509 : vector<16xi1>, vector<16xf32>
      %select_n3A_1517 = arith.select %eq3A_323, %add3A_1509, %add3A_1503 : vector<16xi1>, vector<16xf32>
      %broadcast_in_dim3A_1518 = vector.shape_cast %xor3A_359 : vector<16xi32> to vector<16x1xi32>
      %gather3A_1519 = vector.shape_cast %broadcast_in_dim3A_1518 : vector<16x1xi32> to vector<16xi32>
      %gather3A_1520 = tpu.dynamic_gather %select_n3A_1517[%gather3A_1519] in [0] : vector<16xf32>, vector<16xi32> -> vector<16xf32>
      %add3A_1521 = arith.addf %select_n3A_1516, %gather3A_1520 : vector<16xf32>
      %select_n3A_1522 = arith.select %eq3A_351, %add3A_1515, %add3A_1521 : vector<16xi1>, vector<16xf32>
      %select_n3A_1523 = arith.select %eq3A_351, %add3A_1521, %add3A_1515 : vector<16xi1>, vector<16xf32>
      %broadcast_in_dim3A_1524 = vector.shape_cast %xor3A_362 : vector<16xi32> to vector<16x1xi32>
      %gather3A_1525 = vector.shape_cast %broadcast_in_dim3A_1524 : vector<16x1xi32> to vector<16xi32>
      %gather3A_1526 = tpu.dynamic_gather %select_n3A_1523[%gather3A_1525] in [0] : vector<16xf32>, vector<16xi32> -> vector<16xf32>
      %add3A_1527 = arith.addf %select_n3A_1522, %gather3A_1526 : vector<16xf32>
      %mul3A_1528 = arith.constant 16 : i32
      %mul3A_1529 = arith.muli %scan3A_881, %mul3A_1528 : i32
      %get3A_1530 = arith.index_cast %mul3A_1529 : i32 to index
      %get3A_1531 = tpu.vector_load %arg19[%get3A_1530] {strides = array<i32>} : memref<512xf32, #tpu.memory_space<vmem>>, vector<16xf32>,
      %get3A_1532 = vector.shape_cast %get3A_1531 : vector<16xf32> to vector<16xf32>
      %get3A_1533 = arith.index_cast %mul3A_1529 : i32 to index
      %get3A_1534 = tpu.vector_load %arg20[%get3A_1533] {strides = array<i32>} : memref<512xf32, #tpu.memory_space<vmem>>, vector<16xf32>,
      %get3A_1535 = vector.shape_cast %get3A_1534 : vector<16xf32> to vector<16xf32>
      %add3A_1536 = arith.addf %get3A_1532, %get3A_1535 : vector<16xf32>
      %sub3A_1537 = arith.subf %add3A_1536, %add3A_1527 : vector<16xf32>
      %swap3A = arith.index_cast %mul3A_1529 : i32 to index
      %swap3A_1538 = tpu.vector_load %arg21[%swap3A] {strides = array<i32>} : memref<512xf32, #tpu.memory_space<vmem>>, vector<16xf32>,
      %swap3A_1539 = vector.shape_cast %swap3A_1538 : vector<16xf32> to vector<16xf32>
      %swap3A_1540 = vector.shape_cast %sub3A_1537 : vector<16xf32> to vector<16xf32>
      tpu.vector_store %arg21[%swap3A], %swap3A_1540 {strides = array<i32>} : memref<512xf32, #tpu.memory_space<vmem>>, vector<16xf32>,
    }
    %scan3A_427 = arith.constant 8 : i32
    %add3A_428 = arith.constant 0 : i32
    %add3A_429 = arith.addi %mul3A_2, %add3A_428 : i32
    %dma_start3A_430 = arith.constant 0 : i32
    %dma_start3A_431 = arith.constant 0 : i32
    %dma_start3A_432 = tpu.memref_slice %arg16[%dma_start3A_430, %dma_start3A_431] : memref<512x32xf32, #tpu.memory_space<vmem>> -> memref<128x32xf32, #tpu.memory_space<vmem>>
    %dma_start3A_433 = arith.constant 0 : i32
    %dma_start3A_434 = tpu.memref_slice %arg10[%add3A_429, %dma_start3A_433] : memref<16384x32xf32, #tpu.memory_space<hbm>> -> memref<128x32xf32, #tpu.memory_space<hbm>>
    %dma_start3A_435 = arith.constant 0 : i32
    %dma_start3A_436 = tpu.memref_slice %arg10[%add3A_429, %dma_start3A_435] : memref<16384x32xf32, #tpu.memory_space<hbm>> -> memref<128x32xf32, #tpu.memory_space<hbm>>
    %dma_start3A_437 = arith.constant 0 : i32
    %dma_start3A_438 = arith.constant 0 : i32
    %dma_start3A_439 = tpu.memref_slice %arg16[%dma_start3A_437, %dma_start3A_438] : memref<512x32xf32, #tpu.memory_space<vmem>> -> memref<128x32xf32, #tpu.memory_space<vmem>>
    tpu.enqueue_dma source(%dma_start3A_439 : memref<128x32xf32, #tpu.memory_space<vmem>>) target(%dma_start3A_436 : memref<128x32xf32, #tpu.memory_space<hbm>>) target_semaphore(%arg23 : memref<!tpu.dma_semaphore, #tpu.memory_space<semaphore_mem>>)
    %dma_start3A_440 = arith.constant 0 : i32
    %dma_start3A_441 = arith.constant 0 : i32
    %dma_start3A_442 = tpu.memref_slice %arg17[%dma_start3A_440, %dma_start3A_441] : memref<512x32xf32, #tpu.memory_space<vmem>> -> memref<128x32xf32, #tpu.memory_space<vmem>>
    %dma_start3A_443 = arith.constant 0 : i32
    %dma_start3A_444 = tpu.memref_slice %arg11[%add3A_429, %dma_start3A_443] : memref<16384x32xf32, #tpu.memory_space<hbm>> -> memref<128x32xf32, #tpu.memory_space<hbm>>
    %dma_start3A_445 = arith.constant 0 : i32
    %dma_start3A_446 = tpu.memref_slice %arg11[%add3A_429, %dma_start3A_445] : memref<16384x32xf32, #tpu.memory_space<hbm>> -> memref<128x32xf32, #tpu.memory_space<hbm>>
    %dma_start3A_447 = arith.constant 0 : i32
    %dma_start3A_448 = arith.constant 0 : i32
    %dma_start3A_449 = tpu.memref_slice %arg17[%dma_start3A_447, %dma_start3A_448] : memref<512x32xf32, #tpu.memory_space<vmem>> -> memref<128x32xf32, #tpu.memory_space<vmem>>
    tpu.enqueue_dma source(%dma_start3A_449 : memref<128x32xf32, #tpu.memory_space<vmem>>) target(%dma_start3A_446 : memref<128x32xf32, #tpu.memory_space<hbm>>) target_semaphore(%arg23 : memref<!tpu.dma_semaphore, #tpu.memory_space<semaphore_mem>>)
    %dma_start3A_450 = arith.constant 0 : i32
    %dma_start3A_451 = arith.constant 0 : i32
    %dma_start3A_452 = tpu.memref_slice %arg18[%dma_start3A_450, %dma_start3A_451] : memref<512x32xf32, #tpu.memory_space<vmem>> -> memref<128x32xf32, #tpu.memory_space<vmem>>
    %dma_start3A_453 = arith.constant 0 : i32
    %dma_start3A_454 = tpu.memref_slice %arg12[%add3A_429, %dma_start3A_453] : memref<16384x32xf32, #tpu.memory_space<hbm>> -> memref<128x32xf32, #tpu.memory_space<hbm>>
    %dma_start3A_455 = arith.constant 0 : i32
    %dma_start3A_456 = tpu.memref_slice %arg12[%add3A_429, %dma_start3A_455] : memref<16384x32xf32, #tpu.memory_space<hbm>> -> memref<128x32xf32, #tpu.memory_space<hbm>>
    %dma_start3A_457 = arith.constant 0 : i32
    %dma_start3A_458 = arith.constant 0 : i32
    %dma_start3A_459 = tpu.memref_slice %arg18[%dma_start3A_457, %dma_start3A_458] : memref<512x32xf32, #tpu.memory_space<vmem>> -> memref<128x32xf32, #tpu.memory_space<vmem>>
    tpu.enqueue_dma source(%dma_start3A_459 : memref<128x32xf32, #tpu.memory_space<vmem>>) target(%dma_start3A_456 : memref<128x32xf32, #tpu.memory_space<hbm>>) target_semaphore(%arg23 : memref<!tpu.dma_semaphore, #tpu.memory_space<semaphore_mem>>)
    %dma_wait3A_460 = arith.constant 1 : i32
    %dma_wait3A_461 = arith.constant 1 : i32
    %dma_wait3A_462 = arith.constant 128 : i32
    %dma_wait3A_463 = arith.constant 0 : i32
    %dma_wait3A_464 = tpu.memref_slice %arg16[%dma_wait3A_462, %dma_wait3A_463] : memref<512x32xf32, #tpu.memory_space<vmem>> -> memref<128x32xf32, #tpu.memory_space<vmem>>
    %dma_wait3A_465 = arith.constant 0 : i32
    %dma_wait3A_466 = tpu.memref_slice %arg13[%dma_wait3A_460, %dma_wait3A_465] : memref<4x128xi32, #tpu.memory_space<vmem>> -> memref<1x128xi32, #tpu.memory_space<vmem>>
    %dma_wait3A_467 = tpu.memref_squeeze %dma_wait3A_466 : memref<1x128xi32, #tpu.memory_space<vmem>> -> memref<128xi32, #tpu.memory_space<vmem>>
    %dma_wait3A_468 = arith.constant 0 : i32
    %dma_wait3A_469 = arith.constant 0 : i32
    %dma_wait3A_470 = tpu.memref_slice %arg5[%dma_wait3A_468, %dma_wait3A_469] : memref<1000000x32xf32, #tpu.memory_space<hbm>> -> memref<1000000x32xf32, #tpu.memory_space<hbm>>
    %dma_wait3A_471 = tpu.memref_slice %arg22[%dma_wait3A_461] : memref<4x!tpu.dma_semaphore, #tpu.memory_space<semaphore_mem>> -> memref<1x!tpu.dma_semaphore, #tpu.memory_space<semaphore_mem>>
    %dma_wait3A_472 = tpu.memref_squeeze %dma_wait3A_471 : memref<1x!tpu.dma_semaphore, #tpu.memory_space<semaphore_mem>> -> memref<!tpu.dma_semaphore, #tpu.memory_space<semaphore_mem>>
    tpu.wait_indirect_dma semaphore(%dma_wait3A_472 : memref<!tpu.dma_semaphore, #tpu.memory_space<semaphore_mem>>) src(%dma_wait3A_470 : memref<1000000x32xf32, #tpu.memory_space<hbm>>) dst(%dma_wait3A_464 : memref<128x32xf32, #tpu.memory_space<vmem>>)
    %dma_wait3A_473 = arith.constant 1 : i32
    %dma_wait3A_474 = arith.constant 1 : i32
    %dma_wait3A_475 = arith.constant 128 : i32
    %dma_wait3A_476 = arith.constant 0 : i32
    %dma_wait3A_477 = tpu.memref_slice %arg18[%dma_wait3A_475, %dma_wait3A_476] : memref<512x32xf32, #tpu.memory_space<vmem>> -> memref<128x32xf32, #tpu.memory_space<vmem>>
    %dma_wait3A_478 = arith.constant 0 : i32
    %dma_wait3A_479 = tpu.memref_slice %arg15[%dma_wait3A_473, %dma_wait3A_478] : memref<4x128xi32, #tpu.memory_space<vmem>> -> memref<1x128xi32, #tpu.memory_space<vmem>>
    %dma_wait3A_480 = tpu.memref_squeeze %dma_wait3A_479 : memref<1x128xi32, #tpu.memory_space<vmem>> -> memref<128xi32, #tpu.memory_space<vmem>>
    %dma_wait3A_481 = arith.constant 0 : i32
    %dma_wait3A_482 = arith.constant 0 : i32
    %dma_wait3A_483 = tpu.memref_slice %arg5[%dma_wait3A_481, %dma_wait3A_482] : memref<1000000x32xf32, #tpu.memory_space<hbm>> -> memref<1000000x32xf32, #tpu.memory_space<hbm>>
    %dma_wait3A_484 = tpu.memref_slice %arg22[%dma_wait3A_474] : memref<4x!tpu.dma_semaphore, #tpu.memory_space<semaphore_mem>> -> memref<1x!tpu.dma_semaphore, #tpu.memory_space<semaphore_mem>>
    %dma_wait3A_485 = tpu.memref_squeeze %dma_wait3A_484 : memref<1x!tpu.dma_semaphore, #tpu.memory_space<semaphore_mem>> -> memref<!tpu.dma_semaphore, #tpu.memory_space<semaphore_mem>>
    tpu.wait_indirect_dma semaphore(%dma_wait3A_485 : memref<!tpu.dma_semaphore, #tpu.memory_space<semaphore_mem>>) src(%dma_wait3A_483 : memref<1000000x32xf32, #tpu.memory_space<hbm>>) dst(%dma_wait3A_477 : memref<128x32xf32, #tpu.memory_space<vmem>>)
    %dma_wait3A_486 = arith.constant 1 : i32
    %dma_wait3A_487 = arith.constant 1 : i32
    %dma_wait3A_488 = arith.constant 128 : i32
    %dma_wait3A_489 = arith.constant 0 : i32
    %dma_wait3A_490 = tpu.memref_slice %arg17[%dma_wait3A_488, %dma_wait3A_489] : memref<512x32xf32, #tpu.memory_space<vmem>> -> memref<128x32xf32, #tpu.memory_space<vmem>>
    %dma_wait3A_491 = arith.constant 0 : i32
    %dma_wait3A_492 = tpu.memref_slice %arg14[%dma_wait3A_486, %dma_wait3A_491] : memref<4x128xi32, #tpu.memory_space<vmem>> -> memref<1x128xi32, #tpu.memory_space<vmem>>
    %dma_wait3A_493 = tpu.memref_squeeze %dma_wait3A_492 : memref<1x128xi32, #tpu.memory_space<vmem>> -> memref<128xi32, #tpu.memory_space<vmem>>
    %dma_wait3A_494 = arith.constant 0 : i32
    %dma_wait3A_495 = arith.constant 0 : i32
    %dma_wait3A_496 = tpu.memref_slice %arg6[%dma_wait3A_494, %dma_wait3A_495] : memref<1000x32xf32, #tpu.memory_space<hbm>> -> memref<1000x32xf32, #tpu.memory_space<hbm>>
    %dma_wait3A_497 = tpu.memref_slice %arg22[%dma_wait3A_487] : memref<4x!tpu.dma_semaphore, #tpu.memory_space<semaphore_mem>> -> memref<1x!tpu.dma_semaphore, #tpu.memory_space<semaphore_mem>>
    %dma_wait3A_498 = tpu.memref_squeeze %dma_wait3A_497 : memref<1x!tpu.dma_semaphore, #tpu.memory_space<semaphore_mem>> -> memref<!tpu.dma_semaphore, #tpu.memory_space<semaphore_mem>>
    tpu.wait_indirect_dma semaphore(%dma_wait3A_498 : memref<!tpu.dma_semaphore, #tpu.memory_space<semaphore_mem>>) src(%dma_wait3A_496 : memref<1000x32xf32, #tpu.memory_space<hbm>>) dst(%dma_wait3A_490 : memref<128x32xf32, #tpu.memory_space<vmem>>)
    %dma_wait3A_499 = arith.constant 1 : i32
    %dma_wait3A_500 = arith.constant 1 : i32
    %dma_wait3A_501 = arith.constant 128 : i32
    %dma_wait3A_502 = tpu.memref_slice %arg19[%dma_wait3A_501] : memref<512xf32, #tpu.memory_space<vmem>> -> memref<128xf32, #tpu.memory_space<vmem>>
    %dma_wait3A_503 = arith.constant 0 : i32
    %dma_wait3A_504 = tpu.memref_slice %arg13[%dma_wait3A_499, %dma_wait3A_503] : memref<4x128xi32, #tpu.memory_space<vmem>> -> memref<1x128xi32, #tpu.memory_space<vmem>>
    %dma_wait3A_505 = tpu.memref_squeeze %dma_wait3A_504 : memref<1x128xi32, #tpu.memory_space<vmem>> -> memref<128xi32, #tpu.memory_space<vmem>>
    %dma_wait3A_506 = arith.constant 0 : i32
    %dma_wait3A_507 = tpu.memref_slice %arg7[%dma_wait3A_506] : memref<1000000xf32, #tpu.memory_space<hbm>> -> memref<1000000xf32, #tpu.memory_space<hbm>>
    %dma_wait3A_508 = tpu.memref_slice %arg22[%dma_wait3A_500] : memref<4x!tpu.dma_semaphore, #tpu.memory_space<semaphore_mem>> -> memref<1x!tpu.dma_semaphore, #tpu.memory_space<semaphore_mem>>
    %dma_wait3A_509 = tpu.memref_squeeze %dma_wait3A_508 : memref<1x!tpu.dma_semaphore, #tpu.memory_space<semaphore_mem>> -> memref<!tpu.dma_semaphore, #tpu.memory_space<semaphore_mem>>
    tpu.wait_indirect_dma semaphore(%dma_wait3A_509 : memref<!tpu.dma_semaphore, #tpu.memory_space<semaphore_mem>>) src(%dma_wait3A_507 : memref<1000000xf32, #tpu.memory_space<hbm>>) dst(%dma_wait3A_502 : memref<128xf32, #tpu.memory_space<vmem>>)
    %dma_wait3A_510 = arith.constant 1 : i32
    %dma_wait3A_511 = arith.constant 1 : i32
    %dma_wait3A_512 = arith.constant 128 : i32
    %dma_wait3A_513 = tpu.memref_slice %arg20[%dma_wait3A_512] : memref<512xf32, #tpu.memory_space<vmem>> -> memref<128xf32, #tpu.memory_space<vmem>>
    %dma_wait3A_514 = arith.constant 0 : i32
    %dma_wait3A_515 = tpu.memref_slice %arg15[%dma_wait3A_510, %dma_wait3A_514] : memref<4x128xi32, #tpu.memory_space<vmem>> -> memref<1x128xi32, #tpu.memory_space<vmem>>
    %dma_wait3A_516 = tpu.memref_squeeze %dma_wait3A_515 : memref<1x128xi32, #tpu.memory_space<vmem>> -> memref<128xi32, #tpu.memory_space<vmem>>
    %dma_wait3A_517 = arith.constant 0 : i32
    %dma_wait3A_518 = tpu.memref_slice %arg8[%dma_wait3A_517] : memref<1000000xf32, #tpu.memory_space<hbm>> -> memref<1000000xf32, #tpu.memory_space<hbm>>
    %dma_wait3A_519 = tpu.memref_slice %arg22[%dma_wait3A_511] : memref<4x!tpu.dma_semaphore, #tpu.memory_space<semaphore_mem>> -> memref<1x!tpu.dma_semaphore, #tpu.memory_space<semaphore_mem>>
    %dma_wait3A_520 = tpu.memref_squeeze %dma_wait3A_519 : memref<1x!tpu.dma_semaphore, #tpu.memory_space<semaphore_mem>> -> memref<!tpu.dma_semaphore, #tpu.memory_space<semaphore_mem>>
    tpu.wait_indirect_dma semaphore(%dma_wait3A_520 : memref<!tpu.dma_semaphore, #tpu.memory_space<semaphore_mem>>) src(%dma_wait3A_518 : memref<1000000xf32, #tpu.memory_space<hbm>>) dst(%dma_wait3A_513 : memref<128xf32, #tpu.memory_space<vmem>>)
    %scan3A_521 = arith.constant 0 : i32
    %scan3A_522 = arith.constant 8 : i32
    %scan3A_523 = arith.constant 8 : i32
    %scan3A_524 = arith.addi %scan3A_522, %scan3A_523 : i32
    %scan3A_525 = arith.constant 1 : i32
    scf.for %scan3A_881 = %scan3A_522 to %scan3A_524 step %scan3A_525  : i32 {
      %mul3A_882 = arith.constant 16 : i32
      %mul3A_883 = arith.muli %scan3A_881, %mul3A_882 : i32
      %add3A_884 = arith.constant 0 : i32
      %add3A_885 = arith.addi %mul3A_883, %add3A_884 : i32
      %get3A = arith.index_cast %add3A_885 : i32 to index
      %get3A_886 = arith.constant 0 : index
      %get3A_887 = tpu.vector_load %arg16[%get3A, %get3A_886] {strides = array<i32>} : memref<512x32xf32, #tpu.memory_space<vmem>>, vector<1x16xf32>,
      %get3A_888 = vector.shape_cast %get3A_887 : vector<1x16xf32> to vector<16xf32>
      %get3A_889 = arith.index_cast %add3A_885 : i32 to index
      %get3A_890 = arith.constant 16 : index
      %get3A_891 = tpu.vector_load %arg16[%get3A_889, %get3A_890] {strides = array<i32>} : memref<512x32xf32, #tpu.memory_space<vmem>>, vector<1x16xf32>,
      %get3A_892 = vector.shape_cast %get3A_891 : vector<1x16xf32> to vector<16xf32>
      %get3A_893 = arith.index_cast %add3A_885 : i32 to index
      %get3A_894 = arith.constant 0 : index
      %get3A_895 = tpu.vector_load %arg17[%get3A_893, %get3A_894] {strides = array<i32>} : memref<512x32xf32, #tpu.memory_space<vmem>>, vector<1x16xf32>,
      %get3A_896 = vector.shape_cast %get3A_895 : vector<1x16xf32> to vector<16xf32>
      %get3A_897 = arith.index_cast %add3A_885 : i32 to index
      %get3A_898 = arith.constant 16 : index
      %get3A_899 = tpu.vector_load %arg17[%get3A_897, %get3A_898] {strides = array<i32>} : memref<512x32xf32, #tpu.memory_space<vmem>>, vector<1x16xf32>,
      %get3A_900 = vector.shape_cast %get3A_899 : vector<1x16xf32> to vector<16xf32>
      %get3A_901 = arith.index_cast %add3A_885 : i32 to index
      %get3A_902 = arith.constant 0 : index
      %get3A_903 = tpu.vector_load %arg18[%get3A_901, %get3A_902] {strides = array<i32>} : memref<512x32xf32, #tpu.memory_space<vmem>>, vector<1x16xf32>,
      %get3A_904 = vector.shape_cast %get3A_903 : vector<1x16xf32> to vector<16xf32>
      %get3A_905 = arith.index_cast %add3A_885 : i32 to index
      %get3A_906 = arith.constant 16 : index
      %get3A_907 = tpu.vector_load %arg18[%get3A_905, %get3A_906] {strides = array<i32>} : memref<512x32xf32, #tpu.memory_space<vmem>>, vector<1x16xf32>,
      %get3A_908 = vector.shape_cast %get3A_907 : vector<1x16xf32> to vector<16xf32>
      %add3A_909 = arith.addf %get3A_888, %get3A_896 : vector<16xf32>
      %sub3A = arith.subf %add3A_909, %get3A_904 : vector<16xf32>
      %add3A_910 = arith.addf %get3A_892, %get3A_900 : vector<16xf32>
      %sub3A_911 = arith.subf %add3A_910, %get3A_908 : vector<16xf32>
      %mul3A_912 = arith.mulf %sub3A, %sub3A : vector<16xf32>
      %mul3A_913 = arith.mulf %sub3A_911, %sub3A_911 : vector<16xf32>
      %add3A_914 = arith.addf %mul3A_912, %mul3A_913 : vector<16xf32>
      %mul3A_915 = arith.constant 16 : i32
      %mul3A_916 = arith.muli %scan3A_881, %mul3A_915 : i32
      %add3A_917 = arith.constant 1 : i32
      %add3A_918 = arith.addi %mul3A_916, %add3A_917 : i32
      %get3A_919 = arith.index_cast %add3A_918 : i32 to index
      %get3A_920 = arith.constant 0 : index
      %get3A_921 = tpu.vector_load %arg16[%get3A_919, %get3A_920] {strides = array<i32>} : memref<512x32xf32, #tpu.memory_space<vmem>>, vector<1x16xf32>,
      %get3A_922 = vector.shape_cast %get3A_921 : vector<1x16xf32> to vector<16xf32>
      %get3A_923 = arith.index_cast %add3A_918 : i32 to index
      %get3A_924 = arith.constant 16 : index
      %get3A_925 = tpu.vector_load %arg16[%get3A_923, %get3A_924] {strides = array<i32>} : memref<512x32xf32, #tpu.memory_space<vmem>>, vector<1x16xf32>,
      %get3A_926 = vector.shape_cast %get3A_925 : vector<1x16xf32> to vector<16xf32>
      %get3A_927 = arith.index_cast %add3A_918 : i32 to index
      %get3A_928 = arith.constant 0 : index
      %get3A_929 = tpu.vector_load %arg17[%get3A_927, %get3A_928] {strides = array<i32>} : memref<512x32xf32, #tpu.memory_space<vmem>>, vector<1x16xf32>,
      %get3A_930 = vector.shape_cast %get3A_929 : vector<1x16xf32> to vector<16xf32>
      %get3A_931 = arith.index_cast %add3A_918 : i32 to index
      %get3A_932 = arith.constant 16 : index
      %get3A_933 = tpu.vector_load %arg17[%get3A_931, %get3A_932] {strides = array<i32>} : memref<512x32xf32, #tpu.memory_space<vmem>>, vector<1x16xf32>,
      %get3A_934 = vector.shape_cast %get3A_933 : vector<1x16xf32> to vector<16xf32>
      %get3A_935 = arith.index_cast %add3A_918 : i32 to index
      %get3A_936 = arith.constant 0 : index
      %get3A_937 = tpu.vector_load %arg18[%get3A_935, %get3A_936] {strides = array<i32>} : memref<512x32xf32, #tpu.memory_space<vmem>>, vector<1x16xf32>,
      %get3A_938 = vector.shape_cast %get3A_937 : vector<1x16xf32> to vector<16xf32>
      %get3A_939 = arith.index_cast %add3A_918 : i32 to index
      %get3A_940 = arith.constant 16 : index
      %get3A_941 = tpu.vector_load %arg18[%get3A_939, %get3A_940] {strides = array<i32>} : memref<512x32xf32, #tpu.memory_space<vmem>>, vector<1x16xf32>,
      %get3A_942 = vector.shape_cast %get3A_941 : vector<1x16xf32> to vector<16xf32>
      %add3A_943 = arith.addf %get3A_922, %get3A_930 : vector<16xf32>
      %sub3A_944 = arith.subf %add3A_943, %get3A_938 : vector<16xf32>
      %add3A_945 = arith.addf %get3A_926, %get3A_934 : vector<16xf32>
      %sub3A_946 = arith.subf %add3A_945, %get3A_942 : vector<16xf32>
      %mul3A_947 = arith.mulf %sub3A_944, %sub3A_944 : vector<16xf32>
      %mul3A_948 = arith.mulf %sub3A_946, %sub3A_946 : vector<16xf32>
      %add3A_949 = arith.addf %mul3A_947, %mul3A_948 : vector<16xf32>
      %mul3A_950 = arith.constant 16 : i32
      %mul3A_951 = arith.muli %scan3A_881, %mul3A_950 : i32
      %add3A_952 = arith.constant 2 : i32
      %add3A_953 = arith.addi %mul3A_951, %add3A_952 : i32
      %get3A_954 = arith.index_cast %add3A_953 : i32 to index
      %get3A_955 = arith.constant 0 : index
      %get3A_956 = tpu.vector_load %arg16[%get3A_954, %get3A_955] {strides = array<i32>} : memref<512x32xf32, #tpu.memory_space<vmem>>, vector<1x16xf32>,
      %get3A_957 = vector.shape_cast %get3A_956 : vector<1x16xf32> to vector<16xf32>
      %get3A_958 = arith.index_cast %add3A_953 : i32 to index
      %get3A_959 = arith.constant 16 : index
      %get3A_960 = tpu.vector_load %arg16[%get3A_958, %get3A_959] {strides = array<i32>} : memref<512x32xf32, #tpu.memory_space<vmem>>, vector<1x16xf32>,
      %get3A_961 = vector.shape_cast %get3A_960 : vector<1x16xf32> to vector<16xf32>
      %get3A_962 = arith.index_cast %add3A_953 : i32 to index
      %get3A_963 = arith.constant 0 : index
      %get3A_964 = tpu.vector_load %arg17[%get3A_962, %get3A_963] {strides = array<i32>} : memref<512x32xf32, #tpu.memory_space<vmem>>, vector<1x16xf32>,
      %get3A_965 = vector.shape_cast %get3A_964 : vector<1x16xf32> to vector<16xf32>
      %get3A_966 = arith.index_cast %add3A_953 : i32 to index
      %get3A_967 = arith.constant 16 : index
      %get3A_968 = tpu.vector_load %arg17[%get3A_966, %get3A_967] {strides = array<i32>} : memref<512x32xf32, #tpu.memory_space<vmem>>, vector<1x16xf32>,
      %get3A_969 = vector.shape_cast %get3A_968 : vector<1x16xf32> to vector<16xf32>
      %get3A_970 = arith.index_cast %add3A_953 : i32 to index
      %get3A_971 = arith.constant 0 : index
      %get3A_972 = tpu.vector_load %arg18[%get3A_970, %get3A_971] {strides = array<i32>} : memref<512x32xf32, #tpu.memory_space<vmem>>, vector<1x16xf32>,
      %get3A_973 = vector.shape_cast %get3A_972 : vector<1x16xf32> to vector<16xf32>
      %get3A_974 = arith.index_cast %add3A_953 : i32 to index
      %get3A_975 = arith.constant 16 : index
      %get3A_976 = tpu.vector_load %arg18[%get3A_974, %get3A_975] {strides = array<i32>} : memref<512x32xf32, #tpu.memory_space<vmem>>, vector<1x16xf32>,
      %get3A_977 = vector.shape_cast %get3A_976 : vector<1x16xf32> to vector<16xf32>
      %add3A_978 = arith.addf %get3A_957, %get3A_965 : vector<16xf32>
      %sub3A_979 = arith.subf %add3A_978, %get3A_973 : vector<16xf32>
      %add3A_980 = arith.addf %get3A_961, %get3A_969 : vector<16xf32>
      %sub3A_981 = arith.subf %add3A_980, %get3A_977 : vector<16xf32>
      %mul3A_982 = arith.mulf %sub3A_979, %sub3A_979 : vector<16xf32>
      %mul3A_983 = arith.mulf %sub3A_981, %sub3A_981 : vector<16xf32>
      %add3A_984 = arith.addf %mul3A_982, %mul3A_983 : vector<16xf32>
      %mul3A_985 = arith.constant 16 : i32
      %mul3A_986 = arith.muli %scan3A_881, %mul3A_985 : i32
      %add3A_987 = arith.constant 3 : i32
      %add3A_988 = arith.addi %mul3A_986, %add3A_987 : i32
      %get3A_989 = arith.index_cast %add3A_988 : i32 to index
      %get3A_990 = arith.constant 0 : index
      %get3A_991 = tpu.vector_load %arg16[%get3A_989, %get3A_990] {strides = array<i32>} : memref<512x32xf32, #tpu.memory_space<vmem>>, vector<1x16xf32>,
      %get3A_992 = vector.shape_cast %get3A_991 : vector<1x16xf32> to vector<16xf32>
      %get3A_993 = arith.index_cast %add3A_988 : i32 to index
      %get3A_994 = arith.constant 16 : index
      %get3A_995 = tpu.vector_load %arg16[%get3A_993, %get3A_994] {strides = array<i32>} : memref<512x32xf32, #tpu.memory_space<vmem>>, vector<1x16xf32>,
      %get3A_996 = vector.shape_cast %get3A_995 : vector<1x16xf32> to vector<16xf32>
      %get3A_997 = arith.index_cast %add3A_988 : i32 to index
      %get3A_998 = arith.constant 0 : index
      %get3A_999 = tpu.vector_load %arg17[%get3A_997, %get3A_998] {strides = array<i32>} : memref<512x32xf32, #tpu.memory_space<vmem>>, vector<1x16xf32>,
      %get3A_1000 = vector.shape_cast %get3A_999 : vector<1x16xf32> to vector<16xf32>
      %get3A_1001 = arith.index_cast %add3A_988 : i32 to index
      %get3A_1002 = arith.constant 16 : index
      %get3A_1003 = tpu.vector_load %arg17[%get3A_1001, %get3A_1002] {strides = array<i32>} : memref<512x32xf32, #tpu.memory_space<vmem>>, vector<1x16xf32>,
      %get3A_1004 = vector.shape_cast %get3A_1003 : vector<1x16xf32> to vector<16xf32>
      %get3A_1005 = arith.index_cast %add3A_988 : i32 to index
      %get3A_1006 = arith.constant 0 : index
      %get3A_1007 = tpu.vector_load %arg18[%get3A_1005, %get3A_1006] {strides = array<i32>} : memref<512x32xf32, #tpu.memory_space<vmem>>, vector<1x16xf32>,
      %get3A_1008 = vector.shape_cast %get3A_1007 : vector<1x16xf32> to vector<16xf32>
      %get3A_1009 = arith.index_cast %add3A_988 : i32 to index
      %get3A_1010 = arith.constant 16 : index
      %get3A_1011 = tpu.vector_load %arg18[%get3A_1009, %get3A_1010] {strides = array<i32>} : memref<512x32xf32, #tpu.memory_space<vmem>>, vector<1x16xf32>,
      %get3A_1012 = vector.shape_cast %get3A_1011 : vector<1x16xf32> to vector<16xf32>
      %add3A_1013 = arith.addf %get3A_992, %get3A_1000 : vector<16xf32>
      %sub3A_1014 = arith.subf %add3A_1013, %get3A_1008 : vector<16xf32>
      %add3A_1015 = arith.addf %get3A_996, %get3A_1004 : vector<16xf32>
      %sub3A_1016 = arith.subf %add3A_1015, %get3A_1012 : vector<16xf32>
      %mul3A_1017 = arith.mulf %sub3A_1014, %sub3A_1014 : vector<16xf32>
      %mul3A_1018 = arith.mulf %sub3A_1016, %sub3A_1016 : vector<16xf32>
      %add3A_1019 = arith.addf %mul3A_1017, %mul3A_1018 : vector<16xf32>
      %mul3A_1020 = arith.constant 16 : i32
      %mul3A_1021 = arith.muli %scan3A_881, %mul3A_1020 : i32
      %add3A_1022 = arith.constant 4 : i32
      %add3A_1023 = arith.addi %mul3A_1021, %add3A_1022 : i32
      %get3A_1024 = arith.index_cast %add3A_1023 : i32 to index
      %get3A_1025 = arith.constant 0 : index
      %get3A_1026 = tpu.vector_load %arg16[%get3A_1024, %get3A_1025] {strides = array<i32>} : memref<512x32xf32, #tpu.memory_space<vmem>>, vector<1x16xf32>,
      %get3A_1027 = vector.shape_cast %get3A_1026 : vector<1x16xf32> to vector<16xf32>
      %get3A_1028 = arith.index_cast %add3A_1023 : i32 to index
      %get3A_1029 = arith.constant 16 : index
      %get3A_1030 = tpu.vector_load %arg16[%get3A_1028, %get3A_1029] {strides = array<i32>} : memref<512x32xf32, #tpu.memory_space<vmem>>, vector<1x16xf32>,
      %get3A_1031 = vector.shape_cast %get3A_1030 : vector<1x16xf32> to vector<16xf32>
      %get3A_1032 = arith.index_cast %add3A_1023 : i32 to index
      %get3A_1033 = arith.constant 0 : index
      %get3A_1034 = tpu.vector_load %arg17[%get3A_1032, %get3A_1033] {strides = array<i32>} : memref<512x32xf32, #tpu.memory_space<vmem>>, vector<1x16xf32>,
      %get3A_1035 = vector.shape_cast %get3A_1034 : vector<1x16xf32> to vector<16xf32>
      %get3A_1036 = arith.index_cast %add3A_1023 : i32 to index
      %get3A_1037 = arith.constant 16 : index
      %get3A_1038 = tpu.vector_load %arg17[%get3A_1036, %get3A_1037] {strides = array<i32>} : memref<512x32xf32, #tpu.memory_space<vmem>>, vector<1x16xf32>,
      %get3A_1039 = vector.shape_cast %get3A_1038 : vector<1x16xf32> to vector<16xf32>
      %get3A_1040 = arith.index_cast %add3A_1023 : i32 to index
      %get3A_1041 = arith.constant 0 : index
      %get3A_1042 = tpu.vector_load %arg18[%get3A_1040, %get3A_1041] {strides = array<i32>} : memref<512x32xf32, #tpu.memory_space<vmem>>, vector<1x16xf32>,
      %get3A_1043 = vector.shape_cast %get3A_1042 : vector<1x16xf32> to vector<16xf32>
      %get3A_1044 = arith.index_cast %add3A_1023 : i32 to index
      %get3A_1045 = arith.constant 16 : index
      %get3A_1046 = tpu.vector_load %arg18[%get3A_1044, %get3A_1045] {strides = array<i32>} : memref<512x32xf32, #tpu.memory_space<vmem>>, vector<1x16xf32>,
      %get3A_1047 = vector.shape_cast %get3A_1046 : vector<1x16xf32> to vector<16xf32>
      %add3A_1048 = arith.addf %get3A_1027, %get3A_1035 : vector<16xf32>
      %sub3A_1049 = arith.subf %add3A_1048, %get3A_1043 : vector<16xf32>
      %add3A_1050 = arith.addf %get3A_1031, %get3A_1039 : vector<16xf32>
      %sub3A_1051 = arith.subf %add3A_1050, %get3A_1047 : vector<16xf32>
      %mul3A_1052 = arith.mulf %sub3A_1049, %sub3A_1049 : vector<16xf32>
      %mul3A_1053 = arith.mulf %sub3A_1051, %sub3A_1051 : vector<16xf32>
      %add3A_1054 = arith.addf %mul3A_1052, %mul3A_1053 : vector<16xf32>
      %mul3A_1055 = arith.constant 16 : i32
      %mul3A_1056 = arith.muli %scan3A_881, %mul3A_1055 : i32
      %add3A_1057 = arith.constant 5 : i32
      %add3A_1058 = arith.addi %mul3A_1056, %add3A_1057 : i32
      %get3A_1059 = arith.index_cast %add3A_1058 : i32 to index
      %get3A_1060 = arith.constant 0 : index
      %get3A_1061 = tpu.vector_load %arg16[%get3A_1059, %get3A_1060] {strides = array<i32>} : memref<512x32xf32, #tpu.memory_space<vmem>>, vector<1x16xf32>,
      %get3A_1062 = vector.shape_cast %get3A_1061 : vector<1x16xf32> to vector<16xf32>
      %get3A_1063 = arith.index_cast %add3A_1058 : i32 to index
      %get3A_1064 = arith.constant 16 : index
      %get3A_1065 = tpu.vector_load %arg16[%get3A_1063, %get3A_1064] {strides = array<i32>} : memref<512x32xf32, #tpu.memory_space<vmem>>, vector<1x16xf32>,
      %get3A_1066 = vector.shape_cast %get3A_1065 : vector<1x16xf32> to vector<16xf32>
      %get3A_1067 = arith.index_cast %add3A_1058 : i32 to index
      %get3A_1068 = arith.constant 0 : index
      %get3A_1069 = tpu.vector_load %arg17[%get3A_1067, %get3A_1068] {strides = array<i32>} : memref<512x32xf32, #tpu.memory_space<vmem>>, vector<1x16xf32>,
      %get3A_1070 = vector.shape_cast %get3A_1069 : vector<1x16xf32> to vector<16xf32>
      %get3A_1071 = arith.index_cast %add3A_1058 : i32 to index
      %get3A_1072 = arith.constant 16 : index
      %get3A_1073 = tpu.vector_load %arg17[%get3A_1071, %get3A_1072] {strides = array<i32>} : memref<512x32xf32, #tpu.memory_space<vmem>>, vector<1x16xf32>,
      %get3A_1074 = vector.shape_cast %get3A_1073 : vector<1x16xf32> to vector<16xf32>
      %get3A_1075 = arith.index_cast %add3A_1058 : i32 to index
      %get3A_1076 = arith.constant 0 : index
      %get3A_1077 = tpu.vector_load %arg18[%get3A_1075, %get3A_1076] {strides = array<i32>} : memref<512x32xf32, #tpu.memory_space<vmem>>, vector<1x16xf32>,
      %get3A_1078 = vector.shape_cast %get3A_1077 : vector<1x16xf32> to vector<16xf32>
      %get3A_1079 = arith.index_cast %add3A_1058 : i32 to index
      %get3A_1080 = arith.constant 16 : index
      %get3A_1081 = tpu.vector_load %arg18[%get3A_1079, %get3A_1080] {strides = array<i32>} : memref<512x32xf32, #tpu.memory_space<vmem>>, vector<1x16xf32>,
      %get3A_1082 = vector.shape_cast %get3A_1081 : vector<1x16xf32> to vector<16xf32>
      %add3A_1083 = arith.addf %get3A_1062, %get3A_1070 : vector<16xf32>
      %sub3A_1084 = arith.subf %add3A_1083, %get3A_1078 : vector<16xf32>
      %add3A_1085 = arith.addf %get3A_1066, %get3A_1074 : vector<16xf32>
      %sub3A_1086 = arith.subf %add3A_1085, %get3A_1082 : vector<16xf32>
      %mul3A_1087 = arith.mulf %sub3A_1084, %sub3A_1084 : vector<16xf32>
      %mul3A_1088 = arith.mulf %sub3A_1086, %sub3A_1086 : vector<16xf32>
      %add3A_1089 = arith.addf %mul3A_1087, %mul3A_1088 : vector<16xf32>
      %mul3A_1090 = arith.constant 16 : i32
      %mul3A_1091 = arith.muli %scan3A_881, %mul3A_1090 : i32
      %add3A_1092 = arith.constant 6 : i32
      %add3A_1093 = arith.addi %mul3A_1091, %add3A_1092 : i32
      %get3A_1094 = arith.index_cast %add3A_1093 : i32 to index
      %get3A_1095 = arith.constant 0 : index
      %get3A_1096 = tpu.vector_load %arg16[%get3A_1094, %get3A_1095] {strides = array<i32>} : memref<512x32xf32, #tpu.memory_space<vmem>>, vector<1x16xf32>,
      %get3A_1097 = vector.shape_cast %get3A_1096 : vector<1x16xf32> to vector<16xf32>
      %get3A_1098 = arith.index_cast %add3A_1093 : i32 to index
      %get3A_1099 = arith.constant 16 : index
      %get3A_1100 = tpu.vector_load %arg16[%get3A_1098, %get3A_1099] {strides = array<i32>} : memref<512x32xf32, #tpu.memory_space<vmem>>, vector<1x16xf32>,
      %get3A_1101 = vector.shape_cast %get3A_1100 : vector<1x16xf32> to vector<16xf32>
      %get3A_1102 = arith.index_cast %add3A_1093 : i32 to index
      %get3A_1103 = arith.constant 0 : index
      %get3A_1104 = tpu.vector_load %arg17[%get3A_1102, %get3A_1103] {strides = array<i32>} : memref<512x32xf32, #tpu.memory_space<vmem>>, vector<1x16xf32>,
      %get3A_1105 = vector.shape_cast %get3A_1104 : vector<1x16xf32> to vector<16xf32>
      %get3A_1106 = arith.index_cast %add3A_1093 : i32 to index
      %get3A_1107 = arith.constant 16 : index
      %get3A_1108 = tpu.vector_load %arg17[%get3A_1106, %get3A_1107] {strides = array<i32>} : memref<512x32xf32, #tpu.memory_space<vmem>>, vector<1x16xf32>,
      %get3A_1109 = vector.shape_cast %get3A_1108 : vector<1x16xf32> to vector<16xf32>
      %get3A_1110 = arith.index_cast %add3A_1093 : i32 to index
      %get3A_1111 = arith.constant 0 : index
      %get3A_1112 = tpu.vector_load %arg18[%get3A_1110, %get3A_1111] {strides = array<i32>} : memref<512x32xf32, #tpu.memory_space<vmem>>, vector<1x16xf32>,
      %get3A_1113 = vector.shape_cast %get3A_1112 : vector<1x16xf32> to vector<16xf32>
      %get3A_1114 = arith.index_cast %add3A_1093 : i32 to index
      %get3A_1115 = arith.constant 16 : index
      %get3A_1116 = tpu.vector_load %arg18[%get3A_1114, %get3A_1115] {strides = array<i32>} : memref<512x32xf32, #tpu.memory_space<vmem>>, vector<1x16xf32>,
      %get3A_1117 = vector.shape_cast %get3A_1116 : vector<1x16xf32> to vector<16xf32>
      %add3A_1118 = arith.addf %get3A_1097, %get3A_1105 : vector<16xf32>
      %sub3A_1119 = arith.subf %add3A_1118, %get3A_1113 : vector<16xf32>
      %add3A_1120 = arith.addf %get3A_1101, %get3A_1109 : vector<16xf32>
      %sub3A_1121 = arith.subf %add3A_1120, %get3A_1117 : vector<16xf32>
      %mul3A_1122 = arith.mulf %sub3A_1119, %sub3A_1119 : vector<16xf32>
      %mul3A_1123 = arith.mulf %sub3A_1121, %sub3A_1121 : vector<16xf32>
      %add3A_1124 = arith.addf %mul3A_1122, %mul3A_1123 : vector<16xf32>
      %mul3A_1125 = arith.constant 16 : i32
      %mul3A_1126 = arith.muli %scan3A_881, %mul3A_1125 : i32
      %add3A_1127 = arith.constant 7 : i32
      %add3A_1128 = arith.addi %mul3A_1126, %add3A_1127 : i32
      %get3A_1129 = arith.index_cast %add3A_1128 : i32 to index
      %get3A_1130 = arith.constant 0 : index
      %get3A_1131 = tpu.vector_load %arg16[%get3A_1129, %get3A_1130] {strides = array<i32>} : memref<512x32xf32, #tpu.memory_space<vmem>>, vector<1x16xf32>,
      %get3A_1132 = vector.shape_cast %get3A_1131 : vector<1x16xf32> to vector<16xf32>
      %get3A_1133 = arith.index_cast %add3A_1128 : i32 to index
      %get3A_1134 = arith.constant 16 : index
      %get3A_1135 = tpu.vector_load %arg16[%get3A_1133, %get3A_1134] {strides = array<i32>} : memref<512x32xf32, #tpu.memory_space<vmem>>, vector<1x16xf32>,
      %get3A_1136 = vector.shape_cast %get3A_1135 : vector<1x16xf32> to vector<16xf32>
      %get3A_1137 = arith.index_cast %add3A_1128 : i32 to index
      %get3A_1138 = arith.constant 0 : index
      %get3A_1139 = tpu.vector_load %arg17[%get3A_1137, %get3A_1138] {strides = array<i32>} : memref<512x32xf32, #tpu.memory_space<vmem>>, vector<1x16xf32>,
      %get3A_1140 = vector.shape_cast %get3A_1139 : vector<1x16xf32> to vector<16xf32>
      %get3A_1141 = arith.index_cast %add3A_1128 : i32 to index
      %get3A_1142 = arith.constant 16 : index
      %get3A_1143 = tpu.vector_load %arg17[%get3A_1141, %get3A_1142] {strides = array<i32>} : memref<512x32xf32, #tpu.memory_space<vmem>>, vector<1x16xf32>,
      %get3A_1144 = vector.shape_cast %get3A_1143 : vector<1x16xf32> to vector<16xf32>
      %get3A_1145 = arith.index_cast %add3A_1128 : i32 to index
      %get3A_1146 = arith.constant 0 : index
      %get3A_1147 = tpu.vector_load %arg18[%get3A_1145, %get3A_1146] {strides = array<i32>} : memref<512x32xf32, #tpu.memory_space<vmem>>, vector<1x16xf32>,
      %get3A_1148 = vector.shape_cast %get3A_1147 : vector<1x16xf32> to vector<16xf32>
      %get3A_1149 = arith.index_cast %add3A_1128 : i32 to index
      %get3A_1150 = arith.constant 16 : index
      %get3A_1151 = tpu.vector_load %arg18[%get3A_1149, %get3A_1150] {strides = array<i32>} : memref<512x32xf32, #tpu.memory_space<vmem>>, vector<1x16xf32>,
      %get3A_1152 = vector.shape_cast %get3A_1151 : vector<1x16xf32> to vector<16xf32>
      %add3A_1153 = arith.addf %get3A_1132, %get3A_1140 : vector<16xf32>
      %sub3A_1154 = arith.subf %add3A_1153, %get3A_1148 : vector<16xf32>
      %add3A_1155 = arith.addf %get3A_1136, %get3A_1144 : vector<16xf32>
      %sub3A_1156 = arith.subf %add3A_1155, %get3A_1152 : vector<16xf32>
      %mul3A_1157 = arith.mulf %sub3A_1154, %sub3A_1154 : vector<16xf32>
      %mul3A_1158 = arith.mulf %sub3A_1156, %sub3A_1156 : vector<16xf32>
      %add3A_1159 = arith.addf %mul3A_1157, %mul3A_1158 : vector<16xf32>
      %mul3A_1160 = arith.constant 16 : i32
      %mul3A_1161 = arith.muli %scan3A_881, %mul3A_1160 : i32
      %add3A_1162 = arith.constant 8 : i32
      %add3A_1163 = arith.addi %mul3A_1161, %add3A_1162 : i32
      %get3A_1164 = arith.index_cast %add3A_1163 : i32 to index
      %get3A_1165 = arith.constant 0 : index
      %get3A_1166 = tpu.vector_load %arg16[%get3A_1164, %get3A_1165] {strides = array<i32>} : memref<512x32xf32, #tpu.memory_space<vmem>>, vector<1x16xf32>,
      %get3A_1167 = vector.shape_cast %get3A_1166 : vector<1x16xf32> to vector<16xf32>
      %get3A_1168 = arith.index_cast %add3A_1163 : i32 to index
      %get3A_1169 = arith.constant 16 : index
      %get3A_1170 = tpu.vector_load %arg16[%get3A_1168, %get3A_1169] {strides = array<i32>} : memref<512x32xf32, #tpu.memory_space<vmem>>, vector<1x16xf32>,
      %get3A_1171 = vector.shape_cast %get3A_1170 : vector<1x16xf32> to vector<16xf32>
      %get3A_1172 = arith.index_cast %add3A_1163 : i32 to index
      %get3A_1173 = arith.constant 0 : index
      %get3A_1174 = tpu.vector_load %arg17[%get3A_1172, %get3A_1173] {strides = array<i32>} : memref<512x32xf32, #tpu.memory_space<vmem>>, vector<1x16xf32>,
      %get3A_1175 = vector.shape_cast %get3A_1174 : vector<1x16xf32> to vector<16xf32>
      %get3A_1176 = arith.index_cast %add3A_1163 : i32 to index
      %get3A_1177 = arith.constant 16 : index
      %get3A_1178 = tpu.vector_load %arg17[%get3A_1176, %get3A_1177] {strides = array<i32>} : memref<512x32xf32, #tpu.memory_space<vmem>>, vector<1x16xf32>,
      %get3A_1179 = vector.shape_cast %get3A_1178 : vector<1x16xf32> to vector<16xf32>
      %get3A_1180 = arith.index_cast %add3A_1163 : i32 to index
      %get3A_1181 = arith.constant 0 : index
      %get3A_1182 = tpu.vector_load %arg18[%get3A_1180, %get3A_1181] {strides = array<i32>} : memref<512x32xf32, #tpu.memory_space<vmem>>, vector<1x16xf32>,
      %get3A_1183 = vector.shape_cast %get3A_1182 : vector<1x16xf32> to vector<16xf32>
      %get3A_1184 = arith.index_cast %add3A_1163 : i32 to index
      %get3A_1185 = arith.constant 16 : index
      %get3A_1186 = tpu.vector_load %arg18[%get3A_1184, %get3A_1185] {strides = array<i32>} : memref<512x32xf32, #tpu.memory_space<vmem>>, vector<1x16xf32>,
      %get3A_1187 = vector.shape_cast %get3A_1186 : vector<1x16xf32> to vector<16xf32>
      %add3A_1188 = arith.addf %get3A_1167, %get3A_1175 : vector<16xf32>
      %sub3A_1189 = arith.subf %add3A_1188, %get3A_1183 : vector<16xf32>
      %add3A_1190 = arith.addf %get3A_1171, %get3A_1179 : vector<16xf32>
      %sub3A_1191 = arith.subf %add3A_1190, %get3A_1187 : vector<16xf32>
      %mul3A_1192 = arith.mulf %sub3A_1189, %sub3A_1189 : vector<16xf32>
      %mul3A_1193 = arith.mulf %sub3A_1191, %sub3A_1191 : vector<16xf32>
      %add3A_1194 = arith.addf %mul3A_1192, %mul3A_1193 : vector<16xf32>
      %mul3A_1195 = arith.constant 16 : i32
      %mul3A_1196 = arith.muli %scan3A_881, %mul3A_1195 : i32
      %add3A_1197 = arith.constant 9 : i32
      %add3A_1198 = arith.addi %mul3A_1196, %add3A_1197 : i32
      %get3A_1199 = arith.index_cast %add3A_1198 : i32 to index
      %get3A_1200 = arith.constant 0 : index
      %get3A_1201 = tpu.vector_load %arg16[%get3A_1199, %get3A_1200] {strides = array<i32>} : memref<512x32xf32, #tpu.memory_space<vmem>>, vector<1x16xf32>,
      %get3A_1202 = vector.shape_cast %get3A_1201 : vector<1x16xf32> to vector<16xf32>
      %get3A_1203 = arith.index_cast %add3A_1198 : i32 to index
      %get3A_1204 = arith.constant 16 : index
      %get3A_1205 = tpu.vector_load %arg16[%get3A_1203, %get3A_1204] {strides = array<i32>} : memref<512x32xf32, #tpu.memory_space<vmem>>, vector<1x16xf32>,
      %get3A_1206 = vector.shape_cast %get3A_1205 : vector<1x16xf32> to vector<16xf32>
      %get3A_1207 = arith.index_cast %add3A_1198 : i32 to index
      %get3A_1208 = arith.constant 0 : index
      %get3A_1209 = tpu.vector_load %arg17[%get3A_1207, %get3A_1208] {strides = array<i32>} : memref<512x32xf32, #tpu.memory_space<vmem>>, vector<1x16xf32>,
      %get3A_1210 = vector.shape_cast %get3A_1209 : vector<1x16xf32> to vector<16xf32>
      %get3A_1211 = arith.index_cast %add3A_1198 : i32 to index
      %get3A_1212 = arith.constant 16 : index
      %get3A_1213 = tpu.vector_load %arg17[%get3A_1211, %get3A_1212] {strides = array<i32>} : memref<512x32xf32, #tpu.memory_space<vmem>>, vector<1x16xf32>,
      %get3A_1214 = vector.shape_cast %get3A_1213 : vector<1x16xf32> to vector<16xf32>
      %get3A_1215 = arith.index_cast %add3A_1198 : i32 to index
      %get3A_1216 = arith.constant 0 : index
      %get3A_1217 = tpu.vector_load %arg18[%get3A_1215, %get3A_1216] {strides = array<i32>} : memref<512x32xf32, #tpu.memory_space<vmem>>, vector<1x16xf32>,
      %get3A_1218 = vector.shape_cast %get3A_1217 : vector<1x16xf32> to vector<16xf32>
      %get3A_1219 = arith.index_cast %add3A_1198 : i32 to index
      %get3A_1220 = arith.constant 16 : index
      %get3A_1221 = tpu.vector_load %arg18[%get3A_1219, %get3A_1220] {strides = array<i32>} : memref<512x32xf32, #tpu.memory_space<vmem>>, vector<1x16xf32>,
      %get3A_1222 = vector.shape_cast %get3A_1221 : vector<1x16xf32> to vector<16xf32>
      %add3A_1223 = arith.addf %get3A_1202, %get3A_1210 : vector<16xf32>
      %sub3A_1224 = arith.subf %add3A_1223, %get3A_1218 : vector<16xf32>
      %add3A_1225 = arith.addf %get3A_1206, %get3A_1214 : vector<16xf32>
      %sub3A_1226 = arith.subf %add3A_1225, %get3A_1222 : vector<16xf32>
      %mul3A_1227 = arith.mulf %sub3A_1224, %sub3A_1224 : vector<16xf32>
      %mul3A_1228 = arith.mulf %sub3A_1226, %sub3A_1226 : vector<16xf32>
      %add3A_1229 = arith.addf %mul3A_1227, %mul3A_1228 : vector<16xf32>
      %mul3A_1230 = arith.constant 16 : i32
      %mul3A_1231 = arith.muli %scan3A_881, %mul3A_1230 : i32
      %add3A_1232 = arith.constant 10 : i32
      %add3A_1233 = arith.addi %mul3A_1231, %add3A_1232 : i32
      %get3A_1234 = arith.index_cast %add3A_1233 : i32 to index
      %get3A_1235 = arith.constant 0 : index
      %get3A_1236 = tpu.vector_load %arg16[%get3A_1234, %get3A_1235] {strides = array<i32>} : memref<512x32xf32, #tpu.memory_space<vmem>>, vector<1x16xf32>,
      %get3A_1237 = vector.shape_cast %get3A_1236 : vector<1x16xf32> to vector<16xf32>
      %get3A_1238 = arith.index_cast %add3A_1233 : i32 to index
      %get3A_1239 = arith.constant 16 : index
      %get3A_1240 = tpu.vector_load %arg16[%get3A_1238, %get3A_1239] {strides = array<i32>} : memref<512x32xf32, #tpu.memory_space<vmem>>, vector<1x16xf32>,
      %get3A_1241 = vector.shape_cast %get3A_1240 : vector<1x16xf32> to vector<16xf32>
      %get3A_1242 = arith.index_cast %add3A_1233 : i32 to index
      %get3A_1243 = arith.constant 0 : index
      %get3A_1244 = tpu.vector_load %arg17[%get3A_1242, %get3A_1243] {strides = array<i32>} : memref<512x32xf32, #tpu.memory_space<vmem>>, vector<1x16xf32>,
      %get3A_1245 = vector.shape_cast %get3A_1244 : vector<1x16xf32> to vector<16xf32>
      %get3A_1246 = arith.index_cast %add3A_1233 : i32 to index
      %get3A_1247 = arith.constant 16 : index
      %get3A_1248 = tpu.vector_load %arg17[%get3A_1246, %get3A_1247] {strides = array<i32>} : memref<512x32xf32, #tpu.memory_space<vmem>>, vector<1x16xf32>,
      %get3A_1249 = vector.shape_cast %get3A_1248 : vector<1x16xf32> to vector<16xf32>
      %get3A_1250 = arith.index_cast %add3A_1233 : i32 to index
      %get3A_1251 = arith.constant 0 : index
      %get3A_1252 = tpu.vector_load %arg18[%get3A_1250, %get3A_1251] {strides = array<i32>} : memref<512x32xf32, #tpu.memory_space<vmem>>, vector<1x16xf32>,
      %get3A_1253 = vector.shape_cast %get3A_1252 : vector<1x16xf32> to vector<16xf32>
      %get3A_1254 = arith.index_cast %add3A_1233 : i32 to index
      %get3A_1255 = arith.constant 16 : index
      %get3A_1256 = tpu.vector_load %arg18[%get3A_1254, %get3A_1255] {strides = array<i32>} : memref<512x32xf32, #tpu.memory_space<vmem>>, vector<1x16xf32>,
      %get3A_1257 = vector.shape_cast %get3A_1256 : vector<1x16xf32> to vector<16xf32>
      %add3A_1258 = arith.addf %get3A_1237, %get3A_1245 : vector<16xf32>
      %sub3A_1259 = arith.subf %add3A_1258, %get3A_1253 : vector<16xf32>
      %add3A_1260 = arith.addf %get3A_1241, %get3A_1249 : vector<16xf32>
      %sub3A_1261 = arith.subf %add3A_1260, %get3A_1257 : vector<16xf32>
      %mul3A_1262 = arith.mulf %sub3A_1259, %sub3A_1259 : vector<16xf32>
      %mul3A_1263 = arith.mulf %sub3A_1261, %sub3A_1261 : vector<16xf32>
      %add3A_1264 = arith.addf %mul3A_1262, %mul3A_1263 : vector<16xf32>
      %mul3A_1265 = arith.constant 16 : i32
      %mul3A_1266 = arith.muli %scan3A_881, %mul3A_1265 : i32
      %add3A_1267 = arith.constant 11 : i32
      %add3A_1268 = arith.addi %mul3A_1266, %add3A_1267 : i32
      %get3A_1269 = arith.index_cast %add3A_1268 : i32 to index
      %get3A_1270 = arith.constant 0 : index
      %get3A_1271 = tpu.vector_load %arg16[%get3A_1269, %get3A_1270] {strides = array<i32>} : memref<512x32xf32, #tpu.memory_space<vmem>>, vector<1x16xf32>,
      %get3A_1272 = vector.shape_cast %get3A_1271 : vector<1x16xf32> to vector<16xf32>
      %get3A_1273 = arith.index_cast %add3A_1268 : i32 to index
      %get3A_1274 = arith.constant 16 : index
      %get3A_1275 = tpu.vector_load %arg16[%get3A_1273, %get3A_1274] {strides = array<i32>} : memref<512x32xf32, #tpu.memory_space<vmem>>, vector<1x16xf32>,
      %get3A_1276 = vector.shape_cast %get3A_1275 : vector<1x16xf32> to vector<16xf32>
      %get3A_1277 = arith.index_cast %add3A_1268 : i32 to index
      %get3A_1278 = arith.constant 0 : index
      %get3A_1279 = tpu.vector_load %arg17[%get3A_1277, %get3A_1278] {strides = array<i32>} : memref<512x32xf32, #tpu.memory_space<vmem>>, vector<1x16xf32>,
      %get3A_1280 = vector.shape_cast %get3A_1279 : vector<1x16xf32> to vector<16xf32>
      %get3A_1281 = arith.index_cast %add3A_1268 : i32 to index
      %get3A_1282 = arith.constant 16 : index
      %get3A_1283 = tpu.vector_load %arg17[%get3A_1281, %get3A_1282] {strides = array<i32>} : memref<512x32xf32, #tpu.memory_space<vmem>>, vector<1x16xf32>,
      %get3A_1284 = vector.shape_cast %get3A_1283 : vector<1x16xf32> to vector<16xf32>
      %get3A_1285 = arith.index_cast %add3A_1268 : i32 to index
      %get3A_1286 = arith.constant 0 : index
      %get3A_1287 = tpu.vector_load %arg18[%get3A_1285, %get3A_1286] {strides = array<i32>} : memref<512x32xf32, #tpu.memory_space<vmem>>, vector<1x16xf32>,
      %get3A_1288 = vector.shape_cast %get3A_1287 : vector<1x16xf32> to vector<16xf32>
      %get3A_1289 = arith.index_cast %add3A_1268 : i32 to index
      %get3A_1290 = arith.constant 16 : index
      %get3A_1291 = tpu.vector_load %arg18[%get3A_1289, %get3A_1290] {strides = array<i32>} : memref<512x32xf32, #tpu.memory_space<vmem>>, vector<1x16xf32>,
      %get3A_1292 = vector.shape_cast %get3A_1291 : vector<1x16xf32> to vector<16xf32>
      %add3A_1293 = arith.addf %get3A_1272, %get3A_1280 : vector<16xf32>
      %sub3A_1294 = arith.subf %add3A_1293, %get3A_1288 : vector<16xf32>
      %add3A_1295 = arith.addf %get3A_1276, %get3A_1284 : vector<16xf32>
      %sub3A_1296 = arith.subf %add3A_1295, %get3A_1292 : vector<16xf32>
      %mul3A_1297 = arith.mulf %sub3A_1294, %sub3A_1294 : vector<16xf32>
      %mul3A_1298 = arith.mulf %sub3A_1296, %sub3A_1296 : vector<16xf32>
      %add3A_1299 = arith.addf %mul3A_1297, %mul3A_1298 : vector<16xf32>
      %mul3A_1300 = arith.constant 16 : i32
      %mul3A_1301 = arith.muli %scan3A_881, %mul3A_1300 : i32
      %add3A_1302 = arith.constant 12 : i32
      %add3A_1303 = arith.addi %mul3A_1301, %add3A_1302 : i32
      %get3A_1304 = arith.index_cast %add3A_1303 : i32 to index
      %get3A_1305 = arith.constant 0 : index
      %get3A_1306 = tpu.vector_load %arg16[%get3A_1304, %get3A_1305] {strides = array<i32>} : memref<512x32xf32, #tpu.memory_space<vmem>>, vector<1x16xf32>,
      %get3A_1307 = vector.shape_cast %get3A_1306 : vector<1x16xf32> to vector<16xf32>
      %get3A_1308 = arith.index_cast %add3A_1303 : i32 to index
      %get3A_1309 = arith.constant 16 : index
      %get3A_1310 = tpu.vector_load %arg16[%get3A_1308, %get3A_1309] {strides = array<i32>} : memref<512x32xf32, #tpu.memory_space<vmem>>, vector<1x16xf32>,
      %get3A_1311 = vector.shape_cast %get3A_1310 : vector<1x16xf32> to vector<16xf32>
      %get3A_1312 = arith.index_cast %add3A_1303 : i32 to index
      %get3A_1313 = arith.constant 0 : index
      %get3A_1314 = tpu.vector_load %arg17[%get3A_1312, %get3A_1313] {strides = array<i32>} : memref<512x32xf32, #tpu.memory_space<vmem>>, vector<1x16xf32>,
      %get3A_1315 = vector.shape_cast %get3A_1314 : vector<1x16xf32> to vector<16xf32>
      %get3A_1316 = arith.index_cast %add3A_1303 : i32 to index
      %get3A_1317 = arith.constant 16 : index
      %get3A_1318 = tpu.vector_load %arg17[%get3A_1316, %get3A_1317] {strides = array<i32>} : memref<512x32xf32, #tpu.memory_space<vmem>>, vector<1x16xf32>,
      %get3A_1319 = vector.shape_cast %get3A_1318 : vector<1x16xf32> to vector<16xf32>
      %get3A_1320 = arith.index_cast %add3A_1303 : i32 to index
      %get3A_1321 = arith.constant 0 : index
      %get3A_1322 = tpu.vector_load %arg18[%get3A_1320, %get3A_1321] {strides = array<i32>} : memref<512x32xf32, #tpu.memory_space<vmem>>, vector<1x16xf32>,
      %get3A_1323 = vector.shape_cast %get3A_1322 : vector<1x16xf32> to vector<16xf32>
      %get3A_1324 = arith.index_cast %add3A_1303 : i32 to index
      %get3A_1325 = arith.constant 16 : index
      %get3A_1326 = tpu.vector_load %arg18[%get3A_1324, %get3A_1325] {strides = array<i32>} : memref<512x32xf32, #tpu.memory_space<vmem>>, vector<1x16xf32>,
      %get3A_1327 = vector.shape_cast %get3A_1326 : vector<1x16xf32> to vector<16xf32>
      %add3A_1328 = arith.addf %get3A_1307, %get3A_1315 : vector<16xf32>
      %sub3A_1329 = arith.subf %add3A_1328, %get3A_1323 : vector<16xf32>
      %add3A_1330 = arith.addf %get3A_1311, %get3A_1319 : vector<16xf32>
      %sub3A_1331 = arith.subf %add3A_1330, %get3A_1327 : vector<16xf32>
      %mul3A_1332 = arith.mulf %sub3A_1329, %sub3A_1329 : vector<16xf32>
      %mul3A_1333 = arith.mulf %sub3A_1331, %sub3A_1331 : vector<16xf32>
      %add3A_1334 = arith.addf %mul3A_1332, %mul3A_1333 : vector<16xf32>
      %mul3A_1335 = arith.constant 16 : i32
      %mul3A_1336 = arith.muli %scan3A_881, %mul3A_1335 : i32
      %add3A_1337 = arith.constant 13 : i32
      %add3A_1338 = arith.addi %mul3A_1336, %add3A_1337 : i32
      %get3A_1339 = arith.index_cast %add3A_1338 : i32 to index
      %get3A_1340 = arith.constant 0 : index
      %get3A_1341 = tpu.vector_load %arg16[%get3A_1339, %get3A_1340] {strides = array<i32>} : memref<512x32xf32, #tpu.memory_space<vmem>>, vector<1x16xf32>,
      %get3A_1342 = vector.shape_cast %get3A_1341 : vector<1x16xf32> to vector<16xf32>
      %get3A_1343 = arith.index_cast %add3A_1338 : i32 to index
      %get3A_1344 = arith.constant 16 : index
      %get3A_1345 = tpu.vector_load %arg16[%get3A_1343, %get3A_1344] {strides = array<i32>} : memref<512x32xf32, #tpu.memory_space<vmem>>, vector<1x16xf32>,
      %get3A_1346 = vector.shape_cast %get3A_1345 : vector<1x16xf32> to vector<16xf32>
      %get3A_1347 = arith.index_cast %add3A_1338 : i32 to index
      %get3A_1348 = arith.constant 0 : index
      %get3A_1349 = tpu.vector_load %arg17[%get3A_1347, %get3A_1348] {strides = array<i32>} : memref<512x32xf32, #tpu.memory_space<vmem>>, vector<1x16xf32>,
      %get3A_1350 = vector.shape_cast %get3A_1349 : vector<1x16xf32> to vector<16xf32>
      %get3A_1351 = arith.index_cast %add3A_1338 : i32 to index
      %get3A_1352 = arith.constant 16 : index
      %get3A_1353 = tpu.vector_load %arg17[%get3A_1351, %get3A_1352] {strides = array<i32>} : memref<512x32xf32, #tpu.memory_space<vmem>>, vector<1x16xf32>,
      %get3A_1354 = vector.shape_cast %get3A_1353 : vector<1x16xf32> to vector<16xf32>
      %get3A_1355 = arith.index_cast %add3A_1338 : i32 to index
      %get3A_1356 = arith.constant 0 : index
      %get3A_1357 = tpu.vector_load %arg18[%get3A_1355, %get3A_1356] {strides = array<i32>} : memref<512x32xf32, #tpu.memory_space<vmem>>, vector<1x16xf32>,
      %get3A_1358 = vector.shape_cast %get3A_1357 : vector<1x16xf32> to vector<16xf32>
      %get3A_1359 = arith.index_cast %add3A_1338 : i32 to index
      %get3A_1360 = arith.constant 16 : index
      %get3A_1361 = tpu.vector_load %arg18[%get3A_1359, %get3A_1360] {strides = array<i32>} : memref<512x32xf32, #tpu.memory_space<vmem>>, vector<1x16xf32>,
      %get3A_1362 = vector.shape_cast %get3A_1361 : vector<1x16xf32> to vector<16xf32>
      %add3A_1363 = arith.addf %get3A_1342, %get3A_1350 : vector<16xf32>
      %sub3A_1364 = arith.subf %add3A_1363, %get3A_1358 : vector<16xf32>
      %add3A_1365 = arith.addf %get3A_1346, %get3A_1354 : vector<16xf32>
      %sub3A_1366 = arith.subf %add3A_1365, %get3A_1362 : vector<16xf32>
      %mul3A_1367 = arith.mulf %sub3A_1364, %sub3A_1364 : vector<16xf32>
      %mul3A_1368 = arith.mulf %sub3A_1366, %sub3A_1366 : vector<16xf32>
      %add3A_1369 = arith.addf %mul3A_1367, %mul3A_1368 : vector<16xf32>
      %mul3A_1370 = arith.constant 16 : i32
      %mul3A_1371 = arith.muli %scan3A_881, %mul3A_1370 : i32
      %add3A_1372 = arith.constant 14 : i32
      %add3A_1373 = arith.addi %mul3A_1371, %add3A_1372 : i32
      %get3A_1374 = arith.index_cast %add3A_1373 : i32 to index
      %get3A_1375 = arith.constant 0 : index
      %get3A_1376 = tpu.vector_load %arg16[%get3A_1374, %get3A_1375] {strides = array<i32>} : memref<512x32xf32, #tpu.memory_space<vmem>>, vector<1x16xf32>,
      %get3A_1377 = vector.shape_cast %get3A_1376 : vector<1x16xf32> to vector<16xf32>
      %get3A_1378 = arith.index_cast %add3A_1373 : i32 to index
      %get3A_1379 = arith.constant 16 : index
      %get3A_1380 = tpu.vector_load %arg16[%get3A_1378, %get3A_1379] {strides = array<i32>} : memref<512x32xf32, #tpu.memory_space<vmem>>, vector<1x16xf32>,
      %get3A_1381 = vector.shape_cast %get3A_1380 : vector<1x16xf32> to vector<16xf32>
      %get3A_1382 = arith.index_cast %add3A_1373 : i32 to index
      %get3A_1383 = arith.constant 0 : index
      %get3A_1384 = tpu.vector_load %arg17[%get3A_1382, %get3A_1383] {strides = array<i32>} : memref<512x32xf32, #tpu.memory_space<vmem>>, vector<1x16xf32>,
      %get3A_1385 = vector.shape_cast %get3A_1384 : vector<1x16xf32> to vector<16xf32>
      %get3A_1386 = arith.index_cast %add3A_1373 : i32 to index
      %get3A_1387 = arith.constant 16 : index
      %get3A_1388 = tpu.vector_load %arg17[%get3A_1386, %get3A_1387] {strides = array<i32>} : memref<512x32xf32, #tpu.memory_space<vmem>>, vector<1x16xf32>,
      %get3A_1389 = vector.shape_cast %get3A_1388 : vector<1x16xf32> to vector<16xf32>
      %get3A_1390 = arith.index_cast %add3A_1373 : i32 to index
      %get3A_1391 = arith.constant 0 : index
      %get3A_1392 = tpu.vector_load %arg18[%get3A_1390, %get3A_1391] {strides = array<i32>} : memref<512x32xf32, #tpu.memory_space<vmem>>, vector<1x16xf32>,
      %get3A_1393 = vector.shape_cast %get3A_1392 : vector<1x16xf32> to vector<16xf32>
      %get3A_1394 = arith.index_cast %add3A_1373 : i32 to index
      %get3A_1395 = arith.constant 16 : index
      %get3A_1396 = tpu.vector_load %arg18[%get3A_1394, %get3A_1395] {strides = array<i32>} : memref<512x32xf32, #tpu.memory_space<vmem>>, vector<1x16xf32>,
      %get3A_1397 = vector.shape_cast %get3A_1396 : vector<1x16xf32> to vector<16xf32>
      %add3A_1398 = arith.addf %get3A_1377, %get3A_1385 : vector<16xf32>
      %sub3A_1399 = arith.subf %add3A_1398, %get3A_1393 : vector<16xf32>
      %add3A_1400 = arith.addf %get3A_1381, %get3A_1389 : vector<16xf32>
      %sub3A_1401 = arith.subf %add3A_1400, %get3A_1397 : vector<16xf32>
      %mul3A_1402 = arith.mulf %sub3A_1399, %sub3A_1399 : vector<16xf32>
      %mul3A_1403 = arith.mulf %sub3A_1401, %sub3A_1401 : vector<16xf32>
      %add3A_1404 = arith.addf %mul3A_1402, %mul3A_1403 : vector<16xf32>
      %mul3A_1405 = arith.constant 16 : i32
      %mul3A_1406 = arith.muli %scan3A_881, %mul3A_1405 : i32
      %add3A_1407 = arith.constant 15 : i32
      %add3A_1408 = arith.addi %mul3A_1406, %add3A_1407 : i32
      %get3A_1409 = arith.index_cast %add3A_1408 : i32 to index
      %get3A_1410 = arith.constant 0 : index
      %get3A_1411 = tpu.vector_load %arg16[%get3A_1409, %get3A_1410] {strides = array<i32>} : memref<512x32xf32, #tpu.memory_space<vmem>>, vector<1x16xf32>,
      %get3A_1412 = vector.shape_cast %get3A_1411 : vector<1x16xf32> to vector<16xf32>
      %get3A_1413 = arith.index_cast %add3A_1408 : i32 to index
      %get3A_1414 = arith.constant 16 : index
      %get3A_1415 = tpu.vector_load %arg16[%get3A_1413, %get3A_1414] {strides = array<i32>} : memref<512x32xf32, #tpu.memory_space<vmem>>, vector<1x16xf32>,
      %get3A_1416 = vector.shape_cast %get3A_1415 : vector<1x16xf32> to vector<16xf32>
      %get3A_1417 = arith.index_cast %add3A_1408 : i32 to index
      %get3A_1418 = arith.constant 0 : index
      %get3A_1419 = tpu.vector_load %arg17[%get3A_1417, %get3A_1418] {strides = array<i32>} : memref<512x32xf32, #tpu.memory_space<vmem>>, vector<1x16xf32>,
      %get3A_1420 = vector.shape_cast %get3A_1419 : vector<1x16xf32> to vector<16xf32>
      %get3A_1421 = arith.index_cast %add3A_1408 : i32 to index
      %get3A_1422 = arith.constant 16 : index
      %get3A_1423 = tpu.vector_load %arg17[%get3A_1421, %get3A_1422] {strides = array<i32>} : memref<512x32xf32, #tpu.memory_space<vmem>>, vector<1x16xf32>,
      %get3A_1424 = vector.shape_cast %get3A_1423 : vector<1x16xf32> to vector<16xf32>
      %get3A_1425 = arith.index_cast %add3A_1408 : i32 to index
      %get3A_1426 = arith.constant 0 : index
      %get3A_1427 = tpu.vector_load %arg18[%get3A_1425, %get3A_1426] {strides = array<i32>} : memref<512x32xf32, #tpu.memory_space<vmem>>, vector<1x16xf32>,
      %get3A_1428 = vector.shape_cast %get3A_1427 : vector<1x16xf32> to vector<16xf32>
      %get3A_1429 = arith.index_cast %add3A_1408 : i32 to index
      %get3A_1430 = arith.constant 16 : index
      %get3A_1431 = tpu.vector_load %arg18[%get3A_1429, %get3A_1430] {strides = array<i32>} : memref<512x32xf32, #tpu.memory_space<vmem>>, vector<1x16xf32>,
      %get3A_1432 = vector.shape_cast %get3A_1431 : vector<1x16xf32> to vector<16xf32>
      %add3A_1433 = arith.addf %get3A_1412, %get3A_1420 : vector<16xf32>
      %sub3A_1434 = arith.subf %add3A_1433, %get3A_1428 : vector<16xf32>
      %add3A_1435 = arith.addf %get3A_1416, %get3A_1424 : vector<16xf32>
      %sub3A_1436 = arith.subf %add3A_1435, %get3A_1432 : vector<16xf32>
      %mul3A_1437 = arith.mulf %sub3A_1434, %sub3A_1434 : vector<16xf32>
      %mul3A_1438 = arith.mulf %sub3A_1436, %sub3A_1436 : vector<16xf32>
      %add3A_1439 = arith.addf %mul3A_1437, %mul3A_1438 : vector<16xf32>
      %select_n3A_1440 = arith.select %eq3A_267, %add3A_914, %add3A_949 : vector<16xi1>, vector<16xf32>
      %select_n3A_1441 = arith.select %eq3A_267, %add3A_949, %add3A_914 : vector<16xi1>, vector<16xf32>
      %broadcast_in_dim3A = vector.shape_cast %xor3A_353 : vector<16xi32> to vector<16x1xi32>
      %gather3A = vector.shape_cast %broadcast_in_dim3A : vector<16x1xi32> to vector<16xi32>
      %gather3A_1442 = tpu.dynamic_gather %select_n3A_1441[%gather3A] in [0] : vector<16xf32>, vector<16xi32> -> vector<16xf32>
      %add3A_1443 = arith.addf %select_n3A_1440, %gather3A_1442 : vector<16xf32>
      %select_n3A_1444 = arith.select %eq3A_267, %add3A_984, %add3A_1019 : vector<16xi1>, vector<16xf32>
      %select_n3A_1445 = arith.select %eq3A_267, %add3A_1019, %add3A_984 : vector<16xi1>, vector<16xf32>
      %broadcast_in_dim3A_1446 = vector.shape_cast %xor3A_353 : vector<16xi32> to vector<16x1xi32>
      %gather3A_1447 = vector.shape_cast %broadcast_in_dim3A_1446 : vector<16x1xi32> to vector<16xi32>
      %gather3A_1448 = tpu.dynamic_gather %select_n3A_1445[%gather3A_1447] in [0] : vector<16xf32>, vector<16xi32> -> vector<16xf32>
      %add3A_1449 = arith.addf %select_n3A_1444, %gather3A_1448 : vector<16xf32>
      %select_n3A_1450 = arith.select %eq3A_267, %add3A_1054, %add3A_1089 : vector<16xi1>, vector<16xf32>
      %select_n3A_1451 = arith.select %eq3A_267, %add3A_1089, %add3A_1054 : vector<16xi1>, vector<16xf32>
      %broadcast_in_dim3A_1452 = vector.shape_cast %xor3A_353 : vector<16xi32> to vector<16x1xi32>
      %gather3A_1453 = vector.shape_cast %broadcast_in_dim3A_1452 : vector<16x1xi32> to vector<16xi32>
      %gather3A_1454 = tpu.dynamic_gather %select_n3A_1451[%gather3A_1453] in [0] : vector<16xf32>, vector<16xi32> -> vector<16xf32>
      %add3A_1455 = arith.addf %select_n3A_1450, %gather3A_1454 : vector<16xf32>
      %select_n3A_1456 = arith.select %eq3A_267, %add3A_1124, %add3A_1159 : vector<16xi1>, vector<16xf32>
      %select_n3A_1457 = arith.select %eq3A_267, %add3A_1159, %add3A_1124 : vector<16xi1>, vector<16xf32>
      %broadcast_in_dim3A_1458 = vector.shape_cast %xor3A_353 : vector<16xi32> to vector<16x1xi32>
      %gather3A_1459 = vector.shape_cast %broadcast_in_dim3A_1458 : vector<16x1xi32> to vector<16xi32>
      %gather3A_1460 = tpu.dynamic_gather %select_n3A_1457[%gather3A_1459] in [0] : vector<16xf32>, vector<16xi32> -> vector<16xf32>
      %add3A_1461 = arith.addf %select_n3A_1456, %gather3A_1460 : vector<16xf32>
      %select_n3A_1462 = arith.select %eq3A_267, %add3A_1194, %add3A_1229 : vector<16xi1>, vector<16xf32>
      %select_n3A_1463 = arith.select %eq3A_267, %add3A_1229, %add3A_1194 : vector<16xi1>, vector<16xf32>
      %broadcast_in_dim3A_1464 = vector.shape_cast %xor3A_353 : vector<16xi32> to vector<16x1xi32>
      %gather3A_1465 = vector.shape_cast %broadcast_in_dim3A_1464 : vector<16x1xi32> to vector<16xi32>
      %gather3A_1466 = tpu.dynamic_gather %select_n3A_1463[%gather3A_1465] in [0] : vector<16xf32>, vector<16xi32> -> vector<16xf32>
      %add3A_1467 = arith.addf %select_n3A_1462, %gather3A_1466 : vector<16xf32>
      %select_n3A_1468 = arith.select %eq3A_267, %add3A_1264, %add3A_1299 : vector<16xi1>, vector<16xf32>
      %select_n3A_1469 = arith.select %eq3A_267, %add3A_1299, %add3A_1264 : vector<16xi1>, vector<16xf32>
      %broadcast_in_dim3A_1470 = vector.shape_cast %xor3A_353 : vector<16xi32> to vector<16x1xi32>
      %gather3A_1471 = vector.shape_cast %broadcast_in_dim3A_1470 : vector<16x1xi32> to vector<16xi32>
      %gather3A_1472 = tpu.dynamic_gather %select_n3A_1469[%gather3A_1471] in [0] : vector<16xf32>, vector<16xi32> -> vector<16xf32>
      %add3A_1473 = arith.addf %select_n3A_1468, %gather3A_1472 : vector<16xf32>
      %select_n3A_1474 = arith.select %eq3A_267, %add3A_1334, %add3A_1369 : vector<16xi1>, vector<16xf32>
      %select_n3A_1475 = arith.select %eq3A_267, %add3A_1369, %add3A_1334 : vector<16xi1>, vector<16xf32>
      %broadcast_in_dim3A_1476 = vector.shape_cast %xor3A_353 : vector<16xi32> to vector<16x1xi32>
      %gather3A_1477 = vector.shape_cast %broadcast_in_dim3A_1476 : vector<16x1xi32> to vector<16xi32>
      %gather3A_1478 = tpu.dynamic_gather %select_n3A_1475[%gather3A_1477] in [0] : vector<16xf32>, vector<16xi32> -> vector<16xf32>
      %add3A_1479 = arith.addf %select_n3A_1474, %gather3A_1478 : vector<16xf32>
      %select_n3A_1480 = arith.select %eq3A_267, %add3A_1404, %add3A_1439 : vector<16xi1>, vector<16xf32>
      %select_n3A_1481 = arith.select %eq3A_267, %add3A_1439, %add3A_1404 : vector<16xi1>, vector<16xf32>
      %broadcast_in_dim3A_1482 = vector.shape_cast %xor3A_353 : vector<16xi32> to vector<16x1xi32>
      %gather3A_1483 = vector.shape_cast %broadcast_in_dim3A_1482 : vector<16x1xi32> to vector<16xi32>
      %gather3A_1484 = tpu.dynamic_gather %select_n3A_1481[%gather3A_1483] in [0] : vector<16xf32>, vector<16xi32> -> vector<16xf32>
      %add3A_1485 = arith.addf %select_n3A_1480, %gather3A_1484 : vector<16xf32>
      %select_n3A_1486 = arith.select %eq3A_295, %add3A_1443, %add3A_1449 : vector<16xi1>, vector<16xf32>
      %select_n3A_1487 = arith.select %eq3A_295, %add3A_1449, %add3A_1443 : vector<16xi1>, vector<16xf32>
      %broadcast_in_dim3A_1488 = vector.shape_cast %xor3A_356 : vector<16xi32> to vector<16x1xi32>
      %gather3A_1489 = vector.shape_cast %broadcast_in_dim3A_1488 : vector<16x1xi32> to vector<16xi32>
      %gather3A_1490 = tpu.dynamic_gather %select_n3A_1487[%gather3A_1489] in [0] : vector<16xf32>, vector<16xi32> -> vector<16xf32>
      %add3A_1491 = arith.addf %select_n3A_1486, %gather3A_1490 : vector<16xf32>
      %select_n3A_1492 = arith.select %eq3A_295, %add3A_1455, %add3A_1461 : vector<16xi1>, vector<16xf32>
      %select_n3A_1493 = arith.select %eq3A_295, %add3A_1461, %add3A_1455 : vector<16xi1>, vector<16xf32>
      %broadcast_in_dim3A_1494 = vector.shape_cast %xor3A_356 : vector<16xi32> to vector<16x1xi32>
      %gather3A_1495 = vector.shape_cast %broadcast_in_dim3A_1494 : vector<16x1xi32> to vector<16xi32>
      %gather3A_1496 = tpu.dynamic_gather %select_n3A_1493[%gather3A_1495] in [0] : vector<16xf32>, vector<16xi32> -> vector<16xf32>
      %add3A_1497 = arith.addf %select_n3A_1492, %gather3A_1496 : vector<16xf32>
      %select_n3A_1498 = arith.select %eq3A_295, %add3A_1467, %add3A_1473 : vector<16xi1>, vector<16xf32>
      %select_n3A_1499 = arith.select %eq3A_295, %add3A_1473, %add3A_1467 : vector<16xi1>, vector<16xf32>
      %broadcast_in_dim3A_1500 = vector.shape_cast %xor3A_356 : vector<16xi32> to vector<16x1xi32>
      %gather3A_1501 = vector.shape_cast %broadcast_in_dim3A_1500 : vector<16x1xi32> to vector<16xi32>
      %gather3A_1502 = tpu.dynamic_gather %select_n3A_1499[%gather3A_1501] in [0] : vector<16xf32>, vector<16xi32> -> vector<16xf32>
      %add3A_1503 = arith.addf %select_n3A_1498, %gather3A_1502 : vector<16xf32>
      %select_n3A_1504 = arith.select %eq3A_295, %add3A_1479, %add3A_1485 : vector<16xi1>, vector<16xf32>
      %select_n3A_1505 = arith.select %eq3A_295, %add3A_1485, %add3A_1479 : vector<16xi1>, vector<16xf32>
      %broadcast_in_dim3A_1506 = vector.shape_cast %xor3A_356 : vector<16xi32> to vector<16x1xi32>
      %gather3A_1507 = vector.shape_cast %broadcast_in_dim3A_1506 : vector<16x1xi32> to vector<16xi32>
      %gather3A_1508 = tpu.dynamic_gather %select_n3A_1505[%gather3A_1507] in [0] : vector<16xf32>, vector<16xi32> -> vector<16xf32>
      %add3A_1509 = arith.addf %select_n3A_1504, %gather3A_1508 : vector<16xf32>
      %select_n3A_1510 = arith.select %eq3A_323, %add3A_1491, %add3A_1497 : vector<16xi1>, vector<16xf32>
      %select_n3A_1511 = arith.select %eq3A_323, %add3A_1497, %add3A_1491 : vector<16xi1>, vector<16xf32>
      %broadcast_in_dim3A_1512 = vector.shape_cast %xor3A_359 : vector<16xi32> to vector<16x1xi32>
      %gather3A_1513 = vector.shape_cast %broadcast_in_dim3A_1512 : vector<16x1xi32> to vector<16xi32>
      %gather3A_1514 = tpu.dynamic_gather %select_n3A_1511[%gather3A_1513] in [0] : vector<16xf32>, vector<16xi32> -> vector<16xf32>
      %add3A_1515 = arith.addf %select_n3A_1510, %gather3A_1514 : vector<16xf32>
      %select_n3A_1516 = arith.select %eq3A_323, %add3A_1503, %add3A_1509 : vector<16xi1>, vector<16xf32>
      %select_n3A_1517 = arith.select %eq3A_323, %add3A_1509, %add3A_1503 : vector<16xi1>, vector<16xf32>
      %broadcast_in_dim3A_1518 = vector.shape_cast %xor3A_359 : vector<16xi32> to vector<16x1xi32>
      %gather3A_1519 = vector.shape_cast %broadcast_in_dim3A_1518 : vector<16x1xi32> to vector<16xi32>
      %gather3A_1520 = tpu.dynamic_gather %select_n3A_1517[%gather3A_1519] in [0] : vector<16xf32>, vector<16xi32> -> vector<16xf32>
      %add3A_1521 = arith.addf %select_n3A_1516, %gather3A_1520 : vector<16xf32>
      %select_n3A_1522 = arith.select %eq3A_351, %add3A_1515, %add3A_1521 : vector<16xi1>, vector<16xf32>
      %select_n3A_1523 = arith.select %eq3A_351, %add3A_1521, %add3A_1515 : vector<16xi1>, vector<16xf32>
      %broadcast_in_dim3A_1524 = vector.shape_cast %xor3A_362 : vector<16xi32> to vector<16x1xi32>
      %gather3A_1525 = vector.shape_cast %broadcast_in_dim3A_1524 : vector<16x1xi32> to vector<16xi32>
      %gather3A_1526 = tpu.dynamic_gather %select_n3A_1523[%gather3A_1525] in [0] : vector<16xf32>, vector<16xi32> -> vector<16xf32>
      %add3A_1527 = arith.addf %select_n3A_1522, %gather3A_1526 : vector<16xf32>
      %mul3A_1528 = arith.constant 16 : i32
      %mul3A_1529 = arith.muli %scan3A_881, %mul3A_1528 : i32
      %get3A_1530 = arith.index_cast %mul3A_1529 : i32 to index
      %get3A_1531 = tpu.vector_load %arg19[%get3A_1530] {strides = array<i32>} : memref<512xf32, #tpu.memory_space<vmem>>, vector<16xf32>,
      %get3A_1532 = vector.shape_cast %get3A_1531 : vector<16xf32> to vector<16xf32>
      %get3A_1533 = arith.index_cast %mul3A_1529 : i32 to index
      %get3A_1534 = tpu.vector_load %arg20[%get3A_1533] {strides = array<i32>} : memref<512xf32, #tpu.memory_space<vmem>>, vector<16xf32>,
      %get3A_1535 = vector.shape_cast %get3A_1534 : vector<16xf32> to vector<16xf32>
      %add3A_1536 = arith.addf %get3A_1532, %get3A_1535 : vector<16xf32>
      %sub3A_1537 = arith.subf %add3A_1536, %add3A_1527 : vector<16xf32>
      %swap3A = arith.index_cast %mul3A_1529 : i32 to index
      %swap3A_1538 = tpu.vector_load %arg21[%swap3A] {strides = array<i32>} : memref<512xf32, #tpu.memory_space<vmem>>, vector<16xf32>,
      %swap3A_1539 = vector.shape_cast %swap3A_1538 : vector<16xf32> to vector<16xf32>
      %swap3A_1540 = vector.shape_cast %sub3A_1537 : vector<16xf32> to vector<16xf32>
      tpu.vector_store %arg21[%swap3A], %swap3A_1540 {strides = array<i32>} : memref<512xf32, #tpu.memory_space<vmem>>, vector<16xf32>,
    }
    %scan3A_526 = arith.constant 8 : i32
    %add3A_527 = arith.constant 128 : i32
    %add3A_528 = arith.addi %mul3A_2, %add3A_527 : i32
    %dma_start3A_529 = arith.constant 128 : i32
    %dma_start3A_530 = arith.constant 0 : i32
    %dma_start3A_531 = tpu.memref_slice %arg16[%dma_start3A_529, %dma_start3A_530] : memref<512x32xf32, #tpu.memory_space<vmem>> -> memref<128x32xf32, #tpu.memory_space<vmem>>
    %dma_start3A_532 = arith.constant 0 : i32
    %dma_start3A_533 = tpu.memref_slice %arg10[%add3A_528, %dma_start3A_532] : memref<16384x32xf32, #tpu.memory_space<hbm>> -> memref<128x32xf32, #tpu.memory_space<hbm>>
    %dma_start3A_534 = arith.constant 0 : i32
    %dma_start3A_535 = tpu.memref_slice %arg10[%add3A_528, %dma_start3A_534] : memref<16384x32xf32, #tpu.memory_space<hbm>> -> memref<128x32xf32, #tpu.memory_space<hbm>>
    %dma_start3A_536 = arith.constant 128 : i32
    %dma_start3A_537 = arith.constant 0 : i32
    %dma_start3A_538 = tpu.memref_slice %arg16[%dma_start3A_536, %dma_start3A_537] : memref<512x32xf32, #tpu.memory_space<vmem>> -> memref<128x32xf32, #tpu.memory_space<vmem>>
    tpu.enqueue_dma source(%dma_start3A_538 : memref<128x32xf32, #tpu.memory_space<vmem>>) target(%dma_start3A_535 : memref<128x32xf32, #tpu.memory_space<hbm>>) target_semaphore(%arg23 : memref<!tpu.dma_semaphore, #tpu.memory_space<semaphore_mem>>)
    %dma_start3A_539 = arith.constant 128 : i32
    %dma_start3A_540 = arith.constant 0 : i32
    %dma_start3A_541 = tpu.memref_slice %arg17[%dma_start3A_539, %dma_start3A_540] : memref<512x32xf32, #tpu.memory_space<vmem>> -> memref<128x32xf32, #tpu.memory_space<vmem>>
    %dma_start3A_542 = arith.constant 0 : i32
    %dma_start3A_543 = tpu.memref_slice %arg11[%add3A_528, %dma_start3A_542] : memref<16384x32xf32, #tpu.memory_space<hbm>> -> memref<128x32xf32, #tpu.memory_space<hbm>>
    %dma_start3A_544 = arith.constant 0 : i32
    %dma_start3A_545 = tpu.memref_slice %arg11[%add3A_528, %dma_start3A_544] : memref<16384x32xf32, #tpu.memory_space<hbm>> -> memref<128x32xf32, #tpu.memory_space<hbm>>
    %dma_start3A_546 = arith.constant 128 : i32
    %dma_start3A_547 = arith.constant 0 : i32
    %dma_start3A_548 = tpu.memref_slice %arg17[%dma_start3A_546, %dma_start3A_547] : memref<512x32xf32, #tpu.memory_space<vmem>> -> memref<128x32xf32, #tpu.memory_space<vmem>>
    tpu.enqueue_dma source(%dma_start3A_548 : memref<128x32xf32, #tpu.memory_space<vmem>>) target(%dma_start3A_545 : memref<128x32xf32, #tpu.memory_space<hbm>>) target_semaphore(%arg23 : memref<!tpu.dma_semaphore, #tpu.memory_space<semaphore_mem>>)
    %dma_start3A_549 = arith.constant 128 : i32
    %dma_start3A_550 = arith.constant 0 : i32
    %dma_start3A_551 = tpu.memref_slice %arg18[%dma_start3A_549, %dma_start3A_550] : memref<512x32xf32, #tpu.memory_space<vmem>> -> memref<128x32xf32, #tpu.memory_space<vmem>>
    %dma_start3A_552 = arith.constant 0 : i32
    %dma_start3A_553 = tpu.memref_slice %arg12[%add3A_528, %dma_start3A_552] : memref<16384x32xf32, #tpu.memory_space<hbm>> -> memref<128x32xf32, #tpu.memory_space<hbm>>
    %dma_start3A_554 = arith.constant 0 : i32
    %dma_start3A_555 = tpu.memref_slice %arg12[%add3A_528, %dma_start3A_554] : memref<16384x32xf32, #tpu.memory_space<hbm>> -> memref<128x32xf32, #tpu.memory_space<hbm>>
    %dma_start3A_556 = arith.constant 128 : i32
    %dma_start3A_557 = arith.constant 0 : i32
    %dma_start3A_558 = tpu.memref_slice %arg18[%dma_start3A_556, %dma_start3A_557] : memref<512x32xf32, #tpu.memory_space<vmem>> -> memref<128x32xf32, #tpu.memory_space<vmem>>
    tpu.enqueue_dma source(%dma_start3A_558 : memref<128x32xf32, #tpu.memory_space<vmem>>) target(%dma_start3A_555 : memref<128x32xf32, #tpu.memory_space<hbm>>) target_semaphore(%arg23 : memref<!tpu.dma_semaphore, #tpu.memory_space<semaphore_mem>>)
    %dma_wait3A_559 = arith.constant 2 : i32
    %dma_wait3A_560 = arith.constant 2 : i32
    %dma_wait3A_561 = arith.constant 256 : i32
    %dma_wait3A_562 = arith.constant 0 : i32
    %dma_wait3A_563 = tpu.memref_slice %arg16[%dma_wait3A_561, %dma_wait3A_562] : memref<512x32xf32, #tpu.memory_space<vmem>> -> memref<128x32xf32, #tpu.memory_space<vmem>>
    %dma_wait3A_564 = arith.constant 0 : i32
    %dma_wait3A_565 = tpu.memref_slice %arg13[%dma_wait3A_559, %dma_wait3A_564] : memref<4x128xi32, #tpu.memory_space<vmem>> -> memref<1x128xi32, #tpu.memory_space<vmem>>
    %dma_wait3A_566 = tpu.memref_squeeze %dma_wait3A_565 : memref<1x128xi32, #tpu.memory_space<vmem>> -> memref<128xi32, #tpu.memory_space<vmem>>
    %dma_wait3A_567 = arith.constant 0 : i32
    %dma_wait3A_568 = arith.constant 0 : i32
    %dma_wait3A_569 = tpu.memref_slice %arg5[%dma_wait3A_567, %dma_wait3A_568] : memref<1000000x32xf32, #tpu.memory_space<hbm>> -> memref<1000000x32xf32, #tpu.memory_space<hbm>>
    %dma_wait3A_570 = tpu.memref_slice %arg22[%dma_wait3A_560] : memref<4x!tpu.dma_semaphore, #tpu.memory_space<semaphore_mem>> -> memref<1x!tpu.dma_semaphore, #tpu.memory_space<semaphore_mem>>
    %dma_wait3A_571 = tpu.memref_squeeze %dma_wait3A_570 : memref<1x!tpu.dma_semaphore, #tpu.memory_space<semaphore_mem>> -> memref<!tpu.dma_semaphore, #tpu.memory_space<semaphore_mem>>
    tpu.wait_indirect_dma semaphore(%dma_wait3A_571 : memref<!tpu.dma_semaphore, #tpu.memory_space<semaphore_mem>>) src(%dma_wait3A_569 : memref<1000000x32xf32, #tpu.memory_space<hbm>>) dst(%dma_wait3A_563 : memref<128x32xf32, #tpu.memory_space<vmem>>)
    %dma_wait3A_572 = arith.constant 2 : i32
    %dma_wait3A_573 = arith.constant 2 : i32
    %dma_wait3A_574 = arith.constant 256 : i32
    %dma_wait3A_575 = arith.constant 0 : i32
    %dma_wait3A_576 = tpu.memref_slice %arg18[%dma_wait3A_574, %dma_wait3A_575] : memref<512x32xf32, #tpu.memory_space<vmem>> -> memref<128x32xf32, #tpu.memory_space<vmem>>
    %dma_wait3A_577 = arith.constant 0 : i32
    %dma_wait3A_578 = tpu.memref_slice %arg15[%dma_wait3A_572, %dma_wait3A_577] : memref<4x128xi32, #tpu.memory_space<vmem>> -> memref<1x128xi32, #tpu.memory_space<vmem>>
    %dma_wait3A_579 = tpu.memref_squeeze %dma_wait3A_578 : memref<1x128xi32, #tpu.memory_space<vmem>> -> memref<128xi32, #tpu.memory_space<vmem>>
    %dma_wait3A_580 = arith.constant 0 : i32
    %dma_wait3A_581 = arith.constant 0 : i32
    %dma_wait3A_582 = tpu.memref_slice %arg5[%dma_wait3A_580, %dma_wait3A_581] : memref<1000000x32xf32, #tpu.memory_space<hbm>> -> memref<1000000x32xf32, #tpu.memory_space<hbm>>
    %dma_wait3A_583 = tpu.memref_slice %arg22[%dma_wait3A_573] : memref<4x!tpu.dma_semaphore, #tpu.memory_space<semaphore_mem>> -> memref<1x!tpu.dma_semaphore, #tpu.memory_space<semaphore_mem>>
    %dma_wait3A_584 = tpu.memref_squeeze %dma_wait3A_583 : memref<1x!tpu.dma_semaphore, #tpu.memory_space<semaphore_mem>> -> memref<!tpu.dma_semaphore, #tpu.memory_space<semaphore_mem>>
    tpu.wait_indirect_dma semaphore(%dma_wait3A_584 : memref<!tpu.dma_semaphore, #tpu.memory_space<semaphore_mem>>) src(%dma_wait3A_582 : memref<1000000x32xf32, #tpu.memory_space<hbm>>) dst(%dma_wait3A_576 : memref<128x32xf32, #tpu.memory_space<vmem>>)
    %dma_wait3A_585 = arith.constant 2 : i32
    %dma_wait3A_586 = arith.constant 2 : i32
    %dma_wait3A_587 = arith.constant 256 : i32
    %dma_wait3A_588 = arith.constant 0 : i32
    %dma_wait3A_589 = tpu.memref_slice %arg17[%dma_wait3A_587, %dma_wait3A_588] : memref<512x32xf32, #tpu.memory_space<vmem>> -> memref<128x32xf32, #tpu.memory_space<vmem>>
    %dma_wait3A_590 = arith.constant 0 : i32
    %dma_wait3A_591 = tpu.memref_slice %arg14[%dma_wait3A_585, %dma_wait3A_590] : memref<4x128xi32, #tpu.memory_space<vmem>> -> memref<1x128xi32, #tpu.memory_space<vmem>>
    %dma_wait3A_592 = tpu.memref_squeeze %dma_wait3A_591 : memref<1x128xi32, #tpu.memory_space<vmem>> -> memref<128xi32, #tpu.memory_space<vmem>>
    %dma_wait3A_593 = arith.constant 0 : i32
    %dma_wait3A_594 = arith.constant 0 : i32
    %dma_wait3A_595 = tpu.memref_slice %arg6[%dma_wait3A_593, %dma_wait3A_594] : memref<1000x32xf32, #tpu.memory_space<hbm>> -> memref<1000x32xf32, #tpu.memory_space<hbm>>
    %dma_wait3A_596 = tpu.memref_slice %arg22[%dma_wait3A_586] : memref<4x!tpu.dma_semaphore, #tpu.memory_space<semaphore_mem>> -> memref<1x!tpu.dma_semaphore, #tpu.memory_space<semaphore_mem>>
    %dma_wait3A_597 = tpu.memref_squeeze %dma_wait3A_596 : memref<1x!tpu.dma_semaphore, #tpu.memory_space<semaphore_mem>> -> memref<!tpu.dma_semaphore, #tpu.memory_space<semaphore_mem>>
    tpu.wait_indirect_dma semaphore(%dma_wait3A_597 : memref<!tpu.dma_semaphore, #tpu.memory_space<semaphore_mem>>) src(%dma_wait3A_595 : memref<1000x32xf32, #tpu.memory_space<hbm>>) dst(%dma_wait3A_589 : memref<128x32xf32, #tpu.memory_space<vmem>>)
    %dma_wait3A_598 = arith.constant 2 : i32
    %dma_wait3A_599 = arith.constant 2 : i32
    %dma_wait3A_600 = arith.constant 256 : i32
    %dma_wait3A_601 = tpu.memref_slice %arg19[%dma_wait3A_600] : memref<512xf32, #tpu.memory_space<vmem>> -> memref<128xf32, #tpu.memory_space<vmem>>
    %dma_wait3A_602 = arith.constant 0 : i32
    %dma_wait3A_603 = tpu.memref_slice %arg13[%dma_wait3A_598, %dma_wait3A_602] : memref<4x128xi32, #tpu.memory_space<vmem>> -> memref<1x128xi32, #tpu.memory_space<vmem>>
    %dma_wait3A_604 = tpu.memref_squeeze %dma_wait3A_603 : memref<1x128xi32, #tpu.memory_space<vmem>> -> memref<128xi32, #tpu.memory_space<vmem>>
    %dma_wait3A_605 = arith.constant 0 : i32
    %dma_wait3A_606 = tpu.memref_slice %arg7[%dma_wait3A_605] : memref<1000000xf32, #tpu.memory_space<hbm>> -> memref<1000000xf32, #tpu.memory_space<hbm>>
    %dma_wait3A_607 = tpu.memref_slice %arg22[%dma_wait3A_599] : memref<4x!tpu.dma_semaphore, #tpu.memory_space<semaphore_mem>> -> memref<1x!tpu.dma_semaphore, #tpu.memory_space<semaphore_mem>>
    %dma_wait3A_608 = tpu.memref_squeeze %dma_wait3A_607 : memref<1x!tpu.dma_semaphore, #tpu.memory_space<semaphore_mem>> -> memref<!tpu.dma_semaphore, #tpu.memory_space<semaphore_mem>>
    tpu.wait_indirect_dma semaphore(%dma_wait3A_608 : memref<!tpu.dma_semaphore, #tpu.memory_space<semaphore_mem>>) src(%dma_wait3A_606 : memref<1000000xf32, #tpu.memory_space<hbm>>) dst(%dma_wait3A_601 : memref<128xf32, #tpu.memory_space<vmem>>)
    %dma_wait3A_609 = arith.constant 2 : i32
    %dma_wait3A_610 = arith.constant 2 : i32
    %dma_wait3A_611 = arith.constant 256 : i32
    %dma_wait3A_612 = tpu.memref_slice %arg20[%dma_wait3A_611] : memref<512xf32, #tpu.memory_space<vmem>> -> memref<128xf32, #tpu.memory_space<vmem>>
    %dma_wait3A_613 = arith.constant 0 : i32
    %dma_wait3A_614 = tpu.memref_slice %arg15[%dma_wait3A_609, %dma_wait3A_613] : memref<4x128xi32, #tpu.memory_space<vmem>> -> memref<1x128xi32, #tpu.memory_space<vmem>>
    %dma_wait3A_615 = tpu.memref_squeeze %dma_wait3A_614 : memref<1x128xi32, #tpu.memory_space<vmem>> -> memref<128xi32, #tpu.memory_space<vmem>>
    %dma_wait3A_616 = arith.constant 0 : i32
    %dma_wait3A_617 = tpu.memref_slice %arg8[%dma_wait3A_616] : memref<1000000xf32, #tpu.memory_space<hbm>> -> memref<1000000xf32, #tpu.memory_space<hbm>>
    %dma_wait3A_618 = tpu.memref_slice %arg22[%dma_wait3A_610] : memref<4x!tpu.dma_semaphore, #tpu.memory_space<semaphore_mem>> -> memref<1x!tpu.dma_semaphore, #tpu.memory_space<semaphore_mem>>
    %dma_wait3A_619 = tpu.memref_squeeze %dma_wait3A_618 : memref<1x!tpu.dma_semaphore, #tpu.memory_space<semaphore_mem>> -> memref<!tpu.dma_semaphore, #tpu.memory_space<semaphore_mem>>
    tpu.wait_indirect_dma semaphore(%dma_wait3A_619 : memref<!tpu.dma_semaphore, #tpu.memory_space<semaphore_mem>>) src(%dma_wait3A_617 : memref<1000000xf32, #tpu.memory_space<hbm>>) dst(%dma_wait3A_612 : memref<128xf32, #tpu.memory_space<vmem>>)
    %scan3A_620 = arith.constant 0 : i32
    %scan3A_621 = arith.constant 16 : i32
    %scan3A_622 = arith.constant 8 : i32
    %scan3A_623 = arith.addi %scan3A_621, %scan3A_622 : i32
    %scan3A_624 = arith.constant 1 : i32
    scf.for %scan3A_881 = %scan3A_621 to %scan3A_623 step %scan3A_624  : i32 {
      %mul3A_882 = arith.constant 16 : i32
      %mul3A_883 = arith.muli %scan3A_881, %mul3A_882 : i32
      %add3A_884 = arith.constant 0 : i32
      %add3A_885 = arith.addi %mul3A_883, %add3A_884 : i32
      %get3A = arith.index_cast %add3A_885 : i32 to index
      %get3A_886 = arith.constant 0 : index
      %get3A_887 = tpu.vector_load %arg16[%get3A, %get3A_886] {strides = array<i32>} : memref<512x32xf32, #tpu.memory_space<vmem>>, vector<1x16xf32>,
      %get3A_888 = vector.shape_cast %get3A_887 : vector<1x16xf32> to vector<16xf32>
      %get3A_889 = arith.index_cast %add3A_885 : i32 to index
      %get3A_890 = arith.constant 16 : index
      %get3A_891 = tpu.vector_load %arg16[%get3A_889, %get3A_890] {strides = array<i32>} : memref<512x32xf32, #tpu.memory_space<vmem>>, vector<1x16xf32>,
      %get3A_892 = vector.shape_cast %get3A_891 : vector<1x16xf32> to vector<16xf32>
      %get3A_893 = arith.index_cast %add3A_885 : i32 to index
      %get3A_894 = arith.constant 0 : index
      %get3A_895 = tpu.vector_load %arg17[%get3A_893, %get3A_894] {strides = array<i32>} : memref<512x32xf32, #tpu.memory_space<vmem>>, vector<1x16xf32>,
      %get3A_896 = vector.shape_cast %get3A_895 : vector<1x16xf32> to vector<16xf32>
      %get3A_897 = arith.index_cast %add3A_885 : i32 to index
      %get3A_898 = arith.constant 16 : index
      %get3A_899 = tpu.vector_load %arg17[%get3A_897, %get3A_898] {strides = array<i32>} : memref<512x32xf32, #tpu.memory_space<vmem>>, vector<1x16xf32>,
      %get3A_900 = vector.shape_cast %get3A_899 : vector<1x16xf32> to vector<16xf32>
      %get3A_901 = arith.index_cast %add3A_885 : i32 to index
      %get3A_902 = arith.constant 0 : index
      %get3A_903 = tpu.vector_load %arg18[%get3A_901, %get3A_902] {strides = array<i32>} : memref<512x32xf32, #tpu.memory_space<vmem>>, vector<1x16xf32>,
      %get3A_904 = vector.shape_cast %get3A_903 : vector<1x16xf32> to vector<16xf32>
      %get3A_905 = arith.index_cast %add3A_885 : i32 to index
      %get3A_906 = arith.constant 16 : index
      %get3A_907 = tpu.vector_load %arg18[%get3A_905, %get3A_906] {strides = array<i32>} : memref<512x32xf32, #tpu.memory_space<vmem>>, vector<1x16xf32>,
      %get3A_908 = vector.shape_cast %get3A_907 : vector<1x16xf32> to vector<16xf32>
      %add3A_909 = arith.addf %get3A_888, %get3A_896 : vector<16xf32>
      %sub3A = arith.subf %add3A_909, %get3A_904 : vector<16xf32>
      %add3A_910 = arith.addf %get3A_892, %get3A_900 : vector<16xf32>
      %sub3A_911 = arith.subf %add3A_910, %get3A_908 : vector<16xf32>
      %mul3A_912 = arith.mulf %sub3A, %sub3A : vector<16xf32>
      %mul3A_913 = arith.mulf %sub3A_911, %sub3A_911 : vector<16xf32>
      %add3A_914 = arith.addf %mul3A_912, %mul3A_913 : vector<16xf32>
      %mul3A_915 = arith.constant 16 : i32
      %mul3A_916 = arith.muli %scan3A_881, %mul3A_915 : i32
      %add3A_917 = arith.constant 1 : i32
      %add3A_918 = arith.addi %mul3A_916, %add3A_917 : i32
      %get3A_919 = arith.index_cast %add3A_918 : i32 to index
      %get3A_920 = arith.constant 0 : index
      %get3A_921 = tpu.vector_load %arg16[%get3A_919, %get3A_920] {strides = array<i32>} : memref<512x32xf32, #tpu.memory_space<vmem>>, vector<1x16xf32>,
      %get3A_922 = vector.shape_cast %get3A_921 : vector<1x16xf32> to vector<16xf32>
      %get3A_923 = arith.index_cast %add3A_918 : i32 to index
      %get3A_924 = arith.constant 16 : index
      %get3A_925 = tpu.vector_load %arg16[%get3A_923, %get3A_924] {strides = array<i32>} : memref<512x32xf32, #tpu.memory_space<vmem>>, vector<1x16xf32>,
      %get3A_926 = vector.shape_cast %get3A_925 : vector<1x16xf32> to vector<16xf32>
      %get3A_927 = arith.index_cast %add3A_918 : i32 to index
      %get3A_928 = arith.constant 0 : index
      %get3A_929 = tpu.vector_load %arg17[%get3A_927, %get3A_928] {strides = array<i32>} : memref<512x32xf32, #tpu.memory_space<vmem>>, vector<1x16xf32>,
      %get3A_930 = vector.shape_cast %get3A_929 : vector<1x16xf32> to vector<16xf32>
      %get3A_931 = arith.index_cast %add3A_918 : i32 to index
      %get3A_932 = arith.constant 16 : index
      %get3A_933 = tpu.vector_load %arg17[%get3A_931, %get3A_932] {strides = array<i32>} : memref<512x32xf32, #tpu.memory_space<vmem>>, vector<1x16xf32>,
      %get3A_934 = vector.shape_cast %get3A_933 : vector<1x16xf32> to vector<16xf32>
      %get3A_935 = arith.index_cast %add3A_918 : i32 to index
      %get3A_936 = arith.constant 0 : index
      %get3A_937 = tpu.vector_load %arg18[%get3A_935, %get3A_936] {strides = array<i32>} : memref<512x32xf32, #tpu.memory_space<vmem>>, vector<1x16xf32>,
      %get3A_938 = vector.shape_cast %get3A_937 : vector<1x16xf32> to vector<16xf32>
      %get3A_939 = arith.index_cast %add3A_918 : i32 to index
      %get3A_940 = arith.constant 16 : index
      %get3A_941 = tpu.vector_load %arg18[%get3A_939, %get3A_940] {strides = array<i32>} : memref<512x32xf32, #tpu.memory_space<vmem>>, vector<1x16xf32>,
      %get3A_942 = vector.shape_cast %get3A_941 : vector<1x16xf32> to vector<16xf32>
      %add3A_943 = arith.addf %get3A_922, %get3A_930 : vector<16xf32>
      %sub3A_944 = arith.subf %add3A_943, %get3A_938 : vector<16xf32>
      %add3A_945 = arith.addf %get3A_926, %get3A_934 : vector<16xf32>
      %sub3A_946 = arith.subf %add3A_945, %get3A_942 : vector<16xf32>
      %mul3A_947 = arith.mulf %sub3A_944, %sub3A_944 : vector<16xf32>
      %mul3A_948 = arith.mulf %sub3A_946, %sub3A_946 : vector<16xf32>
      %add3A_949 = arith.addf %mul3A_947, %mul3A_948 : vector<16xf32>
      %mul3A_950 = arith.constant 16 : i32
      %mul3A_951 = arith.muli %scan3A_881, %mul3A_950 : i32
      %add3A_952 = arith.constant 2 : i32
      %add3A_953 = arith.addi %mul3A_951, %add3A_952 : i32
      %get3A_954 = arith.index_cast %add3A_953 : i32 to index
      %get3A_955 = arith.constant 0 : index
      %get3A_956 = tpu.vector_load %arg16[%get3A_954, %get3A_955] {strides = array<i32>} : memref<512x32xf32, #tpu.memory_space<vmem>>, vector<1x16xf32>,
      %get3A_957 = vector.shape_cast %get3A_956 : vector<1x16xf32> to vector<16xf32>
      %get3A_958 = arith.index_cast %add3A_953 : i32 to index
      %get3A_959 = arith.constant 16 : index
      %get3A_960 = tpu.vector_load %arg16[%get3A_958, %get3A_959] {strides = array<i32>} : memref<512x32xf32, #tpu.memory_space<vmem>>, vector<1x16xf32>,
      %get3A_961 = vector.shape_cast %get3A_960 : vector<1x16xf32> to vector<16xf32>
      %get3A_962 = arith.index_cast %add3A_953 : i32 to index
      %get3A_963 = arith.constant 0 : index
      %get3A_964 = tpu.vector_load %arg17[%get3A_962, %get3A_963] {strides = array<i32>} : memref<512x32xf32, #tpu.memory_space<vmem>>, vector<1x16xf32>,
      %get3A_965 = vector.shape_cast %get3A_964 : vector<1x16xf32> to vector<16xf32>
      %get3A_966 = arith.index_cast %add3A_953 : i32 to index
      %get3A_967 = arith.constant 16 : index
      %get3A_968 = tpu.vector_load %arg17[%get3A_966, %get3A_967] {strides = array<i32>} : memref<512x32xf32, #tpu.memory_space<vmem>>, vector<1x16xf32>,
      %get3A_969 = vector.shape_cast %get3A_968 : vector<1x16xf32> to vector<16xf32>
      %get3A_970 = arith.index_cast %add3A_953 : i32 to index
      %get3A_971 = arith.constant 0 : index
      %get3A_972 = tpu.vector_load %arg18[%get3A_970, %get3A_971] {strides = array<i32>} : memref<512x32xf32, #tpu.memory_space<vmem>>, vector<1x16xf32>,
      %get3A_973 = vector.shape_cast %get3A_972 : vector<1x16xf32> to vector<16xf32>
      %get3A_974 = arith.index_cast %add3A_953 : i32 to index
      %get3A_975 = arith.constant 16 : index
      %get3A_976 = tpu.vector_load %arg18[%get3A_974, %get3A_975] {strides = array<i32>} : memref<512x32xf32, #tpu.memory_space<vmem>>, vector<1x16xf32>,
      %get3A_977 = vector.shape_cast %get3A_976 : vector<1x16xf32> to vector<16xf32>
      %add3A_978 = arith.addf %get3A_957, %get3A_965 : vector<16xf32>
      %sub3A_979 = arith.subf %add3A_978, %get3A_973 : vector<16xf32>
      %add3A_980 = arith.addf %get3A_961, %get3A_969 : vector<16xf32>
      %sub3A_981 = arith.subf %add3A_980, %get3A_977 : vector<16xf32>
      %mul3A_982 = arith.mulf %sub3A_979, %sub3A_979 : vector<16xf32>
      %mul3A_983 = arith.mulf %sub3A_981, %sub3A_981 : vector<16xf32>
      %add3A_984 = arith.addf %mul3A_982, %mul3A_983 : vector<16xf32>
      %mul3A_985 = arith.constant 16 : i32
      %mul3A_986 = arith.muli %scan3A_881, %mul3A_985 : i32
      %add3A_987 = arith.constant 3 : i32
      %add3A_988 = arith.addi %mul3A_986, %add3A_987 : i32
      %get3A_989 = arith.index_cast %add3A_988 : i32 to index
      %get3A_990 = arith.constant 0 : index
      %get3A_991 = tpu.vector_load %arg16[%get3A_989, %get3A_990] {strides = array<i32>} : memref<512x32xf32, #tpu.memory_space<vmem>>, vector<1x16xf32>,
      %get3A_992 = vector.shape_cast %get3A_991 : vector<1x16xf32> to vector<16xf32>
      %get3A_993 = arith.index_cast %add3A_988 : i32 to index
      %get3A_994 = arith.constant 16 : index
      %get3A_995 = tpu.vector_load %arg16[%get3A_993, %get3A_994] {strides = array<i32>} : memref<512x32xf32, #tpu.memory_space<vmem>>, vector<1x16xf32>,
      %get3A_996 = vector.shape_cast %get3A_995 : vector<1x16xf32> to vector<16xf32>
      %get3A_997 = arith.index_cast %add3A_988 : i32 to index
      %get3A_998 = arith.constant 0 : index
      %get3A_999 = tpu.vector_load %arg17[%get3A_997, %get3A_998] {strides = array<i32>} : memref<512x32xf32, #tpu.memory_space<vmem>>, vector<1x16xf32>,
      %get3A_1000 = vector.shape_cast %get3A_999 : vector<1x16xf32> to vector<16xf32>
      %get3A_1001 = arith.index_cast %add3A_988 : i32 to index
      %get3A_1002 = arith.constant 16 : index
      %get3A_1003 = tpu.vector_load %arg17[%get3A_1001, %get3A_1002] {strides = array<i32>} : memref<512x32xf32, #tpu.memory_space<vmem>>, vector<1x16xf32>,
      %get3A_1004 = vector.shape_cast %get3A_1003 : vector<1x16xf32> to vector<16xf32>
      %get3A_1005 = arith.index_cast %add3A_988 : i32 to index
      %get3A_1006 = arith.constant 0 : index
      %get3A_1007 = tpu.vector_load %arg18[%get3A_1005, %get3A_1006] {strides = array<i32>} : memref<512x32xf32, #tpu.memory_space<vmem>>, vector<1x16xf32>,
      %get3A_1008 = vector.shape_cast %get3A_1007 : vector<1x16xf32> to vector<16xf32>
      %get3A_1009 = arith.index_cast %add3A_988 : i32 to index
      %get3A_1010 = arith.constant 16 : index
      %get3A_1011 = tpu.vector_load %arg18[%get3A_1009, %get3A_1010] {strides = array<i32>} : memref<512x32xf32, #tpu.memory_space<vmem>>, vector<1x16xf32>,
      %get3A_1012 = vector.shape_cast %get3A_1011 : vector<1x16xf32> to vector<16xf32>
      %add3A_1013 = arith.addf %get3A_992, %get3A_1000 : vector<16xf32>
      %sub3A_1014 = arith.subf %add3A_1013, %get3A_1008 : vector<16xf32>
      %add3A_1015 = arith.addf %get3A_996, %get3A_1004 : vector<16xf32>
      %sub3A_1016 = arith.subf %add3A_1015, %get3A_1012 : vector<16xf32>
      %mul3A_1017 = arith.mulf %sub3A_1014, %sub3A_1014 : vector<16xf32>
      %mul3A_1018 = arith.mulf %sub3A_1016, %sub3A_1016 : vector<16xf32>
      %add3A_1019 = arith.addf %mul3A_1017, %mul3A_1018 : vector<16xf32>
      %mul3A_1020 = arith.constant 16 : i32
      %mul3A_1021 = arith.muli %scan3A_881, %mul3A_1020 : i32
      %add3A_1022 = arith.constant 4 : i32
      %add3A_1023 = arith.addi %mul3A_1021, %add3A_1022 : i32
      %get3A_1024 = arith.index_cast %add3A_1023 : i32 to index
      %get3A_1025 = arith.constant 0 : index
      %get3A_1026 = tpu.vector_load %arg16[%get3A_1024, %get3A_1025] {strides = array<i32>} : memref<512x32xf32, #tpu.memory_space<vmem>>, vector<1x16xf32>,
      %get3A_1027 = vector.shape_cast %get3A_1026 : vector<1x16xf32> to vector<16xf32>
      %get3A_1028 = arith.index_cast %add3A_1023 : i32 to index
      %get3A_1029 = arith.constant 16 : index
      %get3A_1030 = tpu.vector_load %arg16[%get3A_1028, %get3A_1029] {strides = array<i32>} : memref<512x32xf32, #tpu.memory_space<vmem>>, vector<1x16xf32>,
      %get3A_1031 = vector.shape_cast %get3A_1030 : vector<1x16xf32> to vector<16xf32>
      %get3A_1032 = arith.index_cast %add3A_1023 : i32 to index
      %get3A_1033 = arith.constant 0 : index
      %get3A_1034 = tpu.vector_load %arg17[%get3A_1032, %get3A_1033] {strides = array<i32>} : memref<512x32xf32, #tpu.memory_space<vmem>>, vector<1x16xf32>,
      %get3A_1035 = vector.shape_cast %get3A_1034 : vector<1x16xf32> to vector<16xf32>
      %get3A_1036 = arith.index_cast %add3A_1023 : i32 to index
      %get3A_1037 = arith.constant 16 : index
      %get3A_1038 = tpu.vector_load %arg17[%get3A_1036, %get3A_1037] {strides = array<i32>} : memref<512x32xf32, #tpu.memory_space<vmem>>, vector<1x16xf32>,
      %get3A_1039 = vector.shape_cast %get3A_1038 : vector<1x16xf32> to vector<16xf32>
      %get3A_1040 = arith.index_cast %add3A_1023 : i32 to index
      %get3A_1041 = arith.constant 0 : index
      %get3A_1042 = tpu.vector_load %arg18[%get3A_1040, %get3A_1041] {strides = array<i32>} : memref<512x32xf32, #tpu.memory_space<vmem>>, vector<1x16xf32>,
      %get3A_1043 = vector.shape_cast %get3A_1042 : vector<1x16xf32> to vector<16xf32>
      %get3A_1044 = arith.index_cast %add3A_1023 : i32 to index
      %get3A_1045 = arith.constant 16 : index
      %get3A_1046 = tpu.vector_load %arg18[%get3A_1044, %get3A_1045] {strides = array<i32>} : memref<512x32xf32, #tpu.memory_space<vmem>>, vector<1x16xf32>,
      %get3A_1047 = vector.shape_cast %get3A_1046 : vector<1x16xf32> to vector<16xf32>
      %add3A_1048 = arith.addf %get3A_1027, %get3A_1035 : vector<16xf32>
      %sub3A_1049 = arith.subf %add3A_1048, %get3A_1043 : vector<16xf32>
      %add3A_1050 = arith.addf %get3A_1031, %get3A_1039 : vector<16xf32>
      %sub3A_1051 = arith.subf %add3A_1050, %get3A_1047 : vector<16xf32>
      %mul3A_1052 = arith.mulf %sub3A_1049, %sub3A_1049 : vector<16xf32>
      %mul3A_1053 = arith.mulf %sub3A_1051, %sub3A_1051 : vector<16xf32>
      %add3A_1054 = arith.addf %mul3A_1052, %mul3A_1053 : vector<16xf32>
      %mul3A_1055 = arith.constant 16 : i32
      %mul3A_1056 = arith.muli %scan3A_881, %mul3A_1055 : i32
      %add3A_1057 = arith.constant 5 : i32
      %add3A_1058 = arith.addi %mul3A_1056, %add3A_1057 : i32
      %get3A_1059 = arith.index_cast %add3A_1058 : i32 to index
      %get3A_1060 = arith.constant 0 : index
      %get3A_1061 = tpu.vector_load %arg16[%get3A_1059, %get3A_1060] {strides = array<i32>} : memref<512x32xf32, #tpu.memory_space<vmem>>, vector<1x16xf32>,
      %get3A_1062 = vector.shape_cast %get3A_1061 : vector<1x16xf32> to vector<16xf32>
      %get3A_1063 = arith.index_cast %add3A_1058 : i32 to index
      %get3A_1064 = arith.constant 16 : index
      %get3A_1065 = tpu.vector_load %arg16[%get3A_1063, %get3A_1064] {strides = array<i32>} : memref<512x32xf32, #tpu.memory_space<vmem>>, vector<1x16xf32>,
      %get3A_1066 = vector.shape_cast %get3A_1065 : vector<1x16xf32> to vector<16xf32>
      %get3A_1067 = arith.index_cast %add3A_1058 : i32 to index
      %get3A_1068 = arith.constant 0 : index
      %get3A_1069 = tpu.vector_load %arg17[%get3A_1067, %get3A_1068] {strides = array<i32>} : memref<512x32xf32, #tpu.memory_space<vmem>>, vector<1x16xf32>,
      %get3A_1070 = vector.shape_cast %get3A_1069 : vector<1x16xf32> to vector<16xf32>
      %get3A_1071 = arith.index_cast %add3A_1058 : i32 to index
      %get3A_1072 = arith.constant 16 : index
      %get3A_1073 = tpu.vector_load %arg17[%get3A_1071, %get3A_1072] {strides = array<i32>} : memref<512x32xf32, #tpu.memory_space<vmem>>, vector<1x16xf32>,
      %get3A_1074 = vector.shape_cast %get3A_1073 : vector<1x16xf32> to vector<16xf32>
      %get3A_1075 = arith.index_cast %add3A_1058 : i32 to index
      %get3A_1076 = arith.constant 0 : index
      %get3A_1077 = tpu.vector_load %arg18[%get3A_1075, %get3A_1076] {strides = array<i32>} : memref<512x32xf32, #tpu.memory_space<vmem>>, vector<1x16xf32>,
      %get3A_1078 = vector.shape_cast %get3A_1077 : vector<1x16xf32> to vector<16xf32>
      %get3A_1079 = arith.index_cast %add3A_1058 : i32 to index
      %get3A_1080 = arith.constant 16 : index
      %get3A_1081 = tpu.vector_load %arg18[%get3A_1079, %get3A_1080] {strides = array<i32>} : memref<512x32xf32, #tpu.memory_space<vmem>>, vector<1x16xf32>,
      %get3A_1082 = vector.shape_cast %get3A_1081 : vector<1x16xf32> to vector<16xf32>
      %add3A_1083 = arith.addf %get3A_1062, %get3A_1070 : vector<16xf32>
      %sub3A_1084 = arith.subf %add3A_1083, %get3A_1078 : vector<16xf32>
      %add3A_1085 = arith.addf %get3A_1066, %get3A_1074 : vector<16xf32>
      %sub3A_1086 = arith.subf %add3A_1085, %get3A_1082 : vector<16xf32>
      %mul3A_1087 = arith.mulf %sub3A_1084, %sub3A_1084 : vector<16xf32>
      %mul3A_1088 = arith.mulf %sub3A_1086, %sub3A_1086 : vector<16xf32>
      %add3A_1089 = arith.addf %mul3A_1087, %mul3A_1088 : vector<16xf32>
      %mul3A_1090 = arith.constant 16 : i32
      %mul3A_1091 = arith.muli %scan3A_881, %mul3A_1090 : i32
      %add3A_1092 = arith.constant 6 : i32
      %add3A_1093 = arith.addi %mul3A_1091, %add3A_1092 : i32
      %get3A_1094 = arith.index_cast %add3A_1093 : i32 to index
      %get3A_1095 = arith.constant 0 : index
      %get3A_1096 = tpu.vector_load %arg16[%get3A_1094, %get3A_1095] {strides = array<i32>} : memref<512x32xf32, #tpu.memory_space<vmem>>, vector<1x16xf32>,
      %get3A_1097 = vector.shape_cast %get3A_1096 : vector<1x16xf32> to vector<16xf32>
      %get3A_1098 = arith.index_cast %add3A_1093 : i32 to index
      %get3A_1099 = arith.constant 16 : index
      %get3A_1100 = tpu.vector_load %arg16[%get3A_1098, %get3A_1099] {strides = array<i32>} : memref<512x32xf32, #tpu.memory_space<vmem>>, vector<1x16xf32>,
      %get3A_1101 = vector.shape_cast %get3A_1100 : vector<1x16xf32> to vector<16xf32>
      %get3A_1102 = arith.index_cast %add3A_1093 : i32 to index
      %get3A_1103 = arith.constant 0 : index
      %get3A_1104 = tpu.vector_load %arg17[%get3A_1102, %get3A_1103] {strides = array<i32>} : memref<512x32xf32, #tpu.memory_space<vmem>>, vector<1x16xf32>,
      %get3A_1105 = vector.shape_cast %get3A_1104 : vector<1x16xf32> to vector<16xf32>
      %get3A_1106 = arith.index_cast %add3A_1093 : i32 to index
      %get3A_1107 = arith.constant 16 : index
      %get3A_1108 = tpu.vector_load %arg17[%get3A_1106, %get3A_1107] {strides = array<i32>} : memref<512x32xf32, #tpu.memory_space<vmem>>, vector<1x16xf32>,
      %get3A_1109 = vector.shape_cast %get3A_1108 : vector<1x16xf32> to vector<16xf32>
      %get3A_1110 = arith.index_cast %add3A_1093 : i32 to index
      %get3A_1111 = arith.constant 0 : index
      %get3A_1112 = tpu.vector_load %arg18[%get3A_1110, %get3A_1111] {strides = array<i32>} : memref<512x32xf32, #tpu.memory_space<vmem>>, vector<1x16xf32>,
      %get3A_1113 = vector.shape_cast %get3A_1112 : vector<1x16xf32> to vector<16xf32>
      %get3A_1114 = arith.index_cast %add3A_1093 : i32 to index
      %get3A_1115 = arith.constant 16 : index
      %get3A_1116 = tpu.vector_load %arg18[%get3A_1114, %get3A_1115] {strides = array<i32>} : memref<512x32xf32, #tpu.memory_space<vmem>>, vector<1x16xf32>,
      %get3A_1117 = vector.shape_cast %get3A_1116 : vector<1x16xf32> to vector<16xf32>
      %add3A_1118 = arith.addf %get3A_1097, %get3A_1105 : vector<16xf32>
      %sub3A_1119 = arith.subf %add3A_1118, %get3A_1113 : vector<16xf32>
      %add3A_1120 = arith.addf %get3A_1101, %get3A_1109 : vector<16xf32>
      %sub3A_1121 = arith.subf %add3A_1120, %get3A_1117 : vector<16xf32>
      %mul3A_1122 = arith.mulf %sub3A_1119, %sub3A_1119 : vector<16xf32>
      %mul3A_1123 = arith.mulf %sub3A_1121, %sub3A_1121 : vector<16xf32>
      %add3A_1124 = arith.addf %mul3A_1122, %mul3A_1123 : vector<16xf32>
      %mul3A_1125 = arith.constant 16 : i32
      %mul3A_1126 = arith.muli %scan3A_881, %mul3A_1125 : i32
      %add3A_1127 = arith.constant 7 : i32
      %add3A_1128 = arith.addi %mul3A_1126, %add3A_1127 : i32
      %get3A_1129 = arith.index_cast %add3A_1128 : i32 to index
      %get3A_1130 = arith.constant 0 : index
      %get3A_1131 = tpu.vector_load %arg16[%get3A_1129, %get3A_1130] {strides = array<i32>} : memref<512x32xf32, #tpu.memory_space<vmem>>, vector<1x16xf32>,
      %get3A_1132 = vector.shape_cast %get3A_1131 : vector<1x16xf32> to vector<16xf32>
      %get3A_1133 = arith.index_cast %add3A_1128 : i32 to index
      %get3A_1134 = arith.constant 16 : index
      %get3A_1135 = tpu.vector_load %arg16[%get3A_1133, %get3A_1134] {strides = array<i32>} : memref<512x32xf32, #tpu.memory_space<vmem>>, vector<1x16xf32>,
      %get3A_1136 = vector.shape_cast %get3A_1135 : vector<1x16xf32> to vector<16xf32>
      %get3A_1137 = arith.index_cast %add3A_1128 : i32 to index
      %get3A_1138 = arith.constant 0 : index
      %get3A_1139 = tpu.vector_load %arg17[%get3A_1137, %get3A_1138] {strides = array<i32>} : memref<512x32xf32, #tpu.memory_space<vmem>>, vector<1x16xf32>,
      %get3A_1140 = vector.shape_cast %get3A_1139 : vector<1x16xf32> to vector<16xf32>
      %get3A_1141 = arith.index_cast %add3A_1128 : i32 to index
      %get3A_1142 = arith.constant 16 : index
      %get3A_1143 = tpu.vector_load %arg17[%get3A_1141, %get3A_1142] {strides = array<i32>} : memref<512x32xf32, #tpu.memory_space<vmem>>, vector<1x16xf32>,
      %get3A_1144 = vector.shape_cast %get3A_1143 : vector<1x16xf32> to vector<16xf32>
      %get3A_1145 = arith.index_cast %add3A_1128 : i32 to index
      %get3A_1146 = arith.constant 0 : index
      %get3A_1147 = tpu.vector_load %arg18[%get3A_1145, %get3A_1146] {strides = array<i32>} : memref<512x32xf32, #tpu.memory_space<vmem>>, vector<1x16xf32>,
      %get3A_1148 = vector.shape_cast %get3A_1147 : vector<1x16xf32> to vector<16xf32>
      %get3A_1149 = arith.index_cast %add3A_1128 : i32 to index
      %get3A_1150 = arith.constant 16 : index
      %get3A_1151 = tpu.vector_load %arg18[%get3A_1149, %get3A_1150] {strides = array<i32>} : memref<512x32xf32, #tpu.memory_space<vmem>>, vector<1x16xf32>,
      %get3A_1152 = vector.shape_cast %get3A_1151 : vector<1x16xf32> to vector<16xf32>
      %add3A_1153 = arith.addf %get3A_1132, %get3A_1140 : vector<16xf32>
      %sub3A_1154 = arith.subf %add3A_1153, %get3A_1148 : vector<16xf32>
      %add3A_1155 = arith.addf %get3A_1136, %get3A_1144 : vector<16xf32>
      %sub3A_1156 = arith.subf %add3A_1155, %get3A_1152 : vector<16xf32>
      %mul3A_1157 = arith.mulf %sub3A_1154, %sub3A_1154 : vector<16xf32>
      %mul3A_1158 = arith.mulf %sub3A_1156, %sub3A_1156 : vector<16xf32>
      %add3A_1159 = arith.addf %mul3A_1157, %mul3A_1158 : vector<16xf32>
      %mul3A_1160 = arith.constant 16 : i32
      %mul3A_1161 = arith.muli %scan3A_881, %mul3A_1160 : i32
      %add3A_1162 = arith.constant 8 : i32
      %add3A_1163 = arith.addi %mul3A_1161, %add3A_1162 : i32
      %get3A_1164 = arith.index_cast %add3A_1163 : i32 to index
      %get3A_1165 = arith.constant 0 : index
      %get3A_1166 = tpu.vector_load %arg16[%get3A_1164, %get3A_1165] {strides = array<i32>} : memref<512x32xf32, #tpu.memory_space<vmem>>, vector<1x16xf32>,
      %get3A_1167 = vector.shape_cast %get3A_1166 : vector<1x16xf32> to vector<16xf32>
      %get3A_1168 = arith.index_cast %add3A_1163 : i32 to index
      %get3A_1169 = arith.constant 16 : index
      %get3A_1170 = tpu.vector_load %arg16[%get3A_1168, %get3A_1169] {strides = array<i32>} : memref<512x32xf32, #tpu.memory_space<vmem>>, vector<1x16xf32>,
      %get3A_1171 = vector.shape_cast %get3A_1170 : vector<1x16xf32> to vector<16xf32>
      %get3A_1172 = arith.index_cast %add3A_1163 : i32 to index
      %get3A_1173 = arith.constant 0 : index
      %get3A_1174 = tpu.vector_load %arg17[%get3A_1172, %get3A_1173] {strides = array<i32>} : memref<512x32xf32, #tpu.memory_space<vmem>>, vector<1x16xf32>,
      %get3A_1175 = vector.shape_cast %get3A_1174 : vector<1x16xf32> to vector<16xf32>
      %get3A_1176 = arith.index_cast %add3A_1163 : i32 to index
      %get3A_1177 = arith.constant 16 : index
      %get3A_1178 = tpu.vector_load %arg17[%get3A_1176, %get3A_1177] {strides = array<i32>} : memref<512x32xf32, #tpu.memory_space<vmem>>, vector<1x16xf32>,
      %get3A_1179 = vector.shape_cast %get3A_1178 : vector<1x16xf32> to vector<16xf32>
      %get3A_1180 = arith.index_cast %add3A_1163 : i32 to index
      %get3A_1181 = arith.constant 0 : index
      %get3A_1182 = tpu.vector_load %arg18[%get3A_1180, %get3A_1181] {strides = array<i32>} : memref<512x32xf32, #tpu.memory_space<vmem>>, vector<1x16xf32>,
      %get3A_1183 = vector.shape_cast %get3A_1182 : vector<1x16xf32> to vector<16xf32>
      %get3A_1184 = arith.index_cast %add3A_1163 : i32 to index
      %get3A_1185 = arith.constant 16 : index
      %get3A_1186 = tpu.vector_load %arg18[%get3A_1184, %get3A_1185] {strides = array<i32>} : memref<512x32xf32, #tpu.memory_space<vmem>>, vector<1x16xf32>,
      %get3A_1187 = vector.shape_cast %get3A_1186 : vector<1x16xf32> to vector<16xf32>
      %add3A_1188 = arith.addf %get3A_1167, %get3A_1175 : vector<16xf32>
      %sub3A_1189 = arith.subf %add3A_1188, %get3A_1183 : vector<16xf32>
      %add3A_1190 = arith.addf %get3A_1171, %get3A_1179 : vector<16xf32>
      %sub3A_1191 = arith.subf %add3A_1190, %get3A_1187 : vector<16xf32>
      %mul3A_1192 = arith.mulf %sub3A_1189, %sub3A_1189 : vector<16xf32>
      %mul3A_1193 = arith.mulf %sub3A_1191, %sub3A_1191 : vector<16xf32>
      %add3A_1194 = arith.addf %mul3A_1192, %mul3A_1193 : vector<16xf32>
      %mul3A_1195 = arith.constant 16 : i32
      %mul3A_1196 = arith.muli %scan3A_881, %mul3A_1195 : i32
      %add3A_1197 = arith.constant 9 : i32
      %add3A_1198 = arith.addi %mul3A_1196, %add3A_1197 : i32
      %get3A_1199 = arith.index_cast %add3A_1198 : i32 to index
      %get3A_1200 = arith.constant 0 : index
      %get3A_1201 = tpu.vector_load %arg16[%get3A_1199, %get3A_1200] {strides = array<i32>} : memref<512x32xf32, #tpu.memory_space<vmem>>, vector<1x16xf32>,
      %get3A_1202 = vector.shape_cast %get3A_1201 : vector<1x16xf32> to vector<16xf32>
      %get3A_1203 = arith.index_cast %add3A_1198 : i32 to index
      %get3A_1204 = arith.constant 16 : index
      %get3A_1205 = tpu.vector_load %arg16[%get3A_1203, %get3A_1204] {strides = array<i32>} : memref<512x32xf32, #tpu.memory_space<vmem>>, vector<1x16xf32>,
      %get3A_1206 = vector.shape_cast %get3A_1205 : vector<1x16xf32> to vector<16xf32>
      %get3A_1207 = arith.index_cast %add3A_1198 : i32 to index
      %get3A_1208 = arith.constant 0 : index
      %get3A_1209 = tpu.vector_load %arg17[%get3A_1207, %get3A_1208] {strides = array<i32>} : memref<512x32xf32, #tpu.memory_space<vmem>>, vector<1x16xf32>,
      %get3A_1210 = vector.shape_cast %get3A_1209 : vector<1x16xf32> to vector<16xf32>
      %get3A_1211 = arith.index_cast %add3A_1198 : i32 to index
      %get3A_1212 = arith.constant 16 : index
      %get3A_1213 = tpu.vector_load %arg17[%get3A_1211, %get3A_1212] {strides = array<i32>} : memref<512x32xf32, #tpu.memory_space<vmem>>, vector<1x16xf32>,
      %get3A_1214 = vector.shape_cast %get3A_1213 : vector<1x16xf32> to vector<16xf32>
      %get3A_1215 = arith.index_cast %add3A_1198 : i32 to index
      %get3A_1216 = arith.constant 0 : index
      %get3A_1217 = tpu.vector_load %arg18[%get3A_1215, %get3A_1216] {strides = array<i32>} : memref<512x32xf32, #tpu.memory_space<vmem>>, vector<1x16xf32>,
      %get3A_1218 = vector.shape_cast %get3A_1217 : vector<1x16xf32> to vector<16xf32>
      %get3A_1219 = arith.index_cast %add3A_1198 : i32 to index
      %get3A_1220 = arith.constant 16 : index
      %get3A_1221 = tpu.vector_load %arg18[%get3A_1219, %get3A_1220] {strides = array<i32>} : memref<512x32xf32, #tpu.memory_space<vmem>>, vector<1x16xf32>,
      %get3A_1222 = vector.shape_cast %get3A_1221 : vector<1x16xf32> to vector<16xf32>
      %add3A_1223 = arith.addf %get3A_1202, %get3A_1210 : vector<16xf32>
      %sub3A_1224 = arith.subf %add3A_1223, %get3A_1218 : vector<16xf32>
      %add3A_1225 = arith.addf %get3A_1206, %get3A_1214 : vector<16xf32>
      %sub3A_1226 = arith.subf %add3A_1225, %get3A_1222 : vector<16xf32>
      %mul3A_1227 = arith.mulf %sub3A_1224, %sub3A_1224 : vector<16xf32>
      %mul3A_1228 = arith.mulf %sub3A_1226, %sub3A_1226 : vector<16xf32>
      %add3A_1229 = arith.addf %mul3A_1227, %mul3A_1228 : vector<16xf32>
      %mul3A_1230 = arith.constant 16 : i32
      %mul3A_1231 = arith.muli %scan3A_881, %mul3A_1230 : i32
      %add3A_1232 = arith.constant 10 : i32
      %add3A_1233 = arith.addi %mul3A_1231, %add3A_1232 : i32
      %get3A_1234 = arith.index_cast %add3A_1233 : i32 to index
      %get3A_1235 = arith.constant 0 : index
      %get3A_1236 = tpu.vector_load %arg16[%get3A_1234, %get3A_1235] {strides = array<i32>} : memref<512x32xf32, #tpu.memory_space<vmem>>, vector<1x16xf32>,
      %get3A_1237 = vector.shape_cast %get3A_1236 : vector<1x16xf32> to vector<16xf32>
      %get3A_1238 = arith.index_cast %add3A_1233 : i32 to index
      %get3A_1239 = arith.constant 16 : index
      %get3A_1240 = tpu.vector_load %arg16[%get3A_1238, %get3A_1239] {strides = array<i32>} : memref<512x32xf32, #tpu.memory_space<vmem>>, vector<1x16xf32>,
      %get3A_1241 = vector.shape_cast %get3A_1240 : vector<1x16xf32> to vector<16xf32>
      %get3A_1242 = arith.index_cast %add3A_1233 : i32 to index
      %get3A_1243 = arith.constant 0 : index
      %get3A_1244 = tpu.vector_load %arg17[%get3A_1242, %get3A_1243] {strides = array<i32>} : memref<512x32xf32, #tpu.memory_space<vmem>>, vector<1x16xf32>,
      %get3A_1245 = vector.shape_cast %get3A_1244 : vector<1x16xf32> to vector<16xf32>
      %get3A_1246 = arith.index_cast %add3A_1233 : i32 to index
      %get3A_1247 = arith.constant 16 : index
      %get3A_1248 = tpu.vector_load %arg17[%get3A_1246, %get3A_1247] {strides = array<i32>} : memref<512x32xf32, #tpu.memory_space<vmem>>, vector<1x16xf32>,
      %get3A_1249 = vector.shape_cast %get3A_1248 : vector<1x16xf32> to vector<16xf32>
      %get3A_1250 = arith.index_cast %add3A_1233 : i32 to index
      %get3A_1251 = arith.constant 0 : index
      %get3A_1252 = tpu.vector_load %arg18[%get3A_1250, %get3A_1251] {strides = array<i32>} : memref<512x32xf32, #tpu.memory_space<vmem>>, vector<1x16xf32>,
      %get3A_1253 = vector.shape_cast %get3A_1252 : vector<1x16xf32> to vector<16xf32>
      %get3A_1254 = arith.index_cast %add3A_1233 : i32 to index
      %get3A_1255 = arith.constant 16 : index
      %get3A_1256 = tpu.vector_load %arg18[%get3A_1254, %get3A_1255] {strides = array<i32>} : memref<512x32xf32, #tpu.memory_space<vmem>>, vector<1x16xf32>,
      %get3A_1257 = vector.shape_cast %get3A_1256 : vector<1x16xf32> to vector<16xf32>
      %add3A_1258 = arith.addf %get3A_1237, %get3A_1245 : vector<16xf32>
      %sub3A_1259 = arith.subf %add3A_1258, %get3A_1253 : vector<16xf32>
      %add3A_1260 = arith.addf %get3A_1241, %get3A_1249 : vector<16xf32>
      %sub3A_1261 = arith.subf %add3A_1260, %get3A_1257 : vector<16xf32>
      %mul3A_1262 = arith.mulf %sub3A_1259, %sub3A_1259 : vector<16xf32>
      %mul3A_1263 = arith.mulf %sub3A_1261, %sub3A_1261 : vector<16xf32>
      %add3A_1264 = arith.addf %mul3A_1262, %mul3A_1263 : vector<16xf32>
      %mul3A_1265 = arith.constant 16 : i32
      %mul3A_1266 = arith.muli %scan3A_881, %mul3A_1265 : i32
      %add3A_1267 = arith.constant 11 : i32
      %add3A_1268 = arith.addi %mul3A_1266, %add3A_1267 : i32
      %get3A_1269 = arith.index_cast %add3A_1268 : i32 to index
      %get3A_1270 = arith.constant 0 : index
      %get3A_1271 = tpu.vector_load %arg16[%get3A_1269, %get3A_1270] {strides = array<i32>} : memref<512x32xf32, #tpu.memory_space<vmem>>, vector<1x16xf32>,
      %get3A_1272 = vector.shape_cast %get3A_1271 : vector<1x16xf32> to vector<16xf32>
      %get3A_1273 = arith.index_cast %add3A_1268 : i32 to index
      %get3A_1274 = arith.constant 16 : index
      %get3A_1275 = tpu.vector_load %arg16[%get3A_1273, %get3A_1274] {strides = array<i32>} : memref<512x32xf32, #tpu.memory_space<vmem>>, vector<1x16xf32>,
      %get3A_1276 = vector.shape_cast %get3A_1275 : vector<1x16xf32> to vector<16xf32>
      %get3A_1277 = arith.index_cast %add3A_1268 : i32 to index
      %get3A_1278 = arith.constant 0 : index
      %get3A_1279 = tpu.vector_load %arg17[%get3A_1277, %get3A_1278] {strides = array<i32>} : memref<512x32xf32, #tpu.memory_space<vmem>>, vector<1x16xf32>,
      %get3A_1280 = vector.shape_cast %get3A_1279 : vector<1x16xf32> to vector<16xf32>
      %get3A_1281 = arith.index_cast %add3A_1268 : i32 to index
      %get3A_1282 = arith.constant 16 : index
      %get3A_1283 = tpu.vector_load %arg17[%get3A_1281, %get3A_1282] {strides = array<i32>} : memref<512x32xf32, #tpu.memory_space<vmem>>, vector<1x16xf32>,
      %get3A_1284 = vector.shape_cast %get3A_1283 : vector<1x16xf32> to vector<16xf32>
      %get3A_1285 = arith.index_cast %add3A_1268 : i32 to index
      %get3A_1286 = arith.constant 0 : index
      %get3A_1287 = tpu.vector_load %arg18[%get3A_1285, %get3A_1286] {strides = array<i32>} : memref<512x32xf32, #tpu.memory_space<vmem>>, vector<1x16xf32>,
      %get3A_1288 = vector.shape_cast %get3A_1287 : vector<1x16xf32> to vector<16xf32>
      %get3A_1289 = arith.index_cast %add3A_1268 : i32 to index
      %get3A_1290 = arith.constant 16 : index
      %get3A_1291 = tpu.vector_load %arg18[%get3A_1289, %get3A_1290] {strides = array<i32>} : memref<512x32xf32, #tpu.memory_space<vmem>>, vector<1x16xf32>,
      %get3A_1292 = vector.shape_cast %get3A_1291 : vector<1x16xf32> to vector<16xf32>
      %add3A_1293 = arith.addf %get3A_1272, %get3A_1280 : vector<16xf32>
      %sub3A_1294 = arith.subf %add3A_1293, %get3A_1288 : vector<16xf32>
      %add3A_1295 = arith.addf %get3A_1276, %get3A_1284 : vector<16xf32>
      %sub3A_1296 = arith.subf %add3A_1295, %get3A_1292 : vector<16xf32>
      %mul3A_1297 = arith.mulf %sub3A_1294, %sub3A_1294 : vector<16xf32>
      %mul3A_1298 = arith.mulf %sub3A_1296, %sub3A_1296 : vector<16xf32>
      %add3A_1299 = arith.addf %mul3A_1297, %mul3A_1298 : vector<16xf32>
      %mul3A_1300 = arith.constant 16 : i32
      %mul3A_1301 = arith.muli %scan3A_881, %mul3A_1300 : i32
      %add3A_1302 = arith.constant 12 : i32
      %add3A_1303 = arith.addi %mul3A_1301, %add3A_1302 : i32
      %get3A_1304 = arith.index_cast %add3A_1303 : i32 to index
      %get3A_1305 = arith.constant 0 : index
      %get3A_1306 = tpu.vector_load %arg16[%get3A_1304, %get3A_1305] {strides = array<i32>} : memref<512x32xf32, #tpu.memory_space<vmem>>, vector<1x16xf32>,
      %get3A_1307 = vector.shape_cast %get3A_1306 : vector<1x16xf32> to vector<16xf32>
      %get3A_1308 = arith.index_cast %add3A_1303 : i32 to index
      %get3A_1309 = arith.constant 16 : index
      %get3A_1310 = tpu.vector_load %arg16[%get3A_1308, %get3A_1309] {strides = array<i32>} : memref<512x32xf32, #tpu.memory_space<vmem>>, vector<1x16xf32>,
      %get3A_1311 = vector.shape_cast %get3A_1310 : vector<1x16xf32> to vector<16xf32>
      %get3A_1312 = arith.index_cast %add3A_1303 : i32 to index
      %get3A_1313 = arith.constant 0 : index
      %get3A_1314 = tpu.vector_load %arg17[%get3A_1312, %get3A_1313] {strides = array<i32>} : memref<512x32xf32, #tpu.memory_space<vmem>>, vector<1x16xf32>,
      %get3A_1315 = vector.shape_cast %get3A_1314 : vector<1x16xf32> to vector<16xf32>
      %get3A_1316 = arith.index_cast %add3A_1303 : i32 to index
      %get3A_1317 = arith.constant 16 : index
      %get3A_1318 = tpu.vector_load %arg17[%get3A_1316, %get3A_1317] {strides = array<i32>} : memref<512x32xf32, #tpu.memory_space<vmem>>, vector<1x16xf32>,
      %get3A_1319 = vector.shape_cast %get3A_1318 : vector<1x16xf32> to vector<16xf32>
      %get3A_1320 = arith.index_cast %add3A_1303 : i32 to index
      %get3A_1321 = arith.constant 0 : index
      %get3A_1322 = tpu.vector_load %arg18[%get3A_1320, %get3A_1321] {strides = array<i32>} : memref<512x32xf32, #tpu.memory_space<vmem>>, vector<1x16xf32>,
      %get3A_1323 = vector.shape_cast %get3A_1322 : vector<1x16xf32> to vector<16xf32>
      %get3A_1324 = arith.index_cast %add3A_1303 : i32 to index
      %get3A_1325 = arith.constant 16 : index
      %get3A_1326 = tpu.vector_load %arg18[%get3A_1324, %get3A_1325] {strides = array<i32>} : memref<512x32xf32, #tpu.memory_space<vmem>>, vector<1x16xf32>,
      %get3A_1327 = vector.shape_cast %get3A_1326 : vector<1x16xf32> to vector<16xf32>
      %add3A_1328 = arith.addf %get3A_1307, %get3A_1315 : vector<16xf32>
      %sub3A_1329 = arith.subf %add3A_1328, %get3A_1323 : vector<16xf32>
      %add3A_1330 = arith.addf %get3A_1311, %get3A_1319 : vector<16xf32>
      %sub3A_1331 = arith.subf %add3A_1330, %get3A_1327 : vector<16xf32>
      %mul3A_1332 = arith.mulf %sub3A_1329, %sub3A_1329 : vector<16xf32>
      %mul3A_1333 = arith.mulf %sub3A_1331, %sub3A_1331 : vector<16xf32>
      %add3A_1334 = arith.addf %mul3A_1332, %mul3A_1333 : vector<16xf32>
      %mul3A_1335 = arith.constant 16 : i32
      %mul3A_1336 = arith.muli %scan3A_881, %mul3A_1335 : i32
      %add3A_1337 = arith.constant 13 : i32
      %add3A_1338 = arith.addi %mul3A_1336, %add3A_1337 : i32
      %get3A_1339 = arith.index_cast %add3A_1338 : i32 to index
      %get3A_1340 = arith.constant 0 : index
      %get3A_1341 = tpu.vector_load %arg16[%get3A_1339, %get3A_1340] {strides = array<i32>} : memref<512x32xf32, #tpu.memory_space<vmem>>, vector<1x16xf32>,
      %get3A_1342 = vector.shape_cast %get3A_1341 : vector<1x16xf32> to vector<16xf32>
      %get3A_1343 = arith.index_cast %add3A_1338 : i32 to index
      %get3A_1344 = arith.constant 16 : index
      %get3A_1345 = tpu.vector_load %arg16[%get3A_1343, %get3A_1344] {strides = array<i32>} : memref<512x32xf32, #tpu.memory_space<vmem>>, vector<1x16xf32>,
      %get3A_1346 = vector.shape_cast %get3A_1345 : vector<1x16xf32> to vector<16xf32>
      %get3A_1347 = arith.index_cast %add3A_1338 : i32 to index
      %get3A_1348 = arith.constant 0 : index
      %get3A_1349 = tpu.vector_load %arg17[%get3A_1347, %get3A_1348] {strides = array<i32>} : memref<512x32xf32, #tpu.memory_space<vmem>>, vector<1x16xf32>,
      %get3A_1350 = vector.shape_cast %get3A_1349 : vector<1x16xf32> to vector<16xf32>
      %get3A_1351 = arith.index_cast %add3A_1338 : i32 to index
      %get3A_1352 = arith.constant 16 : index
      %get3A_1353 = tpu.vector_load %arg17[%get3A_1351, %get3A_1352] {strides = array<i32>} : memref<512x32xf32, #tpu.memory_space<vmem>>, vector<1x16xf32>,
      %get3A_1354 = vector.shape_cast %get3A_1353 : vector<1x16xf32> to vector<16xf32>
      %get3A_1355 = arith.index_cast %add3A_1338 : i32 to index
      %get3A_1356 = arith.constant 0 : index
      %get3A_1357 = tpu.vector_load %arg18[%get3A_1355, %get3A_1356] {strides = array<i32>} : memref<512x32xf32, #tpu.memory_space<vmem>>, vector<1x16xf32>,
      %get3A_1358 = vector.shape_cast %get3A_1357 : vector<1x16xf32> to vector<16xf32>
      %get3A_1359 = arith.index_cast %add3A_1338 : i32 to index
      %get3A_1360 = arith.constant 16 : index
      %get3A_1361 = tpu.vector_load %arg18[%get3A_1359, %get3A_1360] {strides = array<i32>} : memref<512x32xf32, #tpu.memory_space<vmem>>, vector<1x16xf32>,
      %get3A_1362 = vector.shape_cast %get3A_1361 : vector<1x16xf32> to vector<16xf32>
      %add3A_1363 = arith.addf %get3A_1342, %get3A_1350 : vector<16xf32>
      %sub3A_1364 = arith.subf %add3A_1363, %get3A_1358 : vector<16xf32>
      %add3A_1365 = arith.addf %get3A_1346, %get3A_1354 : vector<16xf32>
      %sub3A_1366 = arith.subf %add3A_1365, %get3A_1362 : vector<16xf32>
      %mul3A_1367 = arith.mulf %sub3A_1364, %sub3A_1364 : vector<16xf32>
      %mul3A_1368 = arith.mulf %sub3A_1366, %sub3A_1366 : vector<16xf32>
      %add3A_1369 = arith.addf %mul3A_1367, %mul3A_1368 : vector<16xf32>
      %mul3A_1370 = arith.constant 16 : i32
      %mul3A_1371 = arith.muli %scan3A_881, %mul3A_1370 : i32
      %add3A_1372 = arith.constant 14 : i32
      %add3A_1373 = arith.addi %mul3A_1371, %add3A_1372 : i32
      %get3A_1374 = arith.index_cast %add3A_1373 : i32 to index
      %get3A_1375 = arith.constant 0 : index
      %get3A_1376 = tpu.vector_load %arg16[%get3A_1374, %get3A_1375] {strides = array<i32>} : memref<512x32xf32, #tpu.memory_space<vmem>>, vector<1x16xf32>,
      %get3A_1377 = vector.shape_cast %get3A_1376 : vector<1x16xf32> to vector<16xf32>
      %get3A_1378 = arith.index_cast %add3A_1373 : i32 to index
      %get3A_1379 = arith.constant 16 : index
      %get3A_1380 = tpu.vector_load %arg16[%get3A_1378, %get3A_1379] {strides = array<i32>} : memref<512x32xf32, #tpu.memory_space<vmem>>, vector<1x16xf32>,
      %get3A_1381 = vector.shape_cast %get3A_1380 : vector<1x16xf32> to vector<16xf32>
      %get3A_1382 = arith.index_cast %add3A_1373 : i32 to index
      %get3A_1383 = arith.constant 0 : index
      %get3A_1384 = tpu.vector_load %arg17[%get3A_1382, %get3A_1383] {strides = array<i32>} : memref<512x32xf32, #tpu.memory_space<vmem>>, vector<1x16xf32>,
      %get3A_1385 = vector.shape_cast %get3A_1384 : vector<1x16xf32> to vector<16xf32>
      %get3A_1386 = arith.index_cast %add3A_1373 : i32 to index
      %get3A_1387 = arith.constant 16 : index
      %get3A_1388 = tpu.vector_load %arg17[%get3A_1386, %get3A_1387] {strides = array<i32>} : memref<512x32xf32, #tpu.memory_space<vmem>>, vector<1x16xf32>,
      %get3A_1389 = vector.shape_cast %get3A_1388 : vector<1x16xf32> to vector<16xf32>
      %get3A_1390 = arith.index_cast %add3A_1373 : i32 to index
      %get3A_1391 = arith.constant 0 : index
      %get3A_1392 = tpu.vector_load %arg18[%get3A_1390, %get3A_1391] {strides = array<i32>} : memref<512x32xf32, #tpu.memory_space<vmem>>, vector<1x16xf32>,
      %get3A_1393 = vector.shape_cast %get3A_1392 : vector<1x16xf32> to vector<16xf32>
      %get3A_1394 = arith.index_cast %add3A_1373 : i32 to index
      %get3A_1395 = arith.constant 16 : index
      %get3A_1396 = tpu.vector_load %arg18[%get3A_1394, %get3A_1395] {strides = array<i32>} : memref<512x32xf32, #tpu.memory_space<vmem>>, vector<1x16xf32>,
      %get3A_1397 = vector.shape_cast %get3A_1396 : vector<1x16xf32> to vector<16xf32>
      %add3A_1398 = arith.addf %get3A_1377, %get3A_1385 : vector<16xf32>
      %sub3A_1399 = arith.subf %add3A_1398, %get3A_1393 : vector<16xf32>
      %add3A_1400 = arith.addf %get3A_1381, %get3A_1389 : vector<16xf32>
      %sub3A_1401 = arith.subf %add3A_1400, %get3A_1397 : vector<16xf32>
      %mul3A_1402 = arith.mulf %sub3A_1399, %sub3A_1399 : vector<16xf32>
      %mul3A_1403 = arith.mulf %sub3A_1401, %sub3A_1401 : vector<16xf32>
      %add3A_1404 = arith.addf %mul3A_1402, %mul3A_1403 : vector<16xf32>
      %mul3A_1405 = arith.constant 16 : i32
      %mul3A_1406 = arith.muli %scan3A_881, %mul3A_1405 : i32
      %add3A_1407 = arith.constant 15 : i32
      %add3A_1408 = arith.addi %mul3A_1406, %add3A_1407 : i32
      %get3A_1409 = arith.index_cast %add3A_1408 : i32 to index
      %get3A_1410 = arith.constant 0 : index
      %get3A_1411 = tpu.vector_load %arg16[%get3A_1409, %get3A_1410] {strides = array<i32>} : memref<512x32xf32, #tpu.memory_space<vmem>>, vector<1x16xf32>,
      %get3A_1412 = vector.shape_cast %get3A_1411 : vector<1x16xf32> to vector<16xf32>
      %get3A_1413 = arith.index_cast %add3A_1408 : i32 to index
      %get3A_1414 = arith.constant 16 : index
      %get3A_1415 = tpu.vector_load %arg16[%get3A_1413, %get3A_1414] {strides = array<i32>} : memref<512x32xf32, #tpu.memory_space<vmem>>, vector<1x16xf32>,
      %get3A_1416 = vector.shape_cast %get3A_1415 : vector<1x16xf32> to vector<16xf32>
      %get3A_1417 = arith.index_cast %add3A_1408 : i32 to index
      %get3A_1418 = arith.constant 0 : index
      %get3A_1419 = tpu.vector_load %arg17[%get3A_1417, %get3A_1418] {strides = array<i32>} : memref<512x32xf32, #tpu.memory_space<vmem>>, vector<1x16xf32>,
      %get3A_1420 = vector.shape_cast %get3A_1419 : vector<1x16xf32> to vector<16xf32>
      %get3A_1421 = arith.index_cast %add3A_1408 : i32 to index
      %get3A_1422 = arith.constant 16 : index
      %get3A_1423 = tpu.vector_load %arg17[%get3A_1421, %get3A_1422] {strides = array<i32>} : memref<512x32xf32, #tpu.memory_space<vmem>>, vector<1x16xf32>,
      %get3A_1424 = vector.shape_cast %get3A_1423 : vector<1x16xf32> to vector<16xf32>
      %get3A_1425 = arith.index_cast %add3A_1408 : i32 to index
      %get3A_1426 = arith.constant 0 : index
      %get3A_1427 = tpu.vector_load %arg18[%get3A_1425, %get3A_1426] {strides = array<i32>} : memref<512x32xf32, #tpu.memory_space<vmem>>, vector<1x16xf32>,
      %get3A_1428 = vector.shape_cast %get3A_1427 : vector<1x16xf32> to vector<16xf32>
      %get3A_1429 = arith.index_cast %add3A_1408 : i32 to index
      %get3A_1430 = arith.constant 16 : index
      %get3A_1431 = tpu.vector_load %arg18[%get3A_1429, %get3A_1430] {strides = array<i32>} : memref<512x32xf32, #tpu.memory_space<vmem>>, vector<1x16xf32>,
      %get3A_1432 = vector.shape_cast %get3A_1431 : vector<1x16xf32> to vector<16xf32>
      %add3A_1433 = arith.addf %get3A_1412, %get3A_1420 : vector<16xf32>
      %sub3A_1434 = arith.subf %add3A_1433, %get3A_1428 : vector<16xf32>
      %add3A_1435 = arith.addf %get3A_1416, %get3A_1424 : vector<16xf32>
      %sub3A_1436 = arith.subf %add3A_1435, %get3A_1432 : vector<16xf32>
      %mul3A_1437 = arith.mulf %sub3A_1434, %sub3A_1434 : vector<16xf32>
      %mul3A_1438 = arith.mulf %sub3A_1436, %sub3A_1436 : vector<16xf32>
      %add3A_1439 = arith.addf %mul3A_1437, %mul3A_1438 : vector<16xf32>
      %select_n3A_1440 = arith.select %eq3A_267, %add3A_914, %add3A_949 : vector<16xi1>, vector<16xf32>
      %select_n3A_1441 = arith.select %eq3A_267, %add3A_949, %add3A_914 : vector<16xi1>, vector<16xf32>
      %broadcast_in_dim3A = vector.shape_cast %xor3A_353 : vector<16xi32> to vector<16x1xi32>
      %gather3A = vector.shape_cast %broadcast_in_dim3A : vector<16x1xi32> to vector<16xi32>
      %gather3A_1442 = tpu.dynamic_gather %select_n3A_1441[%gather3A] in [0] : vector<16xf32>, vector<16xi32> -> vector<16xf32>
      %add3A_1443 = arith.addf %select_n3A_1440, %gather3A_1442 : vector<16xf32>
      %select_n3A_1444 = arith.select %eq3A_267, %add3A_984, %add3A_1019 : vector<16xi1>, vector<16xf32>
      %select_n3A_1445 = arith.select %eq3A_267, %add3A_1019, %add3A_984 : vector<16xi1>, vector<16xf32>
      %broadcast_in_dim3A_1446 = vector.shape_cast %xor3A_353 : vector<16xi32> to vector<16x1xi32>
      %gather3A_1447 = vector.shape_cast %broadcast_in_dim3A_1446 : vector<16x1xi32> to vector<16xi32>
      %gather3A_1448 = tpu.dynamic_gather %select_n3A_1445[%gather3A_1447] in [0] : vector<16xf32>, vector<16xi32> -> vector<16xf32>
      %add3A_1449 = arith.addf %select_n3A_1444, %gather3A_1448 : vector<16xf32>
      %select_n3A_1450 = arith.select %eq3A_267, %add3A_1054, %add3A_1089 : vector<16xi1>, vector<16xf32>
      %select_n3A_1451 = arith.select %eq3A_267, %add3A_1089, %add3A_1054 : vector<16xi1>, vector<16xf32>
      %broadcast_in_dim3A_1452 = vector.shape_cast %xor3A_353 : vector<16xi32> to vector<16x1xi32>
      %gather3A_1453 = vector.shape_cast %broadcast_in_dim3A_1452 : vector<16x1xi32> to vector<16xi32>
      %gather3A_1454 = tpu.dynamic_gather %select_n3A_1451[%gather3A_1453] in [0] : vector<16xf32>, vector<16xi32> -> vector<16xf32>
      %add3A_1455 = arith.addf %select_n3A_1450, %gather3A_1454 : vector<16xf32>
      %select_n3A_1456 = arith.select %eq3A_267, %add3A_1124, %add3A_1159 : vector<16xi1>, vector<16xf32>
      %select_n3A_1457 = arith.select %eq3A_267, %add3A_1159, %add3A_1124 : vector<16xi1>, vector<16xf32>
      %broadcast_in_dim3A_1458 = vector.shape_cast %xor3A_353 : vector<16xi32> to vector<16x1xi32>
      %gather3A_1459 = vector.shape_cast %broadcast_in_dim3A_1458 : vector<16x1xi32> to vector<16xi32>
      %gather3A_1460 = tpu.dynamic_gather %select_n3A_1457[%gather3A_1459] in [0] : vector<16xf32>, vector<16xi32> -> vector<16xf32>
      %add3A_1461 = arith.addf %select_n3A_1456, %gather3A_1460 : vector<16xf32>
      %select_n3A_1462 = arith.select %eq3A_267, %add3A_1194, %add3A_1229 : vector<16xi1>, vector<16xf32>
      %select_n3A_1463 = arith.select %eq3A_267, %add3A_1229, %add3A_1194 : vector<16xi1>, vector<16xf32>
      %broadcast_in_dim3A_1464 = vector.shape_cast %xor3A_353 : vector<16xi32> to vector<16x1xi32>
      %gather3A_1465 = vector.shape_cast %broadcast_in_dim3A_1464 : vector<16x1xi32> to vector<16xi32>
      %gather3A_1466 = tpu.dynamic_gather %select_n3A_1463[%gather3A_1465] in [0] : vector<16xf32>, vector<16xi32> -> vector<16xf32>
      %add3A_1467 = arith.addf %select_n3A_1462, %gather3A_1466 : vector<16xf32>
      %select_n3A_1468 = arith.select %eq3A_267, %add3A_1264, %add3A_1299 : vector<16xi1>, vector<16xf32>
      %select_n3A_1469 = arith.select %eq3A_267, %add3A_1299, %add3A_1264 : vector<16xi1>, vector<16xf32>
      %broadcast_in_dim3A_1470 = vector.shape_cast %xor3A_353 : vector<16xi32> to vector<16x1xi32>
      %gather3A_1471 = vector.shape_cast %broadcast_in_dim3A_1470 : vector<16x1xi32> to vector<16xi32>
      %gather3A_1472 = tpu.dynamic_gather %select_n3A_1469[%gather3A_1471] in [0] : vector<16xf32>, vector<16xi32> -> vector<16xf32>
      %add3A_1473 = arith.addf %select_n3A_1468, %gather3A_1472 : vector<16xf32>
      %select_n3A_1474 = arith.select %eq3A_267, %add3A_1334, %add3A_1369 : vector<16xi1>, vector<16xf32>
      %select_n3A_1475 = arith.select %eq3A_267, %add3A_1369, %add3A_1334 : vector<16xi1>, vector<16xf32>
      %broadcast_in_dim3A_1476 = vector.shape_cast %xor3A_353 : vector<16xi32> to vector<16x1xi32>
      %gather3A_1477 = vector.shape_cast %broadcast_in_dim3A_1476 : vector<16x1xi32> to vector<16xi32>
      %gather3A_1478 = tpu.dynamic_gather %select_n3A_1475[%gather3A_1477] in [0] : vector<16xf32>, vector<16xi32> -> vector<16xf32>
      %add3A_1479 = arith.addf %select_n3A_1474, %gather3A_1478 : vector<16xf32>
      %select_n3A_1480 = arith.select %eq3A_267, %add3A_1404, %add3A_1439 : vector<16xi1>, vector<16xf32>
      %select_n3A_1481 = arith.select %eq3A_267, %add3A_1439, %add3A_1404 : vector<16xi1>, vector<16xf32>
      %broadcast_in_dim3A_1482 = vector.shape_cast %xor3A_353 : vector<16xi32> to vector<16x1xi32>
      %gather3A_1483 = vector.shape_cast %broadcast_in_dim3A_1482 : vector<16x1xi32> to vector<16xi32>
      %gather3A_1484 = tpu.dynamic_gather %select_n3A_1481[%gather3A_1483] in [0] : vector<16xf32>, vector<16xi32> -> vector<16xf32>
      %add3A_1485 = arith.addf %select_n3A_1480, %gather3A_1484 : vector<16xf32>
      %select_n3A_1486 = arith.select %eq3A_295, %add3A_1443, %add3A_1449 : vector<16xi1>, vector<16xf32>
      %select_n3A_1487 = arith.select %eq3A_295, %add3A_1449, %add3A_1443 : vector<16xi1>, vector<16xf32>
      %broadcast_in_dim3A_1488 = vector.shape_cast %xor3A_356 : vector<16xi32> to vector<16x1xi32>
      %gather3A_1489 = vector.shape_cast %broadcast_in_dim3A_1488 : vector<16x1xi32> to vector<16xi32>
      %gather3A_1490 = tpu.dynamic_gather %select_n3A_1487[%gather3A_1489] in [0] : vector<16xf32>, vector<16xi32> -> vector<16xf32>
      %add3A_1491 = arith.addf %select_n3A_1486, %gather3A_1490 : vector<16xf32>
      %select_n3A_1492 = arith.select %eq3A_295, %add3A_1455, %add3A_1461 : vector<16xi1>, vector<16xf32>
      %select_n3A_1493 = arith.select %eq3A_295, %add3A_1461, %add3A_1455 : vector<16xi1>, vector<16xf32>
      %broadcast_in_dim3A_1494 = vector.shape_cast %xor3A_356 : vector<16xi32> to vector<16x1xi32>
      %gather3A_1495 = vector.shape_cast %broadcast_in_dim3A_1494 : vector<16x1xi32> to vector<16xi32>
      %gather3A_1496 = tpu.dynamic_gather %select_n3A_1493[%gather3A_1495] in [0] : vector<16xf32>, vector<16xi32> -> vector<16xf32>
      %add3A_1497 = arith.addf %select_n3A_1492, %gather3A_1496 : vector<16xf32>
      %select_n3A_1498 = arith.select %eq3A_295, %add3A_1467, %add3A_1473 : vector<16xi1>, vector<16xf32>
      %select_n3A_1499 = arith.select %eq3A_295, %add3A_1473, %add3A_1467 : vector<16xi1>, vector<16xf32>
      %broadcast_in_dim3A_1500 = vector.shape_cast %xor3A_356 : vector<16xi32> to vector<16x1xi32>
      %gather3A_1501 = vector.shape_cast %broadcast_in_dim3A_1500 : vector<16x1xi32> to vector<16xi32>
      %gather3A_1502 = tpu.dynamic_gather %select_n3A_1499[%gather3A_1501] in [0] : vector<16xf32>, vector<16xi32> -> vector<16xf32>
      %add3A_1503 = arith.addf %select_n3A_1498, %gather3A_1502 : vector<16xf32>
      %select_n3A_1504 = arith.select %eq3A_295, %add3A_1479, %add3A_1485 : vector<16xi1>, vector<16xf32>
      %select_n3A_1505 = arith.select %eq3A_295, %add3A_1485, %add3A_1479 : vector<16xi1>, vector<16xf32>
      %broadcast_in_dim3A_1506 = vector.shape_cast %xor3A_356 : vector<16xi32> to vector<16x1xi32>
      %gather3A_1507 = vector.shape_cast %broadcast_in_dim3A_1506 : vector<16x1xi32> to vector<16xi32>
      %gather3A_1508 = tpu.dynamic_gather %select_n3A_1505[%gather3A_1507] in [0] : vector<16xf32>, vector<16xi32> -> vector<16xf32>
      %add3A_1509 = arith.addf %select_n3A_1504, %gather3A_1508 : vector<16xf32>
      %select_n3A_1510 = arith.select %eq3A_323, %add3A_1491, %add3A_1497 : vector<16xi1>, vector<16xf32>
      %select_n3A_1511 = arith.select %eq3A_323, %add3A_1497, %add3A_1491 : vector<16xi1>, vector<16xf32>
      %broadcast_in_dim3A_1512 = vector.shape_cast %xor3A_359 : vector<16xi32> to vector<16x1xi32>
      %gather3A_1513 = vector.shape_cast %broadcast_in_dim3A_1512 : vector<16x1xi32> to vector<16xi32>
      %gather3A_1514 = tpu.dynamic_gather %select_n3A_1511[%gather3A_1513] in [0] : vector<16xf32>, vector<16xi32> -> vector<16xf32>
      %add3A_1515 = arith.addf %select_n3A_1510, %gather3A_1514 : vector<16xf32>
      %select_n3A_1516 = arith.select %eq3A_323, %add3A_1503, %add3A_1509 : vector<16xi1>, vector<16xf32>
      %select_n3A_1517 = arith.select %eq3A_323, %add3A_1509, %add3A_1503 : vector<16xi1>, vector<16xf32>
      %broadcast_in_dim3A_1518 = vector.shape_cast %xor3A_359 : vector<16xi32> to vector<16x1xi32>
      %gather3A_1519 = vector.shape_cast %broadcast_in_dim3A_1518 : vector<16x1xi32> to vector<16xi32>
      %gather3A_1520 = tpu.dynamic_gather %select_n3A_1517[%gather3A_1519] in [0] : vector<16xf32>, vector<16xi32> -> vector<16xf32>
      %add3A_1521 = arith.addf %select_n3A_1516, %gather3A_1520 : vector<16xf32>
      %select_n3A_1522 = arith.select %eq3A_351, %add3A_1515, %add3A_1521 : vector<16xi1>, vector<16xf32>
      %select_n3A_1523 = arith.select %eq3A_351, %add3A_1521, %add3A_1515 : vector<16xi1>, vector<16xf32>
      %broadcast_in_dim3A_1524 = vector.shape_cast %xor3A_362 : vector<16xi32> to vector<16x1xi32>
      %gather3A_1525 = vector.shape_cast %broadcast_in_dim3A_1524 : vector<16x1xi32> to vector<16xi32>
      %gather3A_1526 = tpu.dynamic_gather %select_n3A_1523[%gather3A_1525] in [0] : vector<16xf32>, vector<16xi32> -> vector<16xf32>
      %add3A_1527 = arith.addf %select_n3A_1522, %gather3A_1526 : vector<16xf32>
      %mul3A_1528 = arith.constant 16 : i32
      %mul3A_1529 = arith.muli %scan3A_881, %mul3A_1528 : i32
      %get3A_1530 = arith.index_cast %mul3A_1529 : i32 to index
      %get3A_1531 = tpu.vector_load %arg19[%get3A_1530] {strides = array<i32>} : memref<512xf32, #tpu.memory_space<vmem>>, vector<16xf32>,
      %get3A_1532 = vector.shape_cast %get3A_1531 : vector<16xf32> to vector<16xf32>
      %get3A_1533 = arith.index_cast %mul3A_1529 : i32 to index
      %get3A_1534 = tpu.vector_load %arg20[%get3A_1533] {strides = array<i32>} : memref<512xf32, #tpu.memory_space<vmem>>, vector<16xf32>,
      %get3A_1535 = vector.shape_cast %get3A_1534 : vector<16xf32> to vector<16xf32>
      %add3A_1536 = arith.addf %get3A_1532, %get3A_1535 : vector<16xf32>
      %sub3A_1537 = arith.subf %add3A_1536, %add3A_1527 : vector<16xf32>
      %swap3A = arith.index_cast %mul3A_1529 : i32 to index
      %swap3A_1538 = tpu.vector_load %arg21[%swap3A] {strides = array<i32>} : memref<512xf32, #tpu.memory_space<vmem>>, vector<16xf32>,
      %swap3A_1539 = vector.shape_cast %swap3A_1538 : vector<16xf32> to vector<16xf32>
      %swap3A_1540 = vector.shape_cast %sub3A_1537 : vector<16xf32> to vector<16xf32>
      tpu.vector_store %arg21[%swap3A], %swap3A_1540 {strides = array<i32>} : memref<512xf32, #tpu.memory_space<vmem>>, vector<16xf32>,
    }
    %scan3A_625 = arith.constant 8 : i32
    %add3A_626 = arith.constant 256 : i32
    %add3A_627 = arith.addi %mul3A_2, %add3A_626 : i32
    %dma_start3A_628 = arith.constant 256 : i32
    %dma_start3A_629 = arith.constant 0 : i32
    %dma_start3A_630 = tpu.memref_slice %arg16[%dma_start3A_628, %dma_start3A_629] : memref<512x32xf32, #tpu.memory_space<vmem>> -> memref<128x32xf32, #tpu.memory_space<vmem>>
    %dma_start3A_631 = arith.constant 0 : i32
    %dma_start3A_632 = tpu.memref_slice %arg10[%add3A_627, %dma_start3A_631] : memref<16384x32xf32, #tpu.memory_space<hbm>> -> memref<128x32xf32, #tpu.memory_space<hbm>>
    %dma_start3A_633 = arith.constant 0 : i32
    %dma_start3A_634 = tpu.memref_slice %arg10[%add3A_627, %dma_start3A_633] : memref<16384x32xf32, #tpu.memory_space<hbm>> -> memref<128x32xf32, #tpu.memory_space<hbm>>
    %dma_start3A_635 = arith.constant 256 : i32
    %dma_start3A_636 = arith.constant 0 : i32
    %dma_start3A_637 = tpu.memref_slice %arg16[%dma_start3A_635, %dma_start3A_636] : memref<512x32xf32, #tpu.memory_space<vmem>> -> memref<128x32xf32, #tpu.memory_space<vmem>>
    tpu.enqueue_dma source(%dma_start3A_637 : memref<128x32xf32, #tpu.memory_space<vmem>>) target(%dma_start3A_634 : memref<128x32xf32, #tpu.memory_space<hbm>>) target_semaphore(%arg23 : memref<!tpu.dma_semaphore, #tpu.memory_space<semaphore_mem>>)
    %dma_start3A_638 = arith.constant 256 : i32
    %dma_start3A_639 = arith.constant 0 : i32
    %dma_start3A_640 = tpu.memref_slice %arg17[%dma_start3A_638, %dma_start3A_639] : memref<512x32xf32, #tpu.memory_space<vmem>> -> memref<128x32xf32, #tpu.memory_space<vmem>>
    %dma_start3A_641 = arith.constant 0 : i32
    %dma_start3A_642 = tpu.memref_slice %arg11[%add3A_627, %dma_start3A_641] : memref<16384x32xf32, #tpu.memory_space<hbm>> -> memref<128x32xf32, #tpu.memory_space<hbm>>
    %dma_start3A_643 = arith.constant 0 : i32
    %dma_start3A_644 = tpu.memref_slice %arg11[%add3A_627, %dma_start3A_643] : memref<16384x32xf32, #tpu.memory_space<hbm>> -> memref<128x32xf32, #tpu.memory_space<hbm>>
    %dma_start3A_645 = arith.constant 256 : i32
    %dma_start3A_646 = arith.constant 0 : i32
    %dma_start3A_647 = tpu.memref_slice %arg17[%dma_start3A_645, %dma_start3A_646] : memref<512x32xf32, #tpu.memory_space<vmem>> -> memref<128x32xf32, #tpu.memory_space<vmem>>
    tpu.enqueue_dma source(%dma_start3A_647 : memref<128x32xf32, #tpu.memory_space<vmem>>) target(%dma_start3A_644 : memref<128x32xf32, #tpu.memory_space<hbm>>) target_semaphore(%arg23 : memref<!tpu.dma_semaphore, #tpu.memory_space<semaphore_mem>>)
    %dma_start3A_648 = arith.constant 256 : i32
    %dma_start3A_649 = arith.constant 0 : i32
    %dma_start3A_650 = tpu.memref_slice %arg18[%dma_start3A_648, %dma_start3A_649] : memref<512x32xf32, #tpu.memory_space<vmem>> -> memref<128x32xf32, #tpu.memory_space<vmem>>
    %dma_start3A_651 = arith.constant 0 : i32
    %dma_start3A_652 = tpu.memref_slice %arg12[%add3A_627, %dma_start3A_651] : memref<16384x32xf32, #tpu.memory_space<hbm>> -> memref<128x32xf32, #tpu.memory_space<hbm>>
    %dma_start3A_653 = arith.constant 0 : i32
    %dma_start3A_654 = tpu.memref_slice %arg12[%add3A_627, %dma_start3A_653] : memref<16384x32xf32, #tpu.memory_space<hbm>> -> memref<128x32xf32, #tpu.memory_space<hbm>>
    %dma_start3A_655 = arith.constant 256 : i32
    %dma_start3A_656 = arith.constant 0 : i32
    %dma_start3A_657 = tpu.memref_slice %arg18[%dma_start3A_655, %dma_start3A_656] : memref<512x32xf32, #tpu.memory_space<vmem>> -> memref<128x32xf32, #tpu.memory_space<vmem>>
    tpu.enqueue_dma source(%dma_start3A_657 : memref<128x32xf32, #tpu.memory_space<vmem>>) target(%dma_start3A_654 : memref<128x32xf32, #tpu.memory_space<hbm>>) target_semaphore(%arg23 : memref<!tpu.dma_semaphore, #tpu.memory_space<semaphore_mem>>)
    %dma_wait3A_658 = arith.constant 3 : i32
    %dma_wait3A_659 = arith.constant 3 : i32
    %dma_wait3A_660 = arith.constant 384 : i32
    %dma_wait3A_661 = arith.constant 0 : i32
    %dma_wait3A_662 = tpu.memref_slice %arg16[%dma_wait3A_660, %dma_wait3A_661] : memref<512x32xf32, #tpu.memory_space<vmem>> -> memref<128x32xf32, #tpu.memory_space<vmem>>
    %dma_wait3A_663 = arith.constant 0 : i32
    %dma_wait3A_664 = tpu.memref_slice %arg13[%dma_wait3A_658, %dma_wait3A_663] : memref<4x128xi32, #tpu.memory_space<vmem>> -> memref<1x128xi32, #tpu.memory_space<vmem>>
    %dma_wait3A_665 = tpu.memref_squeeze %dma_wait3A_664 : memref<1x128xi32, #tpu.memory_space<vmem>> -> memref<128xi32, #tpu.memory_space<vmem>>
    %dma_wait3A_666 = arith.constant 0 : i32
    %dma_wait3A_667 = arith.constant 0 : i32
    %dma_wait3A_668 = tpu.memref_slice %arg5[%dma_wait3A_666, %dma_wait3A_667] : memref<1000000x32xf32, #tpu.memory_space<hbm>> -> memref<1000000x32xf32, #tpu.memory_space<hbm>>
    %dma_wait3A_669 = tpu.memref_slice %arg22[%dma_wait3A_659] : memref<4x!tpu.dma_semaphore, #tpu.memory_space<semaphore_mem>> -> memref<1x!tpu.dma_semaphore, #tpu.memory_space<semaphore_mem>>
    %dma_wait3A_670 = tpu.memref_squeeze %dma_wait3A_669 : memref<1x!tpu.dma_semaphore, #tpu.memory_space<semaphore_mem>> -> memref<!tpu.dma_semaphore, #tpu.memory_space<semaphore_mem>>
    tpu.wait_indirect_dma semaphore(%dma_wait3A_670 : memref<!tpu.dma_semaphore, #tpu.memory_space<semaphore_mem>>) src(%dma_wait3A_668 : memref<1000000x32xf32, #tpu.memory_space<hbm>>) dst(%dma_wait3A_662 : memref<128x32xf32, #tpu.memory_space<vmem>>)
    %dma_wait3A_671 = arith.constant 3 : i32
    %dma_wait3A_672 = arith.constant 3 : i32
    %dma_wait3A_673 = arith.constant 384 : i32
    %dma_wait3A_674 = arith.constant 0 : i32
    %dma_wait3A_675 = tpu.memref_slice %arg18[%dma_wait3A_673, %dma_wait3A_674] : memref<512x32xf32, #tpu.memory_space<vmem>> -> memref<128x32xf32, #tpu.memory_space<vmem>>
    %dma_wait3A_676 = arith.constant 0 : i32
    %dma_wait3A_677 = tpu.memref_slice %arg15[%dma_wait3A_671, %dma_wait3A_676] : memref<4x128xi32, #tpu.memory_space<vmem>> -> memref<1x128xi32, #tpu.memory_space<vmem>>
    %dma_wait3A_678 = tpu.memref_squeeze %dma_wait3A_677 : memref<1x128xi32, #tpu.memory_space<vmem>> -> memref<128xi32, #tpu.memory_space<vmem>>
    %dma_wait3A_679 = arith.constant 0 : i32
    %dma_wait3A_680 = arith.constant 0 : i32
    %dma_wait3A_681 = tpu.memref_slice %arg5[%dma_wait3A_679, %dma_wait3A_680] : memref<1000000x32xf32, #tpu.memory_space<hbm>> -> memref<1000000x32xf32, #tpu.memory_space<hbm>>
    %dma_wait3A_682 = tpu.memref_slice %arg22[%dma_wait3A_672] : memref<4x!tpu.dma_semaphore, #tpu.memory_space<semaphore_mem>> -> memref<1x!tpu.dma_semaphore, #tpu.memory_space<semaphore_mem>>
    %dma_wait3A_683 = tpu.memref_squeeze %dma_wait3A_682 : memref<1x!tpu.dma_semaphore, #tpu.memory_space<semaphore_mem>> -> memref<!tpu.dma_semaphore, #tpu.memory_space<semaphore_mem>>
    tpu.wait_indirect_dma semaphore(%dma_wait3A_683 : memref<!tpu.dma_semaphore, #tpu.memory_space<semaphore_mem>>) src(%dma_wait3A_681 : memref<1000000x32xf32, #tpu.memory_space<hbm>>) dst(%dma_wait3A_675 : memref<128x32xf32, #tpu.memory_space<vmem>>)
    %dma_wait3A_684 = arith.constant 3 : i32
    %dma_wait3A_685 = arith.constant 3 : i32
    %dma_wait3A_686 = arith.constant 384 : i32
    %dma_wait3A_687 = arith.constant 0 : i32
    %dma_wait3A_688 = tpu.memref_slice %arg17[%dma_wait3A_686, %dma_wait3A_687] : memref<512x32xf32, #tpu.memory_space<vmem>> -> memref<128x32xf32, #tpu.memory_space<vmem>>
    %dma_wait3A_689 = arith.constant 0 : i32
    %dma_wait3A_690 = tpu.memref_slice %arg14[%dma_wait3A_684, %dma_wait3A_689] : memref<4x128xi32, #tpu.memory_space<vmem>> -> memref<1x128xi32, #tpu.memory_space<vmem>>
    %dma_wait3A_691 = tpu.memref_squeeze %dma_wait3A_690 : memref<1x128xi32, #tpu.memory_space<vmem>> -> memref<128xi32, #tpu.memory_space<vmem>>
    %dma_wait3A_692 = arith.constant 0 : i32
    %dma_wait3A_693 = arith.constant 0 : i32
    %dma_wait3A_694 = tpu.memref_slice %arg6[%dma_wait3A_692, %dma_wait3A_693] : memref<1000x32xf32, #tpu.memory_space<hbm>> -> memref<1000x32xf32, #tpu.memory_space<hbm>>
    %dma_wait3A_695 = tpu.memref_slice %arg22[%dma_wait3A_685] : memref<4x!tpu.dma_semaphore, #tpu.memory_space<semaphore_mem>> -> memref<1x!tpu.dma_semaphore, #tpu.memory_space<semaphore_mem>>
    %dma_wait3A_696 = tpu.memref_squeeze %dma_wait3A_695 : memref<1x!tpu.dma_semaphore, #tpu.memory_space<semaphore_mem>> -> memref<!tpu.dma_semaphore, #tpu.memory_space<semaphore_mem>>
    tpu.wait_indirect_dma semaphore(%dma_wait3A_696 : memref<!tpu.dma_semaphore, #tpu.memory_space<semaphore_mem>>) src(%dma_wait3A_694 : memref<1000x32xf32, #tpu.memory_space<hbm>>) dst(%dma_wait3A_688 : memref<128x32xf32, #tpu.memory_space<vmem>>)
    %dma_wait3A_697 = arith.constant 3 : i32
    %dma_wait3A_698 = arith.constant 3 : i32
    %dma_wait3A_699 = arith.constant 384 : i32
    %dma_wait3A_700 = tpu.memref_slice %arg19[%dma_wait3A_699] : memref<512xf32, #tpu.memory_space<vmem>> -> memref<128xf32, #tpu.memory_space<vmem>>
    %dma_wait3A_701 = arith.constant 0 : i32
    %dma_wait3A_702 = tpu.memref_slice %arg13[%dma_wait3A_697, %dma_wait3A_701] : memref<4x128xi32, #tpu.memory_space<vmem>> -> memref<1x128xi32, #tpu.memory_space<vmem>>
    %dma_wait3A_703 = tpu.memref_squeeze %dma_wait3A_702 : memref<1x128xi32, #tpu.memory_space<vmem>> -> memref<128xi32, #tpu.memory_space<vmem>>
    %dma_wait3A_704 = arith.constant 0 : i32
    %dma_wait3A_705 = tpu.memref_slice %arg7[%dma_wait3A_704] : memref<1000000xf32, #tpu.memory_space<hbm>> -> memref<1000000xf32, #tpu.memory_space<hbm>>
    %dma_wait3A_706 = tpu.memref_slice %arg22[%dma_wait3A_698] : memref<4x!tpu.dma_semaphore, #tpu.memory_space<semaphore_mem>> -> memref<1x!tpu.dma_semaphore, #tpu.memory_space<semaphore_mem>>
    %dma_wait3A_707 = tpu.memref_squeeze %dma_wait3A_706 : memref<1x!tpu.dma_semaphore, #tpu.memory_space<semaphore_mem>> -> memref<!tpu.dma_semaphore, #tpu.memory_space<semaphore_mem>>
    tpu.wait_indirect_dma semaphore(%dma_wait3A_707 : memref<!tpu.dma_semaphore, #tpu.memory_space<semaphore_mem>>) src(%dma_wait3A_705 : memref<1000000xf32, #tpu.memory_space<hbm>>) dst(%dma_wait3A_700 : memref<128xf32, #tpu.memory_space<vmem>>)
    %dma_wait3A_708 = arith.constant 3 : i32
    %dma_wait3A_709 = arith.constant 3 : i32
    %dma_wait3A_710 = arith.constant 384 : i32
    %dma_wait3A_711 = tpu.memref_slice %arg20[%dma_wait3A_710] : memref<512xf32, #tpu.memory_space<vmem>> -> memref<128xf32, #tpu.memory_space<vmem>>
    %dma_wait3A_712 = arith.constant 0 : i32
    %dma_wait3A_713 = tpu.memref_slice %arg15[%dma_wait3A_708, %dma_wait3A_712] : memref<4x128xi32, #tpu.memory_space<vmem>> -> memref<1x128xi32, #tpu.memory_space<vmem>>
    %dma_wait3A_714 = tpu.memref_squeeze %dma_wait3A_713 : memref<1x128xi32, #tpu.memory_space<vmem>> -> memref<128xi32, #tpu.memory_space<vmem>>
    %dma_wait3A_715 = arith.constant 0 : i32
    %dma_wait3A_716 = tpu.memref_slice %arg8[%dma_wait3A_715] : memref<1000000xf32, #tpu.memory_space<hbm>> -> memref<1000000xf32, #tpu.memory_space<hbm>>
    %dma_wait3A_717 = tpu.memref_slice %arg22[%dma_wait3A_709] : memref<4x!tpu.dma_semaphore, #tpu.memory_space<semaphore_mem>> -> memref<1x!tpu.dma_semaphore, #tpu.memory_space<semaphore_mem>>
    %dma_wait3A_718 = tpu.memref_squeeze %dma_wait3A_717 : memref<1x!tpu.dma_semaphore, #tpu.memory_space<semaphore_mem>> -> memref<!tpu.dma_semaphore, #tpu.memory_space<semaphore_mem>>
    tpu.wait_indirect_dma semaphore(%dma_wait3A_718 : memref<!tpu.dma_semaphore, #tpu.memory_space<semaphore_mem>>) src(%dma_wait3A_716 : memref<1000000xf32, #tpu.memory_space<hbm>>) dst(%dma_wait3A_711 : memref<128xf32, #tpu.memory_space<vmem>>)
    %scan3A_719 = arith.constant 0 : i32
    %scan3A_720 = arith.constant 24 : i32
    %scan3A_721 = arith.constant 8 : i32
    %scan3A_722 = arith.addi %scan3A_720, %scan3A_721 : i32
    %scan3A_723 = arith.constant 1 : i32
    scf.for %scan3A_881 = %scan3A_720 to %scan3A_722 step %scan3A_723  : i32 {
      %mul3A_882 = arith.constant 16 : i32
      %mul3A_883 = arith.muli %scan3A_881, %mul3A_882 : i32
      %add3A_884 = arith.constant 0 : i32
      %add3A_885 = arith.addi %mul3A_883, %add3A_884 : i32
      %get3A = arith.index_cast %add3A_885 : i32 to index
      %get3A_886 = arith.constant 0 : index
      %get3A_887 = tpu.vector_load %arg16[%get3A, %get3A_886] {strides = array<i32>} : memref<512x32xf32, #tpu.memory_space<vmem>>, vector<1x16xf32>,
      %get3A_888 = vector.shape_cast %get3A_887 : vector<1x16xf32> to vector<16xf32>
      %get3A_889 = arith.index_cast %add3A_885 : i32 to index
      %get3A_890 = arith.constant 16 : index
      %get3A_891 = tpu.vector_load %arg16[%get3A_889, %get3A_890] {strides = array<i32>} : memref<512x32xf32, #tpu.memory_space<vmem>>, vector<1x16xf32>,
      %get3A_892 = vector.shape_cast %get3A_891 : vector<1x16xf32> to vector<16xf32>
      %get3A_893 = arith.index_cast %add3A_885 : i32 to index
      %get3A_894 = arith.constant 0 : index
      %get3A_895 = tpu.vector_load %arg17[%get3A_893, %get3A_894] {strides = array<i32>} : memref<512x32xf32, #tpu.memory_space<vmem>>, vector<1x16xf32>,
      %get3A_896 = vector.shape_cast %get3A_895 : vector<1x16xf32> to vector<16xf32>
      %get3A_897 = arith.index_cast %add3A_885 : i32 to index
      %get3A_898 = arith.constant 16 : index
      %get3A_899 = tpu.vector_load %arg17[%get3A_897, %get3A_898] {strides = array<i32>} : memref<512x32xf32, #tpu.memory_space<vmem>>, vector<1x16xf32>,
      %get3A_900 = vector.shape_cast %get3A_899 : vector<1x16xf32> to vector<16xf32>
      %get3A_901 = arith.index_cast %add3A_885 : i32 to index
      %get3A_902 = arith.constant 0 : index
      %get3A_903 = tpu.vector_load %arg18[%get3A_901, %get3A_902] {strides = array<i32>} : memref<512x32xf32, #tpu.memory_space<vmem>>, vector<1x16xf32>,
      %get3A_904 = vector.shape_cast %get3A_903 : vector<1x16xf32> to vector<16xf32>
      %get3A_905 = arith.index_cast %add3A_885 : i32 to index
      %get3A_906 = arith.constant 16 : index
      %get3A_907 = tpu.vector_load %arg18[%get3A_905, %get3A_906] {strides = array<i32>} : memref<512x32xf32, #tpu.memory_space<vmem>>, vector<1x16xf32>,
      %get3A_908 = vector.shape_cast %get3A_907 : vector<1x16xf32> to vector<16xf32>
      %add3A_909 = arith.addf %get3A_888, %get3A_896 : vector<16xf32>
      %sub3A = arith.subf %add3A_909, %get3A_904 : vector<16xf32>
      %add3A_910 = arith.addf %get3A_892, %get3A_900 : vector<16xf32>
      %sub3A_911 = arith.subf %add3A_910, %get3A_908 : vector<16xf32>
      %mul3A_912 = arith.mulf %sub3A, %sub3A : vector<16xf32>
      %mul3A_913 = arith.mulf %sub3A_911, %sub3A_911 : vector<16xf32>
      %add3A_914 = arith.addf %mul3A_912, %mul3A_913 : vector<16xf32>
      %mul3A_915 = arith.constant 16 : i32
      %mul3A_916 = arith.muli %scan3A_881, %mul3A_915 : i32
      %add3A_917 = arith.constant 1 : i32
      %add3A_918 = arith.addi %mul3A_916, %add3A_917 : i32
      %get3A_919 = arith.index_cast %add3A_918 : i32 to index
      %get3A_920 = arith.constant 0 : index
      %get3A_921 = tpu.vector_load %arg16[%get3A_919, %get3A_920] {strides = array<i32>} : memref<512x32xf32, #tpu.memory_space<vmem>>, vector<1x16xf32>,
      %get3A_922 = vector.shape_cast %get3A_921 : vector<1x16xf32> to vector<16xf32>
      %get3A_923 = arith.index_cast %add3A_918 : i32 to index
      %get3A_924 = arith.constant 16 : index
      %get3A_925 = tpu.vector_load %arg16[%get3A_923, %get3A_924] {strides = array<i32>} : memref<512x32xf32, #tpu.memory_space<vmem>>, vector<1x16xf32>,
      %get3A_926 = vector.shape_cast %get3A_925 : vector<1x16xf32> to vector<16xf32>
      %get3A_927 = arith.index_cast %add3A_918 : i32 to index
      %get3A_928 = arith.constant 0 : index
      %get3A_929 = tpu.vector_load %arg17[%get3A_927, %get3A_928] {strides = array<i32>} : memref<512x32xf32, #tpu.memory_space<vmem>>, vector<1x16xf32>,
      %get3A_930 = vector.shape_cast %get3A_929 : vector<1x16xf32> to vector<16xf32>
      %get3A_931 = arith.index_cast %add3A_918 : i32 to index
      %get3A_932 = arith.constant 16 : index
      %get3A_933 = tpu.vector_load %arg17[%get3A_931, %get3A_932] {strides = array<i32>} : memref<512x32xf32, #tpu.memory_space<vmem>>, vector<1x16xf32>,
      %get3A_934 = vector.shape_cast %get3A_933 : vector<1x16xf32> to vector<16xf32>
      %get3A_935 = arith.index_cast %add3A_918 : i32 to index
      %get3A_936 = arith.constant 0 : index
      %get3A_937 = tpu.vector_load %arg18[%get3A_935, %get3A_936] {strides = array<i32>} : memref<512x32xf32, #tpu.memory_space<vmem>>, vector<1x16xf32>,
      %get3A_938 = vector.shape_cast %get3A_937 : vector<1x16xf32> to vector<16xf32>
      %get3A_939 = arith.index_cast %add3A_918 : i32 to index
      %get3A_940 = arith.constant 16 : index
      %get3A_941 = tpu.vector_load %arg18[%get3A_939, %get3A_940] {strides = array<i32>} : memref<512x32xf32, #tpu.memory_space<vmem>>, vector<1x16xf32>,
      %get3A_942 = vector.shape_cast %get3A_941 : vector<1x16xf32> to vector<16xf32>
      %add3A_943 = arith.addf %get3A_922, %get3A_930 : vector<16xf32>
      %sub3A_944 = arith.subf %add3A_943, %get3A_938 : vector<16xf32>
      %add3A_945 = arith.addf %get3A_926, %get3A_934 : vector<16xf32>
      %sub3A_946 = arith.subf %add3A_945, %get3A_942 : vector<16xf32>
      %mul3A_947 = arith.mulf %sub3A_944, %sub3A_944 : vector<16xf32>
      %mul3A_948 = arith.mulf %sub3A_946, %sub3A_946 : vector<16xf32>
      %add3A_949 = arith.addf %mul3A_947, %mul3A_948 : vector<16xf32>
      %mul3A_950 = arith.constant 16 : i32
      %mul3A_951 = arith.muli %scan3A_881, %mul3A_950 : i32
      %add3A_952 = arith.constant 2 : i32
      %add3A_953 = arith.addi %mul3A_951, %add3A_952 : i32
      %get3A_954 = arith.index_cast %add3A_953 : i32 to index
      %get3A_955 = arith.constant 0 : index
      %get3A_956 = tpu.vector_load %arg16[%get3A_954, %get3A_955] {strides = array<i32>} : memref<512x32xf32, #tpu.memory_space<vmem>>, vector<1x16xf32>,
      %get3A_957 = vector.shape_cast %get3A_956 : vector<1x16xf32> to vector<16xf32>
      %get3A_958 = arith.index_cast %add3A_953 : i32 to index
      %get3A_959 = arith.constant 16 : index
      %get3A_960 = tpu.vector_load %arg16[%get3A_958, %get3A_959] {strides = array<i32>} : memref<512x32xf32, #tpu.memory_space<vmem>>, vector<1x16xf32>,
      %get3A_961 = vector.shape_cast %get3A_960 : vector<1x16xf32> to vector<16xf32>
      %get3A_962 = arith.index_cast %add3A_953 : i32 to index
      %get3A_963 = arith.constant 0 : index
      %get3A_964 = tpu.vector_load %arg17[%get3A_962, %get3A_963] {strides = array<i32>} : memref<512x32xf32, #tpu.memory_space<vmem>>, vector<1x16xf32>,
      %get3A_965 = vector.shape_cast %get3A_964 : vector<1x16xf32> to vector<16xf32>
      %get3A_966 = arith.index_cast %add3A_953 : i32 to index
      %get3A_967 = arith.constant 16 : index
      %get3A_968 = tpu.vector_load %arg17[%get3A_966, %get3A_967] {strides = array<i32>} : memref<512x32xf32, #tpu.memory_space<vmem>>, vector<1x16xf32>,
      %get3A_969 = vector.shape_cast %get3A_968 : vector<1x16xf32> to vector<16xf32>
      %get3A_970 = arith.index_cast %add3A_953 : i32 to index
      %get3A_971 = arith.constant 0 : index
      %get3A_972 = tpu.vector_load %arg18[%get3A_970, %get3A_971] {strides = array<i32>} : memref<512x32xf32, #tpu.memory_space<vmem>>, vector<1x16xf32>,
      %get3A_973 = vector.shape_cast %get3A_972 : vector<1x16xf32> to vector<16xf32>
      %get3A_974 = arith.index_cast %add3A_953 : i32 to index
      %get3A_975 = arith.constant 16 : index
      %get3A_976 = tpu.vector_load %arg18[%get3A_974, %get3A_975] {strides = array<i32>} : memref<512x32xf32, #tpu.memory_space<vmem>>, vector<1x16xf32>,
      %get3A_977 = vector.shape_cast %get3A_976 : vector<1x16xf32> to vector<16xf32>
      %add3A_978 = arith.addf %get3A_957, %get3A_965 : vector<16xf32>
      %sub3A_979 = arith.subf %add3A_978, %get3A_973 : vector<16xf32>
      %add3A_980 = arith.addf %get3A_961, %get3A_969 : vector<16xf32>
      %sub3A_981 = arith.subf %add3A_980, %get3A_977 : vector<16xf32>
      %mul3A_982 = arith.mulf %sub3A_979, %sub3A_979 : vector<16xf32>
      %mul3A_983 = arith.mulf %sub3A_981, %sub3A_981 : vector<16xf32>
      %add3A_984 = arith.addf %mul3A_982, %mul3A_983 : vector<16xf32>
      %mul3A_985 = arith.constant 16 : i32
      %mul3A_986 = arith.muli %scan3A_881, %mul3A_985 : i32
      %add3A_987 = arith.constant 3 : i32
      %add3A_988 = arith.addi %mul3A_986, %add3A_987 : i32
      %get3A_989 = arith.index_cast %add3A_988 : i32 to index
      %get3A_990 = arith.constant 0 : index
      %get3A_991 = tpu.vector_load %arg16[%get3A_989, %get3A_990] {strides = array<i32>} : memref<512x32xf32, #tpu.memory_space<vmem>>, vector<1x16xf32>,
      %get3A_992 = vector.shape_cast %get3A_991 : vector<1x16xf32> to vector<16xf32>
      %get3A_993 = arith.index_cast %add3A_988 : i32 to index
      %get3A_994 = arith.constant 16 : index
      %get3A_995 = tpu.vector_load %arg16[%get3A_993, %get3A_994] {strides = array<i32>} : memref<512x32xf32, #tpu.memory_space<vmem>>, vector<1x16xf32>,
      %get3A_996 = vector.shape_cast %get3A_995 : vector<1x16xf32> to vector<16xf32>
      %get3A_997 = arith.index_cast %add3A_988 : i32 to index
      %get3A_998 = arith.constant 0 : index
      %get3A_999 = tpu.vector_load %arg17[%get3A_997, %get3A_998] {strides = array<i32>} : memref<512x32xf32, #tpu.memory_space<vmem>>, vector<1x16xf32>,
      %get3A_1000 = vector.shape_cast %get3A_999 : vector<1x16xf32> to vector<16xf32>
      %get3A_1001 = arith.index_cast %add3A_988 : i32 to index
      %get3A_1002 = arith.constant 16 : index
      %get3A_1003 = tpu.vector_load %arg17[%get3A_1001, %get3A_1002] {strides = array<i32>} : memref<512x32xf32, #tpu.memory_space<vmem>>, vector<1x16xf32>,
      %get3A_1004 = vector.shape_cast %get3A_1003 : vector<1x16xf32> to vector<16xf32>
      %get3A_1005 = arith.index_cast %add3A_988 : i32 to index
      %get3A_1006 = arith.constant 0 : index
      %get3A_1007 = tpu.vector_load %arg18[%get3A_1005, %get3A_1006] {strides = array<i32>} : memref<512x32xf32, #tpu.memory_space<vmem>>, vector<1x16xf32>,
      %get3A_1008 = vector.shape_cast %get3A_1007 : vector<1x16xf32> to vector<16xf32>
      %get3A_1009 = arith.index_cast %add3A_988 : i32 to index
      %get3A_1010 = arith.constant 16 : index
      %get3A_1011 = tpu.vector_load %arg18[%get3A_1009, %get3A_1010] {strides = array<i32>} : memref<512x32xf32, #tpu.memory_space<vmem>>, vector<1x16xf32>,
      %get3A_1012 = vector.shape_cast %get3A_1011 : vector<1x16xf32> to vector<16xf32>
      %add3A_1013 = arith.addf %get3A_992, %get3A_1000 : vector<16xf32>
      %sub3A_1014 = arith.subf %add3A_1013, %get3A_1008 : vector<16xf32>
      %add3A_1015 = arith.addf %get3A_996, %get3A_1004 : vector<16xf32>
      %sub3A_1016 = arith.subf %add3A_1015, %get3A_1012 : vector<16xf32>
      %mul3A_1017 = arith.mulf %sub3A_1014, %sub3A_1014 : vector<16xf32>
      %mul3A_1018 = arith.mulf %sub3A_1016, %sub3A_1016 : vector<16xf32>
      %add3A_1019 = arith.addf %mul3A_1017, %mul3A_1018 : vector<16xf32>
      %mul3A_1020 = arith.constant 16 : i32
      %mul3A_1021 = arith.muli %scan3A_881, %mul3A_1020 : i32
      %add3A_1022 = arith.constant 4 : i32
      %add3A_1023 = arith.addi %mul3A_1021, %add3A_1022 : i32
      %get3A_1024 = arith.index_cast %add3A_1023 : i32 to index
      %get3A_1025 = arith.constant 0 : index
      %get3A_1026 = tpu.vector_load %arg16[%get3A_1024, %get3A_1025] {strides = array<i32>} : memref<512x32xf32, #tpu.memory_space<vmem>>, vector<1x16xf32>,
      %get3A_1027 = vector.shape_cast %get3A_1026 : vector<1x16xf32> to vector<16xf32>
      %get3A_1028 = arith.index_cast %add3A_1023 : i32 to index
      %get3A_1029 = arith.constant 16 : index
      %get3A_1030 = tpu.vector_load %arg16[%get3A_1028, %get3A_1029] {strides = array<i32>} : memref<512x32xf32, #tpu.memory_space<vmem>>, vector<1x16xf32>,
      %get3A_1031 = vector.shape_cast %get3A_1030 : vector<1x16xf32> to vector<16xf32>
      %get3A_1032 = arith.index_cast %add3A_1023 : i32 to index
      %get3A_1033 = arith.constant 0 : index
      %get3A_1034 = tpu.vector_load %arg17[%get3A_1032, %get3A_1033] {strides = array<i32>} : memref<512x32xf32, #tpu.memory_space<vmem>>, vector<1x16xf32>,
      %get3A_1035 = vector.shape_cast %get3A_1034 : vector<1x16xf32> to vector<16xf32>
      %get3A_1036 = arith.index_cast %add3A_1023 : i32 to index
      %get3A_1037 = arith.constant 16 : index
      %get3A_1038 = tpu.vector_load %arg17[%get3A_1036, %get3A_1037] {strides = array<i32>} : memref<512x32xf32, #tpu.memory_space<vmem>>, vector<1x16xf32>,
      %get3A_1039 = vector.shape_cast %get3A_1038 : vector<1x16xf32> to vector<16xf32>
      %get3A_1040 = arith.index_cast %add3A_1023 : i32 to index
      %get3A_1041 = arith.constant 0 : index
      %get3A_1042 = tpu.vector_load %arg18[%get3A_1040, %get3A_1041] {strides = array<i32>} : memref<512x32xf32, #tpu.memory_space<vmem>>, vector<1x16xf32>,
      %get3A_1043 = vector.shape_cast %get3A_1042 : vector<1x16xf32> to vector<16xf32>
      %get3A_1044 = arith.index_cast %add3A_1023 : i32 to index
      %get3A_1045 = arith.constant 16 : index
      %get3A_1046 = tpu.vector_load %arg18[%get3A_1044, %get3A_1045] {strides = array<i32>} : memref<512x32xf32, #tpu.memory_space<vmem>>, vector<1x16xf32>,
      %get3A_1047 = vector.shape_cast %get3A_1046 : vector<1x16xf32> to vector<16xf32>
      %add3A_1048 = arith.addf %get3A_1027, %get3A_1035 : vector<16xf32>
      %sub3A_1049 = arith.subf %add3A_1048, %get3A_1043 : vector<16xf32>
      %add3A_1050 = arith.addf %get3A_1031, %get3A_1039 : vector<16xf32>
      %sub3A_1051 = arith.subf %add3A_1050, %get3A_1047 : vector<16xf32>
      %mul3A_1052 = arith.mulf %sub3A_1049, %sub3A_1049 : vector<16xf32>
      %mul3A_1053 = arith.mulf %sub3A_1051, %sub3A_1051 : vector<16xf32>
      %add3A_1054 = arith.addf %mul3A_1052, %mul3A_1053 : vector<16xf32>
      %mul3A_1055 = arith.constant 16 : i32
      %mul3A_1056 = arith.muli %scan3A_881, %mul3A_1055 : i32
      %add3A_1057 = arith.constant 5 : i32
      %add3A_1058 = arith.addi %mul3A_1056, %add3A_1057 : i32
      %get3A_1059 = arith.index_cast %add3A_1058 : i32 to index
      %get3A_1060 = arith.constant 0 : index
      %get3A_1061 = tpu.vector_load %arg16[%get3A_1059, %get3A_1060] {strides = array<i32>} : memref<512x32xf32, #tpu.memory_space<vmem>>, vector<1x16xf32>,
      %get3A_1062 = vector.shape_cast %get3A_1061 : vector<1x16xf32> to vector<16xf32>
      %get3A_1063 = arith.index_cast %add3A_1058 : i32 to index
      %get3A_1064 = arith.constant 16 : index
      %get3A_1065 = tpu.vector_load %arg16[%get3A_1063, %get3A_1064] {strides = array<i32>} : memref<512x32xf32, #tpu.memory_space<vmem>>, vector<1x16xf32>,
      %get3A_1066 = vector.shape_cast %get3A_1065 : vector<1x16xf32> to vector<16xf32>
      %get3A_1067 = arith.index_cast %add3A_1058 : i32 to index
      %get3A_1068 = arith.constant 0 : index
      %get3A_1069 = tpu.vector_load %arg17[%get3A_1067, %get3A_1068] {strides = array<i32>} : memref<512x32xf32, #tpu.memory_space<vmem>>, vector<1x16xf32>,
      %get3A_1070 = vector.shape_cast %get3A_1069 : vector<1x16xf32> to vector<16xf32>
      %get3A_1071 = arith.index_cast %add3A_1058 : i32 to index
      %get3A_1072 = arith.constant 16 : index
      %get3A_1073 = tpu.vector_load %arg17[%get3A_1071, %get3A_1072] {strides = array<i32>} : memref<512x32xf32, #tpu.memory_space<vmem>>, vector<1x16xf32>,
      %get3A_1074 = vector.shape_cast %get3A_1073 : vector<1x16xf32> to vector<16xf32>
      %get3A_1075 = arith.index_cast %add3A_1058 : i32 to index
      %get3A_1076 = arith.constant 0 : index
      %get3A_1077 = tpu.vector_load %arg18[%get3A_1075, %get3A_1076] {strides = array<i32>} : memref<512x32xf32, #tpu.memory_space<vmem>>, vector<1x16xf32>,
      %get3A_1078 = vector.shape_cast %get3A_1077 : vector<1x16xf32> to vector<16xf32>
      %get3A_1079 = arith.index_cast %add3A_1058 : i32 to index
      %get3A_1080 = arith.constant 16 : index
      %get3A_1081 = tpu.vector_load %arg18[%get3A_1079, %get3A_1080] {strides = array<i32>} : memref<512x32xf32, #tpu.memory_space<vmem>>, vector<1x16xf32>,
      %get3A_1082 = vector.shape_cast %get3A_1081 : vector<1x16xf32> to vector<16xf32>
      %add3A_1083 = arith.addf %get3A_1062, %get3A_1070 : vector<16xf32>
      %sub3A_1084 = arith.subf %add3A_1083, %get3A_1078 : vector<16xf32>
      %add3A_1085 = arith.addf %get3A_1066, %get3A_1074 : vector<16xf32>
      %sub3A_1086 = arith.subf %add3A_1085, %get3A_1082 : vector<16xf32>
      %mul3A_1087 = arith.mulf %sub3A_1084, %sub3A_1084 : vector<16xf32>
      %mul3A_1088 = arith.mulf %sub3A_1086, %sub3A_1086 : vector<16xf32>
      %add3A_1089 = arith.addf %mul3A_1087, %mul3A_1088 : vector<16xf32>
      %mul3A_1090 = arith.constant 16 : i32
      %mul3A_1091 = arith.muli %scan3A_881, %mul3A_1090 : i32
      %add3A_1092 = arith.constant 6 : i32
      %add3A_1093 = arith.addi %mul3A_1091, %add3A_1092 : i32
      %get3A_1094 = arith.index_cast %add3A_1093 : i32 to index
      %get3A_1095 = arith.constant 0 : index
      %get3A_1096 = tpu.vector_load %arg16[%get3A_1094, %get3A_1095] {strides = array<i32>} : memref<512x32xf32, #tpu.memory_space<vmem>>, vector<1x16xf32>,
      %get3A_1097 = vector.shape_cast %get3A_1096 : vector<1x16xf32> to vector<16xf32>
      %get3A_1098 = arith.index_cast %add3A_1093 : i32 to index
      %get3A_1099 = arith.constant 16 : index
      %get3A_1100 = tpu.vector_load %arg16[%get3A_1098, %get3A_1099] {strides = array<i32>} : memref<512x32xf32, #tpu.memory_space<vmem>>, vector<1x16xf32>,
      %get3A_1101 = vector.shape_cast %get3A_1100 : vector<1x16xf32> to vector<16xf32>
      %get3A_1102 = arith.index_cast %add3A_1093 : i32 to index
      %get3A_1103 = arith.constant 0 : index
      %get3A_1104 = tpu.vector_load %arg17[%get3A_1102, %get3A_1103] {strides = array<i32>} : memref<512x32xf32, #tpu.memory_space<vmem>>, vector<1x16xf32>,
      %get3A_1105 = vector.shape_cast %get3A_1104 : vector<1x16xf32> to vector<16xf32>
      %get3A_1106 = arith.index_cast %add3A_1093 : i32 to index
      %get3A_1107 = arith.constant 16 : index
      %get3A_1108 = tpu.vector_load %arg17[%get3A_1106, %get3A_1107] {strides = array<i32>} : memref<512x32xf32, #tpu.memory_space<vmem>>, vector<1x16xf32>,
      %get3A_1109 = vector.shape_cast %get3A_1108 : vector<1x16xf32> to vector<16xf32>
      %get3A_1110 = arith.index_cast %add3A_1093 : i32 to index
      %get3A_1111 = arith.constant 0 : index
      %get3A_1112 = tpu.vector_load %arg18[%get3A_1110, %get3A_1111] {strides = array<i32>} : memref<512x32xf32, #tpu.memory_space<vmem>>, vector<1x16xf32>,
      %get3A_1113 = vector.shape_cast %get3A_1112 : vector<1x16xf32> to vector<16xf32>
      %get3A_1114 = arith.index_cast %add3A_1093 : i32 to index
      %get3A_1115 = arith.constant 16 : index
      %get3A_1116 = tpu.vector_load %arg18[%get3A_1114, %get3A_1115] {strides = array<i32>} : memref<512x32xf32, #tpu.memory_space<vmem>>, vector<1x16xf32>,
      %get3A_1117 = vector.shape_cast %get3A_1116 : vector<1x16xf32> to vector<16xf32>
      %add3A_1118 = arith.addf %get3A_1097, %get3A_1105 : vector<16xf32>
      %sub3A_1119 = arith.subf %add3A_1118, %get3A_1113 : vector<16xf32>
      %add3A_1120 = arith.addf %get3A_1101, %get3A_1109 : vector<16xf32>
      %sub3A_1121 = arith.subf %add3A_1120, %get3A_1117 : vector<16xf32>
      %mul3A_1122 = arith.mulf %sub3A_1119, %sub3A_1119 : vector<16xf32>
      %mul3A_1123 = arith.mulf %sub3A_1121, %sub3A_1121 : vector<16xf32>
      %add3A_1124 = arith.addf %mul3A_1122, %mul3A_1123 : vector<16xf32>
      %mul3A_1125 = arith.constant 16 : i32
      %mul3A_1126 = arith.muli %scan3A_881, %mul3A_1125 : i32
      %add3A_1127 = arith.constant 7 : i32
      %add3A_1128 = arith.addi %mul3A_1126, %add3A_1127 : i32
      %get3A_1129 = arith.index_cast %add3A_1128 : i32 to index
      %get3A_1130 = arith.constant 0 : index
      %get3A_1131 = tpu.vector_load %arg16[%get3A_1129, %get3A_1130] {strides = array<i32>} : memref<512x32xf32, #tpu.memory_space<vmem>>, vector<1x16xf32>,
      %get3A_1132 = vector.shape_cast %get3A_1131 : vector<1x16xf32> to vector<16xf32>
      %get3A_1133 = arith.index_cast %add3A_1128 : i32 to index
      %get3A_1134 = arith.constant 16 : index
      %get3A_1135 = tpu.vector_load %arg16[%get3A_1133, %get3A_1134] {strides = array<i32>} : memref<512x32xf32, #tpu.memory_space<vmem>>, vector<1x16xf32>,
      %get3A_1136 = vector.shape_cast %get3A_1135 : vector<1x16xf32> to vector<16xf32>
      %get3A_1137 = arith.index_cast %add3A_1128 : i32 to index
      %get3A_1138 = arith.constant 0 : index
      %get3A_1139 = tpu.vector_load %arg17[%get3A_1137, %get3A_1138] {strides = array<i32>} : memref<512x32xf32, #tpu.memory_space<vmem>>, vector<1x16xf32>,
      %get3A_1140 = vector.shape_cast %get3A_1139 : vector<1x16xf32> to vector<16xf32>
      %get3A_1141 = arith.index_cast %add3A_1128 : i32 to index
      %get3A_1142 = arith.constant 16 : index
      %get3A_1143 = tpu.vector_load %arg17[%get3A_1141, %get3A_1142] {strides = array<i32>} : memref<512x32xf32, #tpu.memory_space<vmem>>, vector<1x16xf32>,
      %get3A_1144 = vector.shape_cast %get3A_1143 : vector<1x16xf32> to vector<16xf32>
      %get3A_1145 = arith.index_cast %add3A_1128 : i32 to index
      %get3A_1146 = arith.constant 0 : index
      %get3A_1147 = tpu.vector_load %arg18[%get3A_1145, %get3A_1146] {strides = array<i32>} : memref<512x32xf32, #tpu.memory_space<vmem>>, vector<1x16xf32>,
      %get3A_1148 = vector.shape_cast %get3A_1147 : vector<1x16xf32> to vector<16xf32>
      %get3A_1149 = arith.index_cast %add3A_1128 : i32 to index
      %get3A_1150 = arith.constant 16 : index
      %get3A_1151 = tpu.vector_load %arg18[%get3A_1149, %get3A_1150] {strides = array<i32>} : memref<512x32xf32, #tpu.memory_space<vmem>>, vector<1x16xf32>,
      %get3A_1152 = vector.shape_cast %get3A_1151 : vector<1x16xf32> to vector<16xf32>
      %add3A_1153 = arith.addf %get3A_1132, %get3A_1140 : vector<16xf32>
      %sub3A_1154 = arith.subf %add3A_1153, %get3A_1148 : vector<16xf32>
      %add3A_1155 = arith.addf %get3A_1136, %get3A_1144 : vector<16xf32>
      %sub3A_1156 = arith.subf %add3A_1155, %get3A_1152 : vector<16xf32>
      %mul3A_1157 = arith.mulf %sub3A_1154, %sub3A_1154 : vector<16xf32>
      %mul3A_1158 = arith.mulf %sub3A_1156, %sub3A_1156 : vector<16xf32>
      %add3A_1159 = arith.addf %mul3A_1157, %mul3A_1158 : vector<16xf32>
      %mul3A_1160 = arith.constant 16 : i32
      %mul3A_1161 = arith.muli %scan3A_881, %mul3A_1160 : i32
      %add3A_1162 = arith.constant 8 : i32
      %add3A_1163 = arith.addi %mul3A_1161, %add3A_1162 : i32
      %get3A_1164 = arith.index_cast %add3A_1163 : i32 to index
      %get3A_1165 = arith.constant 0 : index
      %get3A_1166 = tpu.vector_load %arg16[%get3A_1164, %get3A_1165] {strides = array<i32>} : memref<512x32xf32, #tpu.memory_space<vmem>>, vector<1x16xf32>,
      %get3A_1167 = vector.shape_cast %get3A_1166 : vector<1x16xf32> to vector<16xf32>
      %get3A_1168 = arith.index_cast %add3A_1163 : i32 to index
      %get3A_1169 = arith.constant 16 : index
      %get3A_1170 = tpu.vector_load %arg16[%get3A_1168, %get3A_1169] {strides = array<i32>} : memref<512x32xf32, #tpu.memory_space<vmem>>, vector<1x16xf32>,
      %get3A_1171 = vector.shape_cast %get3A_1170 : vector<1x16xf32> to vector<16xf32>
      %get3A_1172 = arith.index_cast %add3A_1163 : i32 to index
      %get3A_1173 = arith.constant 0 : index
      %get3A_1174 = tpu.vector_load %arg17[%get3A_1172, %get3A_1173] {strides = array<i32>} : memref<512x32xf32, #tpu.memory_space<vmem>>, vector<1x16xf32>,
      %get3A_1175 = vector.shape_cast %get3A_1174 : vector<1x16xf32> to vector<16xf32>
      %get3A_1176 = arith.index_cast %add3A_1163 : i32 to index
      %get3A_1177 = arith.constant 16 : index
      %get3A_1178 = tpu.vector_load %arg17[%get3A_1176, %get3A_1177] {strides = array<i32>} : memref<512x32xf32, #tpu.memory_space<vmem>>, vector<1x16xf32>,
      %get3A_1179 = vector.shape_cast %get3A_1178 : vector<1x16xf32> to vector<16xf32>
      %get3A_1180 = arith.index_cast %add3A_1163 : i32 to index
      %get3A_1181 = arith.constant 0 : index
      %get3A_1182 = tpu.vector_load %arg18[%get3A_1180, %get3A_1181] {strides = array<i32>} : memref<512x32xf32, #tpu.memory_space<vmem>>, vector<1x16xf32>,
      %get3A_1183 = vector.shape_cast %get3A_1182 : vector<1x16xf32> to vector<16xf32>
      %get3A_1184 = arith.index_cast %add3A_1163 : i32 to index
      %get3A_1185 = arith.constant 16 : index
      %get3A_1186 = tpu.vector_load %arg18[%get3A_1184, %get3A_1185] {strides = array<i32>} : memref<512x32xf32, #tpu.memory_space<vmem>>, vector<1x16xf32>,
      %get3A_1187 = vector.shape_cast %get3A_1186 : vector<1x16xf32> to vector<16xf32>
      %add3A_1188 = arith.addf %get3A_1167, %get3A_1175 : vector<16xf32>
      %sub3A_1189 = arith.subf %add3A_1188, %get3A_1183 : vector<16xf32>
      %add3A_1190 = arith.addf %get3A_1171, %get3A_1179 : vector<16xf32>
      %sub3A_1191 = arith.subf %add3A_1190, %get3A_1187 : vector<16xf32>
      %mul3A_1192 = arith.mulf %sub3A_1189, %sub3A_1189 : vector<16xf32>
      %mul3A_1193 = arith.mulf %sub3A_1191, %sub3A_1191 : vector<16xf32>
      %add3A_1194 = arith.addf %mul3A_1192, %mul3A_1193 : vector<16xf32>
      %mul3A_1195 = arith.constant 16 : i32
      %mul3A_1196 = arith.muli %scan3A_881, %mul3A_1195 : i32
      %add3A_1197 = arith.constant 9 : i32
      %add3A_1198 = arith.addi %mul3A_1196, %add3A_1197 : i32
      %get3A_1199 = arith.index_cast %add3A_1198 : i32 to index
      %get3A_1200 = arith.constant 0 : index
      %get3A_1201 = tpu.vector_load %arg16[%get3A_1199, %get3A_1200] {strides = array<i32>} : memref<512x32xf32, #tpu.memory_space<vmem>>, vector<1x16xf32>,
      %get3A_1202 = vector.shape_cast %get3A_1201 : vector<1x16xf32> to vector<16xf32>
      %get3A_1203 = arith.index_cast %add3A_1198 : i32 to index
      %get3A_1204 = arith.constant 16 : index
      %get3A_1205 = tpu.vector_load %arg16[%get3A_1203, %get3A_1204] {strides = array<i32>} : memref<512x32xf32, #tpu.memory_space<vmem>>, vector<1x16xf32>,
      %get3A_1206 = vector.shape_cast %get3A_1205 : vector<1x16xf32> to vector<16xf32>
      %get3A_1207 = arith.index_cast %add3A_1198 : i32 to index
      %get3A_1208 = arith.constant 0 : index
      %get3A_1209 = tpu.vector_load %arg17[%get3A_1207, %get3A_1208] {strides = array<i32>} : memref<512x32xf32, #tpu.memory_space<vmem>>, vector<1x16xf32>,
      %get3A_1210 = vector.shape_cast %get3A_1209 : vector<1x16xf32> to vector<16xf32>
      %get3A_1211 = arith.index_cast %add3A_1198 : i32 to index
      %get3A_1212 = arith.constant 16 : index
      %get3A_1213 = tpu.vector_load %arg17[%get3A_1211, %get3A_1212] {strides = array<i32>} : memref<512x32xf32, #tpu.memory_space<vmem>>, vector<1x16xf32>,
      %get3A_1214 = vector.shape_cast %get3A_1213 : vector<1x16xf32> to vector<16xf32>
      %get3A_1215 = arith.index_cast %add3A_1198 : i32 to index
      %get3A_1216 = arith.constant 0 : index
      %get3A_1217 = tpu.vector_load %arg18[%get3A_1215, %get3A_1216] {strides = array<i32>} : memref<512x32xf32, #tpu.memory_space<vmem>>, vector<1x16xf32>,
      %get3A_1218 = vector.shape_cast %get3A_1217 : vector<1x16xf32> to vector<16xf32>
      %get3A_1219 = arith.index_cast %add3A_1198 : i32 to index
      %get3A_1220 = arith.constant 16 : index
      %get3A_1221 = tpu.vector_load %arg18[%get3A_1219, %get3A_1220] {strides = array<i32>} : memref<512x32xf32, #tpu.memory_space<vmem>>, vector<1x16xf32>,
      %get3A_1222 = vector.shape_cast %get3A_1221 : vector<1x16xf32> to vector<16xf32>
      %add3A_1223 = arith.addf %get3A_1202, %get3A_1210 : vector<16xf32>
      %sub3A_1224 = arith.subf %add3A_1223, %get3A_1218 : vector<16xf32>
      %add3A_1225 = arith.addf %get3A_1206, %get3A_1214 : vector<16xf32>
      %sub3A_1226 = arith.subf %add3A_1225, %get3A_1222 : vector<16xf32>
      %mul3A_1227 = arith.mulf %sub3A_1224, %sub3A_1224 : vector<16xf32>
      %mul3A_1228 = arith.mulf %sub3A_1226, %sub3A_1226 : vector<16xf32>
      %add3A_1229 = arith.addf %mul3A_1227, %mul3A_1228 : vector<16xf32>
      %mul3A_1230 = arith.constant 16 : i32
      %mul3A_1231 = arith.muli %scan3A_881, %mul3A_1230 : i32
      %add3A_1232 = arith.constant 10 : i32
      %add3A_1233 = arith.addi %mul3A_1231, %add3A_1232 : i32
      %get3A_1234 = arith.index_cast %add3A_1233 : i32 to index
      %get3A_1235 = arith.constant 0 : index
      %get3A_1236 = tpu.vector_load %arg16[%get3A_1234, %get3A_1235] {strides = array<i32>} : memref<512x32xf32, #tpu.memory_space<vmem>>, vector<1x16xf32>,
      %get3A_1237 = vector.shape_cast %get3A_1236 : vector<1x16xf32> to vector<16xf32>
      %get3A_1238 = arith.index_cast %add3A_1233 : i32 to index
      %get3A_1239 = arith.constant 16 : index
      %get3A_1240 = tpu.vector_load %arg16[%get3A_1238, %get3A_1239] {strides = array<i32>} : memref<512x32xf32, #tpu.memory_space<vmem>>, vector<1x16xf32>,
      %get3A_1241 = vector.shape_cast %get3A_1240 : vector<1x16xf32> to vector<16xf32>
      %get3A_1242 = arith.index_cast %add3A_1233 : i32 to index
      %get3A_1243 = arith.constant 0 : index
      %get3A_1244 = tpu.vector_load %arg17[%get3A_1242, %get3A_1243] {strides = array<i32>} : memref<512x32xf32, #tpu.memory_space<vmem>>, vector<1x16xf32>,
      %get3A_1245 = vector.shape_cast %get3A_1244 : vector<1x16xf32> to vector<16xf32>
      %get3A_1246 = arith.index_cast %add3A_1233 : i32 to index
      %get3A_1247 = arith.constant 16 : index
      %get3A_1248 = tpu.vector_load %arg17[%get3A_1246, %get3A_1247] {strides = array<i32>} : memref<512x32xf32, #tpu.memory_space<vmem>>, vector<1x16xf32>,
      %get3A_1249 = vector.shape_cast %get3A_1248 : vector<1x16xf32> to vector<16xf32>
      %get3A_1250 = arith.index_cast %add3A_1233 : i32 to index
      %get3A_1251 = arith.constant 0 : index
      %get3A_1252 = tpu.vector_load %arg18[%get3A_1250, %get3A_1251] {strides = array<i32>} : memref<512x32xf32, #tpu.memory_space<vmem>>, vector<1x16xf32>,
      %get3A_1253 = vector.shape_cast %get3A_1252 : vector<1x16xf32> to vector<16xf32>
      %get3A_1254 = arith.index_cast %add3A_1233 : i32 to index
      %get3A_1255 = arith.constant 16 : index
      %get3A_1256 = tpu.vector_load %arg18[%get3A_1254, %get3A_1255] {strides = array<i32>} : memref<512x32xf32, #tpu.memory_space<vmem>>, vector<1x16xf32>,
      %get3A_1257 = vector.shape_cast %get3A_1256 : vector<1x16xf32> to vector<16xf32>
      %add3A_1258 = arith.addf %get3A_1237, %get3A_1245 : vector<16xf32>
      %sub3A_1259 = arith.subf %add3A_1258, %get3A_1253 : vector<16xf32>
      %add3A_1260 = arith.addf %get3A_1241, %get3A_1249 : vector<16xf32>
      %sub3A_1261 = arith.subf %add3A_1260, %get3A_1257 : vector<16xf32>
      %mul3A_1262 = arith.mulf %sub3A_1259, %sub3A_1259 : vector<16xf32>
      %mul3A_1263 = arith.mulf %sub3A_1261, %sub3A_1261 : vector<16xf32>
      %add3A_1264 = arith.addf %mul3A_1262, %mul3A_1263 : vector<16xf32>
      %mul3A_1265 = arith.constant 16 : i32
      %mul3A_1266 = arith.muli %scan3A_881, %mul3A_1265 : i32
      %add3A_1267 = arith.constant 11 : i32
      %add3A_1268 = arith.addi %mul3A_1266, %add3A_1267 : i32
      %get3A_1269 = arith.index_cast %add3A_1268 : i32 to index
      %get3A_1270 = arith.constant 0 : index
      %get3A_1271 = tpu.vector_load %arg16[%get3A_1269, %get3A_1270] {strides = array<i32>} : memref<512x32xf32, #tpu.memory_space<vmem>>, vector<1x16xf32>,
      %get3A_1272 = vector.shape_cast %get3A_1271 : vector<1x16xf32> to vector<16xf32>
      %get3A_1273 = arith.index_cast %add3A_1268 : i32 to index
      %get3A_1274 = arith.constant 16 : index
      %get3A_1275 = tpu.vector_load %arg16[%get3A_1273, %get3A_1274] {strides = array<i32>} : memref<512x32xf32, #tpu.memory_space<vmem>>, vector<1x16xf32>,
      %get3A_1276 = vector.shape_cast %get3A_1275 : vector<1x16xf32> to vector<16xf32>
      %get3A_1277 = arith.index_cast %add3A_1268 : i32 to index
      %get3A_1278 = arith.constant 0 : index
      %get3A_1279 = tpu.vector_load %arg17[%get3A_1277, %get3A_1278] {strides = array<i32>} : memref<512x32xf32, #tpu.memory_space<vmem>>, vector<1x16xf32>,
      %get3A_1280 = vector.shape_cast %get3A_1279 : vector<1x16xf32> to vector<16xf32>
      %get3A_1281 = arith.index_cast %add3A_1268 : i32 to index
      %get3A_1282 = arith.constant 16 : index
      %get3A_1283 = tpu.vector_load %arg17[%get3A_1281, %get3A_1282] {strides = array<i32>} : memref<512x32xf32, #tpu.memory_space<vmem>>, vector<1x16xf32>,
      %get3A_1284 = vector.shape_cast %get3A_1283 : vector<1x16xf32> to vector<16xf32>
      %get3A_1285 = arith.index_cast %add3A_1268 : i32 to index
      %get3A_1286 = arith.constant 0 : index
      %get3A_1287 = tpu.vector_load %arg18[%get3A_1285, %get3A_1286] {strides = array<i32>} : memref<512x32xf32, #tpu.memory_space<vmem>>, vector<1x16xf32>,
      %get3A_1288 = vector.shape_cast %get3A_1287 : vector<1x16xf32> to vector<16xf32>
      %get3A_1289 = arith.index_cast %add3A_1268 : i32 to index
      %get3A_1290 = arith.constant 16 : index
      %get3A_1291 = tpu.vector_load %arg18[%get3A_1289, %get3A_1290] {strides = array<i32>} : memref<512x32xf32, #tpu.memory_space<vmem>>, vector<1x16xf32>,
      %get3A_1292 = vector.shape_cast %get3A_1291 : vector<1x16xf32> to vector<16xf32>
      %add3A_1293 = arith.addf %get3A_1272, %get3A_1280 : vector<16xf32>
      %sub3A_1294 = arith.subf %add3A_1293, %get3A_1288 : vector<16xf32>
      %add3A_1295 = arith.addf %get3A_1276, %get3A_1284 : vector<16xf32>
      %sub3A_1296 = arith.subf %add3A_1295, %get3A_1292 : vector<16xf32>
      %mul3A_1297 = arith.mulf %sub3A_1294, %sub3A_1294 : vector<16xf32>
      %mul3A_1298 = arith.mulf %sub3A_1296, %sub3A_1296 : vector<16xf32>
      %add3A_1299 = arith.addf %mul3A_1297, %mul3A_1298 : vector<16xf32>
      %mul3A_1300 = arith.constant 16 : i32
      %mul3A_1301 = arith.muli %scan3A_881, %mul3A_1300 : i32
      %add3A_1302 = arith.constant 12 : i32
      %add3A_1303 = arith.addi %mul3A_1301, %add3A_1302 : i32
      %get3A_1304 = arith.index_cast %add3A_1303 : i32 to index
      %get3A_1305 = arith.constant 0 : index
      %get3A_1306 = tpu.vector_load %arg16[%get3A_1304, %get3A_1305] {strides = array<i32>} : memref<512x32xf32, #tpu.memory_space<vmem>>, vector<1x16xf32>,
      %get3A_1307 = vector.shape_cast %get3A_1306 : vector<1x16xf32> to vector<16xf32>
      %get3A_1308 = arith.index_cast %add3A_1303 : i32 to index
      %get3A_1309 = arith.constant 16 : index
      %get3A_1310 = tpu.vector_load %arg16[%get3A_1308, %get3A_1309] {strides = array<i32>} : memref<512x32xf32, #tpu.memory_space<vmem>>, vector<1x16xf32>,
      %get3A_1311 = vector.shape_cast %get3A_1310 : vector<1x16xf32> to vector<16xf32>
      %get3A_1312 = arith.index_cast %add3A_1303 : i32 to index
      %get3A_1313 = arith.constant 0 : index
      %get3A_1314 = tpu.vector_load %arg17[%get3A_1312, %get3A_1313] {strides = array<i32>} : memref<512x32xf32, #tpu.memory_space<vmem>>, vector<1x16xf32>,
      %get3A_1315 = vector.shape_cast %get3A_1314 : vector<1x16xf32> to vector<16xf32>
      %get3A_1316 = arith.index_cast %add3A_1303 : i32 to index
      %get3A_1317 = arith.constant 16 : index
      %get3A_1318 = tpu.vector_load %arg17[%get3A_1316, %get3A_1317] {strides = array<i32>} : memref<512x32xf32, #tpu.memory_space<vmem>>, vector<1x16xf32>,
      %get3A_1319 = vector.shape_cast %get3A_1318 : vector<1x16xf32> to vector<16xf32>
      %get3A_1320 = arith.index_cast %add3A_1303 : i32 to index
      %get3A_1321 = arith.constant 0 : index
      %get3A_1322 = tpu.vector_load %arg18[%get3A_1320, %get3A_1321] {strides = array<i32>} : memref<512x32xf32, #tpu.memory_space<vmem>>, vector<1x16xf32>,
      %get3A_1323 = vector.shape_cast %get3A_1322 : vector<1x16xf32> to vector<16xf32>
      %get3A_1324 = arith.index_cast %add3A_1303 : i32 to index
      %get3A_1325 = arith.constant 16 : index
      %get3A_1326 = tpu.vector_load %arg18[%get3A_1324, %get3A_1325] {strides = array<i32>} : memref<512x32xf32, #tpu.memory_space<vmem>>, vector<1x16xf32>,
      %get3A_1327 = vector.shape_cast %get3A_1326 : vector<1x16xf32> to vector<16xf32>
      %add3A_1328 = arith.addf %get3A_1307, %get3A_1315 : vector<16xf32>
      %sub3A_1329 = arith.subf %add3A_1328, %get3A_1323 : vector<16xf32>
      %add3A_1330 = arith.addf %get3A_1311, %get3A_1319 : vector<16xf32>
      %sub3A_1331 = arith.subf %add3A_1330, %get3A_1327 : vector<16xf32>
      %mul3A_1332 = arith.mulf %sub3A_1329, %sub3A_1329 : vector<16xf32>
      %mul3A_1333 = arith.mulf %sub3A_1331, %sub3A_1331 : vector<16xf32>
      %add3A_1334 = arith.addf %mul3A_1332, %mul3A_1333 : vector<16xf32>
      %mul3A_1335 = arith.constant 16 : i32
      %mul3A_1336 = arith.muli %scan3A_881, %mul3A_1335 : i32
      %add3A_1337 = arith.constant 13 : i32
      %add3A_1338 = arith.addi %mul3A_1336, %add3A_1337 : i32
      %get3A_1339 = arith.index_cast %add3A_1338 : i32 to index
      %get3A_1340 = arith.constant 0 : index
      %get3A_1341 = tpu.vector_load %arg16[%get3A_1339, %get3A_1340] {strides = array<i32>} : memref<512x32xf32, #tpu.memory_space<vmem>>, vector<1x16xf32>,
      %get3A_1342 = vector.shape_cast %get3A_1341 : vector<1x16xf32> to vector<16xf32>
      %get3A_1343 = arith.index_cast %add3A_1338 : i32 to index
      %get3A_1344 = arith.constant 16 : index
      %get3A_1345 = tpu.vector_load %arg16[%get3A_1343, %get3A_1344] {strides = array<i32>} : memref<512x32xf32, #tpu.memory_space<vmem>>, vector<1x16xf32>,
      %get3A_1346 = vector.shape_cast %get3A_1345 : vector<1x16xf32> to vector<16xf32>
      %get3A_1347 = arith.index_cast %add3A_1338 : i32 to index
      %get3A_1348 = arith.constant 0 : index
      %get3A_1349 = tpu.vector_load %arg17[%get3A_1347, %get3A_1348] {strides = array<i32>} : memref<512x32xf32, #tpu.memory_space<vmem>>, vector<1x16xf32>,
      %get3A_1350 = vector.shape_cast %get3A_1349 : vector<1x16xf32> to vector<16xf32>
      %get3A_1351 = arith.index_cast %add3A_1338 : i32 to index
      %get3A_1352 = arith.constant 16 : index
      %get3A_1353 = tpu.vector_load %arg17[%get3A_1351, %get3A_1352] {strides = array<i32>} : memref<512x32xf32, #tpu.memory_space<vmem>>, vector<1x16xf32>,
      %get3A_1354 = vector.shape_cast %get3A_1353 : vector<1x16xf32> to vector<16xf32>
      %get3A_1355 = arith.index_cast %add3A_1338 : i32 to index
      %get3A_1356 = arith.constant 0 : index
      %get3A_1357 = tpu.vector_load %arg18[%get3A_1355, %get3A_1356] {strides = array<i32>} : memref<512x32xf32, #tpu.memory_space<vmem>>, vector<1x16xf32>,
      %get3A_1358 = vector.shape_cast %get3A_1357 : vector<1x16xf32> to vector<16xf32>
      %get3A_1359 = arith.index_cast %add3A_1338 : i32 to index
      %get3A_1360 = arith.constant 16 : index
      %get3A_1361 = tpu.vector_load %arg18[%get3A_1359, %get3A_1360] {strides = array<i32>} : memref<512x32xf32, #tpu.memory_space<vmem>>, vector<1x16xf32>,
      %get3A_1362 = vector.shape_cast %get3A_1361 : vector<1x16xf32> to vector<16xf32>
      %add3A_1363 = arith.addf %get3A_1342, %get3A_1350 : vector<16xf32>
      %sub3A_1364 = arith.subf %add3A_1363, %get3A_1358 : vector<16xf32>
      %add3A_1365 = arith.addf %get3A_1346, %get3A_1354 : vector<16xf32>
      %sub3A_1366 = arith.subf %add3A_1365, %get3A_1362 : vector<16xf32>
      %mul3A_1367 = arith.mulf %sub3A_1364, %sub3A_1364 : vector<16xf32>
      %mul3A_1368 = arith.mulf %sub3A_1366, %sub3A_1366 : vector<16xf32>
      %add3A_1369 = arith.addf %mul3A_1367, %mul3A_1368 : vector<16xf32>
      %mul3A_1370 = arith.constant 16 : i32
      %mul3A_1371 = arith.muli %scan3A_881, %mul3A_1370 : i32
      %add3A_1372 = arith.constant 14 : i32
      %add3A_1373 = arith.addi %mul3A_1371, %add3A_1372 : i32
      %get3A_1374 = arith.index_cast %add3A_1373 : i32 to index
      %get3A_1375 = arith.constant 0 : index
      %get3A_1376 = tpu.vector_load %arg16[%get3A_1374, %get3A_1375] {strides = array<i32>} : memref<512x32xf32, #tpu.memory_space<vmem>>, vector<1x16xf32>,
      %get3A_1377 = vector.shape_cast %get3A_1376 : vector<1x16xf32> to vector<16xf32>
      %get3A_1378 = arith.index_cast %add3A_1373 : i32 to index
      %get3A_1379 = arith.constant 16 : index
      %get3A_1380 = tpu.vector_load %arg16[%get3A_1378, %get3A_1379] {strides = array<i32>} : memref<512x32xf32, #tpu.memory_space<vmem>>, vector<1x16xf32>,
      %get3A_1381 = vector.shape_cast %get3A_1380 : vector<1x16xf32> to vector<16xf32>
      %get3A_1382 = arith.index_cast %add3A_1373 : i32 to index
      %get3A_1383 = arith.constant 0 : index
      %get3A_1384 = tpu.vector_load %arg17[%get3A_1382, %get3A_1383] {strides = array<i32>} : memref<512x32xf32, #tpu.memory_space<vmem>>, vector<1x16xf32>,
      %get3A_1385 = vector.shape_cast %get3A_1384 : vector<1x16xf32> to vector<16xf32>
      %get3A_1386 = arith.index_cast %add3A_1373 : i32 to index
      %get3A_1387 = arith.constant 16 : index
      %get3A_1388 = tpu.vector_load %arg17[%get3A_1386, %get3A_1387] {strides = array<i32>} : memref<512x32xf32, #tpu.memory_space<vmem>>, vector<1x16xf32>,
      %get3A_1389 = vector.shape_cast %get3A_1388 : vector<1x16xf32> to vector<16xf32>
      %get3A_1390 = arith.index_cast %add3A_1373 : i32 to index
      %get3A_1391 = arith.constant 0 : index
      %get3A_1392 = tpu.vector_load %arg18[%get3A_1390, %get3A_1391] {strides = array<i32>} : memref<512x32xf32, #tpu.memory_space<vmem>>, vector<1x16xf32>,
      %get3A_1393 = vector.shape_cast %get3A_1392 : vector<1x16xf32> to vector<16xf32>
      %get3A_1394 = arith.index_cast %add3A_1373 : i32 to index
      %get3A_1395 = arith.constant 16 : index
      %get3A_1396 = tpu.vector_load %arg18[%get3A_1394, %get3A_1395] {strides = array<i32>} : memref<512x32xf32, #tpu.memory_space<vmem>>, vector<1x16xf32>,
      %get3A_1397 = vector.shape_cast %get3A_1396 : vector<1x16xf32> to vector<16xf32>
      %add3A_1398 = arith.addf %get3A_1377, %get3A_1385 : vector<16xf32>
      %sub3A_1399 = arith.subf %add3A_1398, %get3A_1393 : vector<16xf32>
      %add3A_1400 = arith.addf %get3A_1381, %get3A_1389 : vector<16xf32>
      %sub3A_1401 = arith.subf %add3A_1400, %get3A_1397 : vector<16xf32>
      %mul3A_1402 = arith.mulf %sub3A_1399, %sub3A_1399 : vector<16xf32>
      %mul3A_1403 = arith.mulf %sub3A_1401, %sub3A_1401 : vector<16xf32>
      %add3A_1404 = arith.addf %mul3A_1402, %mul3A_1403 : vector<16xf32>
      %mul3A_1405 = arith.constant 16 : i32
      %mul3A_1406 = arith.muli %scan3A_881, %mul3A_1405 : i32
      %add3A_1407 = arith.constant 15 : i32
      %add3A_1408 = arith.addi %mul3A_1406, %add3A_1407 : i32
      %get3A_1409 = arith.index_cast %add3A_1408 : i32 to index
      %get3A_1410 = arith.constant 0 : index
      %get3A_1411 = tpu.vector_load %arg16[%get3A_1409, %get3A_1410] {strides = array<i32>} : memref<512x32xf32, #tpu.memory_space<vmem>>, vector<1x16xf32>,
      %get3A_1412 = vector.shape_cast %get3A_1411 : vector<1x16xf32> to vector<16xf32>
      %get3A_1413 = arith.index_cast %add3A_1408 : i32 to index
      %get3A_1414 = arith.constant 16 : index
      %get3A_1415 = tpu.vector_load %arg16[%get3A_1413, %get3A_1414] {strides = array<i32>} : memref<512x32xf32, #tpu.memory_space<vmem>>, vector<1x16xf32>,
      %get3A_1416 = vector.shape_cast %get3A_1415 : vector<1x16xf32> to vector<16xf32>
      %get3A_1417 = arith.index_cast %add3A_1408 : i32 to index
      %get3A_1418 = arith.constant 0 : index
      %get3A_1419 = tpu.vector_load %arg17[%get3A_1417, %get3A_1418] {strides = array<i32>} : memref<512x32xf32, #tpu.memory_space<vmem>>, vector<1x16xf32>,
      %get3A_1420 = vector.shape_cast %get3A_1419 : vector<1x16xf32> to vector<16xf32>
      %get3A_1421 = arith.index_cast %add3A_1408 : i32 to index
      %get3A_1422 = arith.constant 16 : index
      %get3A_1423 = tpu.vector_load %arg17[%get3A_1421, %get3A_1422] {strides = array<i32>} : memref<512x32xf32, #tpu.memory_space<vmem>>, vector<1x16xf32>,
      %get3A_1424 = vector.shape_cast %get3A_1423 : vector<1x16xf32> to vector<16xf32>
      %get3A_1425 = arith.index_cast %add3A_1408 : i32 to index
      %get3A_1426 = arith.constant 0 : index
      %get3A_1427 = tpu.vector_load %arg18[%get3A_1425, %get3A_1426] {strides = array<i32>} : memref<512x32xf32, #tpu.memory_space<vmem>>, vector<1x16xf32>,
      %get3A_1428 = vector.shape_cast %get3A_1427 : vector<1x16xf32> to vector<16xf32>
      %get3A_1429 = arith.index_cast %add3A_1408 : i32 to index
      %get3A_1430 = arith.constant 16 : index
      %get3A_1431 = tpu.vector_load %arg18[%get3A_1429, %get3A_1430] {strides = array<i32>} : memref<512x32xf32, #tpu.memory_space<vmem>>, vector<1x16xf32>,
      %get3A_1432 = vector.shape_cast %get3A_1431 : vector<1x16xf32> to vector<16xf32>
      %add3A_1433 = arith.addf %get3A_1412, %get3A_1420 : vector<16xf32>
      %sub3A_1434 = arith.subf %add3A_1433, %get3A_1428 : vector<16xf32>
      %add3A_1435 = arith.addf %get3A_1416, %get3A_1424 : vector<16xf32>
      %sub3A_1436 = arith.subf %add3A_1435, %get3A_1432 : vector<16xf32>
      %mul3A_1437 = arith.mulf %sub3A_1434, %sub3A_1434 : vector<16xf32>
      %mul3A_1438 = arith.mulf %sub3A_1436, %sub3A_1436 : vector<16xf32>
      %add3A_1439 = arith.addf %mul3A_1437, %mul3A_1438 : vector<16xf32>
      %select_n3A_1440 = arith.select %eq3A_267, %add3A_914, %add3A_949 : vector<16xi1>, vector<16xf32>
      %select_n3A_1441 = arith.select %eq3A_267, %add3A_949, %add3A_914 : vector<16xi1>, vector<16xf32>
      %broadcast_in_dim3A = vector.shape_cast %xor3A_353 : vector<16xi32> to vector<16x1xi32>
      %gather3A = vector.shape_cast %broadcast_in_dim3A : vector<16x1xi32> to vector<16xi32>
      %gather3A_1442 = tpu.dynamic_gather %select_n3A_1441[%gather3A] in [0] : vector<16xf32>, vector<16xi32> -> vector<16xf32>
      %add3A_1443 = arith.addf %select_n3A_1440, %gather3A_1442 : vector<16xf32>
      %select_n3A_1444 = arith.select %eq3A_267, %add3A_984, %add3A_1019 : vector<16xi1>, vector<16xf32>
      %select_n3A_1445 = arith.select %eq3A_267, %add3A_1019, %add3A_984 : vector<16xi1>, vector<16xf32>
      %broadcast_in_dim3A_1446 = vector.shape_cast %xor3A_353 : vector<16xi32> to vector<16x1xi32>
      %gather3A_1447 = vector.shape_cast %broadcast_in_dim3A_1446 : vector<16x1xi32> to vector<16xi32>
      %gather3A_1448 = tpu.dynamic_gather %select_n3A_1445[%gather3A_1447] in [0] : vector<16xf32>, vector<16xi32> -> vector<16xf32>
      %add3A_1449 = arith.addf %select_n3A_1444, %gather3A_1448 : vector<16xf32>
      %select_n3A_1450 = arith.select %eq3A_267, %add3A_1054, %add3A_1089 : vector<16xi1>, vector<16xf32>
      %select_n3A_1451 = arith.select %eq3A_267, %add3A_1089, %add3A_1054 : vector<16xi1>, vector<16xf32>
      %broadcast_in_dim3A_1452 = vector.shape_cast %xor3A_353 : vector<16xi32> to vector<16x1xi32>
      %gather3A_1453 = vector.shape_cast %broadcast_in_dim3A_1452 : vector<16x1xi32> to vector<16xi32>
      %gather3A_1454 = tpu.dynamic_gather %select_n3A_1451[%gather3A_1453] in [0] : vector<16xf32>, vector<16xi32> -> vector<16xf32>
      %add3A_1455 = arith.addf %select_n3A_1450, %gather3A_1454 : vector<16xf32>
      %select_n3A_1456 = arith.select %eq3A_267, %add3A_1124, %add3A_1159 : vector<16xi1>, vector<16xf32>
      %select_n3A_1457 = arith.select %eq3A_267, %add3A_1159, %add3A_1124 : vector<16xi1>, vector<16xf32>
      %broadcast_in_dim3A_1458 = vector.shape_cast %xor3A_353 : vector<16xi32> to vector<16x1xi32>
      %gather3A_1459 = vector.shape_cast %broadcast_in_dim3A_1458 : vector<16x1xi32> to vector<16xi32>
      %gather3A_1460 = tpu.dynamic_gather %select_n3A_1457[%gather3A_1459] in [0] : vector<16xf32>, vector<16xi32> -> vector<16xf32>
      %add3A_1461 = arith.addf %select_n3A_1456, %gather3A_1460 : vector<16xf32>
      %select_n3A_1462 = arith.select %eq3A_267, %add3A_1194, %add3A_1229 : vector<16xi1>, vector<16xf32>
      %select_n3A_1463 = arith.select %eq3A_267, %add3A_1229, %add3A_1194 : vector<16xi1>, vector<16xf32>
      %broadcast_in_dim3A_1464 = vector.shape_cast %xor3A_353 : vector<16xi32> to vector<16x1xi32>
      %gather3A_1465 = vector.shape_cast %broadcast_in_dim3A_1464 : vector<16x1xi32> to vector<16xi32>
      %gather3A_1466 = tpu.dynamic_gather %select_n3A_1463[%gather3A_1465] in [0] : vector<16xf32>, vector<16xi32> -> vector<16xf32>
      %add3A_1467 = arith.addf %select_n3A_1462, %gather3A_1466 : vector<16xf32>
      %select_n3A_1468 = arith.select %eq3A_267, %add3A_1264, %add3A_1299 : vector<16xi1>, vector<16xf32>
      %select_n3A_1469 = arith.select %eq3A_267, %add3A_1299, %add3A_1264 : vector<16xi1>, vector<16xf32>
      %broadcast_in_dim3A_1470 = vector.shape_cast %xor3A_353 : vector<16xi32> to vector<16x1xi32>
      %gather3A_1471 = vector.shape_cast %broadcast_in_dim3A_1470 : vector<16x1xi32> to vector<16xi32>
      %gather3A_1472 = tpu.dynamic_gather %select_n3A_1469[%gather3A_1471] in [0] : vector<16xf32>, vector<16xi32> -> vector<16xf32>
      %add3A_1473 = arith.addf %select_n3A_1468, %gather3A_1472 : vector<16xf32>
      %select_n3A_1474 = arith.select %eq3A_267, %add3A_1334, %add3A_1369 : vector<16xi1>, vector<16xf32>
      %select_n3A_1475 = arith.select %eq3A_267, %add3A_1369, %add3A_1334 : vector<16xi1>, vector<16xf32>
      %broadcast_in_dim3A_1476 = vector.shape_cast %xor3A_353 : vector<16xi32> to vector<16x1xi32>
      %gather3A_1477 = vector.shape_cast %broadcast_in_dim3A_1476 : vector<16x1xi32> to vector<16xi32>
      %gather3A_1478 = tpu.dynamic_gather %select_n3A_1475[%gather3A_1477] in [0] : vector<16xf32>, vector<16xi32> -> vector<16xf32>
      %add3A_1479 = arith.addf %select_n3A_1474, %gather3A_1478 : vector<16xf32>
      %select_n3A_1480 = arith.select %eq3A_267, %add3A_1404, %add3A_1439 : vector<16xi1>, vector<16xf32>
      %select_n3A_1481 = arith.select %eq3A_267, %add3A_1439, %add3A_1404 : vector<16xi1>, vector<16xf32>
      %broadcast_in_dim3A_1482 = vector.shape_cast %xor3A_353 : vector<16xi32> to vector<16x1xi32>
      %gather3A_1483 = vector.shape_cast %broadcast_in_dim3A_1482 : vector<16x1xi32> to vector<16xi32>
      %gather3A_1484 = tpu.dynamic_gather %select_n3A_1481[%gather3A_1483] in [0] : vector<16xf32>, vector<16xi32> -> vector<16xf32>
      %add3A_1485 = arith.addf %select_n3A_1480, %gather3A_1484 : vector<16xf32>
      %select_n3A_1486 = arith.select %eq3A_295, %add3A_1443, %add3A_1449 : vector<16xi1>, vector<16xf32>
      %select_n3A_1487 = arith.select %eq3A_295, %add3A_1449, %add3A_1443 : vector<16xi1>, vector<16xf32>
      %broadcast_in_dim3A_1488 = vector.shape_cast %xor3A_356 : vector<16xi32> to vector<16x1xi32>
      %gather3A_1489 = vector.shape_cast %broadcast_in_dim3A_1488 : vector<16x1xi32> to vector<16xi32>
      %gather3A_1490 = tpu.dynamic_gather %select_n3A_1487[%gather3A_1489] in [0] : vector<16xf32>, vector<16xi32> -> vector<16xf32>
      %add3A_1491 = arith.addf %select_n3A_1486, %gather3A_1490 : vector<16xf32>
      %select_n3A_1492 = arith.select %eq3A_295, %add3A_1455, %add3A_1461 : vector<16xi1>, vector<16xf32>
      %select_n3A_1493 = arith.select %eq3A_295, %add3A_1461, %add3A_1455 : vector<16xi1>, vector<16xf32>
      %broadcast_in_dim3A_1494 = vector.shape_cast %xor3A_356 : vector<16xi32> to vector<16x1xi32>
      %gather3A_1495 = vector.shape_cast %broadcast_in_dim3A_1494 : vector<16x1xi32> to vector<16xi32>
      %gather3A_1496 = tpu.dynamic_gather %select_n3A_1493[%gather3A_1495] in [0] : vector<16xf32>, vector<16xi32> -> vector<16xf32>
      %add3A_1497 = arith.addf %select_n3A_1492, %gather3A_1496 : vector<16xf32>
      %select_n3A_1498 = arith.select %eq3A_295, %add3A_1467, %add3A_1473 : vector<16xi1>, vector<16xf32>
      %select_n3A_1499 = arith.select %eq3A_295, %add3A_1473, %add3A_1467 : vector<16xi1>, vector<16xf32>
      %broadcast_in_dim3A_1500 = vector.shape_cast %xor3A_356 : vector<16xi32> to vector<16x1xi32>
      %gather3A_1501 = vector.shape_cast %broadcast_in_dim3A_1500 : vector<16x1xi32> to vector<16xi32>
      %gather3A_1502 = tpu.dynamic_gather %select_n3A_1499[%gather3A_1501] in [0] : vector<16xf32>, vector<16xi32> -> vector<16xf32>
      %add3A_1503 = arith.addf %select_n3A_1498, %gather3A_1502 : vector<16xf32>
      %select_n3A_1504 = arith.select %eq3A_295, %add3A_1479, %add3A_1485 : vector<16xi1>, vector<16xf32>
      %select_n3A_1505 = arith.select %eq3A_295, %add3A_1485, %add3A_1479 : vector<16xi1>, vector<16xf32>
      %broadcast_in_dim3A_1506 = vector.shape_cast %xor3A_356 : vector<16xi32> to vector<16x1xi32>
      %gather3A_1507 = vector.shape_cast %broadcast_in_dim3A_1506 : vector<16x1xi32> to vector<16xi32>
      %gather3A_1508 = tpu.dynamic_gather %select_n3A_1505[%gather3A_1507] in [0] : vector<16xf32>, vector<16xi32> -> vector<16xf32>
      %add3A_1509 = arith.addf %select_n3A_1504, %gather3A_1508 : vector<16xf32>
      %select_n3A_1510 = arith.select %eq3A_323, %add3A_1491, %add3A_1497 : vector<16xi1>, vector<16xf32>
      %select_n3A_1511 = arith.select %eq3A_323, %add3A_1497, %add3A_1491 : vector<16xi1>, vector<16xf32>
      %broadcast_in_dim3A_1512 = vector.shape_cast %xor3A_359 : vector<16xi32> to vector<16x1xi32>
      %gather3A_1513 = vector.shape_cast %broadcast_in_dim3A_1512 : vector<16x1xi32> to vector<16xi32>
      %gather3A_1514 = tpu.dynamic_gather %select_n3A_1511[%gather3A_1513] in [0] : vector<16xf32>, vector<16xi32> -> vector<16xf32>
      %add3A_1515 = arith.addf %select_n3A_1510, %gather3A_1514 : vector<16xf32>
      %select_n3A_1516 = arith.select %eq3A_323, %add3A_1503, %add3A_1509 : vector<16xi1>, vector<16xf32>
      %select_n3A_1517 = arith.select %eq3A_323, %add3A_1509, %add3A_1503 : vector<16xi1>, vector<16xf32>
      %broadcast_in_dim3A_1518 = vector.shape_cast %xor3A_359 : vector<16xi32> to vector<16x1xi32>
      %gather3A_1519 = vector.shape_cast %broadcast_in_dim3A_1518 : vector<16x1xi32> to vector<16xi32>
      %gather3A_1520 = tpu.dynamic_gather %select_n3A_1517[%gather3A_1519] in [0] : vector<16xf32>, vector<16xi32> -> vector<16xf32>
      %add3A_1521 = arith.addf %select_n3A_1516, %gather3A_1520 : vector<16xf32>
      %select_n3A_1522 = arith.select %eq3A_351, %add3A_1515, %add3A_1521 : vector<16xi1>, vector<16xf32>
      %select_n3A_1523 = arith.select %eq3A_351, %add3A_1521, %add3A_1515 : vector<16xi1>, vector<16xf32>
      %broadcast_in_dim3A_1524 = vector.shape_cast %xor3A_362 : vector<16xi32> to vector<16x1xi32>
      %gather3A_1525 = vector.shape_cast %broadcast_in_dim3A_1524 : vector<16x1xi32> to vector<16xi32>
      %gather3A_1526 = tpu.dynamic_gather %select_n3A_1523[%gather3A_1525] in [0] : vector<16xf32>, vector<16xi32> -> vector<16xf32>
      %add3A_1527 = arith.addf %select_n3A_1522, %gather3A_1526 : vector<16xf32>
      %mul3A_1528 = arith.constant 16 : i32
      %mul3A_1529 = arith.muli %scan3A_881, %mul3A_1528 : i32
      %get3A_1530 = arith.index_cast %mul3A_1529 : i32 to index
      %get3A_1531 = tpu.vector_load %arg19[%get3A_1530] {strides = array<i32>} : memref<512xf32, #tpu.memory_space<vmem>>, vector<16xf32>,
      %get3A_1532 = vector.shape_cast %get3A_1531 : vector<16xf32> to vector<16xf32>
      %get3A_1533 = arith.index_cast %mul3A_1529 : i32 to index
      %get3A_1534 = tpu.vector_load %arg20[%get3A_1533] {strides = array<i32>} : memref<512xf32, #tpu.memory_space<vmem>>, vector<16xf32>,
      %get3A_1535 = vector.shape_cast %get3A_1534 : vector<16xf32> to vector<16xf32>
      %add3A_1536 = arith.addf %get3A_1532, %get3A_1535 : vector<16xf32>
      %sub3A_1537 = arith.subf %add3A_1536, %add3A_1527 : vector<16xf32>
      %swap3A = arith.index_cast %mul3A_1529 : i32 to index
      %swap3A_1538 = tpu.vector_load %arg21[%swap3A] {strides = array<i32>} : memref<512xf32, #tpu.memory_space<vmem>>, vector<16xf32>,
      %swap3A_1539 = vector.shape_cast %swap3A_1538 : vector<16xf32> to vector<16xf32>
      %swap3A_1540 = vector.shape_cast %sub3A_1537 : vector<16xf32> to vector<16xf32>
      tpu.vector_store %arg21[%swap3A], %swap3A_1540 {strides = array<i32>} : memref<512xf32, #tpu.memory_space<vmem>>, vector<16xf32>,
    }
    %scan3A_724 = arith.constant 8 : i32
    %add3A_725 = arith.constant 384 : i32
    %add3A_726 = arith.addi %mul3A_2, %add3A_725 : i32
    %dma_start3A_727 = arith.constant 384 : i32
    %dma_start3A_728 = arith.constant 0 : i32
    %dma_start3A_729 = tpu.memref_slice %arg16[%dma_start3A_727, %dma_start3A_728] : memref<512x32xf32, #tpu.memory_space<vmem>> -> memref<128x32xf32, #tpu.memory_space<vmem>>
    %dma_start3A_730 = arith.constant 0 : i32
    %dma_start3A_731 = tpu.memref_slice %arg10[%add3A_726, %dma_start3A_730] : memref<16384x32xf32, #tpu.memory_space<hbm>> -> memref<128x32xf32, #tpu.memory_space<hbm>>
    %dma_start3A_732 = arith.constant 0 : i32
    %dma_start3A_733 = tpu.memref_slice %arg10[%add3A_726, %dma_start3A_732] : memref<16384x32xf32, #tpu.memory_space<hbm>> -> memref<128x32xf32, #tpu.memory_space<hbm>>
    %dma_start3A_734 = arith.constant 384 : i32
    %dma_start3A_735 = arith.constant 0 : i32
    %dma_start3A_736 = tpu.memref_slice %arg16[%dma_start3A_734, %dma_start3A_735] : memref<512x32xf32, #tpu.memory_space<vmem>> -> memref<128x32xf32, #tpu.memory_space<vmem>>
    tpu.enqueue_dma source(%dma_start3A_736 : memref<128x32xf32, #tpu.memory_space<vmem>>) target(%dma_start3A_733 : memref<128x32xf32, #tpu.memory_space<hbm>>) target_semaphore(%arg23 : memref<!tpu.dma_semaphore, #tpu.memory_space<semaphore_mem>>)
    %dma_start3A_737 = arith.constant 384 : i32
    %dma_start3A_738 = arith.constant 0 : i32
    %dma_start3A_739 = tpu.memref_slice %arg17[%dma_start3A_737, %dma_start3A_738] : memref<512x32xf32, #tpu.memory_space<vmem>> -> memref<128x32xf32, #tpu.memory_space<vmem>>
    %dma_start3A_740 = arith.constant 0 : i32
    %dma_start3A_741 = tpu.memref_slice %arg11[%add3A_726, %dma_start3A_740] : memref<16384x32xf32, #tpu.memory_space<hbm>> -> memref<128x32xf32, #tpu.memory_space<hbm>>
    %dma_start3A_742 = arith.constant 0 : i32
    %dma_start3A_743 = tpu.memref_slice %arg11[%add3A_726, %dma_start3A_742] : memref<16384x32xf32, #tpu.memory_space<hbm>> -> memref<128x32xf32, #tpu.memory_space<hbm>>
    %dma_start3A_744 = arith.constant 384 : i32
    %dma_start3A_745 = arith.constant 0 : i32
    %dma_start3A_746 = tpu.memref_slice %arg17[%dma_start3A_744, %dma_start3A_745] : memref<512x32xf32, #tpu.memory_space<vmem>> -> memref<128x32xf32, #tpu.memory_space<vmem>>
    tpu.enqueue_dma source(%dma_start3A_746 : memref<128x32xf32, #tpu.memory_space<vmem>>) target(%dma_start3A_743 : memref<128x32xf32, #tpu.memory_space<hbm>>) target_semaphore(%arg23 : memref<!tpu.dma_semaphore, #tpu.memory_space<semaphore_mem>>)
    %dma_start3A_747 = arith.constant 384 : i32
    %dma_start3A_748 = arith.constant 0 : i32
    %dma_start3A_749 = tpu.memref_slice %arg18[%dma_start3A_747, %dma_start3A_748] : memref<512x32xf32, #tpu.memory_space<vmem>> -> memref<128x32xf32, #tpu.memory_space<vmem>>
    %dma_start3A_750 = arith.constant 0 : i32
    %dma_start3A_751 = tpu.memref_slice %arg12[%add3A_726, %dma_start3A_750] : memref<16384x32xf32, #tpu.memory_space<hbm>> -> memref<128x32xf32, #tpu.memory_space<hbm>>
    %dma_start3A_752 = arith.constant 0 : i32
    %dma_start3A_753 = tpu.memref_slice %arg12[%add3A_726, %dma_start3A_752] : memref<16384x32xf32, #tpu.memory_space<hbm>> -> memref<128x32xf32, #tpu.memory_space<hbm>>
    %dma_start3A_754 = arith.constant 384 : i32
    %dma_start3A_755 = arith.constant 0 : i32
    %dma_start3A_756 = tpu.memref_slice %arg18[%dma_start3A_754, %dma_start3A_755] : memref<512x32xf32, #tpu.memory_space<vmem>> -> memref<128x32xf32, #tpu.memory_space<vmem>>
    tpu.enqueue_dma source(%dma_start3A_756 : memref<128x32xf32, #tpu.memory_space<vmem>>) target(%dma_start3A_753 : memref<128x32xf32, #tpu.memory_space<hbm>>) target_semaphore(%arg23 : memref<!tpu.dma_semaphore, #tpu.memory_space<semaphore_mem>>)
    %dma_start3A_757 = tpu.memref_slice %arg9[%mul3A_2] : memref<16384xf32, #tpu.memory_space<hbm>> -> memref<512xf32, #tpu.memory_space<hbm>>
    %dma_start3A_758 = tpu.memref_slice %arg9[%mul3A_2] : memref<16384xf32, #tpu.memory_space<hbm>> -> memref<512xf32, #tpu.memory_space<hbm>>
    tpu.enqueue_dma source(%arg21 : memref<512xf32, #tpu.memory_space<vmem>>) target(%dma_start3A_758 : memref<512xf32, #tpu.memory_space<hbm>>) target_semaphore(%arg23 : memref<!tpu.dma_semaphore, #tpu.memory_space<semaphore_mem>>)
    %dma_wait3A_759 = arith.constant 0 : i32
    %dma_wait3A_760 = arith.constant 0 : i32
    %dma_wait3A_761 = tpu.memref_slice %arg16[%dma_wait3A_759, %dma_wait3A_760] : memref<512x32xf32, #tpu.memory_space<vmem>> -> memref<128x32xf32, #tpu.memory_space<vmem>>
    %dma_wait3A_762 = arith.constant 0 : i32
    %dma_wait3A_763 = tpu.memref_slice %arg10[%add3A_429, %dma_wait3A_762] : memref<16384x32xf32, #tpu.memory_space<hbm>> -> memref<128x32xf32, #tpu.memory_space<hbm>>
    %dma_wait3A_764 = arith.constant 0 : i32
    %dma_wait3A_765 = tpu.memref_slice %arg10[%add3A_429, %dma_wait3A_764] : memref<16384x32xf32, #tpu.memory_space<hbm>> -> memref<128x32xf32, #tpu.memory_space<hbm>>
    %dma_wait3A_766 = arith.constant 0 : i32
    %dma_wait3A_767 = arith.constant 0 : i32
    %dma_wait3A_768 = tpu.memref_slice %arg16[%dma_wait3A_766, %dma_wait3A_767] : memref<512x32xf32, #tpu.memory_space<vmem>> -> memref<128x32xf32, #tpu.memory_space<vmem>>
    tpu.wait_dma2 semaphore(%arg23 : memref<!tpu.dma_semaphore, #tpu.memory_space<semaphore_mem>>) src(%dma_wait3A_768 : memref<128x32xf32, #tpu.memory_space<vmem>>) dst(%dma_wait3A_765 : memref<128x32xf32, #tpu.memory_space<hbm>>)
    %dma_wait3A_769 = arith.constant 0 : i32
    %dma_wait3A_770 = arith.constant 0 : i32
    %dma_wait3A_771 = tpu.memref_slice %arg17[%dma_wait3A_769, %dma_wait3A_770] : memref<512x32xf32, #tpu.memory_space<vmem>> -> memref<128x32xf32, #tpu.memory_space<vmem>>
    %dma_wait3A_772 = arith.constant 0 : i32
    %dma_wait3A_773 = tpu.memref_slice %arg11[%add3A_429, %dma_wait3A_772] : memref<16384x32xf32, #tpu.memory_space<hbm>> -> memref<128x32xf32, #tpu.memory_space<hbm>>
    %dma_wait3A_774 = arith.constant 0 : i32
    %dma_wait3A_775 = tpu.memref_slice %arg11[%add3A_429, %dma_wait3A_774] : memref<16384x32xf32, #tpu.memory_space<hbm>> -> memref<128x32xf32, #tpu.memory_space<hbm>>
    %dma_wait3A_776 = arith.constant 0 : i32
    %dma_wait3A_777 = arith.constant 0 : i32
    %dma_wait3A_778 = tpu.memref_slice %arg17[%dma_wait3A_776, %dma_wait3A_777] : memref<512x32xf32, #tpu.memory_space<vmem>> -> memref<128x32xf32, #tpu.memory_space<vmem>>
    tpu.wait_dma2 semaphore(%arg23 : memref<!tpu.dma_semaphore, #tpu.memory_space<semaphore_mem>>) src(%dma_wait3A_778 : memref<128x32xf32, #tpu.memory_space<vmem>>) dst(%dma_wait3A_775 : memref<128x32xf32, #tpu.memory_space<hbm>>)
    %dma_wait3A_779 = arith.constant 0 : i32
    %dma_wait3A_780 = arith.constant 0 : i32
    %dma_wait3A_781 = tpu.memref_slice %arg18[%dma_wait3A_779, %dma_wait3A_780] : memref<512x32xf32, #tpu.memory_space<vmem>> -> memref<128x32xf32, #tpu.memory_space<vmem>>
    %dma_wait3A_782 = arith.constant 0 : i32
    %dma_wait3A_783 = tpu.memref_slice %arg12[%add3A_429, %dma_wait3A_782] : memref<16384x32xf32, #tpu.memory_space<hbm>> -> memref<128x32xf32, #tpu.memory_space<hbm>>
    %dma_wait3A_784 = arith.constant 0 : i32
    %dma_wait3A_785 = tpu.memref_slice %arg12[%add3A_429, %dma_wait3A_784] : memref<16384x32xf32, #tpu.memory_space<hbm>> -> memref<128x32xf32, #tpu.memory_space<hbm>>
    %dma_wait3A_786 = arith.constant 0 : i32
    %dma_wait3A_787 = arith.constant 0 : i32
    %dma_wait3A_788 = tpu.memref_slice %arg18[%dma_wait3A_786, %dma_wait3A_787] : memref<512x32xf32, #tpu.memory_space<vmem>> -> memref<128x32xf32, #tpu.memory_space<vmem>>
    tpu.wait_dma2 semaphore(%arg23 : memref<!tpu.dma_semaphore, #tpu.memory_space<semaphore_mem>>) src(%dma_wait3A_788 : memref<128x32xf32, #tpu.memory_space<vmem>>) dst(%dma_wait3A_785 : memref<128x32xf32, #tpu.memory_space<hbm>>)
    %dma_wait3A_789 = arith.constant 128 : i32
    %dma_wait3A_790 = arith.constant 0 : i32
    %dma_wait3A_791 = tpu.memref_slice %arg16[%dma_wait3A_789, %dma_wait3A_790] : memref<512x32xf32, #tpu.memory_space<vmem>> -> memref<128x32xf32, #tpu.memory_space<vmem>>
    %dma_wait3A_792 = arith.constant 0 : i32
    %dma_wait3A_793 = tpu.memref_slice %arg10[%add3A_528, %dma_wait3A_792] : memref<16384x32xf32, #tpu.memory_space<hbm>> -> memref<128x32xf32, #tpu.memory_space<hbm>>
    %dma_wait3A_794 = arith.constant 0 : i32
    %dma_wait3A_795 = tpu.memref_slice %arg10[%add3A_528, %dma_wait3A_794] : memref<16384x32xf32, #tpu.memory_space<hbm>> -> memref<128x32xf32, #tpu.memory_space<hbm>>
    %dma_wait3A_796 = arith.constant 128 : i32
    %dma_wait3A_797 = arith.constant 0 : i32
    %dma_wait3A_798 = tpu.memref_slice %arg16[%dma_wait3A_796, %dma_wait3A_797] : memref<512x32xf32, #tpu.memory_space<vmem>> -> memref<128x32xf32, #tpu.memory_space<vmem>>
    tpu.wait_dma2 semaphore(%arg23 : memref<!tpu.dma_semaphore, #tpu.memory_space<semaphore_mem>>) src(%dma_wait3A_798 : memref<128x32xf32, #tpu.memory_space<vmem>>) dst(%dma_wait3A_795 : memref<128x32xf32, #tpu.memory_space<hbm>>)
    %dma_wait3A_799 = arith.constant 128 : i32
    %dma_wait3A_800 = arith.constant 0 : i32
    %dma_wait3A_801 = tpu.memref_slice %arg17[%dma_wait3A_799, %dma_wait3A_800] : memref<512x32xf32, #tpu.memory_space<vmem>> -> memref<128x32xf32, #tpu.memory_space<vmem>>
    %dma_wait3A_802 = arith.constant 0 : i32
    %dma_wait3A_803 = tpu.memref_slice %arg11[%add3A_528, %dma_wait3A_802] : memref<16384x32xf32, #tpu.memory_space<hbm>> -> memref<128x32xf32, #tpu.memory_space<hbm>>
    %dma_wait3A_804 = arith.constant 0 : i32
    %dma_wait3A_805 = tpu.memref_slice %arg11[%add3A_528, %dma_wait3A_804] : memref<16384x32xf32, #tpu.memory_space<hbm>> -> memref<128x32xf32, #tpu.memory_space<hbm>>
    %dma_wait3A_806 = arith.constant 128 : i32
    %dma_wait3A_807 = arith.constant 0 : i32
    %dma_wait3A_808 = tpu.memref_slice %arg17[%dma_wait3A_806, %dma_wait3A_807] : memref<512x32xf32, #tpu.memory_space<vmem>> -> memref<128x32xf32, #tpu.memory_space<vmem>>
    tpu.wait_dma2 semaphore(%arg23 : memref<!tpu.dma_semaphore, #tpu.memory_space<semaphore_mem>>) src(%dma_wait3A_808 : memref<128x32xf32, #tpu.memory_space<vmem>>) dst(%dma_wait3A_805 : memref<128x32xf32, #tpu.memory_space<hbm>>)
    %dma_wait3A_809 = arith.constant 128 : i32
    %dma_wait3A_810 = arith.constant 0 : i32
    %dma_wait3A_811 = tpu.memref_slice %arg18[%dma_wait3A_809, %dma_wait3A_810] : memref<512x32xf32, #tpu.memory_space<vmem>> -> memref<128x32xf32, #tpu.memory_space<vmem>>
    %dma_wait3A_812 = arith.constant 0 : i32
    %dma_wait3A_813 = tpu.memref_slice %arg12[%add3A_528, %dma_wait3A_812] : memref<16384x32xf32, #tpu.memory_space<hbm>> -> memref<128x32xf32, #tpu.memory_space<hbm>>
    %dma_wait3A_814 = arith.constant 0 : i32
    %dma_wait3A_815 = tpu.memref_slice %arg12[%add3A_528, %dma_wait3A_814] : memref<16384x32xf32, #tpu.memory_space<hbm>> -> memref<128x32xf32, #tpu.memory_space<hbm>>
    %dma_wait3A_816 = arith.constant 128 : i32
    %dma_wait3A_817 = arith.constant 0 : i32
    %dma_wait3A_818 = tpu.memref_slice %arg18[%dma_wait3A_816, %dma_wait3A_817] : memref<512x32xf32, #tpu.memory_space<vmem>> -> memref<128x32xf32, #tpu.memory_space<vmem>>
    tpu.wait_dma2 semaphore(%arg23 : memref<!tpu.dma_semaphore, #tpu.memory_space<semaphore_mem>>) src(%dma_wait3A_818 : memref<128x32xf32, #tpu.memory_space<vmem>>) dst(%dma_wait3A_815 : memref<128x32xf32, #tpu.memory_space<hbm>>)
    %dma_wait3A_819 = arith.constant 256 : i32
    %dma_wait3A_820 = arith.constant 0 : i32
    %dma_wait3A_821 = tpu.memref_slice %arg16[%dma_wait3A_819, %dma_wait3A_820] : memref<512x32xf32, #tpu.memory_space<vmem>> -> memref<128x32xf32, #tpu.memory_space<vmem>>
    %dma_wait3A_822 = arith.constant 0 : i32
    %dma_wait3A_823 = tpu.memref_slice %arg10[%add3A_627, %dma_wait3A_822] : memref<16384x32xf32, #tpu.memory_space<hbm>> -> memref<128x32xf32, #tpu.memory_space<hbm>>
    %dma_wait3A_824 = arith.constant 0 : i32
    %dma_wait3A_825 = tpu.memref_slice %arg10[%add3A_627, %dma_wait3A_824] : memref<16384x32xf32, #tpu.memory_space<hbm>> -> memref<128x32xf32, #tpu.memory_space<hbm>>
    %dma_wait3A_826 = arith.constant 256 : i32
    %dma_wait3A_827 = arith.constant 0 : i32
    %dma_wait3A_828 = tpu.memref_slice %arg16[%dma_wait3A_826, %dma_wait3A_827] : memref<512x32xf32, #tpu.memory_space<vmem>> -> memref<128x32xf32, #tpu.memory_space<vmem>>
    tpu.wait_dma2 semaphore(%arg23 : memref<!tpu.dma_semaphore, #tpu.memory_space<semaphore_mem>>) src(%dma_wait3A_828 : memref<128x32xf32, #tpu.memory_space<vmem>>) dst(%dma_wait3A_825 : memref<128x32xf32, #tpu.memory_space<hbm>>)
    %dma_wait3A_829 = arith.constant 256 : i32
    %dma_wait3A_830 = arith.constant 0 : i32
    %dma_wait3A_831 = tpu.memref_slice %arg17[%dma_wait3A_829, %dma_wait3A_830] : memref<512x32xf32, #tpu.memory_space<vmem>> -> memref<128x32xf32, #tpu.memory_space<vmem>>
    %dma_wait3A_832 = arith.constant 0 : i32
    %dma_wait3A_833 = tpu.memref_slice %arg11[%add3A_627, %dma_wait3A_832] : memref<16384x32xf32, #tpu.memory_space<hbm>> -> memref<128x32xf32, #tpu.memory_space<hbm>>
    %dma_wait3A_834 = arith.constant 0 : i32
    %dma_wait3A_835 = tpu.memref_slice %arg11[%add3A_627, %dma_wait3A_834] : memref<16384x32xf32, #tpu.memory_space<hbm>> -> memref<128x32xf32, #tpu.memory_space<hbm>>
    %dma_wait3A_836 = arith.constant 256 : i32
    %dma_wait3A_837 = arith.constant 0 : i32
    %dma_wait3A_838 = tpu.memref_slice %arg17[%dma_wait3A_836, %dma_wait3A_837] : memref<512x32xf32, #tpu.memory_space<vmem>> -> memref<128x32xf32, #tpu.memory_space<vmem>>
    tpu.wait_dma2 semaphore(%arg23 : memref<!tpu.dma_semaphore, #tpu.memory_space<semaphore_mem>>) src(%dma_wait3A_838 : memref<128x32xf32, #tpu.memory_space<vmem>>) dst(%dma_wait3A_835 : memref<128x32xf32, #tpu.memory_space<hbm>>)
    %dma_wait3A_839 = arith.constant 256 : i32
    %dma_wait3A_840 = arith.constant 0 : i32
    %dma_wait3A_841 = tpu.memref_slice %arg18[%dma_wait3A_839, %dma_wait3A_840] : memref<512x32xf32, #tpu.memory_space<vmem>> -> memref<128x32xf32, #tpu.memory_space<vmem>>
    %dma_wait3A_842 = arith.constant 0 : i32
    %dma_wait3A_843 = tpu.memref_slice %arg12[%add3A_627, %dma_wait3A_842] : memref<16384x32xf32, #tpu.memory_space<hbm>> -> memref<128x32xf32, #tpu.memory_space<hbm>>
    %dma_wait3A_844 = arith.constant 0 : i32
    %dma_wait3A_845 = tpu.memref_slice %arg12[%add3A_627, %dma_wait3A_844] : memref<16384x32xf32, #tpu.memory_space<hbm>> -> memref<128x32xf32, #tpu.memory_space<hbm>>
    %dma_wait3A_846 = arith.constant 256 : i32
    %dma_wait3A_847 = arith.constant 0 : i32
    %dma_wait3A_848 = tpu.memref_slice %arg18[%dma_wait3A_846, %dma_wait3A_847] : memref<512x32xf32, #tpu.memory_space<vmem>> -> memref<128x32xf32, #tpu.memory_space<vmem>>
    tpu.wait_dma2 semaphore(%arg23 : memref<!tpu.dma_semaphore, #tpu.memory_space<semaphore_mem>>) src(%dma_wait3A_848 : memref<128x32xf32, #tpu.memory_space<vmem>>) dst(%dma_wait3A_845 : memref<128x32xf32, #tpu.memory_space<hbm>>)
    %dma_wait3A_849 = arith.constant 384 : i32
    %dma_wait3A_850 = arith.constant 0 : i32
    %dma_wait3A_851 = tpu.memref_slice %arg16[%dma_wait3A_849, %dma_wait3A_850] : memref<512x32xf32, #tpu.memory_space<vmem>> -> memref<128x32xf32, #tpu.memory_space<vmem>>
    %dma_wait3A_852 = arith.constant 0 : i32
    %dma_wait3A_853 = tpu.memref_slice %arg10[%add3A_726, %dma_wait3A_852] : memref<16384x32xf32, #tpu.memory_space<hbm>> -> memref<128x32xf32, #tpu.memory_space<hbm>>
    %dma_wait3A_854 = arith.constant 0 : i32
    %dma_wait3A_855 = tpu.memref_slice %arg10[%add3A_726, %dma_wait3A_854] : memref<16384x32xf32, #tpu.memory_space<hbm>> -> memref<128x32xf32, #tpu.memory_space<hbm>>
    %dma_wait3A_856 = arith.constant 384 : i32
    %dma_wait3A_857 = arith.constant 0 : i32
    %dma_wait3A_858 = tpu.memref_slice %arg16[%dma_wait3A_856, %dma_wait3A_857] : memref<512x32xf32, #tpu.memory_space<vmem>> -> memref<128x32xf32, #tpu.memory_space<vmem>>
    tpu.wait_dma2 semaphore(%arg23 : memref<!tpu.dma_semaphore, #tpu.memory_space<semaphore_mem>>) src(%dma_wait3A_858 : memref<128x32xf32, #tpu.memory_space<vmem>>) dst(%dma_wait3A_855 : memref<128x32xf32, #tpu.memory_space<hbm>>)
    %dma_wait3A_859 = arith.constant 384 : i32
    %dma_wait3A_860 = arith.constant 0 : i32
    %dma_wait3A_861 = tpu.memref_slice %arg17[%dma_wait3A_859, %dma_wait3A_860] : memref<512x32xf32, #tpu.memory_space<vmem>> -> memref<128x32xf32, #tpu.memory_space<vmem>>
    %dma_wait3A_862 = arith.constant 0 : i32
    %dma_wait3A_863 = tpu.memref_slice %arg11[%add3A_726, %dma_wait3A_862] : memref<16384x32xf32, #tpu.memory_space<hbm>> -> memref<128x32xf32, #tpu.memory_space<hbm>>
    %dma_wait3A_864 = arith.constant 0 : i32
    %dma_wait3A_865 = tpu.memref_slice %arg11[%add3A_726, %dma_wait3A_864] : memref<16384x32xf32, #tpu.memory_space<hbm>> -> memref<128x32xf32, #tpu.memory_space<hbm>>
    %dma_wait3A_866 = arith.constant 384 : i32
    %dma_wait3A_867 = arith.constant 0 : i32
    %dma_wait3A_868 = tpu.memref_slice %arg17[%dma_wait3A_866, %dma_wait3A_867] : memref<512x32xf32, #tpu.memory_space<vmem>> -> memref<128x32xf32, #tpu.memory_space<vmem>>
    tpu.wait_dma2 semaphore(%arg23 : memref<!tpu.dma_semaphore, #tpu.memory_space<semaphore_mem>>) src(%dma_wait3A_868 : memref<128x32xf32, #tpu.memory_space<vmem>>) dst(%dma_wait3A_865 : memref<128x32xf32, #tpu.memory_space<hbm>>)
    %dma_wait3A_869 = arith.constant 384 : i32
    %dma_wait3A_870 = arith.constant 0 : i32
    %dma_wait3A_871 = tpu.memref_slice %arg18[%dma_wait3A_869, %dma_wait3A_870] : memref<512x32xf32, #tpu.memory_space<vmem>> -> memref<128x32xf32, #tpu.memory_space<vmem>>
    %dma_wait3A_872 = arith.constant 0 : i32
    %dma_wait3A_873 = tpu.memref_slice %arg12[%add3A_726, %dma_wait3A_872] : memref<16384x32xf32, #tpu.memory_space<hbm>> -> memref<128x32xf32, #tpu.memory_space<hbm>>
    %dma_wait3A_874 = arith.constant 0 : i32
    %dma_wait3A_875 = tpu.memref_slice %arg12[%add3A_726, %dma_wait3A_874] : memref<16384x32xf32, #tpu.memory_space<hbm>> -> memref<128x32xf32, #tpu.memory_space<hbm>>
    %dma_wait3A_876 = arith.constant 384 : i32
    %dma_wait3A_877 = arith.constant 0 : i32
    %dma_wait3A_878 = tpu.memref_slice %arg18[%dma_wait3A_876, %dma_wait3A_877] : memref<512x32xf32, #tpu.memory_space<vmem>> -> memref<128x32xf32, #tpu.memory_space<vmem>>
    tpu.wait_dma2 semaphore(%arg23 : memref<!tpu.dma_semaphore, #tpu.memory_space<semaphore_mem>>) src(%dma_wait3A_878 : memref<128x32xf32, #tpu.memory_space<vmem>>) dst(%dma_wait3A_875 : memref<128x32xf32, #tpu.memory_space<hbm>>)
    %dma_wait3A_879 = tpu.memref_slice %arg9[%mul3A_2] : memref<16384xf32, #tpu.memory_space<hbm>> -> memref<512xf32, #tpu.memory_space<hbm>>
    %dma_wait3A_880 = tpu.memref_slice %arg9[%mul3A_2] : memref<16384xf32, #tpu.memory_space<hbm>> -> memref<512xf32, #tpu.memory_space<hbm>>
    tpu.wait_dma2 semaphore(%arg23 : memref<!tpu.dma_semaphore, #tpu.memory_space<semaphore_mem>>) src(%arg21 : memref<512xf32, #tpu.memory_space<vmem>>) dst(%dma_wait3A_880 : memref<512xf32, #tpu.memory_space<hbm>>)
    return
  }
}

</mosaic_0001>

<sc_bundles>
// kernel: _run.3.cloned.1.call-start
scs
__scs_entry_jumppad:
0x0: {  	(pc) =	sbr.rel $0x88, $3  }
0x1: {  	(tag) =	ssettag $0x0;
	lr =	simm.s32 $0x1  }
0x2: {  	[smem:$0x3F9A] =	sst lr;
	_ =	strace $0xD0000000  }
0x3: {  	_ = 	snop  }
0x4: {  	_ = 	snop  }
0x5: {  	_ = 	snop  }
0x6: {  	_ = 	snop  }
0x7: {  	_ = 	snop  }
__scs_overlays_trampoline_lowered:
0x8: {  	[smem:$0x3FA9] =	sst s0  }
0x9: {  	[smem:$0x3FAA] =	sst s1  }
0xa: {  	[smem:$0x3FAB] =	sst s2  }
0xb: {  	[smem:$0x3FAC] =	sst s3  }
0xc: {  	[smem:$0x3FAD] =	sst s4  }
0xd: {  	[smem:$0x3FAE] =	sst s5  }
0xe: {  	[smem:$0x3FAF] =	sst s6  }
0xf: {  	[smem:$0x3FB0] =	sst s7  }
0x10: {  	[smem:$0x3FB1] =	sst s8  }
0x11: {  	[smem:$0x3FB2] =	sst s9;
	s0 =	simm.s32 @!p0 $0x0  }
0x12: {  	s1 =	sld [smem:$0x3F98];
	s0 =	simm.s32 @p0 $0x1  }
0x13: {  	[smem:$0x3FB3] =	sst s0;
	s0 =	simm.s32 @!p1 $0x0  }
0x14: {  	s2 =	sld [smem:$0x3F97];
	s0 =	simm.s32 @p1 $0x1  }
0x15: {  	[smem:$0x3FB4] =	sst s0;
	s0 =	simm.s32 @!p2 $0x0  }
0x16: {  	s3 =	sld [smem:$0x3FDB];
	s0 =	simm.s32 @p2 $0x1  }
0x17: {  	s4 =	simm.s32 $0x1BF5;
	[smem:$0x3FB6] =	sst s0  }
0x18: {  	s0 =	sld [smem:$0x3F99];
	_ =	swait.ge [sflag:s4], $0x0  }
0x19: {  	s7 =	sld [smem:$0x3F9A]  }
0x1a: {  	s8 =	sadd.s32 $0xFFFFE003, lr  }
0x1b: {  	s9 =	sadd.s32 $0xFFFFFEF7, lr;
	s5 =	simm.s32 $0xFFFFFFFF;
	p2 =	slt.u32 s8, $0xFFFFF086  }
0x1c: {  	p1 =	slt.u32 s9, $0xF7A;
	s5 =	simm.s32 @!p2 $0x0  }
0x1d: {  	s5 =	simm.s32 @p1 $0x1;
	p0 =	seq.s32 s7, s2  }
0x1e: {  	s7 =	smul.u32 @!p0 $0xF7A, s2;
	p2 =	seq.s32 @!p0 s5, $0x0  }
0x1f: {  	s9 =	smul.u32 $0xF7A, s1;
	s8 =	simm.s32 @!p0 $0x1BF5;
	p2 =	por !p2, p0  }
0x20: {  	[sflag:s8] =	ssyncset.s32 @!p0 $0xFFFFF086;
	s6 =	sadd.s32 @!p0 s3, s7;
	s7 =	simm.s32 @!p0 $0x108  }
0x21: {  	s3 =	sadd.s32 s3, s9;
	s6 =	sadd.s32 @!p0 $0x88, s6;
	s7 =	simm.s32 @p2 $0x1082  }
0x22: {  	[simem:s7], [sflag:s8] =	dma.local @!p0 [hbm:s6], $0xF7A  }
0x23: {  	s9 =	sor.u32 $0xD0000000, s2;
	s6 =	simm.s32 $0x108;
	_ =	swait.ge @!p0 [sflag:s8], $0x0  }
0x24: {  	s3 =	sadd.s32 $0x88, s3;
	s6 =	simm.s32 @!p1 $0x1082;
	[sflag:s4] =	ssyncset.s32 $0xFFFFF086  }
0x25: {  	[simem:s6], [sflag:s4] =	dma.local [hbm:s3], $0xF7A  }
0x26: {  	[smem:$0x3F9A] =	sst s1;
	(tag) =	ssettag s2;
	_ =	strace s9  }
0x27: {  	s1 =	sld [smem:$0x3FAA]  }
0x28: {  	s2 =	sld [smem:$0x3FAB]  }
0x29: {  	s4 =	sld [smem:$0x3FAD]  }
0x2a: {  	p0 =	seq.s32 s5, $0x0;
	s5 =	sld [smem:$0x3FAE]  }
0x2b: {  	s6 =	sld [smem:$0x3FAF]  }
0x2c: {  	s7 =	sld [smem:$0x3FB0]  }
0x2d: {  	s3 =	simm.s32 $0x108;
	s8 =	sld [smem:$0x3FB1]  }
0x2e: {  	s3 =	simm.s32 @!p0 $0x1082;
	s9 =	sld [smem:$0x3FB2]  }
0x2f: {  	lr =	sadd.s32 s0, s3;
	s0 =	sld [smem:$0x3FA9]  }
0x30: {  	s3 =	sld [smem:$0x3FAC]  }
0x31: {  	[smem:$0x3FB5] =	sst s10  }
0x32: {  	s10 =	sld [smem:$0x3FB3];
	_ =	sdelay $0x3  }
0x33: {  	p0 =	seq.s32 s10, $0x1;
	s10 =	sld [smem:$0x3FB5];
	_ =	sdelay $0x3  }
0x34: {  	[smem:$0x3FB5] =	sst s10  }
0x35: {  	s10 =	sld [smem:$0x3FB4];
	_ =	sdelay $0x3  }
0x36: {  	p1 =	seq.s32 s10, $0x1;
	s10 =	sld [smem:$0x3FB5];
	_ =	sdelay $0x3  }
0x37: {  	[smem:$0x3FB5] =	sst s10  }
0x38: {  	s10 =	sld [smem:$0x3FB6]  }
0x39: {  	_ = 	snop;
	(pc) =	sbr.ind lr, $3  }
0x3a: {  	_ = 	snop  }
0x3b: {  	_ = 	snop  }
0x3c: {  	p2 =	seq.s32 s10, $0x1;
	s10 =	sld [smem:$0x3FB5]  }
0x3d: {  	_ =	shalt  }
0x3e: {  	_ =	shalt  }
0x3f: {  	_ =	shalt  }
0x40: {  	_ =	shalt  }
0x41: {  	_ =	shalt  }
0x42: {  	_ =	shalt  }
0x43: {  	_ =	shalt  }
0x44: {  	_ =	shalt  }
0x45: {  	_ =	shalt  }
0x46: {  	_ =	shalt  }
0x47: {  	_ =	shalt  }
0x48: {  	_ =	shalt  }
0x49: {  	_ =	shalt  }
0x4a: {  	_ =	shalt  }
0x4b: {  	_ =	shalt  }
0x4c: {  	_ =	shalt  }
0x4d: {  	_ =	shalt  }
0x4e: {  	_ =	shalt  }
0x4f: {  	_ =	shalt  }
0x50: {  	_ =	shalt  }
0x51: {  	_ =	shalt  }
0x52: {  	_ =	shalt  }
0x53: {  	_ =	shalt  }
0x54: {  	_ =	shalt  }
0x55: {  	_ =	shalt  }
0x56: {  	_ =	shalt  }
0x57: {  	_ =	shalt  }
0x58: {  	_ =	shalt  }
0x59: {  	_ =	shalt  }
0x5a: {  	_ =	shalt  }
0x5b: {  	_ =	shalt  }
0x5c: {  	_ =	shalt  }
0x5d: {  	_ =	shalt  }
0x5e: {  	_ =	shalt  }
0x5f: {  	_ =	shalt  }
0x60: {  	_ =	shalt  }
0x61: {  	_ =	shalt  }
0x62: {  	_ =	shalt  }
0x63: {  	_ =	shalt  }
0x64: {  	_ =	shalt  }
0x65: {  	_ =	shalt  }
0x66: {  	_ =	shalt  }
0x67: {  	_ =	shalt  }
0x68: {  	_ =	shalt  }
0x69: {  	_ =	shalt  }
0x6a: {  	_ =	shalt  }
0x6b: {  	_ =	shalt  }
0x6c: {  	_ =	shalt  }
0x6d: {  	_ =	shalt  }
0x6e: {  	_ =	shalt  }
0x6f: {  	_ =	shalt  }
0x70: {  	_ =	shalt  }
0x71: {  	_ =	shalt  }
0x72: {  	_ =	shalt  }
0x73: {  	_ =	shalt  }
0x74: {  	_ =	shalt  }
0x75: {  	_ =	shalt  }
0x76: {  	_ =	shalt  }
0x77: {  	_ =	shalt  }
0x78: {  	_ =	shalt  }
0x79: {  	_ =	shalt  }
0x7a: {  	_ =	shalt  }
0x7b: {  	_ =	shalt  }
0x7c: {  	_ =	shalt  }
0x7d: {  	_ =	shalt  }
0x7e: {  	_ =	shalt  }
0x7f: {  	_ =	shalt  }
0x80: {  	_ =	shalt  }
0x81: {  	_ =	shalt  }
0x82: {  	_ =	shalt  }
0x83: {  	_ =	shalt  }
0x84: {  	_ =	shalt  }
0x85: {  	_ =	shalt  }
0x86: {  	_ =	shalt  }
0x87: {  	_ =	shalt  }
.Lfunc_end0:
.L_simem_size_0:
called_computation_lowered:
.L_overlay_start_0:
0x88: {  	s2 =	sld [smem:$0x3FD9]  }
0x89: {  	s3 =	sld [smem:$0x3FFE];
	_ =	sdelay $0x1  }
0x8a: {  	s1 =	srdreg.scid  }
0x8b: {  	s0 =	sand.u32 $0x1, s1  }
0x8c: {  	s30 =	sshll.u32 s0, $0xA;
	s2 =	sadd.s32 s3, s2  }
0x8d: {  	s2 =	sadd.s32 s2, s30  }
0x8e: {  	[smem:$0x3FC1] =	sst s2  }
0x8f: {  	_ = 	snop  }
0x90: {  	s2 =	sld [smem:$0x3FC9]  }
0x91: {  	s31 =	sld [smem:$0x3FC8]  }
0x92: {  	s4 =	sld [smem:$0x3FD0]  }
0x93: {  	s5 =	sld [smem:$0x3FC7]  }
0x94: {  	s6 =	sld [smem:$0x3FC4]  }
0x95: {  	s8 =	simm.s32 $0xA;
	s9 =	simm.s32 $0x10;
	s7 =	sld [smem:$0x3FC3]  }
0x96: {  	[smem:s9], [sflag:s8] =	dma.local [hbm:s4], $0x1  }
0x97: {  	_ =	swait.eq [sflag:s8], $0x1  }
0x98: {  	s16 =	sld [smem:$0x10]  }
0x99: {  	s17 =	sld [smem:$0x11];
	[sflag:s8] =	ssyncset.done $0x0  }
0x9a: {  	s10 =	sld [smem:$0x12];
	[sflag:s8] =	ssyncadd.s32 $0xFFFFFFFF  }
0x9b: {  	s18 =	sld [smem:$0x13];
	(tm) =	ssettm $0x1  }
0x9c: {  	s11 =	sld [smem:$0x3FFB];
	_ =	sdelay $0x3  }
0x9d: {  	_ =	strace s11  }
0x9e: {  	s11 =	sld [smem:$0x3FFC];
	_ =	sdelay $0x3  }
0x9f: {  	_ =	strace s11  }
0xa0: {  	s11 =	sld [smem:$0x3FFD];
	_ =	sdelay $0x3  }
0xa1: {  	_ =	strace s11  }
0xa2: {  	_ =	strace $0x8FFFFFFF  }
0xa3: {  	s19 =	sld [smem:$0x3FDB];
	_ =	sdelay $0x1  }
0xa4: {  	s12 =	simm.s32 $_scs_section_size  }
0xa5: {  	s13 =	simm.s32 $_size__tile_overlayer_lowered;
	s14 =	simm.s32 $_tile_overlayer_lowered  }
0xa6: {  	s22 =	simm.s32 $0x1BFF;
	s21 =	sshll.u32 s14, $0x1;
	s11 =	sadd.s32 s12, s19  }
0xa7: {  	s15 =	simm.s32 $0x0;
	s20 =	sshll.u32 s13, $0x1;
	s13 =	sadd.s32 s21, s11  }
0xa8: {  	[timem:s15], [sflag:s22] =	dma.local [hbm:s13], s20  }
0xa9: {  	_ =	swait.ge [sflag:s22], s20  }
0xaa: {  	s12 =	ssub.s32 $0x0, s20;
	[sflag:s22] =	ssyncset.done $0x0  }
0xab: {  	[sflag:s22] =	ssyncadd.s32 s12;
	_ =	sdelay $0x1  }
0xac: {  	s23 =	simm.s32 $0x1B8B  }
0xad: {  	_ =	swait.ge [sflag:s23], $0x1  }
0xae: {  	[sflag:s23] =	ssyncset.done $0x0  }
0xaf: {  	s25 =	simm.s32 $0x1B8E;
	s24 =	sld [smem:$0x3FFE];
	[sflag:s23] =	ssyncadd.s32 $0xFFFFFFFF  }
0xb0: {  	s26 =	simm.s32 $execute0_lowered;
	[smem:$0x3FD2] =	sst s25  }
0xb1: {  	s13 =	sshll.u32 s26, $0x1;
	_ =	strace $0x80000046;
	[dreg:$0x1] =	wrdreg $0xFFFFFFFF  }
0xb2: {  	s28 =	simm.s32 $_size_execute0_lowered;
	s11 =	sadd.s32 s11, s13;
	[dreg:$0x0] =	wrdreg $0x0  }
0xb3: {  	s13 =	sshll.u32 s28, $0x1;
	[dreg:$0x2] =	wrdreg s11  }
0xb4: {  	[dreg:$0x3] =	wrdreg s13  }
0xb5: {  	[dreg:$0x4] =	wrdreg $0xC0  }
0xb6: {  	_ =	task [dreg:s15], $0x5FFFF  }
0xb7: {  	[dreg:$0x1] =	wrdreg $0xFFFFFFFF  }
0xb8: {  	[dreg:$0x0] =	wrdreg $0x60  }
0xb9: {  	[dreg:$0x2] =	wrdreg s2  }
0xba: {  	[dreg:$0x3] =	wrdreg s31  }
0xbb: {  	[dreg:$0x4] =	wrdreg s5  }
0xbc: {  	[dreg:$0x5] =	wrdreg s24  }
0xbd: {  	[dreg:$0x6] =	wrdreg s17  }
0xbe: {  	[dreg:$0x7] =	wrdreg s6  }
0xbf: {  	[dreg:$0x8] =	wrdreg s7  }
0xc0: {  	[dreg:$0x9] =	wrdreg s16  }
0xc1: {  	[dreg:$0xa] =	wrdreg s18  }
0xc2: {  	[dreg:$0xb] =	wrdreg s10  }
0xc3: {  	[dreg:$0xc] =	wrdreg $0x9  }
0xc4: {  	_ =	task.clear_ibuf [dreg:s15], $0xDFFFF;
	_ =	strace $0x90000046  }
0xc5: {  	s29 =	simm.s32 $0x9;
	_ =	strace $0x80000048  }
0xc6: {  	_ =	swait.ge [sflag:s29], $0x1  }
0xc7: {  	[sflag:s29] =	ssyncadd.s32 $0xFFFFFFFF  }
0xc8: {  	_ =	strace $0x90000048  }
0xc9: {  	_ =	sfence  }
0xca: {  	s30 =	sld [smem:$0x0];
	_ =	sdelay $0x2  }
0xcb: {  	s31 =	sshll.u32 s1, $0xD;
	s1 =	sshrl.u32 s1, $0x2  }
0xcc: {  	s3 =	sand.u32 $0x4000, s31;
	s1 =	sadd.s32 s1, s30  }
0xcd: {  	s0 =	sor.u32 s3, s0;
	s1 =	sshll.u32 s1, $0x11  }
0xce: {  	s0 =	sor.u32 s1, s0  }
0xcf: {  	s0 =	sadd.s32 $0x8F2B, s0  }
0xd0: {  	[sflag:s0] =	ssyncadd.remote.s32 $0x1  }
0xd1: {  	_ =	sfence.sel $0xFFFF  }
0xd2: {  	[dreg:$0x0] =	wrdreg $0xFFFFFFFF;
	(pc) =	sbr.abs _section_cstart, $3  }
0xd3: {  	[dreg:$0x1] =	wrdreg $0xFFFFFFFF  }
0xd4: {  	_ =	task.clear_ibuf [dreg:s15], $0x2FFFF;
	_ =	strace $0x9FFFFFFF  }
0xd5: {  	(tm) =	ssettm $0x7FFFFFFF  }
tec
execute0_lowered:
.L_overlay_start_1:
0x0: {  	(tag) =	ssettag $0x1  }
0x1: {  	s0 =	rddreg [dreg:$0x0]  }
0x2: {  	s4 =	rddreg [dreg:$0x1]  }
0x3: {  	s7 =	rddreg [dreg:$0x2]  }
0x4: {  	s8 =	rddreg [dreg:$0x3]  }
0x5: {  	s1 =	rddreg [dreg:$0x4]  }
0x6: {  	s2 =	rddreg [dreg:$0x5]  }
0x7: {  	s3 =	rddreg [dreg:$0x6]  }
0x8: {  	s9 =	rddreg [dreg:$0x7]  }
0x9: {  	s10 =	rddreg [dreg:$0x8]  }
0xa: {  	s11 =	rddreg [dreg:$0x9]  }
0xb: {  	s5 =	simm.s32 $0x0;
	s6 =	srdreg.scid;
	s14 =	stileid.u32  }
0xc: {  	s28 =	simm.s32 $0x80;
	s12 =	sand.u32 $0x1, s6;
	s14 =	sshll.u32 s14, $0x1  }
0xd: {  	vm0 =	vcmask $0xB08;
	v0 =	vimm.s32 $0xEFCDAB89;
	s31 =	simm.s32 $0xA600;
	s13 =	ssub.s32 $0x2, s12;
	s12 =	sor.u32 s12, s14  }
0xe: {  	vm1 =	vcmask $0x300;
	v1 =	vimm.s32 $0x67452301;
	v2 =	vimm.s32 $0xDCFE98BA;
	s29 =	simm.s32 $0x5;
	[smem:$0x7FF] =	sst s5;
	s14 =	sshll.u32 s12, $0x6  }
0xf: {  	v3 =	vimm.s32 $0xBA98FEDC;
	v4 =	vimm.s32 $0x32107654;
	_ =	strace $0x80000047;
	s15 =	sshrl.u32 s13, $0x1;
	s0 =	sadd.s32 s0, s14  }
0x10: {  	vm2 =	vcmask $0x700;
	vm0 =	vmor vm1, vm0;
	vm1 =	vcmask $0x1310;
	s13 =	ssub.s32 s13, s15;
	s4 =	sadd.s32 s4, s14;
	[dreg:$0xb] =	wrdreg s0  }
0x11: {  	v0 =	vunpack.c.l.s4.s8 v0;
	v1 =	vunpack.c.l.s4.s8 v1;
	v2 =	vunpack.c.l.s4.s8 v2;
	s15 =	sshll.u32 s12, $0xB;
	s16 =	sadd.s32 s7, s14;
	[dreg:$0xc] =	wrdreg s4  }
0x12: {  	s6 =	sadd.s32 $0xF43200, s8;
	v3 =	vunpack.c.l.s4.s8 v3;
	v4 =	vunpack.c.l.s4.s8 v4;
	vm0 =	vmor vm0, vm1;
	[dreg:$0xd] =	wrdreg s16;
	s17 =	sadd.s32 s10, s15  }
0x13: {  	s8 =	sadd.s32 $0xE00, s8;
	vm1 =	vcmask $0x1B18;
	v0 =	vunpack.c.0.s8.s32 v0;
	v1 =	vunpack.c.0.s8.s32 v1;
	s19 =	sadd.s32 s11, s15;
	[dreg:$0xe] =	wrdreg s17  }
0x14: {  	vm0 =	vmor vm0, vm1;
	vm1 =	vcmask $0x2320;
	v3 =	vunpack.c.0.s8.s32 v3;
	s18 =	sor.u32 $0x200, s15;
	s20 =	sadd.s32 s8, s15;
	[dreg:$0xf] =	wrdreg s19  }
0x15: {  	v4 =	vunpack.c.0.s8.s32 v4;
	s12 =	simm.s32 $0xB600;
	v0 =	vcombine.low v1, v0;
	v1 =	vimm.s32 $0x54761032;
	[dreg:$0x10] =	wrdreg s20;
	s21 =	sadd.s32 s10, s18  }
0x16: {  	vm0 =	vmor vm0, vm1;
	vm1 =	vcmask $0x2B28;
	s23 =	sor.u32 $0x400, s15;
	s22 =	sadd.s32 s11, s18;
	v1 =	vunpack.c.l.s4.s8 v1;
	[dreg:$0x11] =	wrdreg s21  }
0x17: {  	vm3 =	vcmask $0xF00;
	v2 =	vunpack.c.0.s8.s32 v2;
	vm0 =	vmor vm0, vm1;
	s0 =	sor.u32 $0x600, s15;
	s4 =	sadd.s32 s8, s18;
	[dreg:$0x12] =	wrdreg s22  }
0x18: {  	vm1 =	vcmask $0x3330;
	v3 =	vcombine.low v4, v3;
	s15 =	simm.s32 $0x4;
	s24 =	sadd.s32 s10, s23;
	[dreg:$0x13] =	wrdreg s4;
	v1 =	vunpack.c.0.s8.s32 v1  }
0x19: {  	v4 =	vimm.s32 $0x76543210;
	s16 =	simm.s32 $0x0;
	s25 =	sadd.s32 s11, s23;
	vm0 =	vmor vm0, vm1;
	vm1 =	vcmask $0x3B38;
	[dreg:$0x14] =	wrdreg s24  }
0x1a: {  	s26 =	sadd.s32 s10, s0;
	s30 =	sadd.s32 s11, s0;
	v4 =	vunpack.c.l.s4.s8 v4;
	[dreg:$0x15] =	wrdreg s25;
	v1 =	vcombine.low v1, v2;
	v2 =	vimm.s32 $0xFEDCBA98  }
0x1b: {  	s10 =	simm.s32 $0x180;
	s11 =	simm.s32 $0x3600;
	[dreg:$0x17] =	wrdreg s26;
	vm0 =	vmor vm0, vm1;
	vm1 =	vcmask $0x1710;
	v2 =	vunpack.c.l.s4.s8 v2  }
0x1c: {  	s4 =	sadd.s32 s8, s23;
	[dreg:$0x18] =	wrdreg s30;
	s21 =	sadd.s32 s8, s0;
	v0 =	vand.u32 $0xF, v0;
	vm1 =	vmor vm2, vm1;
	vm2 =	vcmask $0x2720  }
0x1d: {  	s22 =	sadd.s32 s9, s14;
	s23 =	smax.u32 s13, $0x1;
	s24 =	simm.s32 $0x6;
	vm1 =	vmor vm1, vm2;
	vm2 =	vcmask $0x3730;
	v2 =	vunpack.c.0.s8.s32 v2  }
0x1e: {  	s26 =	simm.s32 $0x400;
	s8 =	simm.s32 $0x500;
	s9 =	simm.s32 $0x6600;
	v4 =	vunpack.c.0.s8.s32 v4;
	vm1 =	vmor vm1, vm2;
	vm2 =	vcmask $0x2F20  }
0x1f: {  	s0 =	simm.s32 $0x580;
	s13 =	simm.s32 $0x1;
	s25 =	simm.s32 $0x2;
	vm2 =	vmor vm3, vm2;
	vm3 =	vmmov $0xff;
	v5 =	vand.u32 $0xF, v2  }
0x20: {  	s14 =	simm.s32 $0x3;
	[dreg:$0x16] =	wrdreg s4;
	s4 =	simm.s32 $0x7600;
	v1 =	vand.u32 $0xF, v1;
	v2 =	vand.u32 $0xF, v3;
	v3 =	vcombine.low v5, v4  }
.LBB2_1:
0x21: {  	s7 =	rddreg [dreg:$0xb]  }
0x22: {  	[tilespmem:s5], [sflag:$0x6] =	stream.linear.gather [hbm4b:s7+s5], $0x200, $0x38;
	[tilespmem:$0xCC00] =	vst v63  }
0x23: {  	_ =	swait.ge [sflag:s24], $0x200  }
0x24: {  	[sflag:s24] =	ssyncset.done $0x0  }
0x25: {  	s17 =	simm.s32 $0x200;
	s18 =	rddreg [dreg:$0xc];
	[sflag:s24] =	ssyncadd.s32 $0xFFFFFE00  }
0x26: {  	[tilespmem:s17], [sflag:$0x6] =	stream.linear.gather [hbm4b:s18+s5], $0x200, $0x38;
	[tilespmem:$0xCC00] =	vst v63  }
0x27: {  	_ =	swait.ge [sflag:s24], $0x200  }
0x28: {  	[sflag:s24] =	ssyncset.done $0x0  }
0x29: {  	s19 =	rddreg [dreg:$0xd];
	[sflag:s24] =	ssyncadd.s32 $0xFFFFFE00  }
0x2a: {  	[tilespmem:s26], [sflag:$0x6] =	stream.linear.gather [hbm4b:s19+s5], $0x200, $0x38;
	[tilespmem:$0xCC00] =	vst v63  }
0x2b: {  	_ =	swait.ge [sflag:s24], $0x200  }
0x2c: {  	[sflag:s24] =	ssyncset.done $0x0  }
0x2d: {  	s20 =	simm.s32 $0x600;
	[sflag:s24] =	ssyncadd.s32 $0xFFFFFE00  }
0x2e: {  	[tilespmem:s20], [sflag:$0x1] =	stream.indirect.gather [hbm4b:s6+s28], $0x20, s5, s28, $0xb8;
	[tilespmem:$0xCC00] =	vst v63  }
0x2f: {  	s18 =	simm.s32 $0x8600  }
0x30: {  	[tilespmem:s18], [sflag:$0x1] =	stream.indirect.gather [hbm4b:s6+s28], $0x20, s26, s28, $0xb8;
	[tilespmem:$0xCC00] =	vst v63  }
0x31: {  	s19 =	simm.s32 $0x4600  }
0x32: {  	[tilespmem:s19], [sflag:$0x1] =	stream.indirect.gather [hbm4b:s1+s28], $0x20, s17, s28, $0xb8;
	[tilespmem:$0xCC00] =	vst v63  }
0x33: {  	s20 =	simm.s32 $0xC600  }
0x34: {  	[tilespmem:s20], [sflag:$0x1] =	stream.indirect.gather [hbm4b:s2+s28], $0x1, s5, s28, $0xb8;
	[tilespmem:$0xCC00] =	vst v63  }
0x35: {  	s17 =	simm.s32 $0xC800  }
0x36: {  	[tilespmem:s17], [sflag:$0x1] =	stream.indirect.gather [hbm4b:s3+s28], $0x1, s26, s28, $0xb8;
	[tilespmem:$0xCC00] =	vst v63  }
0x37: {  	s18 =	simm.s32 $0x1600  }
0x38: {  	[tilespmem:s18], [sflag:$0x2] =	stream.indirect.gather [hbm4b:s6+s28], $0x20, s28, s28, $0xb8;
	[tilespmem:$0xCC00] =	vst v63  }
0x39: {  	s7 =	simm.s32 $0x480;
	s19 =	simm.s32 $0x9600  }
0x3a: {  	[tilespmem:s19], [sflag:$0x2] =	stream.indirect.gather [hbm4b:s6+s28], $0x20, s7, s28, $0xb8;
	[tilespmem:$0xCC00] =	vst v63  }
0x3b: {  	s20 =	simm.s32 $0x280;
	s18 =	simm.s32 $0x5600  }
0x3c: {  	[tilespmem:s18], [sflag:$0x2] =	stream.indirect.gather [hbm4b:s1+s28], $0x20, s20, s28, $0xb8;
	[tilespmem:$0xCC00] =	vst v63  }
0x3d: {  	s19 =	simm.s32 $0xC680  }
0x3e: {  	[tilespmem:s19], [sflag:$0x2] =	stream.indirect.gather [hbm4b:s2+s28], $0x1, s28, s28, $0xb8;
	[tilespmem:$0xCC00] =	vst v63  }
0x3f: {  	s20 =	simm.s32 $0xC880  }
0x40: {  	[tilespmem:s20], [sflag:$0x2] =	stream.indirect.gather [hbm4b:s3+s28], $0x1, s7, s28, $0xb8;
	[tilespmem:$0xCC00] =	vst v63  }
0x41: {  	s18 =	simm.s32 $0x2600;
	s7 =	simm.s32 $0x100  }
0x42: {  	[tilespmem:s18], [sflag:$0x3] =	stream.indirect.gather [hbm4b:s6+s28], $0x20, s7, s28, $0xb8;
	[tilespmem:$0xCC00] =	vst v63  }
0x43: {  	_ = 	snop  }
0x44: {  	[tilespmem:s31], [sflag:$0x3] =	stream.indirect.gather [hbm4b:s6+s28], $0x20, s8, s28, $0xb8;
	[tilespmem:$0xCC00] =	vst v63  }
0x45: {  	s19 =	simm.s32 $0x300  }
0x46: {  	[tilespmem:s9], [sflag:$0x3] =	stream.indirect.gather [hbm4b:s1+s28], $0x20, s19, s28, $0xb8;
	[tilespmem:$0xCC00] =	vst v63  }
0x47: {  	s20 =	simm.s32 $0xC700  }
0x48: {  	[tilespmem:s20], [sflag:$0x3] =	stream.indirect.gather [hbm4b:s2+s28], $0x1, s7, s28, $0xb8;
	[tilespmem:$0xCC00] =	vst v63  }
0x49: {  	s17 =	simm.s32 $0xC900  }
0x4a: {  	[tilespmem:s17], [sflag:$0x3] =	stream.indirect.gather [hbm4b:s3+s28], $0x1, s8, s28, $0xb8;
	[tilespmem:$0xCC00] =	vst v63  }
0x4b: {  	_ = 	snop  }
0x4c: {  	[tilespmem:s11], [sflag:$0x4] =	stream.indirect.gather [hbm4b:s6+s28], $0x20, s10, s28, $0xb8;
	[tilespmem:$0xCC00] =	vst v63  }
0x4d: {  	_ = 	snop  }
0x4e: {  	[tilespmem:s12], [sflag:$0x4] =	stream.indirect.gather [hbm4b:s6+s28], $0x20, s0, s28, $0xb8;
	[tilespmem:$0xCC00] =	vst v63  }
0x4f: {  	s18 =	simm.s32 $0x380  }
0x50: {  	[tilespmem:s4], [sflag:$0x4] =	stream.indirect.gather [hbm4b:s1+s28], $0x20, s18, s28, $0xb8;
	[tilespmem:$0xCC00] =	vst v63  }
0x51: {  	s19 =	simm.s32 $0xC780  }
0x52: {  	[tilespmem:s19], [sflag:$0x4] =	stream.indirect.gather [hbm4b:s2+s28], $0x1, s10, s28, $0xb8;
	[tilespmem:$0xCC00] =	vst v63  }
0x53: {  	s20 =	simm.s32 $0xC980  }
0x54: {  	[tilespmem:s20], [sflag:$0x4] =	stream.indirect.gather [hbm4b:s3+s28], $0x1, s0, s28, $0xb8;
	[tilespmem:$0xCC00] =	vst v63  }
0x55: {  	_ =	swait.ge [sflag:s13], $0x1000  }
0x56: {  	[sflag:s13] =	ssyncset.done $0x0  }
0x57: {  	[sflag:s13] =	ssyncadd.s32 $0xFFFFF000  }
0x58: {  	_ =	swait.ge [sflag:s13], $0x1000  }
0x59: {  	[sflag:s13] =	ssyncset.done $0x0  }
0x5a: {  	[sflag:s13] =	ssyncadd.s32 $0xFFFFF000  }
0x5b: {  	_ =	swait.ge [sflag:s13], $0x1000  }
0x5c: {  	[sflag:s13] =	ssyncset.done $0x0  }
0x5d: {  	[sflag:s13] =	ssyncadd.s32 $0xFFFFF000  }
0x5e: {  	_ =	swait.ge [sflag:s13], $0x80  }
0x5f: {  	[sflag:s13] =	ssyncset.done $0x0  }
0x60: {  	[sflag:s13] =	ssyncadd.s32 $0xFFFFFF80  }
0x61: {  	_ =	swait.ge [sflag:s13], $0x80  }
0x62: {  	[sflag:s13] =	ssyncset.done $0x0  }
0x63: {  	s17 =	simm.s32 $0x4700;
	[sflag:s13] =	ssyncadd.s32 $0xFFFFFF80  }
0x64: {  	s7 =	simm.s32 $0x700;
	v12 =	vld [tilespmem:s17+$0xFFFFFF20]  }
0x65: {  	v13 =	vld [tilespmem:s7+$0xFFFFFF20]  }
0x66: {  	v17 =	vld [tilespmem:s17+$0xD0]  }
0x67: {  	s30 =	simm.s32 $0x8700;
	v18 =	vld [tilespmem:s7+$0xD0]  }
0x68: {  	v19 =	vld [tilespmem:s30+$0xFFFFFF20]  }
0x69: {  	v20 =	vld [tilespmem:s30+$0xD0]  }
0x6a: {  	v21 =	vld [tilespmem:s17+$0xFFFFFF00]  }
0x6b: {  	v22 =	vld [tilespmem:s30+$0xFFFFFF00]  }
0x6c: {  	v23 =	vld [tilespmem:s7+$0xFFFFFF00]  }
0x6d: {  	v24 =	vld [tilespmem:s30+$0xE0]  }
0x6e: {  	v25 =	vld [tilespmem:s7+$0xF0]  }
0x6f: {  	v26 =	vld [tilespmem:s30+$0xF0]  }
0x70: {  	v27 =	vld [tilespmem:s17+$0xF0]  }
0x71: {  	v28 =	vld [tilespmem:s17+$0xE0]  }
0x72: {  	v4 =	vld [tilespmem:s30+$0xFFFFFF40]  }
0x73: {  	v5 =	vld [tilespmem:s7+$0xFFFFFF30]  }
0x74: {  	v6 =	vld [tilespmem:s30+$0xFFFFFF50]  }
0x75: {  	v29 =	vld [tilespmem:s7+$0xE0]  }
0x76: {  	v8 =	vld [tilespmem:s30+$0xFFFFFF70]  }
0x77: {  	v9 =	vld [tilespmem:s30+$0xFFFFFF80]  }
0x78: {  	v10 =	vld [tilespmem:s30+$0xFFFFFFA0]  }
0x79: {  	v11 =	vld [tilespmem:s30+$0xFFFFFFB0]  }
0x7a: {  	v14 =	vld [tilespmem:s30+$0xFFFFFFC0]  }
0x7b: {  	v15 =	vld [tilespmem:s30+$0xFFFFFFD0]  }
0x7c: {  	v16 =	vld [tilespmem:s30+$0xFFFFFFE0]  }
0x7d: {  	v30 =	vld [tilespmem:s30+$0xFFFFFFF0]  }
0x7e: {  	v31 =	vld [tilespmem:s30+$0x0]  }
0x7f: {  	v32 =	vld [tilespmem:s30+$0x10]  }
0x80: {  	v33 =	vld [tilespmem:s17+$0x10]  }
0x81: {  	v34 =	vld [tilespmem:s30+$0x40]  }
0x82: {  	v35 =	vld [tilespmem:s30+$0x50]  }
0x83: {  	v36 =	vld [tilespmem:s30+$0x70]  }
0x84: {  	v37 =	vld [tilespmem:s30+$0x80]  }
0x85: {  	v38 =	vld [tilespmem:s30+$0xC0]  }
0x86: {  	v39 =	vld [tilespmem:s7+$0xC0]  }
0x87: {  	v40 =	vld [tilespmem:s17+$0xB0]  }
0x88: {  	v41 =	vld [tilespmem:s30+$0xB0]  }
0x89: {  	v42 =	vld [tilespmem:s17+$0xA0]  }
0x8a: {  	v43 =	vld [tilespmem:s30+$0xA0]  }
0x8b: {  	v44 =	vld [tilespmem:s7+$0xB0]  }
0x8c: {  	v45 =	vld [tilespmem:s7+$0xA0]  }
0x8d: {  	v46 =	vld [tilespmem:s30+$0x90]  }
0x8e: {  	v47 =	vld [tilespmem:s17+$0xC0]  }
0x8f: {  	v48 =	vld [tilespmem:s17+$0x90]  }
0x90: {  	v49 =	vld [tilespmem:s17+$0x80]  }
0x91: {  	v50 =	vld [tilespmem:s7+$0x90]  }
0x92: {  	v51 =	vld [tilespmem:s30+$0x60]  }
0x93: {  	v52 =	vld [tilespmem:s7+$0x80]  }
0x94: {  	v53 =	vld [tilespmem:s17+$0x70]  }
0x95: {  	v54 =	vld [tilespmem:s30+$0x30]  }
0x96: {  	v55 =	vld [tilespmem:s17+$0x60]  }
0x97: {  	v56 =	vld [tilespmem:s7+$0x70]  }
0x98: {  	v57 =	vld [tilespmem:s7+$0x60]  }
0x99: {  	v58 =	vld [tilespmem:s17+$0x50]  }
0x9a: {  	v59 =	vld [tilespmem:s17+$0x40]  }
0x9b: {  	v60 =	vld [tilespmem:s7+$0x50]  }
0x9c: {  	v62 =	vadd.f32 v17, v18;
	v18 =	vld [tilespmem:s7+$0x40]  }
0x9d: {  	v63 =	vadd.f32 v21, v23;
	v21 =	vld [tilespmem:s30+$0x20]  }
0x9e: {  	v12 =	vadd.f32 v12, v13;
	v27 =	vadd.f32 v27, v25;
	v17 =	vld [tilespmem:s17+$0x30]  }
0x9f: {  	v44 =	vadd.f32 v40, v44;
	v23 =	vld [tilespmem:s17+$0x20];
	v45 =	vadd.f32 v42, v45  }
0xa0: {  	v47 =	vadd.f32 v47, v39;
	v28 =	vadd.f32 v28, v29;
	v29 =	vld [tilespmem:s7+$0x20]  }
0xa1: {  	v48 =	vadd.f32 v48, v50;
	v39 =	vld [tilespmem:s17+$0x0];
	v50 =	vadd.f32 v49, v52  }
0xa2: {  	v49 =	vld [tilespmem:s7+$0xFFFFFFE0];
	v12 =	vsub.f32 v12, v19;
	v20 =	vsub.f32 v62, v20  }
0xa3: {  	v42 =	vld [tilespmem:s17+$0xFFFFFF80];
	v13 =	vsub.f32 v63, v22;
	v19 =	vsub.f32 v27, v26  }
0xa4: {  	v27 =	vld [tilespmem:s7+$0x30];
	v22 =	vsub.f32 v44, v41;
	v26 =	vsub.f32 v47, v38  }
0xa5: {  	v24 =	vsub.f32 v28, v24;
	v38 =	vsub.f32 v48, v46;
	v41 =	vld [tilespmem:s7+$0x10]  }
0xa6: {  	v28 =	vsub.f32 v50, v37;
	v37 =	vld [tilespmem:s7+$0x0];
	v25 =	vsub.f32 v45, v43  }
0xa7: {  	v62 =	vadd.f32 v55, v57;
	v43 =	vld [tilespmem:s7+$0xFFFFFFF0];
	v26 =	vmul.f32 v26, v26;
	v20 =	vmul.f32 v20, v20  }
0xa8: {  	v63 =	vadd.f32 v53, v56;
	v44 =	vld [tilespmem:s17+$0xFFFFFFC0];
	v24 =	vmul.f32 v24, v24;
	v19 =	vmul.f32 v19, v19  }
0xa9: {  	v55 =	vld [tilespmem:s7+$0xFFFFFFD0];
	v52 =	vmul.f32 v28, v28;
	v61 =	vmul.f32 v38, v38;
	v51 =	vsub.f32 v62, v51  }
0xaa: {  	v57 =	vld [tilespmem:s7+$0xFFFFFFC0];
	v22 =	vmul.f32 v22, v22;
	v36 =	vsub.f32 v63, v36;
	v18 =	vadd.f32 v59, v18  }
0xab: {  	v38 =	vld [tilespmem:s17+$0xFFFFFFE0];
	v25 =	vmul.f32 v25, v25;
	v23 =	vadd.f32 v23, v29;
	v20 =	vadd.f32 v20, v26  }
0xac: {  	v63 =	vld [tilespmem:s7+$0xFFFFFFA0];
	v19 =	vadd.f32 v19, v24;
	v24 =	vadd.f32 v61, v52  }
0xad: {  	v59 =	vld [tilespmem:s17+$0xFFFFFFA0];
	v50 =	vadd.f32 v22, v25;
	v52 =	vadd.f32 v58, v60  }
0xae: {  	v26 =	vld [tilespmem:s17+$0xFFFFFFF0];
	v22 =	vmul.f32 v51, v51;
	v18 =	vsub.f32 v18, v34;
	v17 =	vadd.f32 v17, v27  }
0xaf: {  	v25 =	vld [tilespmem:s17+$0xFFFFFFD0];
	v36 =	vmul.f32 v36, v36;
	v61 =	vadd.f32 v33, v41;
	v62 =	vadd.f32 v39, v37  }
0xb0: {  	v58 =	vld [tilespmem:s17+$0xFFFFFFB0];
	v21 =	vsub.f32 v23, v21;
	v48 =	vsel vm0, v20, v19;
	v19 =	vsel vm0, v19, v20  }
0xb1: {  	v60 =	vld [tilespmem:s7+$0xFFFFFFB0];
	v53 =	vsel vm0, v50, v24;
	v35 =	vsub.f32 v52, v35;
	v20 =	vsel vm0, v24, v50  }
0xb2: {  	v41 =	vld [tilespmem:s17+$0xFFFFFF90];
	v22 =	vadd.f32 v36, v22;
	v19 =	vperm.xlane v19, v0;
	v17 =	vsub.f32 v17, v54  }
0xb3: {  	v37 =	vld [tilespmem:s7+$0xFFFFFF10];
	v56 =	vperm.xlane v53, v0;
	v29 =	vsub.f32 v61, v32;
	v31 =	vsub.f32 v62, v31  }
0xb4: {  	v39 =	vld [tilespmem:s17+$0xFFFFFF10];
	v18 =	vmul.f32 v18, v18;
	v28 =	vadd.f32 v38, v49;
	v53 =	vadd.f32 v44, v57  }
0xb5: {  	v50 =	vld [tilespmem:s17+$0xFFFFFF70];
	v21 =	vmul.f32 v21, v21;
	v59 =	vadd.f32 v59, v63;
	v19 =	vadd.f32 v19, v48  }
0xb6: {  	v49 =	vld [tilespmem:s7+$0xFFFFFF80];
	v45 =	vmul.f32 v35, v35;
	v20 =	vadd.f32 v56, v20;
	v26 =	vadd.f32 v26, v43  }
0xb7: {  	v54 =	vld [tilespmem:s7+$0xFFFFFF70];
	v17 =	vmul.f32 v17, v17;
	v16 =	vsub.f32 v28, v16;
	v25 =	vadd.f32 v25, v55  }
0xb8: {  	v61 =	vld [tilespmem:s7+$0xFFFFFF40];
	v29 =	vmul.f32 v29, v29;
	v14 =	vsub.f32 v53, v14;
	v57 =	vadd.f32 v58, v60  }
0xb9: {  	v63 =	vld [tilespmem:s17+$0xFFFFFF30];
	v31 =	vmul.f32 v31, v31;
	v18 =	vadd.f32 v45, v18;
	v10 =	vsub.f32 v59, v10  }
0xba: {  	v48 =	vld [tilespmem:s7+$0xFFFFFF90];
	v46 =	vadd.f32 v39, v37;
	v26 =	vsub.f32 v26, v30  }
0xbb: {  	v47 =	vmul.f32 v12, v12;
	v56 =	vld [tilespmem:s17+$0xFFFFFF50];
	v17 =	vadd.f32 v17, v21;
	v29 =	vadd.f32 v29, v31  }
0xbc: {  	v58 =	vld [tilespmem:s17+$0xFFFFFF40];
	v16 =	vmul.f32 v16, v16;
	v15 =	vsub.f32 v25, v15;
	v14 =	vmul.f32 v14, v14  }
0xbd: {  	v60 =	vld [tilespmem:s7+$0xFFFFFF50];
	v11 =	vsub.f32 v57, v11;
	v52 =	vsel vm0, v22, v18;
	v18 =	vsel vm0, v18, v22  }
0xbe: {  	v40 =	vld [tilespmem:s30+$0xFFFFFF90];
	v36 =	vadd.f32 v42, v49;
	v10 =	vmul.f32 v10, v10;
	v26 =	vmul.f32 v26, v26  }
0xbf: {  	v43 =	vld [tilespmem:s30+$0xFFFFFF10];
	v30 =	vadd.f32 v50, v54;
	v28 =	vperm.xlane v52, v0;
	v15 =	vmul.f32 v15, v15  }
0xc0: {  	v51 =	vld [tilespmem:s17+$0xFFFFFF60];
	v62 =	vsel vm0, v29, v17;
	v5 =	vadd.f32 v63, v5;
	v23 =	vadd.f32 v41, v48  }
0xc1: {  	v55 =	vld [tilespmem:s7+$0xFFFFFF60];
	v17 =	vsel vm0, v17, v29;
	v9 =	vsub.f32 v36, v9;
	v8 =	vsub.f32 v30, v8  }
0xc2: {  	v7 =	vld [tilespmem:s30+$0xFFFFFF60];
	v11 =	vmul.f32 v11, v11;
	v25 =	vadd.f32 v56, v60;
	v44 =	vadd.f32 v58, v61  }
0xc3: {  	v17 =	vperm.xlane v17, v0;
	v41 =	vld [tilespmem:s30+$0xFFFFFF30];
	v16 =	vadd.f32 v26, v16;
	v18 =	vadd.f32 v28, v18  }
0xc4: {  	v48 =	vmul.f32 v13, v13;
	v14 =	vadd.f32 v15, v14;
	v15 =	vsub.f32 v46, v43  }
0xc5: {  	v26 =	vsel vm1, v20, v19;
	v10 =	vadd.f32 v11, v10;
	v23 =	vsub.f32 v23, v40  }
0xc6: {  	v40 =	vadd.f32 v51, v55;
	v6 =	vsub.f32 v25, v6;
	v9 =	vmul.f32 v9, v9  }
0xc7: {  	v4 =	vsub.f32 v44, v4;
	v8 =	vmul.f32 v8, v8;
	v49 =	vmul.f32 v15, v15  }
0xc8: {  	v7 =	vsub.f32 v40, v7;
	v45 =	vmul.f32 v23, v23;
	v5 =	vsub.f32 v5, v41  }
0xc9: {  	v42 =	vsel vm0, v16, v14;
	v6 =	vmul.f32 v6, v6;
	v4 =	vmul.f32 v4, v4  }
0xca: {  	v51 =	vadd.f32 v49, v48;
	v7 =	vmul.f32 v7, v7;
	v5 =	vmul.f32 v5, v5  }
0xcb: {  	v50 =	vperm.xlane v42, v0;
	v9 =	vadd.f32 v45, v9;
	v4 =	vadd.f32 v6, v4  }
0xcc: {  	v53 =	vsel vm0, v14, v16;
	v7 =	vadd.f32 v8, v7;
	v5 =	vadd.f32 v5, v47  }
0xcd: {  	v52 =	vadd.f32 v17, v62;
	v12 =	vadd.f32 v50, v53;
	v6 =	vsel vm0, v10, v9  }
0xce: {  	v6 =	vperm.xlane v6, v0;
	v54 =	vsel vm0, v7, v4;
	v55 =	vsel vm0, v5, v51  }
0xcf: {  	v9 =	vsel vm0, v9, v10;
	v56 =	vperm.xlane v54, v0;
	v57 =	vperm.xlane v55, v0  }
0xd0: {  	v4 =	vsel vm0, v4, v7;
	v6 =	vadd.f32 v6, v9;
	v5 =	vsel vm0, v51, v5  }
0xd1: {  	v7 =	vsel vm1, v19, v20;
	v4 =	vadd.f32 v56, v4;
	v5 =	vadd.f32 v57, v5  }
0xd2: {  	v58 =	vsel vm1, v52, v18;
	v59 =	vsel vm1, v18, v52;
	v7 =	vperm.xlane v7, v1  }
0xd3: {  	v9 =	vperm.xlane v59, v1;
	v60 =	vsel vm1, v12, v6;
	v61 =	vsel vm1, v4, v5  }
0xd4: {  	v7 =	vadd.f32 v7, v26;
	v10 =	vperm.xlane v60, v1;
	v11 =	vperm.xlane v61, v1  }
0xd5: {  	v8 =	vadd.f32 v9, v58;
	v6 =	vsel vm1, v6, v12;
	v4 =	vsel vm1, v5, v4  }
0xd6: {  	v5 =	vadd.f32 v10, v6;
	v4 =	vadd.f32 v11, v4;
	_ =	sdelay $0x1  }
0xd7: {  	v6 =	vsel vm2, v7, v8;
	v62 =	vsel vm2, v5, v4  }
0xd8: {  	s20 =	simm.s32 $0x0;
	v6 =	vperm.xlane v6, v2;
	v9 =	vperm.xlane v62, v2  }
0xd9: {  	v4 =	vsel vm2, v4, v5;
	v5 =	vsel vm2, v8, v7;
	v7 =	vld [tilespmem:s20+$0xC600]  }
0xda: {  	v5 =	vadd.f32 v6, v5;
	v6 =	vld [tilespmem:s20+$0xC800];
	v4 =	vadd.f32 v9, v4;
	_ =	sdelay $0x1  }
0xdb: {  	v63 =	vsel vm3, v5, v4  }
0xdc: {  	v8 =	vperm.xlane v63, v3  }
0xdd: {  	v4 =	vsel vm3, v4, v5  }
0xde: {  	s18 =	simm.s32 $0x40;
	v5 =	vadd.f32 v6, v7;
	v4 =	vadd.f32 v4, v8  }
.LBB2_2:
0xdf: {  	_ = 	snop  }
0xe0: {  	s7 =	sadd.s32 $0x200, s7;
	s17 =	sadd.s32 $0x200, s17;
	s30 =	sadd.s32 $0x200, s30;
	v4 =	vsub.f32 v5, v4  }
0xe1: {  	p0 =	sne.s32 s18, $0x1C0;
	s19 =	smov.u32 s18;
	s18 =	sadd.s32 $0x40, s18  }
0xe2: {  	[tilespmem:s20+$0xCA00] =	vst v4  }
0xe3: {  	v4 =	vld [tilespmem:s17+$0xFFFFFF20]  }
0xe4: {  	v5 =	vld [tilespmem:s7+$0xFFFFFF20]  }
0xe5: {  	v6 =	vld [tilespmem:s17+$0xD0]  }
0xe6: {  	v7 =	vld [tilespmem:s7+$0xD0]  }
0xe7: {  	v8 =	vld [tilespmem:s30+$0xFFFFFF20]  }
0xe8: {  	v9 =	vld [tilespmem:s30+$0xD0]  }
0xe9: {  	v10 =	vld [tilespmem:s17+$0xFFFFFF00]  }
0xea: {  	v4 =	vadd.f32 v4, v5;
	v11 =	vld [tilespmem:s30+$0xFFFFFF00]  }
0xeb: {  	v5 =	vld [tilespmem:s7+$0xFFFFFF00];
	v6 =	vadd.f32 v6, v7  }
0xec: {  	v4 =	vsub.f32 v4, v8;
	v21 =	vld [tilespmem:s30+$0xE0]  }
0xed: {  	v22 =	vsub.f32 v6, v9;
	v9 =	vld [tilespmem:s7+$0xF0]  }
0xee: {  	v12 =	vld [tilespmem:s30+$0xF0]  }
0xef: {  	v13 =	vld [tilespmem:s17+$0xF0]  }
0xf0: {  	v5 =	vadd.f32 v10, v5;
	v23 =	vld [tilespmem:s17+$0xE0]  }
0xf1: {  	v6 =	vld [tilespmem:s30+$0xFFFFFF40]  }
0xf2: {  	v5 =	vsub.f32 v5, v11;
	v7 =	vld [tilespmem:s7+$0xFFFFFF30]  }
0xf3: {  	v8 =	vld [tilespmem:s30+$0xFFFFFF50]  }
0xf4: {  	v24 =	vld [tilespmem:s7+$0xE0];
	v11 =	vadd.f32 v13, v9  }
0xf5: {  	v9 =	vld [tilespmem:s30+$0xFFFFFF60]  }
0xf6: {  	v10 =	vld [tilespmem:s30+$0xFFFFFF70];
	v25 =	vsub.f32 v11, v12  }
0xf7: {  	v11 =	vld [tilespmem:s30+$0xFFFFFF80]  }
0xf8: {  	v12 =	vld [tilespmem:s30+$0xFFFFFFA0]  }
0xf9: {  	v13 =	vld [tilespmem:s30+$0xFFFFFFB0]  }
0xfa: {  	v14 =	vld [tilespmem:s30+$0xFFFFFFC0]  }
0xfb: {  	v15 =	vld [tilespmem:s30+$0xFFFFFFD0]  }
0xfc: {  	v16 =	vld [tilespmem:s30+$0xFFFFFFE0]  }
0xfd: {  	v17 =	vld [tilespmem:s30+$0xFFFFFFF0]  }
0xfe: {  	v18 =	vld [tilespmem:s30+$0x0]  }
0xff: {  	v19 =	vld [tilespmem:s30+$0x10]  }
0x100: {  	v20 =	vld [tilespmem:s17+$0x10]  }
0x101: {  	v26 =	vld [tilespmem:s30+$0x40]  }
0x102: {  	v27 =	vld [tilespmem:s30+$0x50]  }
0x103: {  	v28 =	vld [tilespmem:s30+$0x70]  }
0x104: {  	v29 =	vld [tilespmem:s30+$0x80]  }
0x105: {  	v30 =	vld [tilespmem:s30+$0xC0]  }
0x106: {  	v31 =	vld [tilespmem:s7+$0xC0]  }
0x107: {  	v32 =	vld [tilespmem:s17+$0xB0]  }
0x108: {  	v33 =	vld [tilespmem:s30+$0xB0]  }
0x109: {  	v34 =	vld [tilespmem:s17+$0xA0]  }
0x10a: {  	v35 =	vld [tilespmem:s30+$0xA0]  }
0x10b: {  	v36 =	vld [tilespmem:s7+$0xB0]  }
0x10c: {  	v37 =	vld [tilespmem:s7+$0xA0]  }
0x10d: {  	v38 =	vld [tilespmem:s30+$0x90]  }
0x10e: {  	v39 =	vld [tilespmem:s17+$0xC0]  }
0x10f: {  	v40 =	vld [tilespmem:s17+$0x90]  }
0x110: {  	v41 =	vld [tilespmem:s17+$0x80];
	v32 =	vadd.f32 v32, v36  }
0x111: {  	v36 =	vld [tilespmem:s7+$0x90];
	v34 =	vadd.f32 v34, v37  }
0x112: {  	v23 =	vadd.f32 v23, v24;
	v37 =	vld [tilespmem:s30+$0x60];
	v32 =	vsub.f32 v32, v33  }
0x113: {  	v24 =	vld [tilespmem:s7+$0x80];
	v33 =	vsub.f32 v34, v35;
	v31 =	vadd.f32 v39, v31  }
0x114: {  	v21 =	vsub.f32 v23, v21;
	v34 =	vld [tilespmem:s17+$0x70];
	v32 =	vmul.f32 v32, v32  }
0x115: {  	v23 =	vld [tilespmem:s30+$0x30];
	v33 =	vmul.f32 v33, v33;
	v30 =	vsub.f32 v31, v30  }
0x116: {  	v25 =	vmul.f32 v25, v25;
	v21 =	vmul.f32 v21, v21;
	v31 =	vld [tilespmem:s17+$0x60];
	v35 =	vadd.f32 v40, v36  }
0x117: {  	v22 =	vmul.f32 v22, v22;
	v36 =	vld [tilespmem:s7+$0x70];
	v30 =	vmul.f32 v30, v30  }
0x118: {  	v39 =	vld [tilespmem:s7+$0x60];
	v24 =	vadd.f32 v41, v24;
	v35 =	vsub.f32 v35, v38  }
0x119: {  	v21 =	vadd.f32 v25, v21;
	v38 =	vld [tilespmem:s17+$0x50];
	v22 =	vadd.f32 v22, v30  }
0x11a: {  	v25 =	vld [tilespmem:s17+$0x40];
	v24 =	vsub.f32 v24, v29  }
0x11b: {  	v29 =	vld [tilespmem:s7+$0x50];
	v30 =	vsel vm0, v22, v21;
	v21 =	vsel vm0, v21, v22  }
0x11c: {  	v35 =	vmul.f32 v35, v35;
	v22 =	vld [tilespmem:s7+$0x40];
	v34 =	vadd.f32 v34, v36;
	v24 =	vmul.f32 v24, v24  }
0x11d: {  	v21 =	vperm.xlane v21, v0;
	v36 =	vld [tilespmem:s30+$0x20];
	v31 =	vadd.f32 v31, v39  }
0x11e: {  	v32 =	vadd.f32 v32, v33;
	v39 =	vld [tilespmem:s17+$0x30];
	v24 =	vadd.f32 v35, v24  }
0x11f: {  	v28 =	vsub.f32 v34, v28;
	v33 =	vld [tilespmem:s17+$0x20];
	v31 =	vsub.f32 v31, v37  }
0x120: {  	v21 =	vadd.f32 v21, v30;
	v34 =	vld [tilespmem:s7+$0x30];
	v29 =	vadd.f32 v38, v29;
	v35 =	vsel vm0, v32, v24  }
0x121: {  	v28 =	vmul.f32 v28, v28;
	v30 =	vld [tilespmem:s7+$0x20];
	v22 =	vadd.f32 v25, v22;
	v25 =	vmul.f32 v31, v31  }
0x122: {  	v31 =	vld [tilespmem:s17+$0x0];
	v27 =	vsub.f32 v29, v27;
	v29 =	vperm.xlane v35, v0  }
0x123: {  	v24 =	vsel vm0, v24, v32;
	v35 =	vld [tilespmem:s30+$0xFFFFFF90];
	v22 =	vsub.f32 v22, v26;
	v25 =	vadd.f32 v28, v25  }
0x124: {  	v26 =	vld [tilespmem:s7+$0x10];
	v24 =	vadd.f32 v29, v24  }
0x125: {  	v27 =	vmul.f32 v27, v27;
	v28 =	vld [tilespmem:s7+$0x0];
	v29 =	vadd.f32 v39, v34;
	v22 =	vmul.f32 v22, v22  }
0x126: {  	v32 =	vld [tilespmem:s17+$0xFFFFFFF0];
	v30 =	vadd.f32 v33, v30;
	v33 =	vsel vm1, v24, v21;
	v21 =	vsel vm1, v21, v24  }
0x127: {  	v24 =	vld [tilespmem:s17+$0xFFFFFFE0];
	v23 =	vsub.f32 v29, v23;
	v22 =	vadd.f32 v27, v22;
	v21 =	vperm.xlane v21, v1  }
0x128: {  	v27 =	vld [tilespmem:s7+$0xFFFFFFF0];
	v29 =	vsub.f32 v30, v36  }
0x129: {  	v30 =	vld [tilespmem:s7+$0xFFFFFFE0];
	v20 =	vadd.f32 v20, v26;
	v26 =	vsel vm0, v22, v25;
	v22 =	vsel vm0, v25, v22  }
0x12a: {  	v25 =	vld [tilespmem:s17+$0xFFFFFFD0];
	v28 =	vadd.f32 v31, v28;
	v29 =	vmul.f32 v29, v29;
	v22 =	vperm.xlane v22, v0  }
0x12b: {  	v31 =	vld [tilespmem:s17+$0xFFFFFFC0];
	v19 =	vsub.f32 v20, v19  }
0x12c: {  	v20 =	vld [tilespmem:s7+$0xFFFFFFD0];
	v18 =	vsub.f32 v28, v18  }
0x12d: {  	v23 =	vmul.f32 v23, v23;
	v28 =	vld [tilespmem:s7+$0xFFFFFFC0];
	v27 =	vadd.f32 v32, v27;
	v19 =	vmul.f32 v19, v19  }
0x12e: {  	v32 =	vld [tilespmem:s17+$0xFFFFFFB0];
	v24 =	vadd.f32 v24, v30;
	v18 =	vmul.f32 v18, v18  }
0x12f: {  	v23 =	vadd.f32 v23, v29;
	v30 =	vld [tilespmem:s17+$0xFFFFFFA0];
	v17 =	vsub.f32 v27, v17  }
0x130: {  	v27 =	vld [tilespmem:s7+$0xFFFFFFB0];
	v16 =	vsub.f32 v24, v16;
	v18 =	vadd.f32 v19, v18  }
0x131: {  	v19 =	vld [tilespmem:s7+$0xFFFFFFA0];
	v20 =	vadd.f32 v25, v20;
	v17 =	vmul.f32 v17, v17  }
0x132: {  	v24 =	vld [tilespmem:s17+$0xFFFFFF90];
	v25 =	vadd.f32 v31, v28;
	v16 =	vmul.f32 v16, v16;
	v28 =	vsel vm0, v18, v23  }
0x133: {  	v18 =	vsel vm0, v23, v18;
	v29 =	vld [tilespmem:s17+$0xFFFFFF80];
	v15 =	vsub.f32 v20, v15  }
0x134: {  	v20 =	vld [tilespmem:s7+$0xFFFFFF90];
	v14 =	vsub.f32 v25, v14;
	v16 =	vadd.f32 v17, v16;
	v17 =	vperm.xlane v18, v0  }
0x135: {  	v22 =	vadd.f32 v22, v26;
	v18 =	vld [tilespmem:s7+$0xFFFFFF80];
	v23 =	vadd.f32 v32, v27  }
0x136: {  	v15 =	vmul.f32 v15, v15;
	v25 =	vld [tilespmem:s17+$0xFFFFFF70];
	v19 =	vadd.f32 v30, v19;
	v14 =	vmul.f32 v14, v14  }
0x137: {  	v17 =	vadd.f32 v17, v28;
	v26 =	vld [tilespmem:s17+$0xFFFFFF60];
	v13 =	vsub.f32 v23, v13  }
0x138: {  	v23 =	vld [tilespmem:s7+$0xFFFFFF70];
	v12 =	vsub.f32 v19, v12;
	v14 =	vadd.f32 v15, v14  }
0x139: {  	v15 =	vld [tilespmem:s7+$0xFFFFFF60];
	v19 =	vadd.f32 v24, v20;
	v20 =	vsel vm1, v17, v22;
	v17 =	vsel vm1, v22, v17  }
0x13a: {  	v13 =	vmul.f32 v13, v13;
	v22 =	vld [tilespmem:s17+$0xFFFFFF50];
	v18 =	vadd.f32 v29, v18;
	v24 =	vsel vm0, v16, v14  }
0x13b: {  	v12 =	vmul.f32 v12, v12;
	v27 =	vld [tilespmem:s17+$0xFFFFFF40];
	v19 =	vsub.f32 v19, v35;
	v24 =	vperm.xlane v24, v0  }
0x13c: {  	v17 =	vperm.xlane v17, v1;
	v28 =	vld [tilespmem:s7+$0xFFFFFF50];
	v11 =	vsub.f32 v18, v11;
	v18 =	vadd.f32 v21, v33  }
0x13d: {  	v12 =	vadd.f32 v13, v12;
	v21 =	vld [tilespmem:s7+$0xFFFFFF40];
	v23 =	vadd.f32 v25, v23;
	v19 =	vmul.f32 v19, v19  }
0x13e: {  	v17 =	vadd.f32 v17, v20;
	v13 =	vld [tilespmem:s17+$0xFFFFFF30];
	v15 =	vadd.f32 v26, v15;
	v11 =	vmul.f32 v11, v11  }
0x13f: {  	v20 =	vld [tilespmem:s7+$0xFFFFFF10]  }
0x140: {  	v10 =	vsub.f32 v23, v10;
	v25 =	vld [tilespmem:s17+$0xFFFFFF10];
	v11 =	vadd.f32 v19, v11;
	v19 =	vsel vm2, v18, v17  }
0x141: {  	v9 =	vsub.f32 v15, v9;
	v23 =	vld [tilespmem:s30+$0xFFFFFF30];
	v22 =	vadd.f32 v22, v28;
	v15 =	vperm.xlane v19, v2  }
0x142: {  	v10 =	vmul.f32 v10, v10;
	v19 =	vld [tilespmem:s30+$0xFFFFFF10];
	v21 =	vadd.f32 v27, v21;
	v26 =	vsel vm0, v12, v11  }
0x143: {  	v9 =	vmul.f32 v9, v9;
	v8 =	vsub.f32 v22, v8;
	v22 =	vperm.xlane v26, v0  }
0x144: {  	v7 =	vadd.f32 v13, v7;
	v13 =	vsel vm0, v14, v16;
	v6 =	vsub.f32 v21, v6  }
0x145: {  	v13 =	vadd.f32 v24, v13;
	v14 =	vadd.f32 v25, v20;
	v8 =	vmul.f32 v8, v8  }
0x146: {  	v11 =	vsel vm0, v11, v12;
	v7 =	vsub.f32 v7, v23;
	v6 =	vmul.f32 v6, v6  }
0x147: {  	v4 =	vmul.f32 v4, v4;
	v9 =	vadd.f32 v10, v9;
	v12 =	vsub.f32 v14, v19  }
0x148: {  	v7 =	vmul.f32 v7, v7;
	v6 =	vadd.f32 v8, v6;
	v8 =	vadd.f32 v22, v11  }
0x149: {  	v5 =	vmul.f32 v5, v5;
	v10 =	vmul.f32 v12, v12  }
0x14a: {  	v4 =	vadd.f32 v7, v4;
	v7 =	vsel vm0, v6, v9;
	v6 =	vsel vm0, v9, v6  }
0x14b: {  	v9 =	vsel vm1, v13, v8;
	v5 =	vadd.f32 v10, v5;
	v6 =	vperm.xlane v6, v0  }
0x14c: {  	v8 =	vsel vm1, v8, v13;
	v9 =	vperm.xlane v9, v1  }
0x14d: {  	v10 =	vsel vm0, v5, v4;
	v4 =	vsel vm0, v4, v5  }
0x14e: {  	v4 =	vperm.xlane v4, v0  }
0x14f: {  	v5 =	vadd.f32 v6, v7  }
0x150: {  	v4 =	vadd.f32 v4, v10;
	_ =	sdelay $0x1  }
0x151: {  	v6 =	vsel vm1, v4, v5;
	v4 =	vsel vm1, v5, v4  }
0x152: {  	v4 =	vperm.xlane v4, v1  }
0x153: {  	v5 =	vadd.f32 v9, v8  }
0x154: {  	v4 =	vadd.f32 v4, v6;
	_ =	sdelay $0x1  }
0x155: {  	v6 =	vsel vm2, v4, v5;
	v4 =	vsel vm2, v5, v4  }
0x156: {  	v4 =	vperm.xlane v4, v2  }
0x157: {  	s20 =	sshra.s32 s19, $0x2;
	v5 =	vsel vm2, v17, v18  }
0x158: {  	v5 =	vadd.f32 v15, v5;
	v4 =	vadd.f32 v4, v6;
	v6 =	vld [tilespmem:s20+$0xC600]  }
0x159: {  	v7 =	vld [tilespmem:s20+$0xC800]  }
.Ltmp0:
0x15a: {  	v8 =	vsel vm3, v4, v5;
	v4 =	vsel vm3, v5, v4;
	(pc) =	sbr.rel @p0 .LBB2_2-.Ltmp0, $3  }
0x15b: {  	v4 =	vperm.xlane v4, v3;
	_ =	sdelay $0x1  }
0x15c: {  	v4 =	vadd.f32 v8, v4  }
0x15d: {  	v5 =	vadd.f32 v7, v6  }
0x15e: {  	_ = 	snop  }
0x15f: {  	v4 =	vsub.f32 v5, v4;
	_ =	sdelay $0x1  }
0x160: {  	s7 =	simm.s32 $0x0;
	s17 =	rddreg [dreg:$0xe];
	s18 =	simm.s32 $0x600;
	[tilespmem:s20+$0xCA00] =	vst v4  }
0x161: {  	[hbm4b:s17+s7] =	stream.linear.scatter [tilespmem:s18], [sflag:$0x5], $0x1000, $0x38;
	[tilespmem:$0xCC00] =	vst v63  }
0x162: {  	s19 =	rddreg [dreg:$0xf];
	s20 =	simm.s32 $0x4600  }
0x163: {  	[hbm4b:s19+s7] =	stream.linear.scatter [tilespmem:s20], [sflag:$0x5], $0x1000, $0x38;
	[tilespmem:$0xCC00] =	vst v63  }
0x164: {  	s19 =	rddreg [dreg:$0x10];
	s20 =	simm.s32 $0x8600  }
0x165: {  	[hbm4b:s19+s7] =	stream.linear.scatter [tilespmem:s20], [sflag:$0x5], $0x1000, $0x38;
	[tilespmem:$0xCC00] =	vst v63  }
0x166: {  	_ =	swait.ge [sflag:s25], $0x1000  }
0x167: {  	[sflag:s25] =	ssyncset.done $0x0  }
0x168: {  	[sflag:s25] =	ssyncadd.s32 $0xFFFFF000  }
0x169: {  	_ =	swait.ge [sflag:s25], $0x1000  }
0x16a: {  	[sflag:s25] =	ssyncset.done $0x0  }
0x16b: {  	[sflag:s25] =	ssyncadd.s32 $0xFFFFF000  }
0x16c: {  	_ =	swait.ge [sflag:s25], $0x1000  }
0x16d: {  	[sflag:s25] =	ssyncset.done $0x0  }
0x16e: {  	[sflag:s25] =	ssyncadd.s32 $0xFFFFF000  }
0x16f: {  	_ =	swait.ge [sflag:s25], $0x80  }
0x170: {  	[sflag:s25] =	ssyncset.done $0x0  }
0x171: {  	[sflag:s25] =	ssyncadd.s32 $0xFFFFFF80  }
0x172: {  	_ =	swait.ge [sflag:s25], $0x80  }
0x173: {  	[sflag:s25] =	ssyncset.done $0x0  }
0x174: {  	s17 =	simm.s32 $0x57F0;
	[sflag:s25] =	ssyncadd.s32 $0xFFFFFF80  }
0x175: {  	s7 =	simm.s32 $0x17F0;
	v12 =	vld [tilespmem:s17+$0xFFFFFE30]  }
0x176: {  	v13 =	vld [tilespmem:s7+$0xFFFFFE30]  }
0x177: {  	v17 =	vld [tilespmem:s17+$0xFFFFFFE0]  }
0x178: {  	s30 =	simm.s32 $0x97F0;
	v18 =	vld [tilespmem:s7+$0xFFFFFFE0]  }
0x179: {  	v19 =	vld [tilespmem:s30+$0xFFFFFE30]  }
0x17a: {  	v20 =	vld [tilespmem:s30+$0xFFFFFFE0]  }
0x17b: {  	v21 =	vld [tilespmem:s17+$0xFFFFFE10]  }
0x17c: {  	v22 =	vld [tilespmem:s30+$0xFFFFFE10]  }
0x17d: {  	v23 =	vld [tilespmem:s7+$0xFFFFFE10]  }
0x17e: {  	v24 =	vld [tilespmem:s30+$0xFFFFFFF0]  }
0x17f: {  	v25 =	vld [tilespmem:s7+$0x0]  }
0x180: {  	v26 =	vld [tilespmem:s30+$0x0]  }
0x181: {  	v27 =	vld [tilespmem:s17+$0x0]  }
0x182: {  	v28 =	vld [tilespmem:s17+$0xFFFFFFF0]  }
0x183: {  	v4 =	vld [tilespmem:s30+$0xFFFFFE50]  }
0x184: {  	v5 =	vld [tilespmem:s7+$0xFFFFFE40]  }
0x185: {  	v6 =	vld [tilespmem:s30+$0xFFFFFE60]  }
0x186: {  	v29 =	vld [tilespmem:s7+$0xFFFFFFF0]  }
0x187: {  	v8 =	vld [tilespmem:s30+$0xFFFFFE80]  }
0x188: {  	v9 =	vld [tilespmem:s30+$0xFFFFFE90]  }
0x189: {  	v10 =	vld [tilespmem:s30+$0xFFFFFEB0]  }
0x18a: {  	v11 =	vld [tilespmem:s30+$0xFFFFFEC0]  }
0x18b: {  	v14 =	vld [tilespmem:s30+$0xFFFFFED0]  }
0x18c: {  	v15 =	vld [tilespmem:s30+$0xFFFFFEE0]  }
0x18d: {  	v16 =	vld [tilespmem:s30+$0xFFFFFEF0]  }
0x18e: {  	v30 =	vld [tilespmem:s30+$0xFFFFFF00]  }
0x18f: {  	v31 =	vld [tilespmem:s30+$0xFFFFFF10]  }
0x190: {  	v32 =	vld [tilespmem:s30+$0xFFFFFF20]  }
0x191: {  	v33 =	vld [tilespmem:s17+$0xFFFFFF20]  }
0x192: {  	v34 =	vld [tilespmem:s30+$0xFFFFFF50]  }
0x193: {  	v35 =	vld [tilespmem:s30+$0xFFFFFF60]  }
0x194: {  	v36 =	vld [tilespmem:s30+$0xFFFFFF80]  }
0x195: {  	v37 =	vld [tilespmem:s30+$0xFFFFFF90]  }
0x196: {  	v38 =	vld [tilespmem:s30+$0xFFFFFFD0]  }
0x197: {  	v39 =	vld [tilespmem:s7+$0xFFFFFFD0]  }
0x198: {  	v40 =	vld [tilespmem:s17+$0xFFFFFFC0]  }
0x199: {  	v41 =	vld [tilespmem:s30+$0xFFFFFFC0]  }
0x19a: {  	v42 =	vld [tilespmem:s17+$0xFFFFFFB0]  }
0x19b: {  	v43 =	vld [tilespmem:s30+$0xFFFFFFB0]  }
0x19c: {  	v44 =	vld [tilespmem:s7+$0xFFFFFFC0]  }
0x19d: {  	v45 =	vld [tilespmem:s7+$0xFFFFFFB0]  }
0x19e: {  	v46 =	vld [tilespmem:s30+$0xFFFFFFA0]  }
0x19f: {  	v47 =	vld [tilespmem:s17+$0xFFFFFFD0]  }
0x1a0: {  	v48 =	vld [tilespmem:s17+$0xFFFFFFA0]  }
0x1a1: {  	v49 =	vld [tilespmem:s17+$0xFFFFFF90]  }
0x1a2: {  	v50 =	vld [tilespmem:s7+$0xFFFFFFA0]  }
0x1a3: {  	v51 =	vld [tilespmem:s30+$0xFFFFFF70]  }
0x1a4: {  	v52 =	vld [tilespmem:s7+$0xFFFFFF90]  }
0x1a5: {  	v53 =	vld [tilespmem:s17+$0xFFFFFF80]  }
0x1a6: {  	v54 =	vld [tilespmem:s30+$0xFFFFFF40]  }
0x1a7: {  	v55 =	vld [tilespmem:s17+$0xFFFFFF70]  }
0x1a8: {  	v56 =	vld [tilespmem:s7+$0xFFFFFF80]  }
0x1a9: {  	v57 =	vld [tilespmem:s7+$0xFFFFFF70]  }
0x1aa: {  	v58 =	vld [tilespmem:s17+$0xFFFFFF60]  }
0x1ab: {  	v59 =	vld [tilespmem:s17+$0xFFFFFF50]  }
0x1ac: {  	v60 =	vld [tilespmem:s7+$0xFFFFFF60]  }
0x1ad: {  	v62 =	vadd.f32 v17, v18;
	v18 =	vld [tilespmem:s7+$0xFFFFFF50]  }
0x1ae: {  	v63 =	vadd.f32 v21, v23;
	v21 =	vld [tilespmem:s30+$0xFFFFFF30]  }
0x1af: {  	v12 =	vadd.f32 v12, v13;
	v27 =	vadd.f32 v27, v25;
	v17 =	vld [tilespmem:s17+$0xFFFFFF40]  }
0x1b0: {  	v44 =	vadd.f32 v40, v44;
	v23 =	vld [tilespmem:s17+$0xFFFFFF30];
	v45 =	vadd.f32 v42, v45  }
0x1b1: {  	v47 =	vadd.f32 v47, v39;
	v28 =	vadd.f32 v28, v29;
	v29 =	vld [tilespmem:s7+$0xFFFFFF30]  }
0x1b2: {  	v48 =	vadd.f32 v48, v50;
	v39 =	vld [tilespmem:s17+$0xFFFFFF10];
	v50 =	vadd.f32 v49, v52  }
0x1b3: {  	v49 =	vld [tilespmem:s7+$0xFFFFFEF0];
	v12 =	vsub.f32 v12, v19;
	v20 =	vsub.f32 v62, v20  }
0x1b4: {  	v42 =	vld [tilespmem:s17+$0xFFFFFE90];
	v13 =	vsub.f32 v63, v22;
	v19 =	vsub.f32 v27, v26  }
0x1b5: {  	v27 =	vld [tilespmem:s7+$0xFFFFFF40];
	v22 =	vsub.f32 v44, v41;
	v26 =	vsub.f32 v47, v38  }
0x1b6: {  	v24 =	vsub.f32 v28, v24;
	v38 =	vsub.f32 v48, v46;
	v41 =	vld [tilespmem:s7+$0xFFFFFF20]  }
0x1b7: {  	v28 =	vsub.f32 v50, v37;
	v37 =	vld [tilespmem:s7+$0xFFFFFF10];
	v25 =	vsub.f32 v45, v43  }
0x1b8: {  	v62 =	vadd.f32 v55, v57;
	v43 =	vld [tilespmem:s7+$0xFFFFFF00];
	v26 =	vmul.f32 v26, v26;
	v20 =	vmul.f32 v20, v20  }
0x1b9: {  	v63 =	vadd.f32 v53, v56;
	v44 =	vld [tilespmem:s17+$0xFFFFFED0];
	v24 =	vmul.f32 v24, v24;
	v19 =	vmul.f32 v19, v19  }
0x1ba: {  	v55 =	vld [tilespmem:s7+$0xFFFFFEE0];
	v52 =	vmul.f32 v28, v28;
	v61 =	vmul.f32 v38, v38;
	v51 =	vsub.f32 v62, v51  }
0x1bb: {  	v57 =	vld [tilespmem:s7+$0xFFFFFED0];
	v22 =	vmul.f32 v22, v22;
	v36 =	vsub.f32 v63, v36;
	v18 =	vadd.f32 v59, v18  }
0x1bc: {  	v38 =	vld [tilespmem:s17+$0xFFFFFEF0];
	v25 =	vmul.f32 v25, v25;
	v23 =	vadd.f32 v23, v29;
	v20 =	vadd.f32 v20, v26  }
0x1bd: {  	v63 =	vld [tilespmem:s7+$0xFFFFFEB0];
	v19 =	vadd.f32 v19, v24;
	v24 =	vadd.f32 v61, v52  }
0x1be: {  	v59 =	vld [tilespmem:s17+$0xFFFFFEB0];
	v50 =	vadd.f32 v22, v25;
	v52 =	vadd.f32 v58, v60  }
0x1bf: {  	v26 =	vld [tilespmem:s17+$0xFFFFFF00];
	v22 =	vmul.f32 v51, v51;
	v18 =	vsub.f32 v18, v34;
	v17 =	vadd.f32 v17, v27  }
0x1c0: {  	v25 =	vld [tilespmem:s17+$0xFFFFFEE0];
	v36 =	vmul.f32 v36, v36;
	v61 =	vadd.f32 v33, v41;
	v62 =	vadd.f32 v39, v37  }
0x1c1: {  	v58 =	vld [tilespmem:s17+$0xFFFFFEC0];
	v21 =	vsub.f32 v23, v21;
	v48 =	vsel vm0, v20, v19;
	v19 =	vsel vm0, v19, v20  }
0x1c2: {  	v60 =	vld [tilespmem:s7+$0xFFFFFEC0];
	v53 =	vsel vm0, v50, v24;
	v35 =	vsub.f32 v52, v35;
	v20 =	vsel vm0, v24, v50  }
0x1c3: {  	v41 =	vld [tilespmem:s17+$0xFFFFFEA0];
	v22 =	vadd.f32 v36, v22;
	v19 =	vperm.xlane v19, v0;
	v17 =	vsub.f32 v17, v54  }
0x1c4: {  	v37 =	vld [tilespmem:s7+$0xFFFFFE20];
	v56 =	vperm.xlane v53, v0;
	v29 =	vsub.f32 v61, v32;
	v31 =	vsub.f32 v62, v31  }
0x1c5: {  	v39 =	vld [tilespmem:s17+$0xFFFFFE20];
	v18 =	vmul.f32 v18, v18;
	v28 =	vadd.f32 v38, v49;
	v53 =	vadd.f32 v44, v57  }
0x1c6: {  	v50 =	vld [tilespmem:s17+$0xFFFFFE80];
	v21 =	vmul.f32 v21, v21;
	v59 =	vadd.f32 v59, v63;
	v19 =	vadd.f32 v19, v48  }
0x1c7: {  	v49 =	vld [tilespmem:s7+$0xFFFFFE90];
	v45 =	vmul.f32 v35, v35;
	v20 =	vadd.f32 v56, v20;
	v26 =	vadd.f32 v26, v43  }
0x1c8: {  	v54 =	vld [tilespmem:s7+$0xFFFFFE80];
	v17 =	vmul.f32 v17, v17;
	v16 =	vsub.f32 v28, v16;
	v25 =	vadd.f32 v25, v55  }
0x1c9: {  	v61 =	vld [tilespmem:s7+$0xFFFFFE50];
	v29 =	vmul.f32 v29, v29;
	v14 =	vsub.f32 v53, v14;
	v57 =	vadd.f32 v58, v60  }
0x1ca: {  	v63 =	vld [tilespmem:s17+$0xFFFFFE40];
	v31 =	vmul.f32 v31, v31;
	v18 =	vadd.f32 v45, v18;
	v10 =	vsub.f32 v59, v10  }
0x1cb: {  	v48 =	vld [tilespmem:s7+$0xFFFFFEA0];
	v46 =	vadd.f32 v39, v37;
	v26 =	vsub.f32 v26, v30  }
0x1cc: {  	v47 =	vmul.f32 v12, v12;
	v56 =	vld [tilespmem:s17+$0xFFFFFE60];
	v17 =	vadd.f32 v17, v21;
	v29 =	vadd.f32 v29, v31  }
0x1cd: {  	v58 =	vld [tilespmem:s17+$0xFFFFFE50];
	v16 =	vmul.f32 v16, v16;
	v15 =	vsub.f32 v25, v15;
	v14 =	vmul.f32 v14, v14  }
0x1ce: {  	v60 =	vld [tilespmem:s7+$0xFFFFFE60];
	v11 =	vsub.f32 v57, v11;
	v52 =	vsel vm0, v22, v18;
	v18 =	vsel vm0, v18, v22  }
0x1cf: {  	v40 =	vld [tilespmem:s30+$0xFFFFFEA0];
	v36 =	vadd.f32 v42, v49;
	v10 =	vmul.f32 v10, v10;
	v26 =	vmul.f32 v26, v26  }
0x1d0: {  	v43 =	vld [tilespmem:s30+$0xFFFFFE20];
	v30 =	vadd.f32 v50, v54;
	v28 =	vperm.xlane v52, v0;
	v15 =	vmul.f32 v15, v15  }
0x1d1: {  	v51 =	vld [tilespmem:s17+$0xFFFFFE70];
	v62 =	vsel vm0, v29, v17;
	v5 =	vadd.f32 v63, v5;
	v23 =	vadd.f32 v41, v48  }
0x1d2: {  	v55 =	vld [tilespmem:s7+$0xFFFFFE70];
	v17 =	vsel vm0, v17, v29;
	v9 =	vsub.f32 v36, v9;
	v8 =	vsub.f32 v30, v8  }
0x1d3: {  	v7 =	vld [tilespmem:s30+$0xFFFFFE70];
	v11 =	vmul.f32 v11, v11;
	v25 =	vadd.f32 v56, v60;
	v44 =	vadd.f32 v58, v61  }
0x1d4: {  	v17 =	vperm.xlane v17, v0;
	v41 =	vld [tilespmem:s30+$0xFFFFFE40];
	v16 =	vadd.f32 v26, v16;
	v18 =	vadd.f32 v28, v18  }
0x1d5: {  	v48 =	vmul.f32 v13, v13;
	v14 =	vadd.f32 v15, v14;
	v15 =	vsub.f32 v46, v43  }
0x1d6: {  	v26 =	vsel vm1, v20, v19;
	v10 =	vadd.f32 v11, v10;
	v23 =	vsub.f32 v23, v40  }
0x1d7: {  	v40 =	vadd.f32 v51, v55;
	v6 =	vsub.f32 v25, v6;
	v9 =	vmul.f32 v9, v9  }
0x1d8: {  	v4 =	vsub.f32 v44, v4;
	v8 =	vmul.f32 v8, v8;
	v49 =	vmul.f32 v15, v15  }
0x1d9: {  	v7 =	vsub.f32 v40, v7;
	v45 =	vmul.f32 v23, v23;
	v5 =	vsub.f32 v5, v41  }
0x1da: {  	v42 =	vsel vm0, v16, v14;
	v6 =	vmul.f32 v6, v6;
	v4 =	vmul.f32 v4, v4  }
0x1db: {  	v51 =	vadd.f32 v49, v48;
	v7 =	vmul.f32 v7, v7;
	v5 =	vmul.f32 v5, v5  }
0x1dc: {  	v50 =	vperm.xlane v42, v0;
	v9 =	vadd.f32 v45, v9;
	v4 =	vadd.f32 v6, v4  }
0x1dd: {  	v53 =	vsel vm0, v14, v16;
	v7 =	vadd.f32 v8, v7;
	v5 =	vadd.f32 v5, v47  }
0x1de: {  	v52 =	vadd.f32 v17, v62;
	v12 =	vadd.f32 v50, v53;
	v6 =	vsel vm0, v10, v9  }
0x1df: {  	v6 =	vperm.xlane v6, v0;
	v54 =	vsel vm0, v7, v4;
	v55 =	vsel vm0, v5, v51  }
0x1e0: {  	v9 =	vsel vm0, v9, v10;
	v56 =	vperm.xlane v54, v0;
	v57 =	vperm.xlane v55, v0  }
0x1e1: {  	v4 =	vsel vm0, v4, v7;
	v6 =	vadd.f32 v6, v9;
	v5 =	vsel vm0, v51, v5  }
0x1e2: {  	v7 =	vsel vm1, v19, v20;
	v4 =	vadd.f32 v56, v4;
	v5 =	vadd.f32 v57, v5  }
0x1e3: {  	v58 =	vsel vm1, v52, v18;
	v59 =	vsel vm1, v18, v52;
	v7 =	vperm.xlane v7, v1  }
0x1e4: {  	v9 =	vperm.xlane v59, v1;
	v60 =	vsel vm1, v12, v6;
	v61 =	vsel vm1, v4, v5  }
0x1e5: {  	v7 =	vadd.f32 v7, v26;
	v10 =	vperm.xlane v60, v1;
	v11 =	vperm.xlane v61, v1  }
0x1e6: {  	v8 =	vadd.f32 v9, v58;
	v6 =	vsel vm1, v6, v12;
	v4 =	vsel vm1, v5, v4  }
0x1e7: {  	v5 =	vadd.f32 v10, v6;
	v4 =	vadd.f32 v11, v4;
	_ =	sdelay $0x1  }
0x1e8: {  	v6 =	vsel vm2, v7, v8;
	v62 =	vsel vm2, v5, v4  }
0x1e9: {  	s20 =	simm.s32 $0x0;
	v6 =	vperm.xlane v6, v2;
	v9 =	vperm.xlane v62, v2  }
0x1ea: {  	v4 =	vsel vm2, v4, v5;
	v5 =	vsel vm2, v8, v7;
	v7 =	vld [tilespmem:s20+$0xC680]  }
0x1eb: {  	v5 =	vadd.f32 v6, v5;
	v6 =	vld [tilespmem:s20+$0xC880];
	v4 =	vadd.f32 v9, v4;
	_ =	sdelay $0x1  }
0x1ec: {  	v63 =	vsel vm3, v5, v4  }
0x1ed: {  	v8 =	vperm.xlane v63, v3  }
0x1ee: {  	v4 =	vsel vm3, v4, v5  }
0x1ef: {  	s18 =	simm.s32 $0x40;
	v5 =	vadd.f32 v6, v7;
	v4 =	vadd.f32 v4, v8  }
.LBB2_4:
0x1f0: {  	_ = 	snop  }
0x1f1: {  	s7 =	sadd.s32 $0x200, s7;
	s17 =	sadd.s32 $0x200, s17;
	s30 =	sadd.s32 $0x200, s30;
	v4 =	vsub.f32 v5, v4  }
0x1f2: {  	p0 =	sne.s32 s18, $0x1C0;
	s19 =	smov.u32 s18;
	s18 =	sadd.s32 $0x40, s18  }
0x1f3: {  	[tilespmem:s20+$0xCA80] =	vst v4  }
0x1f4: {  	v4 =	vld [tilespmem:s17+$0xFFFFFE30]  }
0x1f5: {  	v5 =	vld [tilespmem:s7+$0xFFFFFE30]  }
0x1f6: {  	v6 =	vld [tilespmem:s17+$0xFFFFFFE0]  }
0x1f7: {  	v7 =	vld [tilespmem:s7+$0xFFFFFFE0]  }
0x1f8: {  	v8 =	vld [tilespmem:s30+$0xFFFFFE30]  }
0x1f9: {  	v9 =	vld [tilespmem:s30+$0xFFFFFFE0]  }
0x1fa: {  	v10 =	vld [tilespmem:s17+$0xFFFFFE10]  }
0x1fb: {  	v4 =	vadd.f32 v4, v5;
	v11 =	vld [tilespmem:s30+$0xFFFFFE10]  }
0x1fc: {  	v5 =	vld [tilespmem:s7+$0xFFFFFE10];
	v6 =	vadd.f32 v6, v7  }
0x1fd: {  	v4 =	vsub.f32 v4, v8;
	v21 =	vld [tilespmem:s30+$0xFFFFFFF0]  }
0x1fe: {  	v22 =	vsub.f32 v6, v9;
	v9 =	vld [tilespmem:s7+$0x0]  }
0x1ff: {  	v12 =	vld [tilespmem:s30+$0x0]  }
0x200: {  	v13 =	vld [tilespmem:s17+$0x0]  }
0x201: {  	v5 =	vadd.f32 v10, v5;
	v23 =	vld [tilespmem:s17+$0xFFFFFFF0]  }
0x202: {  	v6 =	vld [tilespmem:s30+$0xFFFFFE50]  }
0x203: {  	v5 =	vsub.f32 v5, v11;
	v7 =	vld [tilespmem:s7+$0xFFFFFE40]  }
0x204: {  	v8 =	vld [tilespmem:s30+$0xFFFFFE60]  }
0x205: {  	v24 =	vld [tilespmem:s7+$0xFFFFFFF0];
	v11 =	vadd.f32 v13, v9  }
0x206: {  	v9 =	vld [tilespmem:s30+$0xFFFFFE70]  }
0x207: {  	v10 =	vld [tilespmem:s30+$0xFFFFFE80];
	v25 =	vsub.f32 v11, v12  }
0x208: {  	v11 =	vld [tilespmem:s30+$0xFFFFFE90]  }
0x209: {  	v12 =	vld [tilespmem:s30+$0xFFFFFEB0]  }
0x20a: {  	v13 =	vld [tilespmem:s30+$0xFFFFFEC0]  }
0x20b: {  	v14 =	vld [tilespmem:s30+$0xFFFFFED0]  }
0x20c: {  	v15 =	vld [tilespmem:s30+$0xFFFFFEE0]  }
0x20d: {  	v16 =	vld [tilespmem:s30+$0xFFFFFEF0]  }
0x20e: {  	v17 =	vld [tilespmem:s30+$0xFFFFFF00]  }
0x20f: {  	v18 =	vld [tilespmem:s30+$0xFFFFFF10]  }
0x210: {  	v19 =	vld [tilespmem:s30+$0xFFFFFF20]  }
0x211: {  	v20 =	vld [tilespmem:s17+$0xFFFFFF20]  }
0x212: {  	v26 =	vld [tilespmem:s30+$0xFFFFFF50]  }
0x213: {  	v27 =	vld [tilespmem:s30+$0xFFFFFF60]  }
0x214: {  	v28 =	vld [tilespmem:s30+$0xFFFFFF80]  }
0x215: {  	v29 =	vld [tilespmem:s30+$0xFFFFFF90]  }
0x216: {  	v30 =	vld [tilespmem:s30+$0xFFFFFFD0]  }
0x217: {  	v31 =	vld [tilespmem:s7+$0xFFFFFFD0]  }
0x218: {  	v32 =	vld [tilespmem:s17+$0xFFFFFFC0]  }
0x219: {  	v33 =	vld [tilespmem:s30+$0xFFFFFFC0]  }
0x21a: {  	v34 =	vld [tilespmem:s17+$0xFFFFFFB0]  }
0x21b: {  	v35 =	vld [tilespmem:s30+$0xFFFFFFB0]  }
0x21c: {  	v36 =	vld [tilespmem:s7+$0xFFFFFFC0]  }
0x21d: {  	v37 =	vld [tilespmem:s7+$0xFFFFFFB0]  }
0x21e: {  	v38 =	vld [tilespmem:s30+$0xFFFFFFA0]  }
0x21f: {  	v39 =	vld [tilespmem:s17+$0xFFFFFFD0]  }
0x220: {  	v40 =	vld [tilespmem:s17+$0xFFFFFFA0]  }
0x221: {  	v41 =	vld [tilespmem:s17+$0xFFFFFF90];
	v32 =	vadd.f32 v32, v36  }
0x222: {  	v36 =	vld [tilespmem:s7+$0xFFFFFFA0];
	v34 =	vadd.f32 v34, v37  }
0x223: {  	v23 =	vadd.f32 v23, v24;
	v37 =	vld [tilespmem:s30+$0xFFFFFF70];
	v32 =	vsub.f32 v32, v33  }
0x224: {  	v24 =	vld [tilespmem:s7+$0xFFFFFF90];
	v33 =	vsub.f32 v34, v35;
	v31 =	vadd.f32 v39, v31  }
0x225: {  	v21 =	vsub.f32 v23, v21;
	v34 =	vld [tilespmem:s17+$0xFFFFFF80];
	v32 =	vmul.f32 v32, v32  }
0x226: {  	v23 =	vld [tilespmem:s30+$0xFFFFFF40];
	v33 =	vmul.f32 v33, v33;
	v30 =	vsub.f32 v31, v30  }
0x227: {  	v25 =	vmul.f32 v25, v25;
	v21 =	vmul.f32 v21, v21;
	v31 =	vld [tilespmem:s17+$0xFFFFFF70];
	v35 =	vadd.f32 v40, v36  }
0x228: {  	v22 =	vmul.f32 v22, v22;
	v36 =	vld [tilespmem:s7+$0xFFFFFF80];
	v30 =	vmul.f32 v30, v30  }
0x229: {  	v39 =	vld [tilespmem:s7+$0xFFFFFF70];
	v24 =	vadd.f32 v41, v24;
	v35 =	vsub.f32 v35, v38  }
0x22a: {  	v21 =	vadd.f32 v25, v21;
	v38 =	vld [tilespmem:s17+$0xFFFFFF60];
	v22 =	vadd.f32 v22, v30  }
0x22b: {  	v25 =	vld [tilespmem:s17+$0xFFFFFF50];
	v24 =	vsub.f32 v24, v29  }
0x22c: {  	v29 =	vld [tilespmem:s7+$0xFFFFFF60];
	v30 =	vsel vm0, v22, v21;
	v21 =	vsel vm0, v21, v22  }
0x22d: {  	v35 =	vmul.f32 v35, v35;
	v22 =	vld [tilespmem:s7+$0xFFFFFF50];
	v34 =	vadd.f32 v34, v36;
	v24 =	vmul.f32 v24, v24  }
0x22e: {  	v21 =	vperm.xlane v21, v0;
	v36 =	vld [tilespmem:s30+$0xFFFFFF30];
	v31 =	vadd.f32 v31, v39  }
0x22f: {  	v32 =	vadd.f32 v32, v33;
	v39 =	vld [tilespmem:s17+$0xFFFFFF40];
	v24 =	vadd.f32 v35, v24  }
0x230: {  	v28 =	vsub.f32 v34, v28;
	v33 =	vld [tilespmem:s17+$0xFFFFFF30];
	v31 =	vsub.f32 v31, v37  }
0x231: {  	v21 =	vadd.f32 v21, v30;
	v34 =	vld [tilespmem:s7+$0xFFFFFF40];
	v29 =	vadd.f32 v38, v29;
	v35 =	vsel vm0, v32, v24  }
0x232: {  	v28 =	vmul.f32 v28, v28;
	v30 =	vld [tilespmem:s7+$0xFFFFFF30];
	v22 =	vadd.f32 v25, v22;
	v25 =	vmul.f32 v31, v31  }
0x233: {  	v31 =	vld [tilespmem:s17+$0xFFFFFF10];
	v27 =	vsub.f32 v29, v27;
	v29 =	vperm.xlane v35, v0  }
0x234: {  	v24 =	vsel vm0, v24, v32;
	v35 =	vld [tilespmem:s30+$0xFFFFFEA0];
	v22 =	vsub.f32 v22, v26;
	v25 =	vadd.f32 v28, v25  }
0x235: {  	v26 =	vld [tilespmem:s7+$0xFFFFFF20];
	v24 =	vadd.f32 v29, v24  }
0x236: {  	v27 =	vmul.f32 v27, v27;
	v28 =	vld [tilespmem:s7+$0xFFFFFF10];
	v29 =	vadd.f32 v39, v34;
	v22 =	vmul.f32 v22, v22  }
0x237: {  	v32 =	vld [tilespmem:s17+$0xFFFFFF00];
	v30 =	vadd.f32 v33, v30;
	v33 =	vsel vm1, v24, v21;
	v21 =	vsel vm1, v21, v24  }
0x238: {  	v24 =	vld [tilespmem:s17+$0xFFFFFEF0];
	v23 =	vsub.f32 v29, v23;
	v22 =	vadd.f32 v27, v22;
	v21 =	vperm.xlane v21, v1  }
0x239: {  	v27 =	vld [tilespmem:s7+$0xFFFFFF00];
	v29 =	vsub.f32 v30, v36  }
0x23a: {  	v30 =	vld [tilespmem:s7+$0xFFFFFEF0];
	v20 =	vadd.f32 v20, v26;
	v26 =	vsel vm0, v22, v25;
	v22 =	vsel vm0, v25, v22  }
0x23b: {  	v25 =	vld [tilespmem:s17+$0xFFFFFEE0];
	v28 =	vadd.f32 v31, v28;
	v29 =	vmul.f32 v29, v29;
	v22 =	vperm.xlane v22, v0  }
0x23c: {  	v31 =	vld [tilespmem:s17+$0xFFFFFED0];
	v19 =	vsub.f32 v20, v19  }
0x23d: {  	v20 =	vld [tilespmem:s7+$0xFFFFFEE0];
	v18 =	vsub.f32 v28, v18  }
0x23e: {  	v23 =	vmul.f32 v23, v23;
	v28 =	vld [tilespmem:s7+$0xFFFFFED0];
	v27 =	vadd.f32 v32, v27;
	v19 =	vmul.f32 v19, v19  }
0x23f: {  	v32 =	vld [tilespmem:s17+$0xFFFFFEC0];
	v24 =	vadd.f32 v24, v30;
	v18 =	vmul.f32 v18, v18  }
0x240: {  	v23 =	vadd.f32 v23, v29;
	v30 =	vld [tilespmem:s17+$0xFFFFFEB0];
	v17 =	vsub.f32 v27, v17  }
0x241: {  	v27 =	vld [tilespmem:s7+$0xFFFFFEC0];
	v16 =	vsub.f32 v24, v16;
	v18 =	vadd.f32 v19, v18  }
0x242: {  	v19 =	vld [tilespmem:s7+$0xFFFFFEB0];
	v20 =	vadd.f32 v25, v20;
	v17 =	vmul.f32 v17, v17  }
0x243: {  	v24 =	vld [tilespmem:s17+$0xFFFFFEA0];
	v25 =	vadd.f32 v31, v28;
	v16 =	vmul.f32 v16, v16;
	v28 =	vsel vm0, v18, v23  }
0x244: {  	v18 =	vsel vm0, v23, v18;
	v29 =	vld [tilespmem:s17+$0xFFFFFE90];
	v15 =	vsub.f32 v20, v15  }
0x245: {  	v20 =	vld [tilespmem:s7+$0xFFFFFEA0];
	v14 =	vsub.f32 v25, v14;
	v16 =	vadd.f32 v17, v16;
	v17 =	vperm.xlane v18, v0  }
0x246: {  	v22 =	vadd.f32 v22, v26;
	v18 =	vld [tilespmem:s7+$0xFFFFFE90];
	v23 =	vadd.f32 v32, v27  }
0x247: {  	v15 =	vmul.f32 v15, v15;
	v25 =	vld [tilespmem:s17+$0xFFFFFE80];
	v19 =	vadd.f32 v30, v19;
	v14 =	vmul.f32 v14, v14  }
0x248: {  	v17 =	vadd.f32 v17, v28;
	v26 =	vld [tilespmem:s17+$0xFFFFFE70];
	v13 =	vsub.f32 v23, v13  }
0x249: {  	v23 =	vld [tilespmem:s7+$0xFFFFFE80];
	v12 =	vsub.f32 v19, v12;
	v14 =	vadd.f32 v15, v14  }
0x24a: {  	v15 =	vld [tilespmem:s7+$0xFFFFFE70];
	v19 =	vadd.f32 v24, v20;
	v20 =	vsel vm1, v17, v22;
	v17 =	vsel vm1, v22, v17  }
0x24b: {  	v13 =	vmul.f32 v13, v13;
	v22 =	vld [tilespmem:s17+$0xFFFFFE60];
	v18 =	vadd.f32 v29, v18;
	v24 =	vsel vm0, v16, v14  }
0x24c: {  	v12 =	vmul.f32 v12, v12;
	v27 =	vld [tilespmem:s17+$0xFFFFFE50];
	v19 =	vsub.f32 v19, v35;
	v24 =	vperm.xlane v24, v0  }
0x24d: {  	v17 =	vperm.xlane v17, v1;
	v28 =	vld [tilespmem:s7+$0xFFFFFE60];
	v11 =	vsub.f32 v18, v11;
	v18 =	vadd.f32 v21, v33  }
0x24e: {  	v12 =	vadd.f32 v13, v12;
	v21 =	vld [tilespmem:s7+$0xFFFFFE50];
	v23 =	vadd.f32 v25, v23;
	v19 =	vmul.f32 v19, v19  }
0x24f: {  	v17 =	vadd.f32 v17, v20;
	v13 =	vld [tilespmem:s17+$0xFFFFFE40];
	v15 =	vadd.f32 v26, v15;
	v11 =	vmul.f32 v11, v11  }
0x250: {  	v20 =	vld [tilespmem:s7+$0xFFFFFE20]  }
0x251: {  	v10 =	vsub.f32 v23, v10;
	v25 =	vld [tilespmem:s17+$0xFFFFFE20];
	v11 =	vadd.f32 v19, v11;
	v19 =	vsel vm2, v18, v17  }
0x252: {  	v9 =	vsub.f32 v15, v9;
	v23 =	vld [tilespmem:s30+$0xFFFFFE40];
	v22 =	vadd.f32 v22, v28;
	v15 =	vperm.xlane v19, v2  }
0x253: {  	v10 =	vmul.f32 v10, v10;
	v19 =	vld [tilespmem:s30+$0xFFFFFE20];
	v21 =	vadd.f32 v27, v21;
	v26 =	vsel vm0, v12, v11  }
0x254: {  	v9 =	vmul.f32 v9, v9;
	v8 =	vsub.f32 v22, v8;
	v22 =	vperm.xlane v26, v0  }
0x255: {  	v7 =	vadd.f32 v13, v7;
	v13 =	vsel vm0, v14, v16;
	v6 =	vsub.f32 v21, v6  }
0x256: {  	v13 =	vadd.f32 v24, v13;
	v14 =	vadd.f32 v25, v20;
	v8 =	vmul.f32 v8, v8  }
0x257: {  	v11 =	vsel vm0, v11, v12;
	v7 =	vsub.f32 v7, v23;
	v6 =	vmul.f32 v6, v6  }
0x258: {  	v4 =	vmul.f32 v4, v4;
	v9 =	vadd.f32 v10, v9;
	v12 =	vsub.f32 v14, v19  }
0x259: {  	v7 =	vmul.f32 v7, v7;
	v6 =	vadd.f32 v8, v6;
	v8 =	vadd.f32 v22, v11  }
0x25a: {  	v5 =	vmul.f32 v5, v5;
	v10 =	vmul.f32 v12, v12  }
0x25b: {  	v4 =	vadd.f32 v7, v4;
	v7 =	vsel vm0, v6, v9;
	v6 =	vsel vm0, v9, v6  }
0x25c: {  	v9 =	vsel vm1, v13, v8;
	v5 =	vadd.f32 v10, v5;
	v6 =	vperm.xlane v6, v0  }
0x25d: {  	v8 =	vsel vm1, v8, v13;
	v9 =	vperm.xlane v9, v1  }
0x25e: {  	v10 =	vsel vm0, v5, v4;
	v4 =	vsel vm0, v4, v5  }
0x25f: {  	v4 =	vperm.xlane v4, v0  }
0x260: {  	v5 =	vadd.f32 v6, v7  }
0x261: {  	v4 =	vadd.f32 v4, v10;
	_ =	sdelay $0x1  }
0x262: {  	v6 =	vsel vm1, v4, v5;
	v4 =	vsel vm1, v5, v4  }
0x263: {  	v4 =	vperm.xlane v4, v1  }
0x264: {  	v5 =	vadd.f32 v9, v8  }
0x265: {  	v4 =	vadd.f32 v4, v6;
	_ =	sdelay $0x1  }
0x266: {  	v6 =	vsel vm2, v4, v5;
	v4 =	vsel vm2, v5, v4  }
0x267: {  	v4 =	vperm.xlane v4, v2  }
0x268: {  	s20 =	sshra.s32 s19, $0x2;
	v5 =	vsel vm2, v17, v18  }
0x269: {  	v5 =	vadd.f32 v15, v5;
	v4 =	vadd.f32 v4, v6;
	v6 =	vld [tilespmem:s20+$0xC680]  }
0x26a: {  	v7 =	vld [tilespmem:s20+$0xC880]  }
.Ltmp1:
0x26b: {  	v8 =	vsel vm3, v4, v5;
	v4 =	vsel vm3, v5, v4;
	(pc) =	sbr.rel @p0 .LBB2_4-.Ltmp1, $3  }
0x26c: {  	v4 =	vperm.xlane v4, v3;
	_ =	sdelay $0x1  }
0x26d: {  	v4 =	vadd.f32 v8, v4  }
0x26e: {  	v5 =	vadd.f32 v7, v6  }
0x26f: {  	_ = 	snop  }
0x270: {  	v4 =	vsub.f32 v5, v4;
	_ =	sdelay $0x1  }
0x271: {  	s7 =	simm.s32 $0x0;
	s17 =	rddreg [dreg:$0x11];
	s18 =	simm.s32 $0x1600;
	[tilespmem:s20+$0xCA80] =	vst v4  }
0x272: {  	[hbm4b:s17+s7] =	stream.linear.scatter [tilespmem:s18], [sflag:$0x5], $0x1000, $0x38;
	[tilespmem:$0xCC00] =	vst v63  }
0x273: {  	s19 =	rddreg [dreg:$0x12];
	s20 =	simm.s32 $0x5600  }
0x274: {  	[hbm4b:s19+s7] =	stream.linear.scatter [tilespmem:s20], [sflag:$0x5], $0x1000, $0x38;
	[tilespmem:$0xCC00] =	vst v63  }
0x275: {  	s19 =	rddreg [dreg:$0x13];
	s20 =	simm.s32 $0x9600  }
0x276: {  	[hbm4b:s19+s7] =	stream.linear.scatter [tilespmem:s20], [sflag:$0x5], $0x1000, $0x38;
	[tilespmem:$0xCC00] =	vst v63  }
0x277: {  	_ =	swait.ge [sflag:s14], $0x1000  }
0x278: {  	[sflag:s14] =	ssyncset.done $0x0  }
0x279: {  	[sflag:s14] =	ssyncadd.s32 $0xFFFFF000  }
0x27a: {  	_ =	swait.ge [sflag:s14], $0x1000  }
0x27b: {  	[sflag:s14] =	ssyncset.done $0x0  }
0x27c: {  	[sflag:s14] =	ssyncadd.s32 $0xFFFFF000  }
0x27d: {  	_ =	swait.ge [sflag:s14], $0x1000  }
0x27e: {  	[sflag:s14] =	ssyncset.done $0x0  }
0x27f: {  	[sflag:s14] =	ssyncadd.s32 $0xFFFFF000  }
0x280: {  	_ =	swait.ge [sflag:s14], $0x80  }
0x281: {  	[sflag:s14] =	ssyncset.done $0x0  }
0x282: {  	[sflag:s14] =	ssyncadd.s32 $0xFFFFFF80  }
0x283: {  	_ =	swait.ge [sflag:s14], $0x80  }
0x284: {  	[sflag:s14] =	ssyncset.done $0x0  }
0x285: {  	s17 =	simm.s32 $0x67F0;
	[sflag:s14] =	ssyncadd.s32 $0xFFFFFF80  }
0x286: {  	s7 =	simm.s32 $0x27F0;
	v12 =	vld [tilespmem:s17+$0xFFFFFE30]  }
0x287: {  	v13 =	vld [tilespmem:s7+$0xFFFFFE30]  }
0x288: {  	v17 =	vld [tilespmem:s17+$0xFFFFFFE0]  }
0x289: {  	s30 =	simm.s32 $0xA7F0;
	v18 =	vld [tilespmem:s7+$0xFFFFFFE0]  }
0x28a: {  	v19 =	vld [tilespmem:s30+$0xFFFFFE30]  }
0x28b: {  	v20 =	vld [tilespmem:s30+$0xFFFFFFE0]  }
0x28c: {  	v21 =	vld [tilespmem:s17+$0xFFFFFE10]  }
0x28d: {  	v22 =	vld [tilespmem:s30+$0xFFFFFE10]  }
0x28e: {  	v23 =	vld [tilespmem:s7+$0xFFFFFE10]  }
0x28f: {  	v24 =	vld [tilespmem:s30+$0xFFFFFFF0]  }
0x290: {  	v25 =	vld [tilespmem:s7+$0x0]  }
0x291: {  	v26 =	vld [tilespmem:s30+$0x0]  }
0x292: {  	v27 =	vld [tilespmem:s17+$0x0]  }
0x293: {  	v28 =	vld [tilespmem:s17+$0xFFFFFFF0]  }
0x294: {  	v4 =	vld [tilespmem:s30+$0xFFFFFE50]  }
0x295: {  	v5 =	vld [tilespmem:s7+$0xFFFFFE40]  }
0x296: {  	v6 =	vld [tilespmem:s30+$0xFFFFFE60]  }
0x297: {  	v29 =	vld [tilespmem:s7+$0xFFFFFFF0]  }
0x298: {  	v8 =	vld [tilespmem:s30+$0xFFFFFE80]  }
0x299: {  	v9 =	vld [tilespmem:s30+$0xFFFFFE90]  }
0x29a: {  	v10 =	vld [tilespmem:s30+$0xFFFFFEB0]  }
0x29b: {  	v11 =	vld [tilespmem:s30+$0xFFFFFEC0]  }
0x29c: {  	v14 =	vld [tilespmem:s30+$0xFFFFFED0]  }
0x29d: {  	v15 =	vld [tilespmem:s30+$0xFFFFFEE0]  }
0x29e: {  	v16 =	vld [tilespmem:s30+$0xFFFFFEF0]  }
0x29f: {  	v30 =	vld [tilespmem:s30+$0xFFFFFF00]  }
0x2a0: {  	v31 =	vld [tilespmem:s30+$0xFFFFFF10]  }
0x2a1: {  	v32 =	vld [tilespmem:s30+$0xFFFFFF20]  }
0x2a2: {  	v33 =	vld [tilespmem:s17+$0xFFFFFF20]  }
0x2a3: {  	v34 =	vld [tilespmem:s30+$0xFFFFFF50]  }
0x2a4: {  	v35 =	vld [tilespmem:s30+$0xFFFFFF60]  }
0x2a5: {  	v36 =	vld [tilespmem:s30+$0xFFFFFF80]  }
0x2a6: {  	v37 =	vld [tilespmem:s30+$0xFFFFFF90]  }
0x2a7: {  	v38 =	vld [tilespmem:s30+$0xFFFFFFD0]  }
0x2a8: {  	v39 =	vld [tilespmem:s7+$0xFFFFFFD0]  }
0x2a9: {  	v40 =	vld [tilespmem:s17+$0xFFFFFFC0]  }
0x2aa: {  	v41 =	vld [tilespmem:s30+$0xFFFFFFC0]  }
0x2ab: {  	v42 =	vld [tilespmem:s17+$0xFFFFFFB0]  }
0x2ac: {  	v43 =	vld [tilespmem:s30+$0xFFFFFFB0]  }
0x2ad: {  	v44 =	vld [tilespmem:s7+$0xFFFFFFC0]  }
0x2ae: {  	v45 =	vld [tilespmem:s7+$0xFFFFFFB0]  }
0x2af: {  	v46 =	vld [tilespmem:s30+$0xFFFFFFA0]  }
0x2b0: {  	v47 =	vld [tilespmem:s17+$0xFFFFFFD0]  }
0x2b1: {  	v48 =	vld [tilespmem:s17+$0xFFFFFFA0]  }
0x2b2: {  	v49 =	vld [tilespmem:s17+$0xFFFFFF90]  }
0x2b3: {  	v50 =	vld [tilespmem:s7+$0xFFFFFFA0]  }
0x2b4: {  	v51 =	vld [tilespmem:s30+$0xFFFFFF70]  }
0x2b5: {  	v52 =	vld [tilespmem:s7+$0xFFFFFF90]  }
0x2b6: {  	v53 =	vld [tilespmem:s17+$0xFFFFFF80]  }
0x2b7: {  	v54 =	vld [tilespmem:s30+$0xFFFFFF40]  }
0x2b8: {  	v55 =	vld [tilespmem:s17+$0xFFFFFF70]  }
0x2b9: {  	v56 =	vld [tilespmem:s7+$0xFFFFFF80]  }
0x2ba: {  	v57 =	vld [tilespmem:s7+$0xFFFFFF70]  }
0x2bb: {  	v58 =	vld [tilespmem:s17+$0xFFFFFF60]  }
0x2bc: {  	v59 =	vld [tilespmem:s17+$0xFFFFFF50]  }
0x2bd: {  	v60 =	vld [tilespmem:s7+$0xFFFFFF60]  }
0x2be: {  	v62 =	vadd.f32 v17, v18;
	v18 =	vld [tilespmem:s7+$0xFFFFFF50]  }
0x2bf: {  	v63 =	vadd.f32 v21, v23;
	v21 =	vld [tilespmem:s30+$0xFFFFFF30]  }
0x2c0: {  	v12 =	vadd.f32 v12, v13;
	v27 =	vadd.f32 v27, v25;
	v17 =	vld [tilespmem:s17+$0xFFFFFF40]  }
0x2c1: {  	v44 =	vadd.f32 v40, v44;
	v23 =	vld [tilespmem:s17+$0xFFFFFF30];
	v45 =	vadd.f32 v42, v45  }
0x2c2: {  	v47 =	vadd.f32 v47, v39;
	v28 =	vadd.f32 v28, v29;
	v29 =	vld [tilespmem:s7+$0xFFFFFF30]  }
0x2c3: {  	v48 =	vadd.f32 v48, v50;
	v39 =	vld [tilespmem:s17+$0xFFFFFF10];
	v50 =	vadd.f32 v49, v52  }
0x2c4: {  	v49 =	vld [tilespmem:s7+$0xFFFFFEF0];
	v12 =	vsub.f32 v12, v19;
	v20 =	vsub.f32 v62, v20  }
0x2c5: {  	v42 =	vld [tilespmem:s17+$0xFFFFFE90];
	v13 =	vsub.f32 v63, v22;
	v19 =	vsub.f32 v27, v26  }
0x2c6: {  	v27 =	vld [tilespmem:s7+$0xFFFFFF40];
	v22 =	vsub.f32 v44, v41;
	v26 =	vsub.f32 v47, v38  }
0x2c7: {  	v24 =	vsub.f32 v28, v24;
	v38 =	vsub.f32 v48, v46;
	v41 =	vld [tilespmem:s7+$0xFFFFFF20]  }
0x2c8: {  	v28 =	vsub.f32 v50, v37;
	v37 =	vld [tilespmem:s7+$0xFFFFFF10];
	v25 =	vsub.f32 v45, v43  }
0x2c9: {  	v62 =	vadd.f32 v55, v57;
	v43 =	vld [tilespmem:s7+$0xFFFFFF00];
	v26 =	vmul.f32 v26, v26;
	v20 =	vmul.f32 v20, v20  }
0x2ca: {  	v63 =	vadd.f32 v53, v56;
	v44 =	vld [tilespmem:s17+$0xFFFFFED0];
	v24 =	vmul.f32 v24, v24;
	v19 =	vmul.f32 v19, v19  }
0x2cb: {  	v55 =	vld [tilespmem:s7+$0xFFFFFEE0];
	v52 =	vmul.f32 v28, v28;
	v61 =	vmul.f32 v38, v38;
	v51 =	vsub.f32 v62, v51  }
0x2cc: {  	v57 =	vld [tilespmem:s7+$0xFFFFFED0];
	v22 =	vmul.f32 v22, v22;
	v36 =	vsub.f32 v63, v36;
	v18 =	vadd.f32 v59, v18  }
0x2cd: {  	v38 =	vld [tilespmem:s17+$0xFFFFFEF0];
	v25 =	vmul.f32 v25, v25;
	v23 =	vadd.f32 v23, v29;
	v20 =	vadd.f32 v20, v26  }
0x2ce: {  	v63 =	vld [tilespmem:s7+$0xFFFFFEB0];
	v19 =	vadd.f32 v19, v24;
	v24 =	vadd.f32 v61, v52  }
0x2cf: {  	v59 =	vld [tilespmem:s17+$0xFFFFFEB0];
	v50 =	vadd.f32 v22, v25;
	v52 =	vadd.f32 v58, v60  }
0x2d0: {  	v26 =	vld [tilespmem:s17+$0xFFFFFF00];
	v22 =	vmul.f32 v51, v51;
	v18 =	vsub.f32 v18, v34;
	v17 =	vadd.f32 v17, v27  }
0x2d1: {  	v25 =	vld [tilespmem:s17+$0xFFFFFEE0];
	v36 =	vmul.f32 v36, v36;
	v61 =	vadd.f32 v33, v41;
	v62 =	vadd.f32 v39, v37  }
0x2d2: {  	v58 =	vld [tilespmem:s17+$0xFFFFFEC0];
	v21 =	vsub.f32 v23, v21;
	v48 =	vsel vm0, v20, v19;
	v19 =	vsel vm0, v19, v20  }
0x2d3: {  	v60 =	vld [tilespmem:s7+$0xFFFFFEC0];
	v53 =	vsel vm0, v50, v24;
	v35 =	vsub.f32 v52, v35;
	v20 =	vsel vm0, v24, v50  }
0x2d4: {  	v41 =	vld [tilespmem:s17+$0xFFFFFEA0];
	v22 =	vadd.f32 v36, v22;
	v19 =	vperm.xlane v19, v0;
	v17 =	vsub.f32 v17, v54  }
0x2d5: {  	v37 =	vld [tilespmem:s7+$0xFFFFFE20];
	v56 =	vperm.xlane v53, v0;
	v29 =	vsub.f32 v61, v32;
	v31 =	vsub.f32 v62, v31  }
0x2d6: {  	v39 =	vld [tilespmem:s17+$0xFFFFFE20];
	v18 =	vmul.f32 v18, v18;
	v28 =	vadd.f32 v38, v49;
	v53 =	vadd.f32 v44, v57  }
0x2d7: {  	v50 =	vld [tilespmem:s17+$0xFFFFFE80];
	v21 =	vmul.f32 v21, v21;
	v59 =	vadd.f32 v59, v63;
	v19 =	vadd.f32 v19, v48  }
0x2d8: {  	v49 =	vld [tilespmem:s7+$0xFFFFFE90];
	v45 =	vmul.f32 v35, v35;
	v20 =	vadd.f32 v56, v20;
	v26 =	vadd.f32 v26, v43  }
0x2d9: {  	v54 =	vld [tilespmem:s7+$0xFFFFFE80];
	v17 =	vmul.f32 v17, v17;
	v16 =	vsub.f32 v28, v16;
	v25 =	vadd.f32 v25, v55  }
0x2da: {  	v61 =	vld [tilespmem:s7+$0xFFFFFE50];
	v29 =	vmul.f32 v29, v29;
	v14 =	vsub.f32 v53, v14;
	v57 =	vadd.f32 v58, v60  }
0x2db: {  	v63 =	vld [tilespmem:s17+$0xFFFFFE40];
	v31 =	vmul.f32 v31, v31;
	v18 =	vadd.f32 v45, v18;
	v10 =	vsub.f32 v59, v10  }
0x2dc: {  	v48 =	vld [tilespmem:s7+$0xFFFFFEA0];
	v46 =	vadd.f32 v39, v37;
	v26 =	vsub.f32 v26, v30  }
0x2dd: {  	v47 =	vmul.f32 v12, v12;
	v56 =	vld [tilespmem:s17+$0xFFFFFE60];
	v17 =	vadd.f32 v17, v21;
	v29 =	vadd.f32 v29, v31  }
0x2de: {  	v58 =	vld [tilespmem:s17+$0xFFFFFE50];
	v16 =	vmul.f32 v16, v16;
	v15 =	vsub.f32 v25, v15;
	v14 =	vmul.f32 v14, v14  }
0x2df: {  	v60 =	vld [tilespmem:s7+$0xFFFFFE60];
	v11 =	vsub.f32 v57, v11;
	v52 =	vsel vm0, v22, v18;
	v18 =	vsel vm0, v18, v22  }
0x2e0: {  	v40 =	vld [tilespmem:s30+$0xFFFFFEA0];
	v36 =	vadd.f32 v42, v49;
	v10 =	vmul.f32 v10, v10;
	v26 =	vmul.f32 v26, v26  }
0x2e1: {  	v43 =	vld [tilespmem:s30+$0xFFFFFE20];
	v30 =	vadd.f32 v50, v54;
	v28 =	vperm.xlane v52, v0;
	v15 =	vmul.f32 v15, v15  }
0x2e2: {  	v51 =	vld [tilespmem:s17+$0xFFFFFE70];
	v62 =	vsel vm0, v29, v17;
	v5 =	vadd.f32 v63, v5;
	v23 =	vadd.f32 v41, v48  }
0x2e3: {  	v55 =	vld [tilespmem:s7+$0xFFFFFE70];
	v17 =	vsel vm0, v17, v29;
	v9 =	vsub.f32 v36, v9;
	v8 =	vsub.f32 v30, v8  }
0x2e4: {  	v7 =	vld [tilespmem:s30+$0xFFFFFE70];
	v11 =	vmul.f32 v11, v11;
	v25 =	vadd.f32 v56, v60;
	v44 =	vadd.f32 v58, v61  }
0x2e5: {  	v17 =	vperm.xlane v17, v0;
	v41 =	vld [tilespmem:s30+$0xFFFFFE40];
	v16 =	vadd.f32 v26, v16;
	v18 =	vadd.f32 v28, v18  }
0x2e6: {  	v48 =	vmul.f32 v13, v13;
	v14 =	vadd.f32 v15, v14;
	v15 =	vsub.f32 v46, v43  }
0x2e7: {  	v26 =	vsel vm1, v20, v19;
	v10 =	vadd.f32 v11, v10;
	v23 =	vsub.f32 v23, v40  }
0x2e8: {  	v40 =	vadd.f32 v51, v55;
	v6 =	vsub.f32 v25, v6;
	v9 =	vmul.f32 v9, v9  }
0x2e9: {  	v4 =	vsub.f32 v44, v4;
	v8 =	vmul.f32 v8, v8;
	v49 =	vmul.f32 v15, v15  }
0x2ea: {  	v7 =	vsub.f32 v40, v7;
	v45 =	vmul.f32 v23, v23;
	v5 =	vsub.f32 v5, v41  }
0x2eb: {  	v42 =	vsel vm0, v16, v14;
	v6 =	vmul.f32 v6, v6;
	v4 =	vmul.f32 v4, v4  }
0x2ec: {  	v51 =	vadd.f32 v49, v48;
	v7 =	vmul.f32 v7, v7;
	v5 =	vmul.f32 v5, v5  }
0x2ed: {  	v50 =	vperm.xlane v42, v0;
	v9 =	vadd.f32 v45, v9;
	v4 =	vadd.f32 v6, v4  }
0x2ee: {  	v53 =	vsel vm0, v14, v16;
	v7 =	vadd.f32 v8, v7;
	v5 =	vadd.f32 v5, v47  }
0x2ef: {  	v52 =	vadd.f32 v17, v62;
	v12 =	vadd.f32 v50, v53;
	v6 =	vsel vm0, v10, v9  }
0x2f0: {  	v6 =	vperm.xlane v6, v0;
	v54 =	vsel vm0, v7, v4;
	v55 =	vsel vm0, v5, v51  }
0x2f1: {  	v9 =	vsel vm0, v9, v10;
	v56 =	vperm.xlane v54, v0;
	v57 =	vperm.xlane v55, v0  }
0x2f2: {  	v4 =	vsel vm0, v4, v7;
	v6 =	vadd.f32 v6, v9;
	v5 =	vsel vm0, v51, v5  }
0x2f3: {  	v7 =	vsel vm1, v19, v20;
	v4 =	vadd.f32 v56, v4;
	v5 =	vadd.f32 v57, v5  }
0x2f4: {  	v58 =	vsel vm1, v52, v18;
	v59 =	vsel vm1, v18, v52;
	v7 =	vperm.xlane v7, v1  }
0x2f5: {  	v9 =	vperm.xlane v59, v1;
	v60 =	vsel vm1, v12, v6;
	v61 =	vsel vm1, v4, v5  }
0x2f6: {  	v7 =	vadd.f32 v7, v26;
	v10 =	vperm.xlane v60, v1;
	v11 =	vperm.xlane v61, v1  }
0x2f7: {  	v8 =	vadd.f32 v9, v58;
	v6 =	vsel vm1, v6, v12;
	v4 =	vsel vm1, v5, v4  }
0x2f8: {  	v5 =	vadd.f32 v10, v6;
	v4 =	vadd.f32 v11, v4;
	_ =	sdelay $0x1  }
0x2f9: {  	v6 =	vsel vm2, v7, v8;
	v62 =	vsel vm2, v5, v4  }
0x2fa: {  	s20 =	simm.s32 $0x0;
	v6 =	vperm.xlane v6, v2;
	v9 =	vperm.xlane v62, v2  }
0x2fb: {  	v4 =	vsel vm2, v4, v5;
	v5 =	vsel vm2, v8, v7;
	v7 =	vld [tilespmem:s20+$0xC700]  }
0x2fc: {  	v5 =	vadd.f32 v6, v5;
	v6 =	vld [tilespmem:s20+$0xC900];
	v4 =	vadd.f32 v9, v4;
	_ =	sdelay $0x1  }
0x2fd: {  	v63 =	vsel vm3, v5, v4  }
0x2fe: {  	v8 =	vperm.xlane v63, v3  }
0x2ff: {  	v4 =	vsel vm3, v4, v5  }
0x300: {  	s18 =	simm.s32 $0x40;
	v5 =	vadd.f32 v6, v7;
	v4 =	vadd.f32 v4, v8  }
.LBB2_6:
0x301: {  	_ = 	snop  }
0x302: {  	s7 =	sadd.s32 $0x200, s7;
	s17 =	sadd.s32 $0x200, s17;
	s30 =	sadd.s32 $0x200, s30;
	v4 =	vsub.f32 v5, v4  }
0x303: {  	p0 =	sne.s32 s18, $0x1C0;
	s19 =	smov.u32 s18;
	s18 =	sadd.s32 $0x40, s18  }
0x304: {  	[tilespmem:s20+$0xCB00] =	vst v4  }
0x305: {  	v4 =	vld [tilespmem:s17+$0xFFFFFE30]  }
0x306: {  	v5 =	vld [tilespmem:s7+$0xFFFFFE30]  }
0x307: {  	v6 =	vld [tilespmem:s17+$0xFFFFFFE0]  }
0x308: {  	v7 =	vld [tilespmem:s7+$0xFFFFFFE0]  }
0x309: {  	v8 =	vld [tilespmem:s30+$0xFFFFFE30]  }
0x30a: {  	v9 =	vld [tilespmem:s30+$0xFFFFFFE0]  }
0x30b: {  	v10 =	vld [tilespmem:s17+$0xFFFFFE10]  }
0x30c: {  	v4 =	vadd.f32 v4, v5;
	v11 =	vld [tilespmem:s30+$0xFFFFFE10]  }
0x30d: {  	v5 =	vld [tilespmem:s7+$0xFFFFFE10];
	v6 =	vadd.f32 v6, v7  }
0x30e: {  	v4 =	vsub.f32 v4, v8;
	v21 =	vld [tilespmem:s30+$0xFFFFFFF0]  }
0x30f: {  	v22 =	vsub.f32 v6, v9;
	v9 =	vld [tilespmem:s7+$0x0]  }
0x310: {  	v12 =	vld [tilespmem:s30+$0x0]  }
0x311: {  	v13 =	vld [tilespmem:s17+$0x0]  }
0x312: {  	v5 =	vadd.f32 v10, v5;
	v23 =	vld [tilespmem:s17+$0xFFFFFFF0]  }
0x313: {  	v6 =	vld [tilespmem:s30+$0xFFFFFE50]  }
0x314: {  	v5 =	vsub.f32 v5, v11;
	v7 =	vld [tilespmem:s7+$0xFFFFFE40]  }
0x315: {  	v8 =	vld [tilespmem:s30+$0xFFFFFE60]  }
0x316: {  	v24 =	vld [tilespmem:s7+$0xFFFFFFF0];
	v11 =	vadd.f32 v13, v9  }
0x317: {  	v9 =	vld [tilespmem:s30+$0xFFFFFE70]  }
0x318: {  	v10 =	vld [tilespmem:s30+$0xFFFFFE80];
	v25 =	vsub.f32 v11, v12  }
0x319: {  	v11 =	vld [tilespmem:s30+$0xFFFFFE90]  }
0x31a: {  	v12 =	vld [tilespmem:s30+$0xFFFFFEB0]  }
0x31b: {  	v13 =	vld [tilespmem:s30+$0xFFFFFEC0]  }
0x31c: {  	v14 =	vld [tilespmem:s30+$0xFFFFFED0]  }
0x31d: {  	v15 =	vld [tilespmem:s30+$0xFFFFFEE0]  }
0x31e: {  	v16 =	vld [tilespmem:s30+$0xFFFFFEF0]  }
0x31f: {  	v17 =	vld [tilespmem:s30+$0xFFFFFF00]  }
0x320: {  	v18 =	vld [tilespmem:s30+$0xFFFFFF10]  }
0x321: {  	v19 =	vld [tilespmem:s30+$0xFFFFFF20]  }
0x322: {  	v20 =	vld [tilespmem:s17+$0xFFFFFF20]  }
0x323: {  	v26 =	vld [tilespmem:s30+$0xFFFFFF50]  }
0x324: {  	v27 =	vld [tilespmem:s30+$0xFFFFFF60]  }
0x325: {  	v28 =	vld [tilespmem:s30+$0xFFFFFF80]  }
0x326: {  	v29 =	vld [tilespmem:s30+$0xFFFFFF90]  }
0x327: {  	v30 =	vld [tilespmem:s30+$0xFFFFFFD0]  }
0x328: {  	v31 =	vld [tilespmem:s7+$0xFFFFFFD0]  }
0x329: {  	v32 =	vld [tilespmem:s17+$0xFFFFFFC0]  }
0x32a: {  	v33 =	vld [tilespmem:s30+$0xFFFFFFC0]  }
0x32b: {  	v34 =	vld [tilespmem:s17+$0xFFFFFFB0]  }
0x32c: {  	v35 =	vld [tilespmem:s30+$0xFFFFFFB0]  }
0x32d: {  	v36 =	vld [tilespmem:s7+$0xFFFFFFC0]  }
0x32e: {  	v37 =	vld [tilespmem:s7+$0xFFFFFFB0]  }
0x32f: {  	v38 =	vld [tilespmem:s30+$0xFFFFFFA0]  }
0x330: {  	v39 =	vld [tilespmem:s17+$0xFFFFFFD0]  }
0x331: {  	v40 =	vld [tilespmem:s17+$0xFFFFFFA0]  }
0x332: {  	v41 =	vld [tilespmem:s17+$0xFFFFFF90];
	v32 =	vadd.f32 v32, v36  }
0x333: {  	v36 =	vld [tilespmem:s7+$0xFFFFFFA0];
	v34 =	vadd.f32 v34, v37  }
0x334: {  	v23 =	vadd.f32 v23, v24;
	v37 =	vld [tilespmem:s30+$0xFFFFFF70];
	v32 =	vsub.f32 v32, v33  }
0x335: {  	v24 =	vld [tilespmem:s7+$0xFFFFFF90];
	v33 =	vsub.f32 v34, v35;
	v31 =	vadd.f32 v39, v31  }
0x336: {  	v21 =	vsub.f32 v23, v21;
	v34 =	vld [tilespmem:s17+$0xFFFFFF80];
	v32 =	vmul.f32 v32, v32  }
0x337: {  	v23 =	vld [tilespmem:s30+$0xFFFFFF40];
	v33 =	vmul.f32 v33, v33;
	v30 =	vsub.f32 v31, v30  }
0x338: {  	v25 =	vmul.f32 v25, v25;
	v21 =	vmul.f32 v21, v21;
	v31 =	vld [tilespmem:s17+$0xFFFFFF70];
	v35 =	vadd.f32 v40, v36  }
0x339: {  	v22 =	vmul.f32 v22, v22;
	v36 =	vld [tilespmem:s7+$0xFFFFFF80];
	v30 =	vmul.f32 v30, v30  }
0x33a: {  	v39 =	vld [tilespmem:s7+$0xFFFFFF70];
	v24 =	vadd.f32 v41, v24;
	v35 =	vsub.f32 v35, v38  }
0x33b: {  	v21 =	vadd.f32 v25, v21;
	v38 =	vld [tilespmem:s17+$0xFFFFFF60];
	v22 =	vadd.f32 v22, v30  }
0x33c: {  	v25 =	vld [tilespmem:s17+$0xFFFFFF50];
	v24 =	vsub.f32 v24, v29  }
0x33d: {  	v29 =	vld [tilespmem:s7+$0xFFFFFF60];
	v30 =	vsel vm0, v22, v21;
	v21 =	vsel vm0, v21, v22  }
0x33e: {  	v35 =	vmul.f32 v35, v35;
	v22 =	vld [tilespmem:s7+$0xFFFFFF50];
	v34 =	vadd.f32 v34, v36;
	v24 =	vmul.f32 v24, v24  }
0x33f: {  	v21 =	vperm.xlane v21, v0;
	v36 =	vld [tilespmem:s30+$0xFFFFFF30];
	v31 =	vadd.f32 v31, v39  }
0x340: {  	v32 =	vadd.f32 v32, v33;
	v39 =	vld [tilespmem:s17+$0xFFFFFF40];
	v24 =	vadd.f32 v35, v24  }
0x341: {  	v28 =	vsub.f32 v34, v28;
	v33 =	vld [tilespmem:s17+$0xFFFFFF30];
	v31 =	vsub.f32 v31, v37  }
0x342: {  	v21 =	vadd.f32 v21, v30;
	v34 =	vld [tilespmem:s7+$0xFFFFFF40];
	v29 =	vadd.f32 v38, v29;
	v35 =	vsel vm0, v32, v24  }
0x343: {  	v28 =	vmul.f32 v28, v28;
	v30 =	vld [tilespmem:s7+$0xFFFFFF30];
	v22 =	vadd.f32 v25, v22;
	v25 =	vmul.f32 v31, v31  }
0x344: {  	v31 =	vld [tilespmem:s17+$0xFFFFFF10];
	v27 =	vsub.f32 v29, v27;
	v29 =	vperm.xlane v35, v0  }
0x345: {  	v24 =	vsel vm0, v24, v32;
	v35 =	vld [tilespmem:s30+$0xFFFFFEA0];
	v22 =	vsub.f32 v22, v26;
	v25 =	vadd.f32 v28, v25  }
0x346: {  	v26 =	vld [tilespmem:s7+$0xFFFFFF20];
	v24 =	vadd.f32 v29, v24  }
0x347: {  	v27 =	vmul.f32 v27, v27;
	v28 =	vld [tilespmem:s7+$0xFFFFFF10];
	v29 =	vadd.f32 v39, v34;
	v22 =	vmul.f32 v22, v22  }
0x348: {  	v32 =	vld [tilespmem:s17+$0xFFFFFF00];
	v30 =	vadd.f32 v33, v30;
	v33 =	vsel vm1, v24, v21;
	v21 =	vsel vm1, v21, v24  }
0x349: {  	v24 =	vld [tilespmem:s17+$0xFFFFFEF0];
	v23 =	vsub.f32 v29, v23;
	v22 =	vadd.f32 v27, v22;
	v21 =	vperm.xlane v21, v1  }
0x34a: {  	v27 =	vld [tilespmem:s7+$0xFFFFFF00];
	v29 =	vsub.f32 v30, v36  }
0x34b: {  	v30 =	vld [tilespmem:s7+$0xFFFFFEF0];
	v20 =	vadd.f32 v20, v26;
	v26 =	vsel vm0, v22, v25;
	v22 =	vsel vm0, v25, v22  }
0x34c: {  	v25 =	vld [tilespmem:s17+$0xFFFFFEE0];
	v28 =	vadd.f32 v31, v28;
	v29 =	vmul.f32 v29, v29;
	v22 =	vperm.xlane v22, v0  }
0x34d: {  	v31 =	vld [tilespmem:s17+$0xFFFFFED0];
	v19 =	vsub.f32 v20, v19  }
0x34e: {  	v20 =	vld [tilespmem:s7+$0xFFFFFEE0];
	v18 =	vsub.f32 v28, v18  }
0x34f: {  	v23 =	vmul.f32 v23, v23;
	v28 =	vld [tilespmem:s7+$0xFFFFFED0];
	v27 =	vadd.f32 v32, v27;
	v19 =	vmul.f32 v19, v19  }
0x350: {  	v32 =	vld [tilespmem:s17+$0xFFFFFEC0];
	v24 =	vadd.f32 v24, v30;
	v18 =	vmul.f32 v18, v18  }
0x351: {  	v23 =	vadd.f32 v23, v29;
	v30 =	vld [tilespmem:s17+$0xFFFFFEB0];
	v17 =	vsub.f32 v27, v17  }
0x352: {  	v27 =	vld [tilespmem:s7+$0xFFFFFEC0];
	v16 =	vsub.f32 v24, v16;
	v18 =	vadd.f32 v19, v18  }
0x353: {  	v19 =	vld [tilespmem:s7+$0xFFFFFEB0];
	v20 =	vadd.f32 v25, v20;
	v17 =	vmul.f32 v17, v17  }
0x354: {  	v24 =	vld [tilespmem:s17+$0xFFFFFEA0];
	v25 =	vadd.f32 v31, v28;
	v16 =	vmul.f32 v16, v16;
	v28 =	vsel vm0, v18, v23  }
0x355: {  	v18 =	vsel vm0, v23, v18;
	v29 =	vld [tilespmem:s17+$0xFFFFFE90];
	v15 =	vsub.f32 v20, v15  }
0x356: {  	v20 =	vld [tilespmem:s7+$0xFFFFFEA0];
	v14 =	vsub.f32 v25, v14;
	v16 =	vadd.f32 v17, v16;
	v17 =	vperm.xlane v18, v0  }
0x357: {  	v22 =	vadd.f32 v22, v26;
	v18 =	vld [tilespmem:s7+$0xFFFFFE90];
	v23 =	vadd.f32 v32, v27  }
0x358: {  	v15 =	vmul.f32 v15, v15;
	v25 =	vld [tilespmem:s17+$0xFFFFFE80];
	v19 =	vadd.f32 v30, v19;
	v14 =	vmul.f32 v14, v14  }
0x359: {  	v17 =	vadd.f32 v17, v28;
	v26 =	vld [tilespmem:s17+$0xFFFFFE70];
	v13 =	vsub.f32 v23, v13  }
0x35a: {  	v23 =	vld [tilespmem:s7+$0xFFFFFE80];
	v12 =	vsub.f32 v19, v12;
	v14 =	vadd.f32 v15, v14  }
0x35b: {  	v15 =	vld [tilespmem:s7+$0xFFFFFE70];
	v19 =	vadd.f32 v24, v20;
	v20 =	vsel vm1, v17, v22;
	v17 =	vsel vm1, v22, v17  }
0x35c: {  	v13 =	vmul.f32 v13, v13;
	v22 =	vld [tilespmem:s17+$0xFFFFFE60];
	v18 =	vadd.f32 v29, v18;
	v24 =	vsel vm0, v16, v14  }
0x35d: {  	v12 =	vmul.f32 v12, v12;
	v27 =	vld [tilespmem:s17+$0xFFFFFE50];
	v19 =	vsub.f32 v19, v35;
	v24 =	vperm.xlane v24, v0  }
0x35e: {  	v17 =	vperm.xlane v17, v1;
	v28 =	vld [tilespmem:s7+$0xFFFFFE60];
	v11 =	vsub.f32 v18, v11;
	v18 =	vadd.f32 v21, v33  }
0x35f: {  	v12 =	vadd.f32 v13, v12;
	v21 =	vld [tilespmem:s7+$0xFFFFFE50];
	v23 =	vadd.f32 v25, v23;
	v19 =	vmul.f32 v19, v19  }
0x360: {  	v17 =	vadd.f32 v17, v20;
	v13 =	vld [tilespmem:s17+$0xFFFFFE40];
	v15 =	vadd.f32 v26, v15;
	v11 =	vmul.f32 v11, v11  }
0x361: {  	v20 =	vld [tilespmem:s7+$0xFFFFFE20]  }
0x362: {  	v10 =	vsub.f32 v23, v10;
	v25 =	vld [tilespmem:s17+$0xFFFFFE20];
	v11 =	vadd.f32 v19, v11;
	v19 =	vsel vm2, v18, v17  }
0x363: {  	v9 =	vsub.f32 v15, v9;
	v23 =	vld [tilespmem:s30+$0xFFFFFE40];
	v22 =	vadd.f32 v22, v28;
	v15 =	vperm.xlane v19, v2  }
0x364: {  	v10 =	vmul.f32 v10, v10;
	v19 =	vld [tilespmem:s30+$0xFFFFFE20];
	v21 =	vadd.f32 v27, v21;
	v26 =	vsel vm0, v12, v11  }
0x365: {  	v9 =	vmul.f32 v9, v9;
	v8 =	vsub.f32 v22, v8;
	v22 =	vperm.xlane v26, v0  }
0x366: {  	v7 =	vadd.f32 v13, v7;
	v13 =	vsel vm0, v14, v16;
	v6 =	vsub.f32 v21, v6  }
0x367: {  	v13 =	vadd.f32 v24, v13;
	v14 =	vadd.f32 v25, v20;
	v8 =	vmul.f32 v8, v8  }
0x368: {  	v11 =	vsel vm0, v11, v12;
	v7 =	vsub.f32 v7, v23;
	v6 =	vmul.f32 v6, v6  }
0x369: {  	v4 =	vmul.f32 v4, v4;
	v9 =	vadd.f32 v10, v9;
	v12 =	vsub.f32 v14, v19  }
0x36a: {  	v7 =	vmul.f32 v7, v7;
	v6 =	vadd.f32 v8, v6;
	v8 =	vadd.f32 v22, v11  }
0x36b: {  	v5 =	vmul.f32 v5, v5;
	v10 =	vmul.f32 v12, v12  }
0x36c: {  	v4 =	vadd.f32 v7, v4;
	v7 =	vsel vm0, v6, v9;
	v6 =	vsel vm0, v9, v6  }
0x36d: {  	v9 =	vsel vm1, v13, v8;
	v5 =	vadd.f32 v10, v5;
	v6 =	vperm.xlane v6, v0  }
0x36e: {  	v8 =	vsel vm1, v8, v13;
	v9 =	vperm.xlane v9, v1  }
0x36f: {  	v10 =	vsel vm0, v5, v4;
	v4 =	vsel vm0, v4, v5  }
0x370: {  	v4 =	vperm.xlane v4, v0  }
0x371: {  	v5 =	vadd.f32 v6, v7  }
0x372: {  	v4 =	vadd.f32 v4, v10;
	_ =	sdelay $0x1  }
0x373: {  	v6 =	vsel vm1, v4, v5;
	v4 =	vsel vm1, v5, v4  }
0x374: {  	v4 =	vperm.xlane v4, v1  }
0x375: {  	v5 =	vadd.f32 v9, v8  }
0x376: {  	v4 =	vadd.f32 v4, v6;
	_ =	sdelay $0x1  }
0x377: {  	v6 =	vsel vm2, v4, v5;
	v4 =	vsel vm2, v5, v4  }
0x378: {  	v4 =	vperm.xlane v4, v2  }
0x379: {  	s20 =	sshra.s32 s19, $0x2;
	v5 =	vsel vm2, v17, v18  }
0x37a: {  	v5 =	vadd.f32 v15, v5;
	v4 =	vadd.f32 v4, v6;
	v6 =	vld [tilespmem:s20+$0xC700]  }
0x37b: {  	v7 =	vld [tilespmem:s20+$0xC900]  }
.Ltmp2:
0x37c: {  	v8 =	vsel vm3, v4, v5;
	v4 =	vsel vm3, v5, v4;
	(pc) =	sbr.rel @p0 .LBB2_6-.Ltmp2, $3  }
0x37d: {  	v4 =	vperm.xlane v4, v3;
	_ =	sdelay $0x1  }
0x37e: {  	v4 =	vadd.f32 v8, v4  }
0x37f: {  	v5 =	vadd.f32 v7, v6  }
0x380: {  	_ = 	snop  }
0x381: {  	v4 =	vsub.f32 v5, v4;
	_ =	sdelay $0x1  }
0x382: {  	s7 =	simm.s32 $0x0;
	s17 =	rddreg [dreg:$0x14];
	s18 =	simm.s32 $0x2600;
	[tilespmem:s20+$0xCB00] =	vst v4  }
0x383: {  	[hbm4b:s17+s7] =	stream.linear.scatter [tilespmem:s18], [sflag:$0x5], $0x1000, $0x38;
	[tilespmem:$0xCC00] =	vst v63  }
0x384: {  	s19 =	rddreg [dreg:$0x15]  }
0x385: {  	[hbm4b:s19+s7] =	stream.linear.scatter [tilespmem:s9], [sflag:$0x5], $0x1000, $0x38;
	[tilespmem:$0xCC00] =	vst v63  }
0x386: {  	s20 =	rddreg [dreg:$0x16]  }
0x387: {  	[hbm4b:s20+s7] =	stream.linear.scatter [tilespmem:s31], [sflag:$0x5], $0x1000, $0x38;
	[tilespmem:$0xCC00] =	vst v63  }
0x388: {  	_ =	swait.ge [sflag:s15], $0x1000  }
0x389: {  	[sflag:s15] =	ssyncset.done $0x0  }
0x38a: {  	[sflag:s15] =	ssyncadd.s32 $0xFFFFF000  }
0x38b: {  	_ =	swait.ge [sflag:s15], $0x1000  }
0x38c: {  	[sflag:s15] =	ssyncset.done $0x0  }
0x38d: {  	[sflag:s15] =	ssyncadd.s32 $0xFFFFF000  }
0x38e: {  	_ =	swait.ge [sflag:s15], $0x1000  }
0x38f: {  	[sflag:s15] =	ssyncset.done $0x0  }
0x390: {  	[sflag:s15] =	ssyncadd.s32 $0xFFFFF000  }
0x391: {  	_ =	swait.ge [sflag:s15], $0x80  }
0x392: {  	[sflag:s15] =	ssyncset.done $0x0  }
0x393: {  	[sflag:s15] =	ssyncadd.s32 $0xFFFFFF80  }
0x394: {  	_ =	swait.ge [sflag:s15], $0x80  }
0x395: {  	[sflag:s15] =	ssyncset.done $0x0  }
0x396: {  	s17 =	simm.s32 $0x77F0;
	[sflag:s15] =	ssyncadd.s32 $0xFFFFFF80  }
0x397: {  	s7 =	simm.s32 $0x37F0;
	v12 =	vld [tilespmem:s17+$0xFFFFFE30]  }
0x398: {  	v13 =	vld [tilespmem:s7+$0xFFFFFE30]  }
0x399: {  	v17 =	vld [tilespmem:s17+$0xFFFFFFE0]  }
0x39a: {  	s30 =	simm.s32 $0xB7F0;
	v18 =	vld [tilespmem:s7+$0xFFFFFFE0]  }
0x39b: {  	v19 =	vld [tilespmem:s30+$0xFFFFFE30]  }
0x39c: {  	v20 =	vld [tilespmem:s30+$0xFFFFFFE0]  }
0x39d: {  	v21 =	vld [tilespmem:s17+$0xFFFFFE10]  }
0x39e: {  	v22 =	vld [tilespmem:s30+$0xFFFFFE10]  }
0x39f: {  	v23 =	vld [tilespmem:s7+$0xFFFFFE10]  }
0x3a0: {  	v24 =	vld [tilespmem:s30+$0xFFFFFFF0]  }
0x3a1: {  	v25 =	vld [tilespmem:s7+$0x0]  }
0x3a2: {  	v26 =	vld [tilespmem:s30+$0x0]  }
0x3a3: {  	v27 =	vld [tilespmem:s17+$0x0]  }
0x3a4: {  	v28 =	vld [tilespmem:s17+$0xFFFFFFF0]  }
0x3a5: {  	v4 =	vld [tilespmem:s30+$0xFFFFFE50]  }
0x3a6: {  	v5 =	vld [tilespmem:s7+$0xFFFFFE40]  }
0x3a7: {  	v6 =	vld [tilespmem:s30+$0xFFFFFE60]  }
0x3a8: {  	v29 =	vld [tilespmem:s7+$0xFFFFFFF0]  }
0x3a9: {  	v8 =	vld [tilespmem:s30+$0xFFFFFE80]  }
0x3aa: {  	v9 =	vld [tilespmem:s30+$0xFFFFFE90]  }
0x3ab: {  	v10 =	vld [tilespmem:s30+$0xFFFFFEB0]  }
0x3ac: {  	v11 =	vld [tilespmem:s30+$0xFFFFFEC0]  }
0x3ad: {  	v14 =	vld [tilespmem:s30+$0xFFFFFED0]  }
0x3ae: {  	v15 =	vld [tilespmem:s30+$0xFFFFFEE0]  }
0x3af: {  	v16 =	vld [tilespmem:s30+$0xFFFFFEF0]  }
0x3b0: {  	v30 =	vld [tilespmem:s30+$0xFFFFFF00]  }
0x3b1: {  	v31 =	vld [tilespmem:s30+$0xFFFFFF10]  }
0x3b2: {  	v32 =	vld [tilespmem:s30+$0xFFFFFF20]  }
0x3b3: {  	v33 =	vld [tilespmem:s17+$0xFFFFFF20]  }
0x3b4: {  	v34 =	vld [tilespmem:s30+$0xFFFFFF50]  }
0x3b5: {  	v35 =	vld [tilespmem:s30+$0xFFFFFF60]  }
0x3b6: {  	v36 =	vld [tilespmem:s30+$0xFFFFFF80]  }
0x3b7: {  	v37 =	vld [tilespmem:s30+$0xFFFFFF90]  }
0x3b8: {  	v38 =	vld [tilespmem:s30+$0xFFFFFFD0]  }
0x3b9: {  	v39 =	vld [tilespmem:s7+$0xFFFFFFD0]  }
0x3ba: {  	v40 =	vld [tilespmem:s17+$0xFFFFFFC0]  }
0x3bb: {  	v41 =	vld [tilespmem:s30+$0xFFFFFFC0]  }
0x3bc: {  	v42 =	vld [tilespmem:s17+$0xFFFFFFB0]  }
0x3bd: {  	v43 =	vld [tilespmem:s30+$0xFFFFFFB0]  }
0x3be: {  	v44 =	vld [tilespmem:s7+$0xFFFFFFC0]  }
0x3bf: {  	v45 =	vld [tilespmem:s7+$0xFFFFFFB0]  }
0x3c0: {  	v46 =	vld [tilespmem:s30+$0xFFFFFFA0]  }
0x3c1: {  	v47 =	vld [tilespmem:s17+$0xFFFFFFD0]  }
0x3c2: {  	v48 =	vld [tilespmem:s17+$0xFFFFFFA0]  }
0x3c3: {  	v49 =	vld [tilespmem:s17+$0xFFFFFF90]  }
0x3c4: {  	v50 =	vld [tilespmem:s7+$0xFFFFFFA0]  }
0x3c5: {  	v51 =	vld [tilespmem:s30+$0xFFFFFF70]  }
0x3c6: {  	v52 =	vld [tilespmem:s7+$0xFFFFFF90]  }
0x3c7: {  	v53 =	vld [tilespmem:s17+$0xFFFFFF80]  }
0x3c8: {  	v54 =	vld [tilespmem:s30+$0xFFFFFF40]  }
0x3c9: {  	v55 =	vld [tilespmem:s17+$0xFFFFFF70]  }
0x3ca: {  	v56 =	vld [tilespmem:s7+$0xFFFFFF80]  }
0x3cb: {  	v57 =	vld [tilespmem:s7+$0xFFFFFF70]  }
0x3cc: {  	v58 =	vld [tilespmem:s17+$0xFFFFFF60]  }
0x3cd: {  	v59 =	vld [tilespmem:s17+$0xFFFFFF50]  }
0x3ce: {  	v60 =	vld [tilespmem:s7+$0xFFFFFF60]  }
0x3cf: {  	v62 =	vadd.f32 v17, v18;
	v18 =	vld [tilespmem:s7+$0xFFFFFF50]  }
0x3d0: {  	v63 =	vadd.f32 v21, v23;
	v21 =	vld [tilespmem:s30+$0xFFFFFF30]  }
0x3d1: {  	v12 =	vadd.f32 v12, v13;
	v27 =	vadd.f32 v27, v25;
	v17 =	vld [tilespmem:s17+$0xFFFFFF40]  }
0x3d2: {  	v44 =	vadd.f32 v40, v44;
	v23 =	vld [tilespmem:s17+$0xFFFFFF30];
	v45 =	vadd.f32 v42, v45  }
0x3d3: {  	v47 =	vadd.f32 v47, v39;
	v28 =	vadd.f32 v28, v29;
	v29 =	vld [tilespmem:s7+$0xFFFFFF30]  }
0x3d4: {  	v48 =	vadd.f32 v48, v50;
	v39 =	vld [tilespmem:s17+$0xFFFFFF10];
	v50 =	vadd.f32 v49, v52  }
0x3d5: {  	v49 =	vld [tilespmem:s7+$0xFFFFFEF0];
	v12 =	vsub.f32 v12, v19;
	v20 =	vsub.f32 v62, v20  }
0x3d6: {  	v42 =	vld [tilespmem:s17+$0xFFFFFE90];
	v13 =	vsub.f32 v63, v22;
	v19 =	vsub.f32 v27, v26  }
0x3d7: {  	v27 =	vld [tilespmem:s7+$0xFFFFFF40];
	v22 =	vsub.f32 v44, v41;
	v26 =	vsub.f32 v47, v38  }
0x3d8: {  	v24 =	vsub.f32 v28, v24;
	v38 =	vsub.f32 v48, v46;
	v41 =	vld [tilespmem:s7+$0xFFFFFF20]  }
0x3d9: {  	v28 =	vsub.f32 v50, v37;
	v37 =	vld [tilespmem:s7+$0xFFFFFF10];
	v25 =	vsub.f32 v45, v43  }
0x3da: {  	v62 =	vadd.f32 v55, v57;
	v43 =	vld [tilespmem:s7+$0xFFFFFF00];
	v26 =	vmul.f32 v26, v26;
	v20 =	vmul.f32 v20, v20  }
0x3db: {  	v63 =	vadd.f32 v53, v56;
	v44 =	vld [tilespmem:s17+$0xFFFFFED0];
	v24 =	vmul.f32 v24, v24;
	v19 =	vmul.f32 v19, v19  }
0x3dc: {  	v55 =	vld [tilespmem:s7+$0xFFFFFEE0];
	v52 =	vmul.f32 v28, v28;
	v61 =	vmul.f32 v38, v38;
	v51 =	vsub.f32 v62, v51  }
0x3dd: {  	v57 =	vld [tilespmem:s7+$0xFFFFFED0];
	v22 =	vmul.f32 v22, v22;
	v36 =	vsub.f32 v63, v36;
	v18 =	vadd.f32 v59, v18  }
0x3de: {  	v38 =	vld [tilespmem:s17+$0xFFFFFEF0];
	v25 =	vmul.f32 v25, v25;
	v23 =	vadd.f32 v23, v29;
	v20 =	vadd.f32 v20, v26  }
0x3df: {  	v63 =	vld [tilespmem:s7+$0xFFFFFEB0];
	v19 =	vadd.f32 v19, v24;
	v24 =	vadd.f32 v61, v52  }
0x3e0: {  	v59 =	vld [tilespmem:s17+$0xFFFFFEB0];
	v50 =	vadd.f32 v22, v25;
	v52 =	vadd.f32 v58, v60  }
0x3e1: {  	v26 =	vld [tilespmem:s17+$0xFFFFFF00];
	v22 =	vmul.f32 v51, v51;
	v18 =	vsub.f32 v18, v34;
	v17 =	vadd.f32 v17, v27  }
0x3e2: {  	v25 =	vld [tilespmem:s17+$0xFFFFFEE0];
	v36 =	vmul.f32 v36, v36;
	v61 =	vadd.f32 v33, v41;
	v62 =	vadd.f32 v39, v37  }
0x3e3: {  	v58 =	vld [tilespmem:s17+$0xFFFFFEC0];
	v21 =	vsub.f32 v23, v21;
	v48 =	vsel vm0, v20, v19;
	v19 =	vsel vm0, v19, v20  }
0x3e4: {  	v60 =	vld [tilespmem:s7+$0xFFFFFEC0];
	v53 =	vsel vm0, v50, v24;
	v35 =	vsub.f32 v52, v35;
	v20 =	vsel vm0, v24, v50  }
0x3e5: {  	v41 =	vld [tilespmem:s17+$0xFFFFFEA0];
	v22 =	vadd.f32 v36, v22;
	v19 =	vperm.xlane v19, v0;
	v17 =	vsub.f32 v17, v54  }
0x3e6: {  	v37 =	vld [tilespmem:s7+$0xFFFFFE20];
	v56 =	vperm.xlane v53, v0;
	v29 =	vsub.f32 v61, v32;
	v31 =	vsub.f32 v62, v31  }
0x3e7: {  	v39 =	vld [tilespmem:s17+$0xFFFFFE20];
	v18 =	vmul.f32 v18, v18;
	v28 =	vadd.f32 v38, v49;
	v53 =	vadd.f32 v44, v57  }
0x3e8: {  	v50 =	vld [tilespmem:s17+$0xFFFFFE80];
	v21 =	vmul.f32 v21, v21;
	v59 =	vadd.f32 v59, v63;
	v19 =	vadd.f32 v19, v48  }
0x3e9: {  	v49 =	vld [tilespmem:s7+$0xFFFFFE90];
	v45 =	vmul.f32 v35, v35;
	v20 =	vadd.f32 v56, v20;
	v26 =	vadd.f32 v26, v43  }
0x3ea: {  	v54 =	vld [tilespmem:s7+$0xFFFFFE80];
	v17 =	vmul.f32 v17, v17;
	v16 =	vsub.f32 v28, v16;
	v25 =	vadd.f32 v25, v55  }
0x3eb: {  	v61 =	vld [tilespmem:s7+$0xFFFFFE50];
	v29 =	vmul.f32 v29, v29;
	v14 =	vsub.f32 v53, v14;
	v57 =	vadd.f32 v58, v60  }
0x3ec: {  	v63 =	vld [tilespmem:s17+$0xFFFFFE40];
	v31 =	vmul.f32 v31, v31;
	v18 =	vadd.f32 v45, v18;
	v10 =	vsub.f32 v59, v10  }
0x3ed: {  	v48 =	vld [tilespmem:s7+$0xFFFFFEA0];
	v46 =	vadd.f32 v39, v37;
	v26 =	vsub.f32 v26, v30  }
0x3ee: {  	v47 =	vmul.f32 v12, v12;
	v56 =	vld [tilespmem:s17+$0xFFFFFE60];
	v17 =	vadd.f32 v17, v21;
	v29 =	vadd.f32 v29, v31  }
0x3ef: {  	v58 =	vld [tilespmem:s17+$0xFFFFFE50];
	v16 =	vmul.f32 v16, v16;
	v15 =	vsub.f32 v25, v15;
	v14 =	vmul.f32 v14, v14  }
0x3f0: {  	v60 =	vld [tilespmem:s7+$0xFFFFFE60];
	v11 =	vsub.f32 v57, v11;
	v52 =	vsel vm0, v22, v18;
	v18 =	vsel vm0, v18, v22  }
0x3f1: {  	v40 =	vld [tilespmem:s30+$0xFFFFFEA0];
	v36 =	vadd.f32 v42, v49;
	v10 =	vmul.f32 v10, v10;
	v26 =	vmul.f32 v26, v26  }
0x3f2: {  	v43 =	vld [tilespmem:s30+$0xFFFFFE20];
	v30 =	vadd.f32 v50, v54;
	v28 =	vperm.xlane v52, v0;
	v15 =	vmul.f32 v15, v15  }
0x3f3: {  	v51 =	vld [tilespmem:s17+$0xFFFFFE70];
	v62 =	vsel vm0, v29, v17;
	v5 =	vadd.f32 v63, v5;
	v23 =	vadd.f32 v41, v48  }
0x3f4: {  	v55 =	vld [tilespmem:s7+$0xFFFFFE70];
	v17 =	vsel vm0, v17, v29;
	v9 =	vsub.f32 v36, v9;
	v8 =	vsub.f32 v30, v8  }
0x3f5: {  	v7 =	vld [tilespmem:s30+$0xFFFFFE70];
	v11 =	vmul.f32 v11, v11;
	v25 =	vadd.f32 v56, v60;
	v44 =	vadd.f32 v58, v61  }
0x3f6: {  	v17 =	vperm.xlane v17, v0;
	v41 =	vld [tilespmem:s30+$0xFFFFFE40];
	v16 =	vadd.f32 v26, v16;
	v18 =	vadd.f32 v28, v18  }
0x3f7: {  	v48 =	vmul.f32 v13, v13;
	v14 =	vadd.f32 v15, v14;
	v15 =	vsub.f32 v46, v43  }
0x3f8: {  	v26 =	vsel vm1, v20, v19;
	v10 =	vadd.f32 v11, v10;
	v23 =	vsub.f32 v23, v40  }
0x3f9: {  	v40 =	vadd.f32 v51, v55;
	v6 =	vsub.f32 v25, v6;
	v9 =	vmul.f32 v9, v9  }
0x3fa: {  	v4 =	vsub.f32 v44, v4;
	v8 =	vmul.f32 v8, v8;
	v49 =	vmul.f32 v15, v15  }
0x3fb: {  	v7 =	vsub.f32 v40, v7;
	v45 =	vmul.f32 v23, v23;
	v5 =	vsub.f32 v5, v41  }
0x3fc: {  	v42 =	vsel vm0, v16, v14;
	v6 =	vmul.f32 v6, v6;
	v4 =	vmul.f32 v4, v4  }
0x3fd: {  	v51 =	vadd.f32 v49, v48;
	v7 =	vmul.f32 v7, v7;
	v5 =	vmul.f32 v5, v5  }
0x3fe: {  	v50 =	vperm.xlane v42, v0;
	v9 =	vadd.f32 v45, v9;
	v4 =	vadd.f32 v6, v4  }
0x3ff: {  	v53 =	vsel vm0, v14, v16;
	v7 =	vadd.f32 v8, v7;
	v5 =	vadd.f32 v5, v47  }
0x400: {  	v52 =	vadd.f32 v17, v62;
	v12 =	vadd.f32 v50, v53;
	v6 =	vsel vm0, v10, v9  }
0x401: {  	v6 =	vperm.xlane v6, v0;
	v54 =	vsel vm0, v7, v4;
	v55 =	vsel vm0, v5, v51  }
0x402: {  	v9 =	vsel vm0, v9, v10;
	v56 =	vperm.xlane v54, v0;
	v57 =	vperm.xlane v55, v0  }
0x403: {  	v4 =	vsel vm0, v4, v7;
	v6 =	vadd.f32 v6, v9;
	v5 =	vsel vm0, v51, v5  }
0x404: {  	v7 =	vsel vm1, v19, v20;
	v4 =	vadd.f32 v56, v4;
	v5 =	vadd.f32 v57, v5  }
0x405: {  	v58 =	vsel vm1, v52, v18;
	v59 =	vsel vm1, v18, v52;
	v7 =	vperm.xlane v7, v1  }
0x406: {  	v9 =	vperm.xlane v59, v1;
	v60 =	vsel vm1, v12, v6;
	v61 =	vsel vm1, v4, v5  }
0x407: {  	v7 =	vadd.f32 v7, v26;
	v10 =	vperm.xlane v60, v1;
	v11 =	vperm.xlane v61, v1  }
0x408: {  	v8 =	vadd.f32 v9, v58;
	v6 =	vsel vm1, v6, v12;
	v4 =	vsel vm1, v5, v4  }
0x409: {  	v5 =	vadd.f32 v10, v6;
	v4 =	vadd.f32 v11, v4;
	_ =	sdelay $0x1  }
0x40a: {  	v6 =	vsel vm2, v7, v8;
	v62 =	vsel vm2, v5, v4  }
0x40b: {  	s20 =	simm.s32 $0x0;
	v6 =	vperm.xlane v6, v2;
	v9 =	vperm.xlane v62, v2  }
0x40c: {  	v4 =	vsel vm2, v4, v5;
	v5 =	vsel vm2, v8, v7;
	v7 =	vld [tilespmem:s20+$0xC780]  }
0x40d: {  	v5 =	vadd.f32 v6, v5;
	v6 =	vld [tilespmem:s20+$0xC980];
	v4 =	vadd.f32 v9, v4;
	_ =	sdelay $0x1  }
0x40e: {  	v63 =	vsel vm3, v5, v4  }
0x40f: {  	v8 =	vperm.xlane v63, v3  }
0x410: {  	v4 =	vsel vm3, v4, v5  }
0x411: {  	s18 =	simm.s32 $0x40;
	v5 =	vadd.f32 v6, v7;
	v4 =	vadd.f32 v4, v8  }
.LBB2_8:
0x412: {  	_ = 	snop  }
0x413: {  	s7 =	sadd.s32 $0x200, s7;
	s17 =	sadd.s32 $0x200, s17;
	s30 =	sadd.s32 $0x200, s30;
	v4 =	vsub.f32 v5, v4  }
0x414: {  	p0 =	sne.s32 s18, $0x1C0;
	s19 =	smov.u32 s18;
	s18 =	sadd.s32 $0x40, s18  }
0x415: {  	[tilespmem:s20+$0xCB80] =	vst v4  }
0x416: {  	v4 =	vld [tilespmem:s17+$0xFFFFFE30]  }
0x417: {  	v5 =	vld [tilespmem:s7+$0xFFFFFE30]  }
0x418: {  	v6 =	vld [tilespmem:s17+$0xFFFFFFE0]  }
0x419: {  	v7 =	vld [tilespmem:s7+$0xFFFFFFE0]  }
0x41a: {  	v8 =	vld [tilespmem:s30+$0xFFFFFE30]  }
0x41b: {  	v9 =	vld [tilespmem:s30+$0xFFFFFFE0]  }
0x41c: {  	v10 =	vld [tilespmem:s17+$0xFFFFFE10]  }
0x41d: {  	v4 =	vadd.f32 v4, v5;
	v11 =	vld [tilespmem:s30+$0xFFFFFE10]  }
0x41e: {  	v5 =	vld [tilespmem:s7+$0xFFFFFE10];
	v6 =	vadd.f32 v6, v7  }
0x41f: {  	v4 =	vsub.f32 v4, v8;
	v21 =	vld [tilespmem:s30+$0xFFFFFFF0]  }
0x420: {  	v22 =	vsub.f32 v6, v9;
	v9 =	vld [tilespmem:s7+$0x0]  }
0x421: {  	v12 =	vld [tilespmem:s30+$0x0]  }
0x422: {  	v13 =	vld [tilespmem:s17+$0x0]  }
0x423: {  	v5 =	vadd.f32 v10, v5;
	v23 =	vld [tilespmem:s17+$0xFFFFFFF0]  }
0x424: {  	v6 =	vld [tilespmem:s30+$0xFFFFFE50]  }
0x425: {  	v5 =	vsub.f32 v5, v11;
	v7 =	vld [tilespmem:s7+$0xFFFFFE40]  }
0x426: {  	v8 =	vld [tilespmem:s30+$0xFFFFFE60]  }
0x427: {  	v24 =	vld [tilespmem:s7+$0xFFFFFFF0];
	v11 =	vadd.f32 v13, v9  }
0x428: {  	v9 =	vld [tilespmem:s30+$0xFFFFFE70]  }
0x429: {  	v10 =	vld [tilespmem:s30+$0xFFFFFE80];
	v25 =	vsub.f32 v11, v12  }
0x42a: {  	v11 =	vld [tilespmem:s30+$0xFFFFFE90]  }
0x42b: {  	v12 =	vld [tilespmem:s30+$0xFFFFFEB0]  }
0x42c: {  	v13 =	vld [tilespmem:s30+$0xFFFFFEC0]  }
0x42d: {  	v14 =	vld [tilespmem:s30+$0xFFFFFED0]  }
0x42e: {  	v15 =	vld [tilespmem:s30+$0xFFFFFEE0]  }
0x42f: {  	v16 =	vld [tilespmem:s30+$0xFFFFFEF0]  }
0x430: {  	v17 =	vld [tilespmem:s30+$0xFFFFFF00]  }
0x431: {  	v18 =	vld [tilespmem:s30+$0xFFFFFF10]  }
0x432: {  	v19 =	vld [tilespmem:s30+$0xFFFFFF20]  }
0x433: {  	v20 =	vld [tilespmem:s17+$0xFFFFFF20]  }
0x434: {  	v26 =	vld [tilespmem:s30+$0xFFFFFF50]  }
0x435: {  	v27 =	vld [tilespmem:s30+$0xFFFFFF60]  }
0x436: {  	v28 =	vld [tilespmem:s30+$0xFFFFFF80]  }
0x437: {  	v29 =	vld [tilespmem:s30+$0xFFFFFF90]  }
0x438: {  	v30 =	vld [tilespmem:s30+$0xFFFFFFD0]  }
0x439: {  	v31 =	vld [tilespmem:s7+$0xFFFFFFD0]  }
0x43a: {  	v32 =	vld [tilespmem:s17+$0xFFFFFFC0]  }
0x43b: {  	v33 =	vld [tilespmem:s30+$0xFFFFFFC0]  }
0x43c: {  	v34 =	vld [tilespmem:s17+$0xFFFFFFB0]  }
0x43d: {  	v35 =	vld [tilespmem:s30+$0xFFFFFFB0]  }
0x43e: {  	v36 =	vld [tilespmem:s7+$0xFFFFFFC0]  }
0x43f: {  	v37 =	vld [tilespmem:s7+$0xFFFFFFB0]  }
0x440: {  	v38 =	vld [tilespmem:s30+$0xFFFFFFA0]  }
0x441: {  	v39 =	vld [tilespmem:s17+$0xFFFFFFD0]  }
0x442: {  	v40 =	vld [tilespmem:s17+$0xFFFFFFA0]  }
0x443: {  	v41 =	vld [tilespmem:s17+$0xFFFFFF90];
	v32 =	vadd.f32 v32, v36  }
0x444: {  	v36 =	vld [tilespmem:s7+$0xFFFFFFA0];
	v34 =	vadd.f32 v34, v37  }
0x445: {  	v23 =	vadd.f32 v23, v24;
	v37 =	vld [tilespmem:s30+$0xFFFFFF70];
	v32 =	vsub.f32 v32, v33  }
0x446: {  	v24 =	vld [tilespmem:s7+$0xFFFFFF90];
	v33 =	vsub.f32 v34, v35;
	v31 =	vadd.f32 v39, v31  }
0x447: {  	v21 =	vsub.f32 v23, v21;
	v34 =	vld [tilespmem:s17+$0xFFFFFF80];
	v32 =	vmul.f32 v32, v32  }
0x448: {  	v23 =	vld [tilespmem:s30+$0xFFFFFF40];
	v33 =	vmul.f32 v33, v33;
	v30 =	vsub.f32 v31, v30  }
0x449: {  	v25 =	vmul.f32 v25, v25;
	v21 =	vmul.f32 v21, v21;
	v31 =	vld [tilespmem:s17+$0xFFFFFF70];
	v35 =	vadd.f32 v40, v36  }
0x44a: {  	v22 =	vmul.f32 v22, v22;
	v36 =	vld [tilespmem:s7+$0xFFFFFF80];
	v30 =	vmul.f32 v30, v30  }
0x44b: {  	v39 =	vld [tilespmem:s7+$0xFFFFFF70];
	v24 =	vadd.f32 v41, v24;
	v35 =	vsub.f32 v35, v38  }
0x44c: {  	v21 =	vadd.f32 v25, v21;
	v38 =	vld [tilespmem:s17+$0xFFFFFF60];
	v22 =	vadd.f32 v22, v30  }
0x44d: {  	v25 =	vld [tilespmem:s17+$0xFFFFFF50];
	v24 =	vsub.f32 v24, v29  }
0x44e: {  	v29 =	vld [tilespmem:s7+$0xFFFFFF60];
	v30 =	vsel vm0, v22, v21;
	v21 =	vsel vm0, v21, v22  }
0x44f: {  	v35 =	vmul.f32 v35, v35;
	v22 =	vld [tilespmem:s7+$0xFFFFFF50];
	v34 =	vadd.f32 v34, v36;
	v24 =	vmul.f32 v24, v24  }
0x450: {  	v21 =	vperm.xlane v21, v0;
	v36 =	vld [tilespmem:s30+$0xFFFFFF30];
	v31 =	vadd.f32 v31, v39  }
0x451: {  	v32 =	vadd.f32 v32, v33;
	v39 =	vld [tilespmem:s17+$0xFFFFFF40];
	v24 =	vadd.f32 v35, v24  }
0x452: {  	v28 =	vsub.f32 v34, v28;
	v33 =	vld [tilespmem:s17+$0xFFFFFF30];
	v31 =	vsub.f32 v31, v37  }
0x453: {  	v21 =	vadd.f32 v21, v30;
	v34 =	vld [tilespmem:s7+$0xFFFFFF40];
	v29 =	vadd.f32 v38, v29;
	v35 =	vsel vm0, v32, v24  }
0x454: {  	v28 =	vmul.f32 v28, v28;
	v30 =	vld [tilespmem:s7+$0xFFFFFF30];
	v22 =	vadd.f32 v25, v22;
	v25 =	vmul.f32 v31, v31  }
0x455: {  	v31 =	vld [tilespmem:s17+$0xFFFFFF10];
	v27 =	vsub.f32 v29, v27;
	v29 =	vperm.xlane v35, v0  }
0x456: {  	v24 =	vsel vm0, v24, v32;
	v35 =	vld [tilespmem:s30+$0xFFFFFEA0];
	v22 =	vsub.f32 v22, v26;
	v25 =	vadd.f32 v28, v25  }
0x457: {  	v26 =	vld [tilespmem:s7+$0xFFFFFF20];
	v24 =	vadd.f32 v29, v24  }
0x458: {  	v27 =	vmul.f32 v27, v27;
	v28 =	vld [tilespmem:s7+$0xFFFFFF10];
	v29 =	vadd.f32 v39, v34;
	v22 =	vmul.f32 v22, v22  }
0x459: {  	v32 =	vld [tilespmem:s17+$0xFFFFFF00];
	v30 =	vadd.f32 v33, v30;
	v33 =	vsel vm1, v24, v21;
	v21 =	vsel vm1, v21, v24  }
0x45a: {  	v24 =	vld [tilespmem:s17+$0xFFFFFEF0];
	v23 =	vsub.f32 v29, v23;
	v22 =	vadd.f32 v27, v22;
	v21 =	vperm.xlane v21, v1  }
0x45b: {  	v27 =	vld [tilespmem:s7+$0xFFFFFF00];
	v29 =	vsub.f32 v30, v36  }
0x45c: {  	v30 =	vld [tilespmem:s7+$0xFFFFFEF0];
	v20 =	vadd.f32 v20, v26;
	v26 =	vsel vm0, v22, v25;
	v22 =	vsel vm0, v25, v22  }
0x45d: {  	v25 =	vld [tilespmem:s17+$0xFFFFFEE0];
	v28 =	vadd.f32 v31, v28;
	v29 =	vmul.f32 v29, v29;
	v22 =	vperm.xlane v22, v0  }
0x45e: {  	v31 =	vld [tilespmem:s17+$0xFFFFFED0];
	v19 =	vsub.f32 v20, v19  }
0x45f: {  	v20 =	vld [tilespmem:s7+$0xFFFFFEE0];
	v18 =	vsub.f32 v28, v18  }
0x460: {  	v23 =	vmul.f32 v23, v23;
	v28 =	vld [tilespmem:s7+$0xFFFFFED0];
	v27 =	vadd.f32 v32, v27;
	v19 =	vmul.f32 v19, v19  }
0x461: {  	v32 =	vld [tilespmem:s17+$0xFFFFFEC0];
	v24 =	vadd.f32 v24, v30;
	v18 =	vmul.f32 v18, v18  }
0x462: {  	v23 =	vadd.f32 v23, v29;
	v30 =	vld [tilespmem:s17+$0xFFFFFEB0];
	v17 =	vsub.f32 v27, v17  }
0x463: {  	v27 =	vld [tilespmem:s7+$0xFFFFFEC0];
	v16 =	vsub.f32 v24, v16;
	v18 =	vadd.f32 v19, v18  }
0x464: {  	v19 =	vld [tilespmem:s7+$0xFFFFFEB0];
	v20 =	vadd.f32 v25, v20;
	v17 =	vmul.f32 v17, v17  }
0x465: {  	v24 =	vld [tilespmem:s17+$0xFFFFFEA0];
	v25 =	vadd.f32 v31, v28;
	v16 =	vmul.f32 v16, v16;
	v28 =	vsel vm0, v18, v23  }
0x466: {  	v18 =	vsel vm0, v23, v18;
	v29 =	vld [tilespmem:s17+$0xFFFFFE90];
	v15 =	vsub.f32 v20, v15  }
0x467: {  	v20 =	vld [tilespmem:s7+$0xFFFFFEA0];
	v14 =	vsub.f32 v25, v14;
	v16 =	vadd.f32 v17, v16;
	v17 =	vperm.xlane v18, v0  }
0x468: {  	v22 =	vadd.f32 v22, v26;
	v18 =	vld [tilespmem:s7+$0xFFFFFE90];
	v23 =	vadd.f32 v32, v27  }
0x469: {  	v15 =	vmul.f32 v15, v15;
	v25 =	vld [tilespmem:s17+$0xFFFFFE80];
	v19 =	vadd.f32 v30, v19;
	v14 =	vmul.f32 v14, v14  }
0x46a: {  	v17 =	vadd.f32 v17, v28;
	v26 =	vld [tilespmem:s17+$0xFFFFFE70];
	v13 =	vsub.f32 v23, v13  }
0x46b: {  	v23 =	vld [tilespmem:s7+$0xFFFFFE80];
	v12 =	vsub.f32 v19, v12;
	v14 =	vadd.f32 v15, v14  }
0x46c: {  	v15 =	vld [tilespmem:s7+$0xFFFFFE70];
	v19 =	vadd.f32 v24, v20;
	v20 =	vsel vm1, v17, v22;
	v17 =	vsel vm1, v22, v17  }
0x46d: {  	v13 =	vmul.f32 v13, v13;
	v22 =	vld [tilespmem:s17+$0xFFFFFE60];
	v18 =	vadd.f32 v29, v18;
	v24 =	vsel vm0, v16, v14  }
0x46e: {  	v12 =	vmul.f32 v12, v12;
	v27 =	vld [tilespmem:s17+$0xFFFFFE50];
	v19 =	vsub.f32 v19, v35;
	v24 =	vperm.xlane v24, v0  }
0x46f: {  	v17 =	vperm.xlane v17, v1;
	v28 =	vld [tilespmem:s7+$0xFFFFFE60];
	v11 =	vsub.f32 v18, v11;
	v18 =	vadd.f32 v21, v33  }
0x470: {  	v12 =	vadd.f32 v13, v12;
	v21 =	vld [tilespmem:s7+$0xFFFFFE50];
	v23 =	vadd.f32 v25, v23;
	v19 =	vmul.f32 v19, v19  }
0x471: {  	v17 =	vadd.f32 v17, v20;
	v13 =	vld [tilespmem:s17+$0xFFFFFE40];
	v15 =	vadd.f32 v26, v15;
	v11 =	vmul.f32 v11, v11  }
0x472: {  	v20 =	vld [tilespmem:s7+$0xFFFFFE20]  }
0x473: {  	v10 =	vsub.f32 v23, v10;
	v25 =	vld [tilespmem:s17+$0xFFFFFE20];
	v11 =	vadd.f32 v19, v11;
	v19 =	vsel vm2, v18, v17  }
0x474: {  	v9 =	vsub.f32 v15, v9;
	v23 =	vld [tilespmem:s30+$0xFFFFFE40];
	v22 =	vadd.f32 v22, v28;
	v15 =	vperm.xlane v19, v2  }
0x475: {  	v10 =	vmul.f32 v10, v10;
	v19 =	vld [tilespmem:s30+$0xFFFFFE20];
	v21 =	vadd.f32 v27, v21;
	v26 =	vsel vm0, v12, v11  }
0x476: {  	v9 =	vmul.f32 v9, v9;
	v8 =	vsub.f32 v22, v8;
	v22 =	vperm.xlane v26, v0  }
0x477: {  	v7 =	vadd.f32 v13, v7;
	v13 =	vsel vm0, v14, v16;
	v6 =	vsub.f32 v21, v6  }
0x478: {  	v13 =	vadd.f32 v24, v13;
	v14 =	vadd.f32 v25, v20;
	v8 =	vmul.f32 v8, v8  }
0x479: {  	v11 =	vsel vm0, v11, v12;
	v7 =	vsub.f32 v7, v23;
	v6 =	vmul.f32 v6, v6  }
0x47a: {  	v4 =	vmul.f32 v4, v4;
	v9 =	vadd.f32 v10, v9;
	v12 =	vsub.f32 v14, v19  }
0x47b: {  	v7 =	vmul.f32 v7, v7;
	v6 =	vadd.f32 v8, v6;
	v8 =	vadd.f32 v22, v11  }
0x47c: {  	v5 =	vmul.f32 v5, v5;
	v10 =	vmul.f32 v12, v12  }
0x47d: {  	v4 =	vadd.f32 v7, v4;
	v7 =	vsel vm0, v6, v9;
	v6 =	vsel vm0, v9, v6  }
0x47e: {  	v9 =	vsel vm1, v13, v8;
	v5 =	vadd.f32 v10, v5;
	v6 =	vperm.xlane v6, v0  }
0x47f: {  	v8 =	vsel vm1, v8, v13;
	v9 =	vperm.xlane v9, v1  }
0x480: {  	v10 =	vsel vm0, v5, v4;
	v4 =	vsel vm0, v4, v5  }
0x481: {  	v4 =	vperm.xlane v4, v0  }
0x482: {  	v5 =	vadd.f32 v6, v7  }
0x483: {  	v4 =	vadd.f32 v4, v10;
	_ =	sdelay $0x1  }
0x484: {  	v6 =	vsel vm1, v4, v5;
	v4 =	vsel vm1, v5, v4  }
0x485: {  	v4 =	vperm.xlane v4, v1  }
0x486: {  	v5 =	vadd.f32 v9, v8  }
0x487: {  	v4 =	vadd.f32 v4, v6;
	_ =	sdelay $0x1  }
0x488: {  	v6 =	vsel vm2, v4, v5;
	v4 =	vsel vm2, v5, v4  }
0x489: {  	v4 =	vperm.xlane v4, v2  }
0x48a: {  	s20 =	sshra.s32 s19, $0x2;
	v5 =	vsel vm2, v17, v18  }
0x48b: {  	v5 =	vadd.f32 v15, v5;
	v4 =	vadd.f32 v4, v6;
	v6 =	vld [tilespmem:s20+$0xC780]  }
0x48c: {  	v7 =	vld [tilespmem:s20+$0xC980]  }
.Ltmp3:
0x48d: {  	v8 =	vsel vm3, v4, v5;
	v4 =	vsel vm3, v5, v4;
	(pc) =	sbr.rel @p0 .LBB2_8-.Ltmp3, $3  }
0x48e: {  	v4 =	vperm.xlane v4, v3;
	_ =	sdelay $0x1  }
0x48f: {  	v4 =	vadd.f32 v8, v4  }
0x490: {  	v5 =	vadd.f32 v7, v6  }
0x491: {  	_ = 	snop  }
0x492: {  	v4 =	vsub.f32 v5, v4;
	_ =	sdelay $0x1  }
0x493: {  	s7 =	rddreg [dreg:$0x17];
	[tilespmem:s20+$0xCB80] =	vst v4  }
0x494: {  	[hbm4b:s7+s5] =	stream.linear.scatter [tilespmem:s11], [sflag:$0x5], $0x1000, $0x38;
	[tilespmem:$0xCC00] =	vst v63  }
0x495: {  	s20 =	rddreg [dreg:$0x18]  }
0x496: {  	[hbm4b:s20+s5] =	stream.linear.scatter [tilespmem:s4], [sflag:$0x5], $0x1000, $0x38;
	[tilespmem:$0xCC00] =	vst v63  }
0x497: {  	_ = 	snop  }
0x498: {  	[hbm4b:s21+s5] =	stream.linear.scatter [tilespmem:s12], [sflag:$0x5], $0x1000, $0x38;
	[tilespmem:$0xCC00] =	vst v63  }
0x499: {  	s30 =	simm.s32 $0xCA00  }
0x49a: {  	[hbm4b:s22+s5] =	stream.linear.scatter [tilespmem:s30], [sflag:$0x5], $0x200, $0x38;
	[tilespmem:$0xCC00] =	vst v63  }
0x49b: {  	_ =	swait.ge [sflag:s29], $0x1000  }
0x49c: {  	[sflag:s29] =	ssyncset.done $0x0  }
0x49d: {  	[sflag:s29] =	ssyncadd.s32 $0xFFFFF000  }
0x49e: {  	_ =	swait.ge [sflag:s29], $0x1000  }
0x49f: {  	[sflag:s29] =	ssyncset.done $0x0  }
0x4a0: {  	[sflag:s29] =	ssyncadd.s32 $0xFFFFF000  }
0x4a1: {  	_ =	swait.ge [sflag:s29], $0x1000  }
0x4a2: {  	[sflag:s29] =	ssyncset.done $0x0  }
0x4a3: {  	[sflag:s29] =	ssyncadd.s32 $0xFFFFF000  }
0x4a4: {  	_ =	swait.ge [sflag:s29], $0x1000  }
0x4a5: {  	[sflag:s29] =	ssyncset.done $0x0  }
0x4a6: {  	[sflag:s29] =	ssyncadd.s32 $0xFFFFF000  }
0x4a7: {  	_ =	swait.ge [sflag:s29], $0x1000  }
0x4a8: {  	[sflag:s29] =	ssyncset.done $0x0  }
0x4a9: {  	[sflag:s29] =	ssyncadd.s32 $0xFFFFF000  }
0x4aa: {  	_ =	swait.ge [sflag:s29], $0x1000  }
0x4ab: {  	[sflag:s29] =	ssyncset.done $0x0  }
0x4ac: {  	[sflag:s29] =	ssyncadd.s32 $0xFFFFF000  }
0x4ad: {  	_ =	swait.ge [sflag:s29], $0x1000  }
0x4ae: {  	[sflag:s29] =	ssyncset.done $0x0  }
0x4af: {  	[sflag:s29] =	ssyncadd.s32 $0xFFFFF000  }
0x4b0: {  	_ =	swait.ge [sflag:s29], $0x1000  }
0x4b1: {  	[sflag:s29] =	ssyncset.done $0x0  }
0x4b2: {  	[sflag:s29] =	ssyncadd.s32 $0xFFFFF000  }
0x4b3: {  	_ =	swait.ge [sflag:s29], $0x1000  }
0x4b4: {  	[sflag:s29] =	ssyncset.done $0x0  }
0x4b5: {  	[sflag:s29] =	ssyncadd.s32 $0xFFFFF000  }
0x4b6: {  	_ =	swait.ge [sflag:s29], $0x1000  }
0x4b7: {  	[sflag:s29] =	ssyncset.done $0x0  }
0x4b8: {  	[sflag:s29] =	ssyncadd.s32 $0xFFFFF000  }
0x4b9: {  	_ =	swait.ge [sflag:s29], $0x1000  }
0x4ba: {  	[sflag:s29] =	ssyncset.done $0x0  }
0x4bb: {  	s16 =	sadd.s32 $0x1, s16;
	[sflag:s29] =	ssyncadd.s32 $0xFFFFF000  }
0x4bc: {  	p0 =	sne.s32 s16, s23;
	_ =	swait.ge [sflag:s29], $0x1000  }
.Ltmp4:
0x4bd: {  	[sflag:s29] =	ssyncset.done $0x0;
	(pc) =	sbr.rel @p0 .LBB2_1-.Ltmp4, $4  }
0x4be: {  	[sflag:s29] =	ssyncadd.s32 $0xFFFFF000  }
0x4bf: {  	_ =	swait.ge [sflag:s29], $0x200  }
0x4c0: {  	[sflag:s29] =	ssyncset.done $0x0  }
0x4c1: {  	[sflag:s29] =	ssyncadd.s32 $0xFFFFFE00  }
0x4c2: {  	_ =	sfence.sel $0x180000  }
0x4c3: {  	[bflag:$0x0] =	sbarrier.arrive $0xFFFF  }
0x4c4: {  	_ =	strace $0x90000047  }
0x4c5: {  	s0 =	stileid.u32;
	[bflag:$0x2] =	sbarrier.arrive $0xFFFF  }
0x4c6: {  	p0 =	sne.s32 s0, $0x0;
	s0 =	rddreg [dreg:$0xa]  }
0x4c7: {  	s0 =	sadd.s32 @!p0 $0x100000, s0  }
0x4c8: {  	[sflag:s0] =	ssyncadd.tile.s32 @!p0 $0x1;
	_ =	shalt  }
.Lfunc_end2:
_tile_overlayer_lowered:
.L_overlay_start_2:
0x4c9: {  	(tag) =	ssettag $0x2  }
0x4ca: {  	s0 =	rddreg [dreg:$0x0];
	s2 =	stileid.u32  }
0x4cb: {  	s1 =	rddreg [dreg:$0x1];
	p0 =	sne.s32 s2, $0x0  }
0x4cc: {  	s3 =	rddreg [dreg:$0x2];
	[bflag:$0x3] =	sbarrier.arrive $0xFFFF;
	s2 =	simm.s32 @!p0 $0x1C06  }
0x4cd: {  	[timem:s3], [sflag:s2] =	dma.local @!p0 [hbm:s0], s1  }
0x4ce: {  	s0 =	simm.s32 @!p0 $0x6  }
0x4cf: {  	_ =	swait.ge @!p0 [sflag:s0], s1  }
0x4d0: {  	s1 =	ssub.s32 @!p0 $0x0, s1;
	[sflag:s0] =	ssyncset.done @!p0 $0x0  }
0x4d1: {  	[sflag:s0] =	ssyncadd.s32 @!p0 s1  }
0x4d2: {  	[bflag:$0x3] =	sbarrier.arrive $0xFFFF  }
0x4d3: {  	_ =	shalt  }

</sc_bundles>
